<compile_context>
chip_gen: v7x
topology: tpu7x:2x2x1
jax: 0.10.2.dev20260603
libtpu: 0.0.44.dev20260713+nightly
codegen_flags: <defaults>
</compile_context>

<pallas_src>
import functools

import jax
import jax.numpy as jnp
from jax import lax
from jax.experimental import pallas as pl
from jax.experimental.pallas import tpu as pltpu
from jax.experimental.pallas import tpu_sc as plsc

_BN = 256
_SC_C = 128
_NW = 32
_SC_ALIGN = _NW * _SC_C * 4
_BV = 1024


def _ceil_to(v, m):
    return (v + m - 1) // m * m


def _sc_gather_rows(table, idx):
    R, D = table.shape
    B = idx.shape[0]
    b_per_w = B // _NW
    nch = b_per_w // _SC_C
    idx2 = idx.reshape(_NW, nch, _SC_C)
    mesh = plsc.VectorSubcoreMesh(core_axis_name="c", subcore_axis_name="s",
                                  num_cores=2, num_subcores=16)

    @functools.partial(
        pl.kernel,
        out_type=jax.ShapeDtypeStruct((B, D), table.dtype),
        mesh=mesh,
        scratch_types=[
            pltpu.VMEM((nch, _SC_C), jnp.int32),
            pltpu.VMEM((2 * _SC_C, D), table.dtype),
            pltpu.VMEM((2 * _SC_C, D), table.dtype),
            pltpu.SemaphoreType.DMA,
            pltpu.SemaphoreType.DMA,
        ],
    )
    def k(table_hbm, idx_hbm, out_hbm, idx_v, buf_a, buf_b, sem_a, sem_b):
        wid = lax.axis_index("s") * 2 + lax.axis_index("c")
        pltpu.sync_copy(idx_hbm.at[wid], idx_v)
        base = wid * b_per_w

        def fire(j, buf, sem):
            pltpu.async_copy(table_hbm.at[idx_v.at[j]],
                             buf.at[pl.ds(0, _SC_C)], sem)
            pltpu.async_copy(table_hbm.at[idx_v.at[j + 1]],
                             buf.at[pl.ds(_SC_C, _SC_C)], sem)

        def drain(j, buf, sem):
            pltpu.make_async_copy(table_hbm.at[idx_v.at[j]],
                                  buf.at[pl.ds(0, _SC_C)], sem).wait()
            pltpu.make_async_copy(table_hbm.at[idx_v.at[j + 1]],
                                  buf.at[pl.ds(_SC_C, _SC_C)], sem).wait()

        def put(j, buf):
            pltpu.sync_copy(buf, out_hbm.at[pl.ds(base + j * _SC_C,
                                                  2 * _SC_C)])

        if nch % 4 == 0 and nch >= 8:
            fire(0, buf_a, sem_a)

            def body(q, carry):
                j = q * 4
                drain(j, buf_a, sem_a)

                @pl.when(j + 2 < nch)
                def _():
                    fire(j + 2, buf_b, sem_b)

                put(j, buf_a)

                @pl.when(j + 2 < nch)
                def _():
                    drain(j + 2, buf_b, sem_b)

                    @pl.when(j + 4 < nch)
                    def _():
                        fire(j + 4, buf_a, sem_a)

                    put(j + 2, buf_b)

                return carry

            lax.fori_loop(0, nch // 4, body, 0)
        else:
            bufs, sems = (buf_a, buf_b), (sem_a, sem_b)

            def fire1(j):
                pltpu.async_copy(table_hbm.at[idx_v.at[j]],
                                 bufs[j % 2].at[pl.ds(0, _SC_C)], sems[j % 2])

            def drain1(j):
                pltpu.make_async_copy(
                    table_hbm.at[idx_v.at[j]],
                    bufs[j % 2].at[pl.ds(0, _SC_C)], sems[j % 2]).wait()

            fire1(0)
            if nch > 1:
                fire1(1)
            for j in range(nch):
                drain1(j)
                if j + 2 < nch:
                    fire1(j + 2)
                pltpu.sync_copy(bufs[j % 2].at[pl.ds(0, _SC_C)],
                                out_hbm.at[pl.ds(base + j * _SC_C, _SC_C)])

    return k(table, idx2)


def _lstm_aggregate(xg, wx, wh, b, steps, blkoff, acnt, np_rows, n_steps):
    din, G = wx.shape
    dh = G // 4
    nb_blocks = np_rows // _BN
    xw = xg.shape[1]

    def body(steps_ref, blkoff_ref, acnt_ref, xg_ref, wx_ref, wh_ref, b_ref,
             h_ref, c_ref, xb0, xb1, sem0, sem1):
        nb = pl.program_id(0)
        nsteps = steps_ref[nb]
        h_ref[...] = jnp.zeros_like(h_ref)
        c_ref[...] = jnp.zeros_like(c_ref)

        def cp(t, xb, sem):
            row = (blkoff_ref[t] + nb) * _BN
            return pltpu.make_async_copy(xg_ref.at[pl.ds(row, _BN)], xb, sem)

        @pl.when(nsteps > 0)
        def _():
            cp(0, xb0, sem0).start()

        def step(t, xb_in, sem_in, xb_out, sem_out):
            cp(t, xb_in, sem_in).wait()

            @pl.when(t + 1 < nsteps)
            def _():
                cp(t + 1, xb_out, sem_out).start()

            xt = xb_in[:, 0:din]
            h = h_ref[:, 0:dh]
            c = c_ref[...]
            gates = (jnp.dot(xt, wx_ref[...], preferred_element_type=jnp.float32)
                     + jnp.dot(h, wh_ref[...], preferred_element_type=jnp.float32)
                     + b_ref[...])
            ig = jax.nn.sigmoid(gates[:, 0 * dh:1 * dh])
            fg = jax.nn.sigmoid(gates[:, 1 * dh:2 * dh])
            gg = jnp.tanh(gates[:, 2 * dh:3 * dh])
            og = jax.nn.sigmoid(gates[:, 3 * dh:4 * dh])
            c_new = fg * c + ig * gg
            h_new = og * jnp.tanh(c_new)
            m = (lax.broadcasted_iota(jnp.int32, (_BN, dh), 0)
                 < (acnt_ref[t] - nb * _BN))
            hv = jnp.where(m, h_new, h)
            if dh < 128:
                hv = jnp.concatenate(
                    [hv, jnp.zeros((_BN, 128 - dh), jnp.float32)], axis=1)
            h_ref[...] = hv
            c_ref[...] = jnp.where(m, c_new, c)

        def pair(q, carry):
            t = 2 * q
            step(t, xb0, sem0, xb1, sem1)

            @pl.when(t + 1 < nsteps)
            def _():
                step(t + 1, xb1, sem1, xb0, sem0)

            return carry

        lax.fori_loop(0, (nsteps + 1) // 2, pair, 0)

    ow = max(dh, 128)
    grid_spec = pltpu.PrefetchScalarGridSpec(
        num_scalar_prefetch=3,
        grid=(nb_blocks,),
        in_specs=[
            pl.BlockSpec(memory_space=pl.ANY),
            pl.BlockSpec((din, G), lambda nb, *s: (0, 0)),
            pl.BlockSpec((dh, G), lambda nb, *s: (0, 0)),
            pl.BlockSpec((1, G), lambda nb, *s: (0, 0)),
        ],
        out_specs=pl.BlockSpec((_BN, ow), lambda nb, *s: (nb, 0)),
        scratch_shapes=[
            pltpu.VMEM((_BN, dh), jnp.float32),
            pltpu.VMEM((_BN, xw), xg.dtype),
            pltpu.VMEM((_BN, xw), xg.dtype),
            pltpu.SemaphoreType.DMA,
            pltpu.SemaphoreType.DMA,
        ],
    )
    return pl.pallas_call(
        body,
        grid_spec=grid_spec,
        out_shape=jax.ShapeDtypeStruct((np_rows, ow), jnp.float32),
    )(steps, blkoff, acnt, xg, wx, wh, b)


def _rowwise(fn, row_inputs, consts, out_dims, out_dtypes=None):
    rows = row_inputs[0].shape[0]
    if out_dtypes is None:
        out_dtypes = [jnp.float32] * len(out_dims)
    n_in = len(row_inputs) + len(consts)
    in_specs = (
        [pl.BlockSpec((_BV, a.shape[1]), lambda i: (i, 0)) for a in row_inputs]
        + [pl.BlockSpec(c.shape, lambda i: (0,) * c.ndim) for c in consts])
    out_specs = [pl.BlockSpec((_BV, d), lambda i: (i, 0)) for d in out_dims]
    out_shape = [jax.ShapeDtypeStruct((rows, d), dt)
                 for d, dt in zip(out_dims, out_dtypes)]

    def body(*refs):
        vals = fn(*[r[...] for r in refs[:n_in]])
        if not isinstance(vals, tuple):
            vals = (vals,)
        for o, v in zip(refs[n_in:], vals):
            o[...] = v

    res = pl.pallas_call(body, grid=(rows // _BV,), in_specs=in_specs,
                         out_specs=out_specs, out_shape=out_shape)(
                             *row_inputs, *consts)
    return res if len(out_dims) > 1 else res[0]


def kernel(x, edge_index, params):
    n, feat = x.shape
    e = edge_index.shape[1]
    t_max = 4 * (e // n)
    src = edge_index[0].astype(jnp.int32)
    dst = edge_index[1].astype(jnp.int32)

    np_rows = _ceil_to(n, _BN)
    nb_blocks = np_rows // _BN

    order = jnp.argsort(dst)
    dst_s = dst[order]
    src_s = src[order]
    bounds = jnp.searchsorted(
        dst_s, jnp.arange(n + 1, dtype=jnp.int32), method="sort").astype(jnp.int32)
    starts = bounds[:n]
    deg = bounds[1:] - starts
    degc = jnp.minimum(deg, t_max)
    nperm = jnp.argsort(-degc)
    inv_perm = (jnp.zeros((n,), jnp.int32)
                .at[nperm].set(jnp.arange(n, dtype=jnp.int32)))
    acnt = jnp.sum(degc[None, :] > jnp.arange(t_max, dtype=jnp.int32)[:, None],
                   axis=1).astype(jnp.int32)
    nblk = (acnt + _BN - 1) // _BN
    blkoff = jnp.concatenate([jnp.zeros((1,), jnp.int32),
                              jnp.cumsum(nblk)[:-1].astype(jnp.int32)])
    steps = jnp.sum(acnt[None, :]
                    > (jnp.arange(nb_blocks, dtype=jnp.int32) * _BN)[:, None],
                    axis=1).astype(jnp.int32)

    lp = _ceil_to(e + t_max * _BN, _SC_ALIGN)
    nblk_tot = lp // _BN
    blk_ids = jnp.arange(nblk_tot, dtype=jnp.int32)
    tt_blk = (jnp.searchsorted(blkoff, blk_ids, side="right", method="sort")
              .astype(jnp.int32) - 1)
    brow = (blk_ids - blkoff[tt_blk]) * _BN
    srow = (brow[:, None]
            + jnp.arange(_BN, dtype=jnp.int32)[None, :]).reshape(-1)
    ttf = jnp.broadcast_to(tt_blk[:, None], (nblk_tot, _BN)).reshape(-1)
    sstart = starts[nperm]
    sstart_ext = jnp.zeros((np_rows + _BN,), jnp.int32).at[:n].set(sstart)
    brow_c = jnp.clip(brow, 0, np_rows)
    kk = (jax.vmap(lambda b0: lax.dynamic_slice(sstart_ext, (b0,), (_BN,)))
          (brow_c) + tt_blk[:, None]).reshape(-1)
    g1 = src_s.at[jnp.clip(kk, 0, e - 1)].get(mode="promise_in_bounds")

    npg = _ceil_to(np_rows, _NW * _SC_C)
    invg = jnp.zeros((npg,), jnp.int32).at[:n].set(inv_perm)

    xpad = jnp.zeros((np_rows, feat), jnp.float32).at[:n, :].set(x)

    c1, c2 = params["conv1"], params["conv2"]
    wp1, bp1 = c1["proj"]["W"].T, c1["proj"]["b"][None, :]
    wx1, wh1 = c1["lstm"]["W_ih"].T, c1["lstm"]["W_hh"].T
    bb1 = (c1["lstm"]["b_ih"] + c1["lstm"]["b_hh"])[None, :]
    wl1, bl1 = c1["lin_l"]["W"].T, c1["lin_l"]["b"][None, :]
    wr1 = c1["lin_r"]["W"].T
    wp2, bp2 = c2["proj"]["W"].T, c2["proj"]["b"][None, :]
    wx2, wh2 = c2["lstm"]["W_ih"].T, c2["lstm"]["W_hh"].T
    bb2 = (c2["lstm"]["b_ih"] + c2["lstm"]["b_hh"])[None, :]
    wl2, bl2 = c2["lin_l"]["W"].T, c2["lin_l"]["b"][None, :]
    wr2 = c2["lin_r"]["W"].T
    w1, b1 = params["lin1"]["W"].T, params["lin1"]["b"][None, :]
    w2, b2 = params["lin2"]["W"].T, params["lin2"]["b"][None, :]
    w3, b3 = params["lin3"]["W"].T, params["lin3"]["b"][None, :]

    xp1 = _rowwise(
        lambda xb, w, bias: jax.nn.relu(
            jnp.dot(xb, w, preferred_element_type=jnp.float32)
            + bias),
        [xpad], [wp1, bp1], [feat])
    xg1 = _sc_gather_rows(xp1, g1)
    aggr1 = _lstm_aggregate(xg1, wx1, wh1, bb1, steps, blkoff, acnt,
                            np_rows, t_max)
    aggr1o = _sc_gather_rows(aggr1, invg)[:np_rows]

    def p1(a1, xsb, wl, bl, wr, wp, bp):
        h1b = jax.nn.relu(
            jnp.dot(a1, wl, preferred_element_type=jnp.float32) + bl
            + jnp.dot(xsb, wr, preferred_element_type=jnp.float32))
        xp2b = jax.nn.relu(
            jnp.dot(h1b, wp, preferred_element_type=jnp.float32) + bp)
        return h1b, jnp.concatenate(
            [xp2b, jnp.zeros_like(xp2b)], axis=1)

    h1, xp2 = _rowwise(p1, [aggr1o, xpad], [wl1, bl1, wr1, wp2, bp2],
                       [feat // 2, feat])
    xg2 = _sc_gather_rows(xp2, g1)
    aggr2 = _lstm_aggregate(xg2, wx2, wh2, bb2, steps, blkoff, acnt,
                            np_rows, t_max)
    aggr2o = _sc_gather_rows(aggr2, invg)[:np_rows]

    def p2(a2, h1b, wl, bl, wr, wa, ba, wb, bv, wc, bc):
        o2 = jax.nn.relu(
            jnp.dot(a2[:, 0:wl.shape[0]], wl,
                    preferred_element_type=jnp.float32) + bl
            + jnp.dot(h1b, wr, preferred_element_type=jnp.float32))
        tt = jax.nn.relu(
            jnp.dot(o2, wa, preferred_element_type=jnp.float32) + ba)
        tt = jax.nn.relu(
            jnp.dot(tt, wb, preferred_element_type=jnp.float32) + bv)
        return jax.nn.relu(
            jnp.dot(tt, wc, preferred_element_type=jnp.float32) + bc)

    fin = _rowwise(p2, [aggr2o, h1],
                   [wl2, bl2, wr2, w1, b1, w2, b2, w3, b3], [feat // 2])
    return fin[:n], edge_index

# --- scband reference (transcript-rebuilt; emitter-appended) ---
"""Pipeline reference for scband-gcn-5016521802364 (READ-ONLY COPY).

The authoritative reference and input builder live on the scoring server;
editing this copy changes nothing except your own understanding.
"""

import jax, jax.numpy as jnp
import numpy as np

N = 10000
E = 160000
FEAT = 128
HIDDEN = 128
MAX_DEG = 4 * (E // N)


def _lin_init(key, din, dout, bias=True):
    k1, k2 = jax.random.split(key)
    bd = 1.0 / np.sqrt(din)
    W = jax.random.uniform(k1, (dout, din), jnp.float32, -bd, bd)
    if bias:
        return {"W": W, "b": jax.random.uniform(k2, (dout,), jnp.float32, -bd, bd)}
    return {"W": W}


def _lstm_init(key, din, dh):
    ks = jax.random.split(key, 4)
    bd = 1.0 / np.sqrt(dh)
    return {"W_ih": jax.random.uniform(ks[0], (4 * dh, din), jnp.float32, -bd, bd),
            "W_hh": jax.random.uniform(ks[1], (4 * dh, dh), jnp.float32, -bd, bd),
            "b_ih": jax.random.uniform(ks[2], (4 * dh,), jnp.float32, -bd, bd),
            "b_hh": jax.random.uniform(ks[3], (4 * dh,), jnp.float32, -bd, bd)}


def _sage_init(key, din, dout):
    ks = jax.random.split(key, 4)
    # PyG SAGEConv(aggr='lstm', project=True): proj Linear(din,din), LSTM(din,din),
    # lin_l Linear(din,dout, bias=True), lin_r Linear(din,dout, bias=False)
    return {"proj": _lin_init(ks[0], din, din),
            "lstm": _lstm_init(ks[1], din, din),
            "lin_l": _lin_init(ks[2], din, dout),
            "lin_r": _lin_init(ks[3], din, dout, bias=False)}


def setup_inputs(seed: int = 0):
    key = jax.random.key(seed)
    ks = jax.random.split(key, 8)
    x = jax.random.normal(ks[0], (N, FEAT), dtype=jnp.float32)
    edge_index = jax.random.randint(ks[1], (2, E), 0, N, dtype=jnp.int32)
    params = {
        "conv1": _sage_init(ks[2], FEAT, HIDDEN // 2),
        "conv2": _sage_init(ks[3], HIDDEN // 2, HIDDEN),
        "lin1": _lin_init(ks[4], HIDDEN, int(HIDDEN * 1.5)),
        "lin2": _lin_init(ks[5], int(HIDDEN * 1.5), HIDDEN // 2),
        "lin3": _lin_init(ks[6], HIDDEN // 2, HIDDEN // 2),
    }
    return {"x": x, "edge_index": edge_index, "params": params}


def _graph_meta(dst, num_nodes):
    order = jnp.argsort(dst)  # stable sort: matches PyG to_dense_batch ordering
    dst_s = dst[order]
    deg = jnp.bincount(dst, length=num_nodes)
    starts = jnp.cumsum(deg) - deg
    pos = jnp.arange(dst.shape[0]) - starts[dst_s]
    max_deg = MAX_DEG
    mask = jnp.arange(max_deg)[None, :] < deg[:, None]
    return order, dst_s, pos, mask, max_deg


def _lstm_last_hidden(xj, meta, num_nodes, p):
    order, dst_s, pos, mask, max_deg = meta
    d = xj.shape[1]
    xj_s = xj[order]
    dense = jnp.zeros((num_nodes, max_deg, d), xj.dtype).at[dst_s, pos].set(xj_s)
    dh = p["W_hh"].shape[1]
    h0 = jnp.zeros((num_nodes, dh), xj.dtype)
    c0 = jnp.zeros((num_nodes, dh), xj.dtype)

    def step(carry, inp):
        h, c = carry
        xt, mt = inp
        gates = xt @ p["W_ih"].T + p["b_ih"] + h @ p["W_hh"].T + p["b_hh"]
        i, f, g, o = jnp.split(gates, 4, axis=-1)
        i = jax.nn.sigmoid(i)
        f = jax.nn.sigmoid(f)
        g = jnp.tanh(g)
        o = jax.nn.sigmoid(o)
        c_new = f * c + i * g
        h_new = o * jnp.tanh(c_new)
        m = mt[:, None]
        return (jnp.where(m, h_new, h), jnp.where(m, c_new, c)), None

    (h, _), _ = jax.lax.scan(step, (h0, c0), (jnp.moveaxis(dense, 1, 0), mask.T))
    return h  # last valid hidden state per node (masked updates freeze after deg steps)


def _sage_conv(x, meta, src, p):
    xp = jax.nn.relu(x @ p["proj"]["W"].T + p["proj"]["b"])  # project=True on source feats
    xj = xp[src]
    aggr = _lstm_last_hidden(xj, meta, x.shape[0], p["lstm"])
    return aggr @ p["lin_l"]["W"].T + p["lin_l"]["b"] + x @ p["lin_r"]["W"].T


def reference(x, edge_index, params):
    src, dst = edge_index[0], edge_index[1]
    meta = _graph_meta(dst, x.shape[0])
    h = jax.nn.relu(_sage_conv(x, meta, src, params["conv1"]))
    h = jax.nn.relu(_sage_conv(h, meta, src, params["conv2"]))
    h = jax.nn.relu(h @ params["lin1"]["W"].T + params["lin1"]["b"])
    h = jax.nn.relu(h @ params["lin2"]["W"].T + params["lin2"]["b"])
    h = jax.nn.relu(h @ params["lin3"]["W"].T + params["lin3"]["b"])
    return (h, edge_index)

if __name__ == "__main__":
    import jax
    _d = setup_inputs()
    print(jax.jit(kernel)(*tuple(_d.values())))

</pallas_src>

<mosaic_0001>
#map = affine_map<(d0, d1) -> (0, 0)>
#map1 = affine_map<(d0, d1) -> (0, 0, 0)>
module attributes {stable_mosaic.version = 14 : i64} {
  func.func @k(%arg0: i32, %arg1: i32, %arg2: memref<10240x128xf32, #tpu.memory_space<hbm>>, %arg3: memref<32x44x128xi32, #tpu.memory_space<hbm>>, %arg4: memref<180224x128xf32, #tpu.memory_space<hbm>>, %arg5: memref<44x128xi32, #tpu.memory_space<vmem>>, %arg6: memref<256x128xf32, #tpu.memory_space<vmem>>, %arg7: memref<256x128xf32, #tpu.memory_space<vmem>>, %arg8: memref<!tpu.dma_semaphore, #tpu.memory_space<semaphore_mem>>, %arg9: memref<!tpu.dma_semaphore, #tpu.memory_space<semaphore_mem>>) attributes {dimension_semantics = [#tpu.dimension_semantics<core_parallel>, #tpu.dimension_semantics<subcore_parallel>], iteration_bounds = array<i64: 2, 16>, scalar_prefetch = 0 : i64, scratch_operands = 5 : i64, tpu.core_type = #tpu.core_type<sc_vector_subcore>, window_params = [{transform_indices = #map}, {transform_indices = #map1}, {transform_indices = #map}]} {
    %mul3A = arith.constant 2 : i32
    %mul3A_0 = arith.muli %arg1, %mul3A : i32
    %add3A = arith.addi %mul3A_0, %arg0 : i32
    "tpu.region"() ({
      %run_scoped3A = tpu.sem_alloc : memref<!tpu.dma_semaphore, #tpu.memory_space<semaphore_mem>>
      %dma_start3A_27 = arith.constant 0 : i32
      %dma_start3A_28 = arith.constant 0 : i32
      %dma_start3A_29 = tpu.memref_slice %arg3[%add3A, %dma_start3A_27, %dma_start3A_28] : memref<32x44x128xi32, #tpu.memory_space<hbm>> -> memref<1x44x128xi32, #tpu.memory_space<hbm>>
      %dma_start3A_30 = tpu.memref_squeeze %dma_start3A_29 : memref<1x44x128xi32, #tpu.memory_space<hbm>> -> memref<44x128xi32, #tpu.memory_space<hbm>>
      %dma_start3A_31 = arith.constant 0 : i32
      %dma_start3A_32 = arith.constant 0 : i32
      %dma_start3A_33 = tpu.memref_slice %arg3[%add3A, %dma_start3A_31, %dma_start3A_32] : memref<32x44x128xi32, #tpu.memory_space<hbm>> -> memref<1x44x128xi32, #tpu.memory_space<hbm>>
      %dma_start3A_34 = tpu.memref_squeeze %dma_start3A_33 : memref<1x44x128xi32, #tpu.memory_space<hbm>> -> memref<44x128xi32, #tpu.memory_space<hbm>>
      tpu.enqueue_dma source(%dma_start3A_34 : memref<44x128xi32, #tpu.memory_space<hbm>>) target(%arg5 : memref<44x128xi32, #tpu.memory_space<vmem>>) target_semaphore(%run_scoped3A : memref<!tpu.dma_semaphore, #tpu.memory_space<semaphore_mem>>)
      %dma_wait3A = arith.constant 0 : i32
      %dma_wait3A_35 = arith.constant 0 : i32
      %dma_wait3A_36 = tpu.memref_slice %arg3[%add3A, %dma_wait3A, %dma_wait3A_35] : memref<32x44x128xi32, #tpu.memory_space<hbm>> -> memref<1x44x128xi32, #tpu.memory_space<hbm>>
      %dma_wait3A_37 = tpu.memref_squeeze %dma_wait3A_36 : memref<1x44x128xi32, #tpu.memory_space<hbm>> -> memref<44x128xi32, #tpu.memory_space<hbm>>
      %dma_wait3A_38 = arith.constant 0 : i32
      %dma_wait3A_39 = arith.constant 0 : i32
      %dma_wait3A_40 = tpu.memref_slice %arg3[%add3A, %dma_wait3A_38, %dma_wait3A_39] : memref<32x44x128xi32, #tpu.memory_space<hbm>> -> memref<1x44x128xi32, #tpu.memory_space<hbm>>
      %dma_wait3A_41 = tpu.memref_squeeze %dma_wait3A_40 : memref<1x44x128xi32, #tpu.memory_space<hbm>> -> memref<44x128xi32, #tpu.memory_space<hbm>>
      tpu.wait_dma2 semaphore(%run_scoped3A : memref<!tpu.dma_semaphore, #tpu.memory_space<semaphore_mem>>) src(%dma_wait3A_41 : memref<44x128xi32, #tpu.memory_space<hbm>>) dst(%arg5 : memref<44x128xi32, #tpu.memory_space<vmem>>)
      tpu.yield
    }) : () -> ()
    %mul3A_1 = arith.constant 5632 : i32
    %mul3A_2 = arith.muli %add3A, %mul3A_1 : i32
    %dma_start3A = arith.constant 0 : i32
    %dma_start3A_3 = arith.constant 0 : i32
    %dma_start3A_4 = arith.constant 0 : i32
    %dma_start3A_5 = tpu.memref_slice %arg6[%dma_start3A_3, %dma_start3A_4] : memref<256x128xf32, #tpu.memory_space<vmem>> -> memref<128x128xf32, #tpu.memory_space<vmem>>
    %dma_start3A_6 = arith.constant 0 : i32
    %dma_start3A_7 = tpu.memref_slice %arg5[%dma_start3A, %dma_start3A_6] : memref<44x128xi32, #tpu.memory_space<vmem>> -> memref<1x128xi32, #tpu.memory_space<vmem>>
    %dma_start3A_8 = tpu.memref_squeeze %dma_start3A_7 : memref<1x128xi32, #tpu.memory_space<vmem>> -> memref<128xi32, #tpu.memory_space<vmem>>
    %dma_start3A_9 = arith.constant 0 : i32
    %dma_start3A_10 = arith.constant 0 : i32
    %dma_start3A_11 = tpu.memref_slice %arg2[%dma_start3A_9, %dma_start3A_10] : memref<10240x128xf32, #tpu.memory_space<hbm>> -> memref<10240x128xf32, #tpu.memory_space<hbm>>
    tpu.enqueue_indirect_dma source(%dma_start3A_11 : memref<10240x128xf32, #tpu.memory_space<hbm>>) target(%dma_start3A_5 : memref<128x128xf32, #tpu.memory_space<vmem>>) offsets(%dma_start3A_8 : memref<128xi32, #tpu.memory_space<vmem>>) semaphore(%arg8 : memref<!tpu.dma_semaphore, #tpu.memory_space<semaphore_mem>>)
    %dma_start3A_12 = arith.constant 1 : i32
    %dma_start3A_13 = arith.constant 128 : i32
    %dma_start3A_14 = arith.constant 0 : i32
    %dma_start3A_15 = tpu.memref_slice %arg6[%dma_start3A_13, %dma_start3A_14] : memref<256x128xf32, #tpu.memory_space<vmem>> -> memref<128x128xf32, #tpu.memory_space<vmem>>
    %dma_start3A_16 = arith.constant 0 : i32
    %dma_start3A_17 = tpu.memref_slice %arg5[%dma_start3A_12, %dma_start3A_16] : memref<44x128xi32, #tpu.memory_space<vmem>> -> memref<1x128xi32, #tpu.memory_space<vmem>>
    %dma_start3A_18 = tpu.memref_squeeze %dma_start3A_17 : memref<1x128xi32, #tpu.memory_space<vmem>> -> memref<128xi32, #tpu.memory_space<vmem>>
    %dma_start3A_19 = arith.constant 0 : i32
    %dma_start3A_20 = arith.constant 0 : i32
    %dma_start3A_21 = tpu.memref_slice %arg2[%dma_start3A_19, %dma_start3A_20] : memref<10240x128xf32, #tpu.memory_space<hbm>> -> memref<10240x128xf32, #tpu.memory_space<hbm>>
    tpu.enqueue_indirect_dma source(%dma_start3A_21 : memref<10240x128xf32, #tpu.memory_space<hbm>>) target(%dma_start3A_15 : memref<128x128xf32, #tpu.memory_space<vmem>>) offsets(%dma_start3A_18 : memref<128xi32, #tpu.memory_space<vmem>>) semaphore(%arg8 : memref<!tpu.dma_semaphore, #tpu.memory_space<semaphore_mem>>)
    %scan3A = arith.constant 0 : i32
    %scan3A_22 = arith.constant 0 : i32
    %scan3A_23 = arith.constant 11 : i32
    %scan3A_24 = arith.addi %scan3A_22, %scan3A_23 : i32
    %scan3A_25 = arith.constant 1 : i32
    scf.for %scan3A_27 = %scan3A_22 to %scan3A_24 step %scan3A_25  : i32 {
      %mul3A_28 = arith.constant 4 : i32
      %mul3A_29 = arith.muli %scan3A_27, %mul3A_28 : i32
      %dma_wait3A = arith.constant 0 : i32
      %dma_wait3A_30 = arith.constant 0 : i32
      %dma_wait3A_31 = tpu.memref_slice %arg6[%dma_wait3A, %dma_wait3A_30] : memref<256x128xf32, #tpu.memory_space<vmem>> -> memref<128x128xf32, #tpu.memory_space<vmem>>
      %dma_wait3A_32 = arith.constant 0 : i32
      %dma_wait3A_33 = tpu.memref_slice %arg5[%mul3A_29, %dma_wait3A_32] : memref<44x128xi32, #tpu.memory_space<vmem>> -> memref<1x128xi32, #tpu.memory_space<vmem>>
      %dma_wait3A_34 = tpu.memref_squeeze %dma_wait3A_33 : memref<1x128xi32, #tpu.memory_space<vmem>> -> memref<128xi32, #tpu.memory_space<vmem>>
      %dma_wait3A_35 = arith.constant 0 : i32
      %dma_wait3A_36 = arith.constant 0 : i32
      %dma_wait3A_37 = tpu.memref_slice %arg2[%dma_wait3A_35, %dma_wait3A_36] : memref<10240x128xf32, #tpu.memory_space<hbm>> -> memref<10240x128xf32, #tpu.memory_space<hbm>>
      tpu.wait_indirect_dma semaphore(%arg8 : memref<!tpu.dma_semaphore, #tpu.memory_space<semaphore_mem>>) src(%dma_wait3A_37 : memref<10240x128xf32, #tpu.memory_space<hbm>>) dst(%dma_wait3A_31 : memref<128x128xf32, #tpu.memory_space<vmem>>)
      %add3A_38 = arith.constant 1 : i32
      %add3A_39 = arith.addi %mul3A_29, %add3A_38 : i32
      %dma_wait3A_40 = arith.constant 128 : i32
      %dma_wait3A_41 = arith.constant 0 : i32
      %dma_wait3A_42 = tpu.memref_slice %arg6[%dma_wait3A_40, %dma_wait3A_41] : memref<256x128xf32, #tpu.memory_space<vmem>> -> memref<128x128xf32, #tpu.memory_space<vmem>>
      %dma_wait3A_43 = arith.constant 0 : i32
      %dma_wait3A_44 = tpu.memref_slice %arg5[%add3A_39, %dma_wait3A_43] : memref<44x128xi32, #tpu.memory_space<vmem>> -> memref<1x128xi32, #tpu.memory_space<vmem>>
      %dma_wait3A_45 = tpu.memref_squeeze %dma_wait3A_44 : memref<1x128xi32, #tpu.memory_space<vmem>> -> memref<128xi32, #tpu.memory_space<vmem>>
      %dma_wait3A_46 = arith.constant 0 : i32
      %dma_wait3A_47 = arith.constant 0 : i32
      %dma_wait3A_48 = tpu.memref_slice %arg2[%dma_wait3A_46, %dma_wait3A_47] : memref<10240x128xf32, #tpu.memory_space<hbm>> -> memref<10240x128xf32, #tpu.memory_space<hbm>>
      tpu.wait_indirect_dma semaphore(%arg8 : memref<!tpu.dma_semaphore, #tpu.memory_space<semaphore_mem>>) src(%dma_wait3A_48 : memref<10240x128xf32, #tpu.memory_space<hbm>>) dst(%dma_wait3A_42 : memref<128x128xf32, #tpu.memory_space<vmem>>)
      %add3A_49 = arith.constant 2 : i32
      %add3A_50 = arith.addi %mul3A_29, %add3A_49 : i32
      %lt3A = arith.constant 44 : i32
      %lt3A_51 = arith.cmpi slt, %add3A_50, %lt3A : i32
      %convert_element_type3A = arith.extui %lt3A_51 : i1 to i32
      %cond3A = arith.constant 0 : i32
      %cond3A_52 = arith.cmpi ne, %convert_element_type3A, %cond3A : i32
      scf.if %cond3A_52 {
        %add3A_63 = arith.constant 2 : i32
        %add3A_64 = arith.addi %mul3A_29, %add3A_63 : i32
        %dma_start3A_65 = arith.constant 0 : i32
        %dma_start3A_66 = arith.constant 0 : i32
        %dma_start3A_67 = tpu.memref_slice %arg7[%dma_start3A_65, %dma_start3A_66] : memref<256x128xf32, #tpu.memory_space<vmem>> -> memref<128x128xf32, #tpu.memory_space<vmem>>
        %dma_start3A_68 = arith.constant 0 : i32
        %dma_start3A_69 = tpu.memref_slice %arg5[%add3A_64, %dma_start3A_68] : memref<44x128xi32, #tpu.memory_space<vmem>> -> memref<1x128xi32, #tpu.memory_space<vmem>>
        %dma_start3A_70 = tpu.memref_squeeze %dma_start3A_69 : memref<1x128xi32, #tpu.memory_space<vmem>> -> memref<128xi32, #tpu.memory_space<vmem>>
        %dma_start3A_71 = arith.constant 0 : i32
        %dma_start3A_72 = arith.constant 0 : i32
        %dma_start3A_73 = tpu.memref_slice %arg2[%dma_start3A_71, %dma_start3A_72] : memref<10240x128xf32, #tpu.memory_space<hbm>> -> memref<10240x128xf32, #tpu.memory_space<hbm>>
        tpu.enqueue_indirect_dma source(%dma_start3A_73 : memref<10240x128xf32, #tpu.memory_space<hbm>>) target(%dma_start3A_67 : memref<128x128xf32, #tpu.memory_space<vmem>>) offsets(%dma_start3A_70 : memref<128xi32, #tpu.memory_space<vmem>>) semaphore(%arg9 : memref<!tpu.dma_semaphore, #tpu.memory_space<semaphore_mem>>)
        %add3A_74 = arith.constant 1 : i32
        %add3A_75 = arith.addi %add3A_64, %add3A_74 : i32
        %dma_start3A_76 = arith.constant 128 : i32
        %dma_start3A_77 = arith.constant 0 : i32
        %dma_start3A_78 = tpu.memref_slice %arg7[%dma_start3A_76, %dma_start3A_77] : memref<256x128xf32, #tpu.memory_space<vmem>> -> memref<128x128xf32, #tpu.memory_space<vmem>>
        %dma_start3A_79 = arith.constant 0 : i32
        %dma_start3A_80 = tpu.memref_slice %arg5[%add3A_75, %dma_start3A_79] : memref<44x128xi32, #tpu.memory_space<vmem>> -> memref<1x128xi32, #tpu.memory_space<vmem>>
        %dma_start3A_81 = tpu.memref_squeeze %dma_start3A_80 : memref<1x128xi32, #tpu.memory_space<vmem>> -> memref<128xi32, #tpu.memory_space<vmem>>
        %dma_start3A_82 = arith.constant 0 : i32
        %dma_start3A_83 = arith.constant 0 : i32
        %dma_start3A_84 = tpu.memref_slice %arg2[%dma_start3A_82, %dma_start3A_83] : memref<10240x128xf32, #tpu.memory_space<hbm>> -> memref<10240x128xf32, #tpu.memory_space<hbm>>
        tpu.enqueue_indirect_dma source(%dma_start3A_84 : memref<10240x128xf32, #tpu.memory_space<hbm>>) target(%dma_start3A_78 : memref<128x128xf32, #tpu.memory_space<vmem>>) offsets(%dma_start3A_81 : memref<128xi32, #tpu.memory_space<vmem>>) semaphore(%arg9 : memref<!tpu.dma_semaphore, #tpu.memory_space<semaphore_mem>>)
      } else {
      }
      %mul3A_53 = arith.constant 128 : i32
      %mul3A_54 = arith.muli %mul3A_29, %mul3A_53 : i32
      %add3A_55 = arith.addi %mul3A_2, %mul3A_54 : i32
      "tpu.region"() ({
        %run_scoped3A = tpu.sem_alloc : memref<!tpu.dma_semaphore, #tpu.memory_space<semaphore_mem>>
        %dma_start3A_63 = arith.constant 0 : i32
        %dma_start3A_64 = tpu.memref_slice %arg4[%add3A_55, %dma_start3A_63] : memref<180224x128xf32, #tpu.memory_space<hbm>> -> memref<256x128xf32, #tpu.memory_space<hbm>>
        %dma_start3A_65 = arith.constant 0 : i32
        %dma_start3A_66 = tpu.memref_slice %arg4[%add3A_55, %dma_start3A_65] : memref<180224x128xf32, #tpu.memory_space<hbm>> -> memref<256x128xf32, #tpu.memory_space<hbm>>
        tpu.enqueue_dma source(%arg6 : memref<256x128xf32, #tpu.memory_space<vmem>>) target(%dma_start3A_66 : memref<256x128xf32, #tpu.memory_space<hbm>>) target_semaphore(%run_scoped3A : memref<!tpu.dma_semaphore, #tpu.memory_space<semaphore_mem>>)
        %dma_wait3A_67 = arith.constant 0 : i32
        %dma_wait3A_68 = tpu.memref_slice %arg4[%add3A_55, %dma_wait3A_67] : memref<180224x128xf32, #tpu.memory_space<hbm>> -> memref<256x128xf32, #tpu.memory_space<hbm>>
        %dma_wait3A_69 = arith.constant 0 : i32
        %dma_wait3A_70 = tpu.memref_slice %arg4[%add3A_55, %dma_wait3A_69] : memref<180224x128xf32, #tpu.memory_space<hbm>> -> memref<256x128xf32, #tpu.memory_space<hbm>>
        tpu.wait_dma2 semaphore(%run_scoped3A : memref<!tpu.dma_semaphore, #tpu.memory_space<semaphore_mem>>) src(%arg6 : memref<256x128xf32, #tpu.memory_space<vmem>>) dst(%dma_wait3A_70 : memref<256x128xf32, #tpu.memory_space<hbm>>)
        tpu.yield
      }) : () -> ()
      %add3A_56 = arith.constant 2 : i32
      %add3A_57 = arith.addi %mul3A_29, %add3A_56 : i32
      %lt3A_58 = arith.constant 44 : i32
      %lt3A_59 = arith.cmpi slt, %add3A_57, %lt3A_58 : i32
      %convert_element_type3A_60 = arith.extui %lt3A_59 : i1 to i32
      %cond3A_61 = arith.constant 0 : i32
      %cond3A_62 = arith.cmpi ne, %convert_element_type3A_60, %cond3A_61 : i32
      scf.if %cond3A_62 {
        %add3A_63 = arith.constant 2 : i32
        %add3A_64 = arith.addi %mul3A_29, %add3A_63 : i32
        %dma_wait3A_65 = arith.constant 0 : i32
        %dma_wait3A_66 = arith.constant 0 : i32
        %dma_wait3A_67 = tpu.memref_slice %arg7[%dma_wait3A_65, %dma_wait3A_66] : memref<256x128xf32, #tpu.memory_space<vmem>> -> memref<128x128xf32, #tpu.memory_space<vmem>>
        %dma_wait3A_68 = arith.constant 0 : i32
        %dma_wait3A_69 = tpu.memref_slice %arg5[%add3A_64, %dma_wait3A_68] : memref<44x128xi32, #tpu.memory_space<vmem>> -> memref<1x128xi32, #tpu.memory_space<vmem>>
        %dma_wait3A_70 = tpu.memref_squeeze %dma_wait3A_69 : memref<1x128xi32, #tpu.memory_space<vmem>> -> memref<128xi32, #tpu.memory_space<vmem>>
        %dma_wait3A_71 = arith.constant 0 : i32
        %dma_wait3A_72 = arith.constant 0 : i32
        %dma_wait3A_73 = tpu.memref_slice %arg2[%dma_wait3A_71, %dma_wait3A_72] : memref<10240x128xf32, #tpu.memory_space<hbm>> -> memref<10240x128xf32, #tpu.memory_space<hbm>>
        tpu.wait_indirect_dma semaphore(%arg9 : memref<!tpu.dma_semaphore, #tpu.memory_space<semaphore_mem>>) src(%dma_wait3A_73 : memref<10240x128xf32, #tpu.memory_space<hbm>>) dst(%dma_wait3A_67 : memref<128x128xf32, #tpu.memory_space<vmem>>)
        %add3A_74 = arith.constant 1 : i32
        %add3A_75 = arith.addi %add3A_64, %add3A_74 : i32
        %dma_wait3A_76 = arith.constant 128 : i32
        %dma_wait3A_77 = arith.constant 0 : i32
        %dma_wait3A_78 = tpu.memref_slice %arg7[%dma_wait3A_76, %dma_wait3A_77] : memref<256x128xf32, #tpu.memory_space<vmem>> -> memref<128x128xf32, #tpu.memory_space<vmem>>
        %dma_wait3A_79 = arith.constant 0 : i32
        %dma_wait3A_80 = tpu.memref_slice %arg5[%add3A_75, %dma_wait3A_79] : memref<44x128xi32, #tpu.memory_space<vmem>> -> memref<1x128xi32, #tpu.memory_space<vmem>>
        %dma_wait3A_81 = tpu.memref_squeeze %dma_wait3A_80 : memref<1x128xi32, #tpu.memory_space<vmem>> -> memref<128xi32, #tpu.memory_space<vmem>>
        %dma_wait3A_82 = arith.constant 0 : i32
        %dma_wait3A_83 = arith.constant 0 : i32
        %dma_wait3A_84 = tpu.memref_slice %arg2[%dma_wait3A_82, %dma_wait3A_83] : memref<10240x128xf32, #tpu.memory_space<hbm>> -> memref<10240x128xf32, #tpu.memory_space<hbm>>
        tpu.wait_indirect_dma semaphore(%arg9 : memref<!tpu.dma_semaphore, #tpu.memory_space<semaphore_mem>>) src(%dma_wait3A_84 : memref<10240x128xf32, #tpu.memory_space<hbm>>) dst(%dma_wait3A_78 : memref<128x128xf32, #tpu.memory_space<vmem>>)
        %add3A_85 = arith.constant 4 : i32
        %add3A_86 = arith.addi %mul3A_29, %add3A_85 : i32
        %lt3A_87 = arith.constant 44 : i32
        %lt3A_88 = arith.cmpi slt, %add3A_86, %lt3A_87 : i32
        %convert_element_type3A_89 = arith.extui %lt3A_88 : i1 to i32
        %cond3A_90 = arith.constant 0 : i32
        %cond3A_91 = arith.cmpi ne, %convert_element_type3A_89, %cond3A_90 : i32
        scf.if %cond3A_91 {
          %add3A_97 = arith.constant 4 : i32
          %add3A_98 = arith.addi %mul3A_29, %add3A_97 : i32
          %dma_start3A_99 = arith.constant 0 : i32
          %dma_start3A_100 = arith.constant 0 : i32
          %dma_start3A_101 = tpu.memref_slice %arg6[%dma_start3A_99, %dma_start3A_100] : memref<256x128xf32, #tpu.memory_space<vmem>> -> memref<128x128xf32, #tpu.memory_space<vmem>>
          %dma_start3A_102 = arith.constant 0 : i32
          %dma_start3A_103 = tpu.memref_slice %arg5[%add3A_98, %dma_start3A_102] : memref<44x128xi32, #tpu.memory_space<vmem>> -> memref<1x128xi32, #tpu.memory_space<vmem>>
          %dma_start3A_104 = tpu.memref_squeeze %dma_start3A_103 : memref<1x128xi32, #tpu.memory_space<vmem>> -> memref<128xi32, #tpu.memory_space<vmem>>
          %dma_start3A_105 = arith.constant 0 : i32
          %dma_start3A_106 = arith.constant 0 : i32
          %dma_start3A_107 = tpu.memref_slice %arg2[%dma_start3A_105, %dma_start3A_106] : memref<10240x128xf32, #tpu.memory_space<hbm>> -> memref<10240x128xf32, #tpu.memory_space<hbm>>
          tpu.enqueue_indirect_dma source(%dma_start3A_107 : memref<10240x128xf32, #tpu.memory_space<hbm>>) target(%dma_start3A_101 : memref<128x128xf32, #tpu.memory_space<vmem>>) offsets(%dma_start3A_104 : memref<128xi32, #tpu.memory_space<vmem>>) semaphore(%arg8 : memref<!tpu.dma_semaphore, #tpu.memory_space<semaphore_mem>>)
          %add3A_108 = arith.constant 1 : i32
          %add3A_109 = arith.addi %add3A_98, %add3A_108 : i32
          %dma_start3A_110 = arith.constant 128 : i32
          %dma_start3A_111 = arith.constant 0 : i32
          %dma_start3A_112 = tpu.memref_slice %arg6[%dma_start3A_110, %dma_start3A_111] : memref<256x128xf32, #tpu.memory_space<vmem>> -> memref<128x128xf32, #tpu.memory_space<vmem>>
          %dma_start3A_113 = arith.constant 0 : i32
          %dma_start3A_114 = tpu.memref_slice %arg5[%add3A_109, %dma_start3A_113] : memref<44x128xi32, #tpu.memory_space<vmem>> -> memref<1x128xi32, #tpu.memory_space<vmem>>
          %dma_start3A_115 = tpu.memref_squeeze %dma_start3A_114 : memref<1x128xi32, #tpu.memory_space<vmem>> -> memref<128xi32, #tpu.memory_space<vmem>>
          %dma_start3A_116 = arith.constant 0 : i32
          %dma_start3A_117 = arith.constant 0 : i32
          %dma_start3A_118 = tpu.memref_slice %arg2[%dma_start3A_116, %dma_start3A_117] : memref<10240x128xf32, #tpu.memory_space<hbm>> -> memref<10240x128xf32, #tpu.memory_space<hbm>>
          tpu.enqueue_indirect_dma source(%dma_start3A_118 : memref<10240x128xf32, #tpu.memory_space<hbm>>) target(%dma_start3A_112 : memref<128x128xf32, #tpu.memory_space<vmem>>) offsets(%dma_start3A_115 : memref<128xi32, #tpu.memory_space<vmem>>) semaphore(%arg8 : memref<!tpu.dma_semaphore, #tpu.memory_space<semaphore_mem>>)
        } else {
        }
        %add3A_92 = arith.constant 2 : i32
        %add3A_93 = arith.addi %mul3A_29, %add3A_92 : i32
        %mul3A_94 = arith.constant 128 : i32
        %mul3A_95 = arith.muli %add3A_93, %mul3A_94 : i32
        %add3A_96 = arith.addi %mul3A_2, %mul3A_95 : i32
        "tpu.region"() ({
          %run_scoped3A = tpu.sem_alloc : memref<!tpu.dma_semaphore, #tpu.memory_space<semaphore_mem>>
          %dma_start3A_97 = arith.constant 0 : i32
          %dma_start3A_98 = tpu.memref_slice %arg4[%add3A_96, %dma_start3A_97] : memref<180224x128xf32, #tpu.memory_space<hbm>> -> memref<256x128xf32, #tpu.memory_space<hbm>>
          %dma_start3A_99 = arith.constant 0 : i32
          %dma_start3A_100 = tpu.memref_slice %arg4[%add3A_96, %dma_start3A_99] : memref<180224x128xf32, #tpu.memory_space<hbm>> -> memref<256x128xf32, #tpu.memory_space<hbm>>
          tpu.enqueue_dma source(%arg7 : memref<256x128xf32, #tpu.memory_space<vmem>>) target(%dma_start3A_100 : memref<256x128xf32, #tpu.memory_space<hbm>>) target_semaphore(%run_scoped3A : memref<!tpu.dma_semaphore, #tpu.memory_space<semaphore_mem>>)
          %dma_wait3A_101 = arith.constant 0 : i32
          %dma_wait3A_102 = tpu.memref_slice %arg4[%add3A_96, %dma_wait3A_101] : memref<180224x128xf32, #tpu.memory_space<hbm>> -> memref<256x128xf32, #tpu.memory_space<hbm>>
          %dma_wait3A_103 = arith.constant 0 : i32
          %dma_wait3A_104 = tpu.memref_slice %arg4[%add3A_96, %dma_wait3A_103] : memref<180224x128xf32, #tpu.memory_space<hbm>> -> memref<256x128xf32, #tpu.memory_space<hbm>>
          tpu.wait_dma2 semaphore(%run_scoped3A : memref<!tpu.dma_semaphore, #tpu.memory_space<semaphore_mem>>) src(%arg7 : memref<256x128xf32, #tpu.memory_space<vmem>>) dst(%dma_wait3A_104 : memref<256x128xf32, #tpu.memory_space<hbm>>)
          tpu.yield
        }) : () -> ()
      } else {
      }
    }
    %scan3A_26 = arith.constant 11 : i32
    return
  }
}

#map = affine_map<(d0, d1) -> (0, 0)>
#map1 = affine_map<(d0, d1) -> (0, 0, 0)>
module attributes {stable_mosaic.version = 14 : i64} {
  func.func @k(%arg0: i32, %arg1: i32, %arg2: memref<10240x128xf32, #tpu.memory_space<hbm>>, %arg3: memref<32x3x128xi32, #tpu.memory_space<hbm>>, %arg4: memref<12288x128xf32, #tpu.memory_space<hbm>>, %arg5: memref<3x128xi32, #tpu.memory_space<vmem>>, %arg6: memref<256x128xf32, #tpu.memory_space<vmem>>, %arg7: memref<256x128xf32, #tpu.memory_space<vmem>>, %arg8: memref<!tpu.dma_semaphore, #tpu.memory_space<semaphore_mem>>, %arg9: memref<!tpu.dma_semaphore, #tpu.memory_space<semaphore_mem>>) attributes {dimension_semantics = [#tpu.dimension_semantics<core_parallel>, #tpu.dimension_semantics<subcore_parallel>], iteration_bounds = array<i64: 2, 16>, scalar_prefetch = 0 : i64, scratch_operands = 5 : i64, tpu.core_type = #tpu.core_type<sc_vector_subcore>, window_params = [{transform_indices = #map}, {transform_indices = #map1}, {transform_indices = #map}]} {
    %mul3A = arith.constant 2 : i32
    %mul3A_0 = arith.muli %arg1, %mul3A : i32
    %add3A = arith.addi %mul3A_0, %arg0 : i32
    "tpu.region"() ({
      %run_scoped3A = tpu.sem_alloc : memref<!tpu.dma_semaphore, #tpu.memory_space<semaphore_mem>>
      %dma_start3A_67 = arith.constant 0 : i32
      %dma_start3A_68 = arith.constant 0 : i32
      %dma_start3A_69 = tpu.memref_slice %arg3[%add3A, %dma_start3A_67, %dma_start3A_68] : memref<32x3x128xi32, #tpu.memory_space<hbm>> -> memref<1x3x128xi32, #tpu.memory_space<hbm>>
      %dma_start3A_70 = tpu.memref_squeeze %dma_start3A_69 : memref<1x3x128xi32, #tpu.memory_space<hbm>> -> memref<3x128xi32, #tpu.memory_space<hbm>>
      %dma_start3A_71 = arith.constant 0 : i32
      %dma_start3A_72 = arith.constant 0 : i32
      %dma_start3A_73 = tpu.memref_slice %arg3[%add3A, %dma_start3A_71, %dma_start3A_72] : memref<32x3x128xi32, #tpu.memory_space<hbm>> -> memref<1x3x128xi32, #tpu.memory_space<hbm>>
      %dma_start3A_74 = tpu.memref_squeeze %dma_start3A_73 : memref<1x3x128xi32, #tpu.memory_space<hbm>> -> memref<3x128xi32, #tpu.memory_space<hbm>>
      tpu.enqueue_dma source(%dma_start3A_74 : memref<3x128xi32, #tpu.memory_space<hbm>>) target(%arg5 : memref<3x128xi32, #tpu.memory_space<vmem>>) target_semaphore(%run_scoped3A : memref<!tpu.dma_semaphore, #tpu.memory_space<semaphore_mem>>)
      %dma_wait3A_75 = arith.constant 0 : i32
      %dma_wait3A_76 = arith.constant 0 : i32
      %dma_wait3A_77 = tpu.memref_slice %arg3[%add3A, %dma_wait3A_75, %dma_wait3A_76] : memref<32x3x128xi32, #tpu.memory_space<hbm>> -> memref<1x3x128xi32, #tpu.memory_space<hbm>>
      %dma_wait3A_78 = tpu.memref_squeeze %dma_wait3A_77 : memref<1x3x128xi32, #tpu.memory_space<hbm>> -> memref<3x128xi32, #tpu.memory_space<hbm>>
      %dma_wait3A_79 = arith.constant 0 : i32
      %dma_wait3A_80 = arith.constant 0 : i32
      %dma_wait3A_81 = tpu.memref_slice %arg3[%add3A, %dma_wait3A_79, %dma_wait3A_80] : memref<32x3x128xi32, #tpu.memory_space<hbm>> -> memref<1x3x128xi32, #tpu.memory_space<hbm>>
      %dma_wait3A_82 = tpu.memref_squeeze %dma_wait3A_81 : memref<1x3x128xi32, #tpu.memory_space<hbm>> -> memref<3x128xi32, #tpu.memory_space<hbm>>
      tpu.wait_dma2 semaphore(%run_scoped3A : memref<!tpu.dma_semaphore, #tpu.memory_space<semaphore_mem>>) src(%dma_wait3A_82 : memref<3x128xi32, #tpu.memory_space<hbm>>) dst(%arg5 : memref<3x128xi32, #tpu.memory_space<vmem>>)
      tpu.yield
    }) : () -> ()
    %mul3A_1 = arith.constant 384 : i32
    %mul3A_2 = arith.muli %add3A, %mul3A_1 : i32
    %dma_start3A = arith.constant 0 : i32
    %dma_start3A_3 = arith.constant 0 : i32
    %dma_start3A_4 = arith.constant 0 : i32
    %dma_start3A_5 = tpu.memref_slice %arg6[%dma_start3A_3, %dma_start3A_4] : memref<256x128xf32, #tpu.memory_space<vmem>> -> memref<128x128xf32, #tpu.memory_space<vmem>>
    %dma_start3A_6 = arith.constant 0 : i32
    %dma_start3A_7 = tpu.memref_slice %arg5[%dma_start3A, %dma_start3A_6] : memref<3x128xi32, #tpu.memory_space<vmem>> -> memref<1x128xi32, #tpu.memory_space<vmem>>
    %dma_start3A_8 = tpu.memref_squeeze %dma_start3A_7 : memref<1x128xi32, #tpu.memory_space<vmem>> -> memref<128xi32, #tpu.memory_space<vmem>>
    %dma_start3A_9 = arith.constant 0 : i32
    %dma_start3A_10 = arith.constant 0 : i32
    %dma_start3A_11 = tpu.memref_slice %arg2[%dma_start3A_9, %dma_start3A_10] : memref<10240x128xf32, #tpu.memory_space<hbm>> -> memref<10240x128xf32, #tpu.memory_space<hbm>>
    tpu.enqueue_indirect_dma source(%dma_start3A_11 : memref<10240x128xf32, #tpu.memory_space<hbm>>) target(%dma_start3A_5 : memref<128x128xf32, #tpu.memory_space<vmem>>) offsets(%dma_start3A_8 : memref<128xi32, #tpu.memory_space<vmem>>) semaphore(%arg8 : memref<!tpu.dma_semaphore, #tpu.memory_space<semaphore_mem>>)
    %dma_start3A_12 = arith.constant 1 : i32
    %dma_start3A_13 = arith.constant 0 : i32
    %dma_start3A_14 = arith.constant 0 : i32
    %dma_start3A_15 = tpu.memref_slice %arg7[%dma_start3A_13, %dma_start3A_14] : memref<256x128xf32, #tpu.memory_space<vmem>> -> memref<128x128xf32, #tpu.memory_space<vmem>>
    %dma_start3A_16 = arith.constant 0 : i32
    %dma_start3A_17 = tpu.memref_slice %arg5[%dma_start3A_12, %dma_start3A_16] : memref<3x128xi32, #tpu.memory_space<vmem>> -> memref<1x128xi32, #tpu.memory_space<vmem>>
    %dma_start3A_18 = tpu.memref_squeeze %dma_start3A_17 : memref<1x128xi32, #tpu.memory_space<vmem>> -> memref<128xi32, #tpu.memory_space<vmem>>
    %dma_start3A_19 = arith.constant 0 : i32
    %dma_start3A_20 = arith.constant 0 : i32
    %dma_start3A_21 = tpu.memref_slice %arg2[%dma_start3A_19, %dma_start3A_20] : memref<10240x128xf32, #tpu.memory_space<hbm>> -> memref<10240x128xf32, #tpu.memory_space<hbm>>
    tpu.enqueue_indirect_dma source(%dma_start3A_21 : memref<10240x128xf32, #tpu.memory_space<hbm>>) target(%dma_start3A_15 : memref<128x128xf32, #tpu.memory_space<vmem>>) offsets(%dma_start3A_18 : memref<128xi32, #tpu.memory_space<vmem>>) semaphore(%arg9 : memref<!tpu.dma_semaphore, #tpu.memory_space<semaphore_mem>>)
    %dma_wait3A = arith.constant 0 : i32
    %dma_wait3A_22 = arith.constant 0 : i32
    %dma_wait3A_23 = arith.constant 0 : i32
    %dma_wait3A_24 = tpu.memref_slice %arg6[%dma_wait3A_22, %dma_wait3A_23] : memref<256x128xf32, #tpu.memory_space<vmem>> -> memref<128x128xf32, #tpu.memory_space<vmem>>
    %dma_wait3A_25 = arith.constant 0 : i32
    %dma_wait3A_26 = tpu.memref_slice %arg5[%dma_wait3A, %dma_wait3A_25] : memref<3x128xi32, #tpu.memory_space<vmem>> -> memref<1x128xi32, #tpu.memory_space<vmem>>
    %dma_wait3A_27 = tpu.memref_squeeze %dma_wait3A_26 : memref<1x128xi32, #tpu.memory_space<vmem>> -> memref<128xi32, #tpu.memory_space<vmem>>
    %dma_wait3A_28 = arith.constant 0 : i32
    %dma_wait3A_29 = arith.constant 0 : i32
    %dma_wait3A_30 = tpu.memref_slice %arg2[%dma_wait3A_28, %dma_wait3A_29] : memref<10240x128xf32, #tpu.memory_space<hbm>> -> memref<10240x128xf32, #tpu.memory_space<hbm>>
    tpu.wait_indirect_dma semaphore(%arg8 : memref<!tpu.dma_semaphore, #tpu.memory_space<semaphore_mem>>) src(%dma_wait3A_30 : memref<10240x128xf32, #tpu.memory_space<hbm>>) dst(%dma_wait3A_24 : memref<128x128xf32, #tpu.memory_space<vmem>>)
    %dma_start3A_31 = arith.constant 2 : i32
    %dma_start3A_32 = arith.constant 0 : i32
    %dma_start3A_33 = arith.constant 0 : i32
    %dma_start3A_34 = tpu.memref_slice %arg6[%dma_start3A_32, %dma_start3A_33] : memref<256x128xf32, #tpu.memory_space<vmem>> -> memref<128x128xf32, #tpu.memory_space<vmem>>
    %dma_start3A_35 = arith.constant 0 : i32
    %dma_start3A_36 = tpu.memref_slice %arg5[%dma_start3A_31, %dma_start3A_35] : memref<3x128xi32, #tpu.memory_space<vmem>> -> memref<1x128xi32, #tpu.memory_space<vmem>>
    %dma_start3A_37 = tpu.memref_squeeze %dma_start3A_36 : memref<1x128xi32, #tpu.memory_space<vmem>> -> memref<128xi32, #tpu.memory_space<vmem>>
    %dma_start3A_38 = arith.constant 0 : i32
    %dma_start3A_39 = arith.constant 0 : i32
    %dma_start3A_40 = tpu.memref_slice %arg2[%dma_start3A_38, %dma_start3A_39] : memref<10240x128xf32, #tpu.memory_space<hbm>> -> memref<10240x128xf32, #tpu.memory_space<hbm>>
    tpu.enqueue_indirect_dma source(%dma_start3A_40 : memref<10240x128xf32, #tpu.memory_space<hbm>>) target(%dma_start3A_34 : memref<128x128xf32, #tpu.memory_space<vmem>>) offsets(%dma_start3A_37 : memref<128xi32, #tpu.memory_space<vmem>>) semaphore(%arg8 : memref<!tpu.dma_semaphore, #tpu.memory_space<semaphore_mem>>)
    %add3A_41 = arith.constant 0 : i32
    %add3A_42 = arith.addi %mul3A_2, %add3A_41 : i32
    "tpu.region"() ({
      %run_scoped3A = tpu.sem_alloc : memref<!tpu.dma_semaphore, #tpu.memory_space<semaphore_mem>>
      %dma_start3A_67 = arith.constant 0 : i32
      %dma_start3A_68 = arith.constant 0 : i32
      %dma_start3A_69 = tpu.memref_slice %arg6[%dma_start3A_67, %dma_start3A_68] : memref<256x128xf32, #tpu.memory_space<vmem>> -> memref<128x128xf32, #tpu.memory_space<vmem>>
      %dma_start3A_70 = arith.constant 0 : i32
      %dma_start3A_71 = tpu.memref_slice %arg4[%add3A_42, %dma_start3A_70] : memref<12288x128xf32, #tpu.memory_space<hbm>> -> memref<128x128xf32, #tpu.memory_space<hbm>>
      %dma_start3A_72 = arith.constant 0 : i32
      %dma_start3A_73 = tpu.memref_slice %arg4[%add3A_42, %dma_start3A_72] : memref<12288x128xf32, #tpu.memory_space<hbm>> -> memref<128x128xf32, #tpu.memory_space<hbm>>
      %dma_start3A_74 = arith.constant 0 : i32
      %dma_start3A_75 = arith.constant 0 : i32
      %dma_start3A_76 = tpu.memref_slice %arg6[%dma_start3A_74, %dma_start3A_75] : memref<256x128xf32, #tpu.memory_space<vmem>> -> memref<128x128xf32, #tpu.memory_space<vmem>>
      tpu.enqueue_dma source(%dma_start3A_76 : memref<128x128xf32, #tpu.memory_space<vmem>>) target(%dma_start3A_73 : memref<128x128xf32, #tpu.memory_space<hbm>>) target_semaphore(%run_scoped3A : memref<!tpu.dma_semaphore, #tpu.memory_space<semaphore_mem>>)
      %dma_wait3A_77 = arith.constant 0 : i32
      %dma_wait3A_78 = arith.constant 0 : i32
      %dma_wait3A_79 = tpu.memref_slice %arg6[%dma_wait3A_77, %dma_wait3A_78] : memref<256x128xf32, #tpu.memory_space<vmem>> -> memref<128x128xf32, #tpu.memory_space<vmem>>
      %dma_wait3A_80 = arith.constant 0 : i32
      %dma_wait3A_81 = tpu.memref_slice %arg4[%add3A_42, %dma_wait3A_80] : memref<12288x128xf32, #tpu.memory_space<hbm>> -> memref<128x128xf32, #tpu.memory_space<hbm>>
      %dma_wait3A_82 = arith.constant 0 : i32
      %dma_wait3A_83 = tpu.memref_slice %arg4[%add3A_42, %dma_wait3A_82] : memref<12288x128xf32, #tpu.memory_space<hbm>> -> memref<128x128xf32, #tpu.memory_space<hbm>>
      %dma_wait3A_84 = arith.constant 0 : i32
      %dma_wait3A_85 = arith.constant 0 : i32
      %dma_wait3A_86 = tpu.memref_slice %arg6[%dma_wait3A_84, %dma_wait3A_85] : memref<256x128xf32, #tpu.memory_space<vmem>> -> memref<128x128xf32, #tpu.memory_space<vmem>>
      tpu.wait_dma2 semaphore(%run_scoped3A : memref<!tpu.dma_semaphore, #tpu.memory_space<semaphore_mem>>) src(%dma_wait3A_86 : memref<128x128xf32, #tpu.memory_space<vmem>>) dst(%dma_wait3A_83 : memref<128x128xf32, #tpu.memory_space<hbm>>)
      tpu.yield
    }) : () -> ()
    %dma_wait3A_43 = arith.constant 1 : i32
    %dma_wait3A_44 = arith.constant 0 : i32
    %dma_wait3A_45 = arith.constant 0 : i32
    %dma_wait3A_46 = tpu.memref_slice %arg7[%dma_wait3A_44, %dma_wait3A_45] : memref<256x128xf32, #tpu.memory_space<vmem>> -> memref<128x128xf32, #tpu.memory_space<vmem>>
    %dma_wait3A_47 = arith.constant 0 : i32
    %dma_wait3A_48 = tpu.memref_slice %arg5[%dma_wait3A_43, %dma_wait3A_47] : memref<3x128xi32, #tpu.memory_space<vmem>> -> memref<1x128xi32, #tpu.memory_space<vmem>>
    %dma_wait3A_49 = tpu.memref_squeeze %dma_wait3A_48 : memref<1x128xi32, #tpu.memory_space<vmem>> -> memref<128xi32, #tpu.memory_space<vmem>>
    %dma_wait3A_50 = arith.constant 0 : i32
    %dma_wait3A_51 = arith.constant 0 : i32
    %dma_wait3A_52 = tpu.memref_slice %arg2[%dma_wait3A_50, %dma_wait3A_51] : memref<10240x128xf32, #tpu.memory_space<hbm>> -> memref<10240x128xf32, #tpu.memory_space<hbm>>
    tpu.wait_indirect_dma semaphore(%arg9 : memref<!tpu.dma_semaphore, #tpu.memory_space<semaphore_mem>>) src(%dma_wait3A_52 : memref<10240x128xf32, #tpu.memory_space<hbm>>) dst(%dma_wait3A_46 : memref<128x128xf32, #tpu.memory_space<vmem>>)
    %add3A_53 = arith.constant 128 : i32
    %add3A_54 = arith.addi %mul3A_2, %add3A_53 : i32
    "tpu.region"() ({
      %run_scoped3A = tpu.sem_alloc : memref<!tpu.dma_semaphore, #tpu.memory_space<semaphore_mem>>
      %dma_start3A_67 = arith.constant 0 : i32
      %dma_start3A_68 = arith.constant 0 : i32
      %dma_start3A_69 = tpu.memref_slice %arg7[%dma_start3A_67, %dma_start3A_68] : memref<256x128xf32, #tpu.memory_space<vmem>> -> memref<128x128xf32, #tpu.memory_space<vmem>>
      %dma_start3A_70 = arith.constant 0 : i32
      %dma_start3A_71 = tpu.memref_slice %arg4[%add3A_54, %dma_start3A_70] : memref<12288x128xf32, #tpu.memory_space<hbm>> -> memref<128x128xf32, #tpu.memory_space<hbm>>
      %dma_start3A_72 = arith.constant 0 : i32
      %dma_start3A_73 = tpu.memref_slice %arg4[%add3A_54, %dma_start3A_72] : memref<12288x128xf32, #tpu.memory_space<hbm>> -> memref<128x128xf32, #tpu.memory_space<hbm>>
      %dma_start3A_74 = arith.constant 0 : i32
      %dma_start3A_75 = arith.constant 0 : i32
      %dma_start3A_76 = tpu.memref_slice %arg7[%dma_start3A_74, %dma_start3A_75] : memref<256x128xf32, #tpu.memory_space<vmem>> -> memref<128x128xf32, #tpu.memory_space<vmem>>
      tpu.enqueue_dma source(%dma_start3A_76 : memref<128x128xf32, #tpu.memory_space<vmem>>) target(%dma_start3A_73 : memref<128x128xf32, #tpu.memory_space<hbm>>) target_semaphore(%run_scoped3A : memref<!tpu.dma_semaphore, #tpu.memory_space<semaphore_mem>>)
      %dma_wait3A_77 = arith.constant 0 : i32
      %dma_wait3A_78 = arith.constant 0 : i32
      %dma_wait3A_79 = tpu.memref_slice %arg7[%dma_wait3A_77, %dma_wait3A_78] : memref<256x128xf32, #tpu.memory_space<vmem>> -> memref<128x128xf32, #tpu.memory_space<vmem>>
      %dma_wait3A_80 = arith.constant 0 : i32
      %dma_wait3A_81 = tpu.memref_slice %arg4[%add3A_54, %dma_wait3A_80] : memref<12288x128xf32, #tpu.memory_space<hbm>> -> memref<128x128xf32, #tpu.memory_space<hbm>>
      %dma_wait3A_82 = arith.constant 0 : i32
      %dma_wait3A_83 = tpu.memref_slice %arg4[%add3A_54, %dma_wait3A_82] : memref<12288x128xf32, #tpu.memory_space<hbm>> -> memref<128x128xf32, #tpu.memory_space<hbm>>
      %dma_wait3A_84 = arith.constant 0 : i32
      %dma_wait3A_85 = arith.constant 0 : i32
      %dma_wait3A_86 = tpu.memref_slice %arg7[%dma_wait3A_84, %dma_wait3A_85] : memref<256x128xf32, #tpu.memory_space<vmem>> -> memref<128x128xf32, #tpu.memory_space<vmem>>
      tpu.wait_dma2 semaphore(%run_scoped3A : memref<!tpu.dma_semaphore, #tpu.memory_space<semaphore_mem>>) src(%dma_wait3A_86 : memref<128x128xf32, #tpu.memory_space<vmem>>) dst(%dma_wait3A_83 : memref<128x128xf32, #tpu.memory_space<hbm>>)
      tpu.yield
    }) : () -> ()
    %dma_wait3A_55 = arith.constant 2 : i32
    %dma_wait3A_56 = arith.constant 0 : i32
    %dma_wait3A_57 = arith.constant 0 : i32
    %dma_wait3A_58 = tpu.memref_slice %arg6[%dma_wait3A_56, %dma_wait3A_57] : memref<256x128xf32, #tpu.memory_space<vmem>> -> memref<128x128xf32, #tpu.memory_space<vmem>>
    %dma_wait3A_59 = arith.constant 0 : i32
    %dma_wait3A_60 = tpu.memref_slice %arg5[%dma_wait3A_55, %dma_wait3A_59] : memref<3x128xi32, #tpu.memory_space<vmem>> -> memref<1x128xi32, #tpu.memory_space<vmem>>
    %dma_wait3A_61 = tpu.memref_squeeze %dma_wait3A_60 : memref<1x128xi32, #tpu.memory_space<vmem>> -> memref<128xi32, #tpu.memory_space<vmem>>
    %dma_wait3A_62 = arith.constant 0 : i32
    %dma_wait3A_63 = arith.constant 0 : i32
    %dma_wait3A_64 = tpu.memref_slice %arg2[%dma_wait3A_62, %dma_wait3A_63] : memref<10240x128xf32, #tpu.memory_space<hbm>> -> memref<10240x128xf32, #tpu.memory_space<hbm>>
    tpu.wait_indirect_dma semaphore(%arg8 : memref<!tpu.dma_semaphore, #tpu.memory_space<semaphore_mem>>) src(%dma_wait3A_64 : memref<10240x128xf32, #tpu.memory_space<hbm>>) dst(%dma_wait3A_58 : memref<128x128xf32, #tpu.memory_space<vmem>>)
    %add3A_65 = arith.constant 256 : i32
    %add3A_66 = arith.addi %mul3A_2, %add3A_65 : i32
    "tpu.region"() ({
      %run_scoped3A = tpu.sem_alloc : memref<!tpu.dma_semaphore, #tpu.memory_space<semaphore_mem>>
      %dma_start3A_67 = arith.constant 0 : i32
      %dma_start3A_68 = arith.constant 0 : i32
      %dma_start3A_69 = tpu.memref_slice %arg6[%dma_start3A_67, %dma_start3A_68] : memref<256x128xf32, #tpu.memory_space<vmem>> -> memref<128x128xf32, #tpu.memory_space<vmem>>
      %dma_start3A_70 = arith.constant 0 : i32
      %dma_start3A_71 = tpu.memref_slice %arg4[%add3A_66, %dma_start3A_70] : memref<12288x128xf32, #tpu.memory_space<hbm>> -> memref<128x128xf32, #tpu.memory_space<hbm>>
      %dma_start3A_72 = arith.constant 0 : i32
      %dma_start3A_73 = tpu.memref_slice %arg4[%add3A_66, %dma_start3A_72] : memref<12288x128xf32, #tpu.memory_space<hbm>> -> memref<128x128xf32, #tpu.memory_space<hbm>>
      %dma_start3A_74 = arith.constant 0 : i32
      %dma_start3A_75 = arith.constant 0 : i32
      %dma_start3A_76 = tpu.memref_slice %arg6[%dma_start3A_74, %dma_start3A_75] : memref<256x128xf32, #tpu.memory_space<vmem>> -> memref<128x128xf32, #tpu.memory_space<vmem>>
      tpu.enqueue_dma source(%dma_start3A_76 : memref<128x128xf32, #tpu.memory_space<vmem>>) target(%dma_start3A_73 : memref<128x128xf32, #tpu.memory_space<hbm>>) target_semaphore(%run_scoped3A : memref<!tpu.dma_semaphore, #tpu.memory_space<semaphore_mem>>)
      %dma_wait3A_77 = arith.constant 0 : i32
      %dma_wait3A_78 = arith.constant 0 : i32
      %dma_wait3A_79 = tpu.memref_slice %arg6[%dma_wait3A_77, %dma_wait3A_78] : memref<256x128xf32, #tpu.memory_space<vmem>> -> memref<128x128xf32, #tpu.memory_space<vmem>>
      %dma_wait3A_80 = arith.constant 0 : i32
      %dma_wait3A_81 = tpu.memref_slice %arg4[%add3A_66, %dma_wait3A_80] : memref<12288x128xf32, #tpu.memory_space<hbm>> -> memref<128x128xf32, #tpu.memory_space<hbm>>
      %dma_wait3A_82 = arith.constant 0 : i32
      %dma_wait3A_83 = tpu.memref_slice %arg4[%add3A_66, %dma_wait3A_82] : memref<12288x128xf32, #tpu.memory_space<hbm>> -> memref<128x128xf32, #tpu.memory_space<hbm>>
      %dma_wait3A_84 = arith.constant 0 : i32
      %dma_wait3A_85 = arith.constant 0 : i32
      %dma_wait3A_86 = tpu.memref_slice %arg6[%dma_wait3A_84, %dma_wait3A_85] : memref<256x128xf32, #tpu.memory_space<vmem>> -> memref<128x128xf32, #tpu.memory_space<vmem>>
      tpu.wait_dma2 semaphore(%run_scoped3A : memref<!tpu.dma_semaphore, #tpu.memory_space<semaphore_mem>>) src(%dma_wait3A_86 : memref<128x128xf32, #tpu.memory_space<vmem>>) dst(%dma_wait3A_83 : memref<128x128xf32, #tpu.memory_space<hbm>>)
      tpu.yield
    }) : () -> ()
    return
  }
}

#map = affine_map<(d0, d1) -> (0, 0)>
#map1 = affine_map<(d0, d1) -> (0, 0, 0)>
module attributes {stable_mosaic.version = 14 : i64} {
  func.func @k(%arg0: i32, %arg1: i32, %arg2: memref<10240x128xf32, #tpu.memory_space<hbm>>, %arg3: memref<32x44x128xi32, #tpu.memory_space<hbm>>, %arg4: memref<180224x128xf32, #tpu.memory_space<hbm>>, %arg5: memref<44x128xi32, #tpu.memory_space<vmem>>, %arg6: memref<256x128xf32, #tpu.memory_space<vmem>>, %arg7: memref<256x128xf32, #tpu.memory_space<vmem>>, %arg8: memref<!tpu.dma_semaphore, #tpu.memory_space<semaphore_mem>>, %arg9: memref<!tpu.dma_semaphore, #tpu.memory_space<semaphore_mem>>) attributes {dimension_semantics = [#tpu.dimension_semantics<core_parallel>, #tpu.dimension_semantics<subcore_parallel>], iteration_bounds = array<i64: 2, 16>, scalar_prefetch = 0 : i64, scratch_operands = 5 : i64, tpu.core_type = #tpu.core_type<sc_vector_subcore>, window_params = [{transform_indices = #map}, {transform_indices = #map1}, {transform_indices = #map}]} {
    %mul3A = arith.constant 2 : i32
    %mul3A_0 = arith.muli %arg1, %mul3A : i32
    %add3A = arith.addi %mul3A_0, %arg0 : i32
    "tpu.region"() ({
      %run_scoped3A = tpu.sem_alloc : memref<!tpu.dma_semaphore, #tpu.memory_space<semaphore_mem>>
      %dma_start3A_27 = arith.constant 0 : i32
      %dma_start3A_28 = arith.constant 0 : i32
      %dma_start3A_29 = tpu.memref_slice %arg3[%add3A, %dma_start3A_27, %dma_start3A_28] : memref<32x44x128xi32, #tpu.memory_space<hbm>> -> memref<1x44x128xi32, #tpu.memory_space<hbm>>
      %dma_start3A_30 = tpu.memref_squeeze %dma_start3A_29 : memref<1x44x128xi32, #tpu.memory_space<hbm>> -> memref<44x128xi32, #tpu.memory_space<hbm>>
      %dma_start3A_31 = arith.constant 0 : i32
      %dma_start3A_32 = arith.constant 0 : i32
      %dma_start3A_33 = tpu.memref_slice %arg3[%add3A, %dma_start3A_31, %dma_start3A_32] : memref<32x44x128xi32, #tpu.memory_space<hbm>> -> memref<1x44x128xi32, #tpu.memory_space<hbm>>
      %dma_start3A_34 = tpu.memref_squeeze %dma_start3A_33 : memref<1x44x128xi32, #tpu.memory_space<hbm>> -> memref<44x128xi32, #tpu.memory_space<hbm>>
      tpu.enqueue_dma source(%dma_start3A_34 : memref<44x128xi32, #tpu.memory_space<hbm>>) target(%arg5 : memref<44x128xi32, #tpu.memory_space<vmem>>) target_semaphore(%run_scoped3A : memref<!tpu.dma_semaphore, #tpu.memory_space<semaphore_mem>>)
      %dma_wait3A = arith.constant 0 : i32
      %dma_wait3A_35 = arith.constant 0 : i32
      %dma_wait3A_36 = tpu.memref_slice %arg3[%add3A, %dma_wait3A, %dma_wait3A_35] : memref<32x44x128xi32, #tpu.memory_space<hbm>> -> memref<1x44x128xi32, #tpu.memory_space<hbm>>
      %dma_wait3A_37 = tpu.memref_squeeze %dma_wait3A_36 : memref<1x44x128xi32, #tpu.memory_space<hbm>> -> memref<44x128xi32, #tpu.memory_space<hbm>>
      %dma_wait3A_38 = arith.constant 0 : i32
      %dma_wait3A_39 = arith.constant 0 : i32
      %dma_wait3A_40 = tpu.memref_slice %arg3[%add3A, %dma_wait3A_38, %dma_wait3A_39] : memref<32x44x128xi32, #tpu.memory_space<hbm>> -> memref<1x44x128xi32, #tpu.memory_space<hbm>>
      %dma_wait3A_41 = tpu.memref_squeeze %dma_wait3A_40 : memref<1x44x128xi32, #tpu.memory_space<hbm>> -> memref<44x128xi32, #tpu.memory_space<hbm>>
      tpu.wait_dma2 semaphore(%run_scoped3A : memref<!tpu.dma_semaphore, #tpu.memory_space<semaphore_mem>>) src(%dma_wait3A_41 : memref<44x128xi32, #tpu.memory_space<hbm>>) dst(%arg5 : memref<44x128xi32, #tpu.memory_space<vmem>>)
      tpu.yield
    }) : () -> ()
    %mul3A_1 = arith.constant 5632 : i32
    %mul3A_2 = arith.muli %add3A, %mul3A_1 : i32
    %dma_start3A = arith.constant 0 : i32
    %dma_start3A_3 = arith.constant 0 : i32
    %dma_start3A_4 = arith.constant 0 : i32
    %dma_start3A_5 = tpu.memref_slice %arg6[%dma_start3A_3, %dma_start3A_4] : memref<256x128xf32, #tpu.memory_space<vmem>> -> memref<128x128xf32, #tpu.memory_space<vmem>>
    %dma_start3A_6 = arith.constant 0 : i32
    %dma_start3A_7 = tpu.memref_slice %arg5[%dma_start3A, %dma_start3A_6] : memref<44x128xi32, #tpu.memory_space<vmem>> -> memref<1x128xi32, #tpu.memory_space<vmem>>
    %dma_start3A_8 = tpu.memref_squeeze %dma_start3A_7 : memref<1x128xi32, #tpu.memory_space<vmem>> -> memref<128xi32, #tpu.memory_space<vmem>>
    %dma_start3A_9 = arith.constant 0 : i32
    %dma_start3A_10 = arith.constant 0 : i32
    %dma_start3A_11 = tpu.memref_slice %arg2[%dma_start3A_9, %dma_start3A_10] : memref<10240x128xf32, #tpu.memory_space<hbm>> -> memref<10240x128xf32, #tpu.memory_space<hbm>>
    tpu.enqueue_indirect_dma source(%dma_start3A_11 : memref<10240x128xf32, #tpu.memory_space<hbm>>) target(%dma_start3A_5 : memref<128x128xf32, #tpu.memory_space<vmem>>) offsets(%dma_start3A_8 : memref<128xi32, #tpu.memory_space<vmem>>) semaphore(%arg8 : memref<!tpu.dma_semaphore, #tpu.memory_space<semaphore_mem>>)
    %dma_start3A_12 = arith.constant 1 : i32
    %dma_start3A_13 = arith.constant 128 : i32
    %dma_start3A_14 = arith.constant 0 : i32
    %dma_start3A_15 = tpu.memref_slice %arg6[%dma_start3A_13, %dma_start3A_14] : memref<256x128xf32, #tpu.memory_space<vmem>> -> memref<128x128xf32, #tpu.memory_space<vmem>>
    %dma_start3A_16 = arith.constant 0 : i32
    %dma_start3A_17 = tpu.memref_slice %arg5[%dma_start3A_12, %dma_start3A_16] : memref<44x128xi32, #tpu.memory_space<vmem>> -> memref<1x128xi32, #tpu.memory_space<vmem>>
    %dma_start3A_18 = tpu.memref_squeeze %dma_start3A_17 : memref<1x128xi32, #tpu.memory_space<vmem>> -> memref<128xi32, #tpu.memory_space<vmem>>
    %dma_start3A_19 = arith.constant 0 : i32
    %dma_start3A_20 = arith.constant 0 : i32
    %dma_start3A_21 = tpu.memref_slice %arg2[%dma_start3A_19, %dma_start3A_20] : memref<10240x128xf32, #tpu.memory_space<hbm>> -> memref<10240x128xf32, #tpu.memory_space<hbm>>
    tpu.enqueue_indirect_dma source(%dma_start3A_21 : memref<10240x128xf32, #tpu.memory_space<hbm>>) target(%dma_start3A_15 : memref<128x128xf32, #tpu.memory_space<vmem>>) offsets(%dma_start3A_18 : memref<128xi32, #tpu.memory_space<vmem>>) semaphore(%arg8 : memref<!tpu.dma_semaphore, #tpu.memory_space<semaphore_mem>>)
    %scan3A = arith.constant 0 : i32
    %scan3A_22 = arith.constant 0 : i32
    %scan3A_23 = arith.constant 11 : i32
    %scan3A_24 = arith.addi %scan3A_22, %scan3A_23 : i32
    %scan3A_25 = arith.constant 1 : i32
    scf.for %scan3A_27 = %scan3A_22 to %scan3A_24 step %scan3A_25  : i32 {
      %mul3A_28 = arith.constant 4 : i32
      %mul3A_29 = arith.muli %scan3A_27, %mul3A_28 : i32
      %dma_wait3A = arith.constant 0 : i32
      %dma_wait3A_30 = arith.constant 0 : i32
      %dma_wait3A_31 = tpu.memref_slice %arg6[%dma_wait3A, %dma_wait3A_30] : memref<256x128xf32, #tpu.memory_space<vmem>> -> memref<128x128xf32, #tpu.memory_space<vmem>>
      %dma_wait3A_32 = arith.constant 0 : i32
      %dma_wait3A_33 = tpu.memref_slice %arg5[%mul3A_29, %dma_wait3A_32] : memref<44x128xi32, #tpu.memory_space<vmem>> -> memref<1x128xi32, #tpu.memory_space<vmem>>
      %dma_wait3A_34 = tpu.memref_squeeze %dma_wait3A_33 : memref<1x128xi32, #tpu.memory_space<vmem>> -> memref<128xi32, #tpu.memory_space<vmem>>
      %dma_wait3A_35 = arith.constant 0 : i32
      %dma_wait3A_36 = arith.constant 0 : i32
      %dma_wait3A_37 = tpu.memref_slice %arg2[%dma_wait3A_35, %dma_wait3A_36] : memref<10240x128xf32, #tpu.memory_space<hbm>> -> memref<10240x128xf32, #tpu.memory_space<hbm>>
      tpu.wait_indirect_dma semaphore(%arg8 : memref<!tpu.dma_semaphore, #tpu.memory_space<semaphore_mem>>) src(%dma_wait3A_37 : memref<10240x128xf32, #tpu.memory_space<hbm>>) dst(%dma_wait3A_31 : memref<128x128xf32, #tpu.memory_space<vmem>>)
      %add3A_38 = arith.constant 1 : i32
      %add3A_39 = arith.addi %mul3A_29, %add3A_38 : i32
      %dma_wait3A_40 = arith.constant 128 : i32
      %dma_wait3A_41 = arith.constant 0 : i32
      %dma_wait3A_42 = tpu.memref_slice %arg6[%dma_wait3A_40, %dma_wait3A_41] : memref<256x128xf32, #tpu.memory_space<vmem>> -> memref<128x128xf32, #tpu.memory_space<vmem>>
      %dma_wait3A_43 = arith.constant 0 : i32
      %dma_wait3A_44 = tpu.memref_slice %arg5[%add3A_39, %dma_wait3A_43] : memref<44x128xi32, #tpu.memory_space<vmem>> -> memref<1x128xi32, #tpu.memory_space<vmem>>
      %dma_wait3A_45 = tpu.memref_squeeze %dma_wait3A_44 : memref<1x128xi32, #tpu.memory_space<vmem>> -> memref<128xi32, #tpu.memory_space<vmem>>
      %dma_wait3A_46 = arith.constant 0 : i32
      %dma_wait3A_47 = arith.constant 0 : i32
      %dma_wait3A_48 = tpu.memref_slice %arg2[%dma_wait3A_46, %dma_wait3A_47] : memref<10240x128xf32, #tpu.memory_space<hbm>> -> memref<10240x128xf32, #tpu.memory_space<hbm>>
      tpu.wait_indirect_dma semaphore(%arg8 : memref<!tpu.dma_semaphore, #tpu.memory_space<semaphore_mem>>) src(%dma_wait3A_48 : memref<10240x128xf32, #tpu.memory_space<hbm>>) dst(%dma_wait3A_42 : memref<128x128xf32, #tpu.memory_space<vmem>>)
      %add3A_49 = arith.constant 2 : i32
      %add3A_50 = arith.addi %mul3A_29, %add3A_49 : i32
      %lt3A = arith.constant 44 : i32
      %lt3A_51 = arith.cmpi slt, %add3A_50, %lt3A : i32
      %convert_element_type3A = arith.extui %lt3A_51 : i1 to i32
      %cond3A = arith.constant 0 : i32
      %cond3A_52 = arith.cmpi ne, %convert_element_type3A, %cond3A : i32
      scf.if %cond3A_52 {
        %add3A_63 = arith.constant 2 : i32
        %add3A_64 = arith.addi %mul3A_29, %add3A_63 : i32
        %dma_start3A_65 = arith.constant 0 : i32
        %dma_start3A_66 = arith.constant 0 : i32
        %dma_start3A_67 = tpu.memref_slice %arg7[%dma_start3A_65, %dma_start3A_66] : memref<256x128xf32, #tpu.memory_space<vmem>> -> memref<128x128xf32, #tpu.memory_space<vmem>>
        %dma_start3A_68 = arith.constant 0 : i32
        %dma_start3A_69 = tpu.memref_slice %arg5[%add3A_64, %dma_start3A_68] : memref<44x128xi32, #tpu.memory_space<vmem>> -> memref<1x128xi32, #tpu.memory_space<vmem>>
        %dma_start3A_70 = tpu.memref_squeeze %dma_start3A_69 : memref<1x128xi32, #tpu.memory_space<vmem>> -> memref<128xi32, #tpu.memory_space<vmem>>
        %dma_start3A_71 = arith.constant 0 : i32
        %dma_start3A_72 = arith.constant 0 : i32
        %dma_start3A_73 = tpu.memref_slice %arg2[%dma_start3A_71, %dma_start3A_72] : memref<10240x128xf32, #tpu.memory_space<hbm>> -> memref<10240x128xf32, #tpu.memory_space<hbm>>
        tpu.enqueue_indirect_dma source(%dma_start3A_73 : memref<10240x128xf32, #tpu.memory_space<hbm>>) target(%dma_start3A_67 : memref<128x128xf32, #tpu.memory_space<vmem>>) offsets(%dma_start3A_70 : memref<128xi32, #tpu.memory_space<vmem>>) semaphore(%arg9 : memref<!tpu.dma_semaphore, #tpu.memory_space<semaphore_mem>>)
        %add3A_74 = arith.constant 1 : i32
        %add3A_75 = arith.addi %add3A_64, %add3A_74 : i32
        %dma_start3A_76 = arith.constant 128 : i32
        %dma_start3A_77 = arith.constant 0 : i32
        %dma_start3A_78 = tpu.memref_slice %arg7[%dma_start3A_76, %dma_start3A_77] : memref<256x128xf32, #tpu.memory_space<vmem>> -> memref<128x128xf32, #tpu.memory_space<vmem>>
        %dma_start3A_79 = arith.constant 0 : i32
        %dma_start3A_80 = tpu.memref_slice %arg5[%add3A_75, %dma_start3A_79] : memref<44x128xi32, #tpu.memory_space<vmem>> -> memref<1x128xi32, #tpu.memory_space<vmem>>
        %dma_start3A_81 = tpu.memref_squeeze %dma_start3A_80 : memref<1x128xi32, #tpu.memory_space<vmem>> -> memref<128xi32, #tpu.memory_space<vmem>>
        %dma_start3A_82 = arith.constant 0 : i32
        %dma_start3A_83 = arith.constant 0 : i32
        %dma_start3A_84 = tpu.memref_slice %arg2[%dma_start3A_82, %dma_start3A_83] : memref<10240x128xf32, #tpu.memory_space<hbm>> -> memref<10240x128xf32, #tpu.memory_space<hbm>>
        tpu.enqueue_indirect_dma source(%dma_start3A_84 : memref<10240x128xf32, #tpu.memory_space<hbm>>) target(%dma_start3A_78 : memref<128x128xf32, #tpu.memory_space<vmem>>) offsets(%dma_start3A_81 : memref<128xi32, #tpu.memory_space<vmem>>) semaphore(%arg9 : memref<!tpu.dma_semaphore, #tpu.memory_space<semaphore_mem>>)
      } else {
      }
      %mul3A_53 = arith.constant 128 : i32
      %mul3A_54 = arith.muli %mul3A_29, %mul3A_53 : i32
      %add3A_55 = arith.addi %mul3A_2, %mul3A_54 : i32
      "tpu.region"() ({
        %run_scoped3A = tpu.sem_alloc : memref<!tpu.dma_semaphore, #tpu.memory_space<semaphore_mem>>
        %dma_start3A_63 = arith.constant 0 : i32
        %dma_start3A_64 = tpu.memref_slice %arg4[%add3A_55, %dma_start3A_63] : memref<180224x128xf32, #tpu.memory_space<hbm>> -> memref<256x128xf32, #tpu.memory_space<hbm>>
        %dma_start3A_65 = arith.constant 0 : i32
        %dma_start3A_66 = tpu.memref_slice %arg4[%add3A_55, %dma_start3A_65] : memref<180224x128xf32, #tpu.memory_space<hbm>> -> memref<256x128xf32, #tpu.memory_space<hbm>>
        tpu.enqueue_dma source(%arg6 : memref<256x128xf32, #tpu.memory_space<vmem>>) target(%dma_start3A_66 : memref<256x128xf32, #tpu.memory_space<hbm>>) target_semaphore(%run_scoped3A : memref<!tpu.dma_semaphore, #tpu.memory_space<semaphore_mem>>)
        %dma_wait3A_67 = arith.constant 0 : i32
        %dma_wait3A_68 = tpu.memref_slice %arg4[%add3A_55, %dma_wait3A_67] : memref<180224x128xf32, #tpu.memory_space<hbm>> -> memref<256x128xf32, #tpu.memory_space<hbm>>
        %dma_wait3A_69 = arith.constant 0 : i32
        %dma_wait3A_70 = tpu.memref_slice %arg4[%add3A_55, %dma_wait3A_69] : memref<180224x128xf32, #tpu.memory_space<hbm>> -> memref<256x128xf32, #tpu.memory_space<hbm>>
        tpu.wait_dma2 semaphore(%run_scoped3A : memref<!tpu.dma_semaphore, #tpu.memory_space<semaphore_mem>>) src(%arg6 : memref<256x128xf32, #tpu.memory_space<vmem>>) dst(%dma_wait3A_70 : memref<256x128xf32, #tpu.memory_space<hbm>>)
        tpu.yield
      }) : () -> ()
      %add3A_56 = arith.constant 2 : i32
      %add3A_57 = arith.addi %mul3A_29, %add3A_56 : i32
      %lt3A_58 = arith.constant 44 : i32
      %lt3A_59 = arith.cmpi slt, %add3A_57, %lt3A_58 : i32
      %convert_element_type3A_60 = arith.extui %lt3A_59 : i1 to i32
      %cond3A_61 = arith.constant 0 : i32
      %cond3A_62 = arith.cmpi ne, %convert_element_type3A_60, %cond3A_61 : i32
      scf.if %cond3A_62 {
        %add3A_63 = arith.constant 2 : i32
        %add3A_64 = arith.addi %mul3A_29, %add3A_63 : i32
        %dma_wait3A_65 = arith.constant 0 : i32
        %dma_wait3A_66 = arith.constant 0 : i32
        %dma_wait3A_67 = tpu.memref_slice %arg7[%dma_wait3A_65, %dma_wait3A_66] : memref<256x128xf32, #tpu.memory_space<vmem>> -> memref<128x128xf32, #tpu.memory_space<vmem>>
        %dma_wait3A_68 = arith.constant 0 : i32
        %dma_wait3A_69 = tpu.memref_slice %arg5[%add3A_64, %dma_wait3A_68] : memref<44x128xi32, #tpu.memory_space<vmem>> -> memref<1x128xi32, #tpu.memory_space<vmem>>
        %dma_wait3A_70 = tpu.memref_squeeze %dma_wait3A_69 : memref<1x128xi32, #tpu.memory_space<vmem>> -> memref<128xi32, #tpu.memory_space<vmem>>
        %dma_wait3A_71 = arith.constant 0 : i32
        %dma_wait3A_72 = arith.constant 0 : i32
        %dma_wait3A_73 = tpu.memref_slice %arg2[%dma_wait3A_71, %dma_wait3A_72] : memref<10240x128xf32, #tpu.memory_space<hbm>> -> memref<10240x128xf32, #tpu.memory_space<hbm>>
        tpu.wait_indirect_dma semaphore(%arg9 : memref<!tpu.dma_semaphore, #tpu.memory_space<semaphore_mem>>) src(%dma_wait3A_73 : memref<10240x128xf32, #tpu.memory_space<hbm>>) dst(%dma_wait3A_67 : memref<128x128xf32, #tpu.memory_space<vmem>>)
        %add3A_74 = arith.constant 1 : i32
        %add3A_75 = arith.addi %add3A_64, %add3A_74 : i32
        %dma_wait3A_76 = arith.constant 128 : i32
        %dma_wait3A_77 = arith.constant 0 : i32
        %dma_wait3A_78 = tpu.memref_slice %arg7[%dma_wait3A_76, %dma_wait3A_77] : memref<256x128xf32, #tpu.memory_space<vmem>> -> memref<128x128xf32, #tpu.memory_space<vmem>>
        %dma_wait3A_79 = arith.constant 0 : i32
        %dma_wait3A_80 = tpu.memref_slice %arg5[%add3A_75, %dma_wait3A_79] : memref<44x128xi32, #tpu.memory_space<vmem>> -> memref<1x128xi32, #tpu.memory_space<vmem>>
        %dma_wait3A_81 = tpu.memref_squeeze %dma_wait3A_80 : memref<1x128xi32, #tpu.memory_space<vmem>> -> memref<128xi32, #tpu.memory_space<vmem>>
        %dma_wait3A_82 = arith.constant 0 : i32
        %dma_wait3A_83 = arith.constant 0 : i32
        %dma_wait3A_84 = tpu.memref_slice %arg2[%dma_wait3A_82, %dma_wait3A_83] : memref<10240x128xf32, #tpu.memory_space<hbm>> -> memref<10240x128xf32, #tpu.memory_space<hbm>>
        tpu.wait_indirect_dma semaphore(%arg9 : memref<!tpu.dma_semaphore, #tpu.memory_space<semaphore_mem>>) src(%dma_wait3A_84 : memref<10240x128xf32, #tpu.memory_space<hbm>>) dst(%dma_wait3A_78 : memref<128x128xf32, #tpu.memory_space<vmem>>)
        %add3A_85 = arith.constant 4 : i32
        %add3A_86 = arith.addi %mul3A_29, %add3A_85 : i32
        %lt3A_87 = arith.constant 44 : i32
        %lt3A_88 = arith.cmpi slt, %add3A_86, %lt3A_87 : i32
        %convert_element_type3A_89 = arith.extui %lt3A_88 : i1 to i32
        %cond3A_90 = arith.constant 0 : i32
        %cond3A_91 = arith.cmpi ne, %convert_element_type3A_89, %cond3A_90 : i32
        scf.if %cond3A_91 {
          %add3A_97 = arith.constant 4 : i32
          %add3A_98 = arith.addi %mul3A_29, %add3A_97 : i32
          %dma_start3A_99 = arith.constant 0 : i32
          %dma_start3A_100 = arith.constant 0 : i32
          %dma_start3A_101 = tpu.memref_slice %arg6[%dma_start3A_99, %dma_start3A_100] : memref<256x128xf32, #tpu.memory_space<vmem>> -> memref<128x128xf32, #tpu.memory_space<vmem>>
          %dma_start3A_102 = arith.constant 0 : i32
          %dma_start3A_103 = tpu.memref_slice %arg5[%add3A_98, %dma_start3A_102] : memref<44x128xi32, #tpu.memory_space<vmem>> -> memref<1x128xi32, #tpu.memory_space<vmem>>
          %dma_start3A_104 = tpu.memref_squeeze %dma_start3A_103 : memref<1x128xi32, #tpu.memory_space<vmem>> -> memref<128xi32, #tpu.memory_space<vmem>>
          %dma_start3A_105 = arith.constant 0 : i32
          %dma_start3A_106 = arith.constant 0 : i32
          %dma_start3A_107 = tpu.memref_slice %arg2[%dma_start3A_105, %dma_start3A_106] : memref<10240x128xf32, #tpu.memory_space<hbm>> -> memref<10240x128xf32, #tpu.memory_space<hbm>>
          tpu.enqueue_indirect_dma source(%dma_start3A_107 : memref<10240x128xf32, #tpu.memory_space<hbm>>) target(%dma_start3A_101 : memref<128x128xf32, #tpu.memory_space<vmem>>) offsets(%dma_start3A_104 : memref<128xi32, #tpu.memory_space<vmem>>) semaphore(%arg8 : memref<!tpu.dma_semaphore, #tpu.memory_space<semaphore_mem>>)
          %add3A_108 = arith.constant 1 : i32
          %add3A_109 = arith.addi %add3A_98, %add3A_108 : i32
          %dma_start3A_110 = arith.constant 128 : i32
          %dma_start3A_111 = arith.constant 0 : i32
          %dma_start3A_112 = tpu.memref_slice %arg6[%dma_start3A_110, %dma_start3A_111] : memref<256x128xf32, #tpu.memory_space<vmem>> -> memref<128x128xf32, #tpu.memory_space<vmem>>
          %dma_start3A_113 = arith.constant 0 : i32
          %dma_start3A_114 = tpu.memref_slice %arg5[%add3A_109, %dma_start3A_113] : memref<44x128xi32, #tpu.memory_space<vmem>> -> memref<1x128xi32, #tpu.memory_space<vmem>>
          %dma_start3A_115 = tpu.memref_squeeze %dma_start3A_114 : memref<1x128xi32, #tpu.memory_space<vmem>> -> memref<128xi32, #tpu.memory_space<vmem>>
          %dma_start3A_116 = arith.constant 0 : i32
          %dma_start3A_117 = arith.constant 0 : i32
          %dma_start3A_118 = tpu.memref_slice %arg2[%dma_start3A_116, %dma_start3A_117] : memref<10240x128xf32, #tpu.memory_space<hbm>> -> memref<10240x128xf32, #tpu.memory_space<hbm>>
          tpu.enqueue_indirect_dma source(%dma_start3A_118 : memref<10240x128xf32, #tpu.memory_space<hbm>>) target(%dma_start3A_112 : memref<128x128xf32, #tpu.memory_space<vmem>>) offsets(%dma_start3A_115 : memref<128xi32, #tpu.memory_space<vmem>>) semaphore(%arg8 : memref<!tpu.dma_semaphore, #tpu.memory_space<semaphore_mem>>)
        } else {
        }
        %add3A_92 = arith.constant 2 : i32
        %add3A_93 = arith.addi %mul3A_29, %add3A_92 : i32
        %mul3A_94 = arith.constant 128 : i32
        %mul3A_95 = arith.muli %add3A_93, %mul3A_94 : i32
        %add3A_96 = arith.addi %mul3A_2, %mul3A_95 : i32
        "tpu.region"() ({
          %run_scoped3A = tpu.sem_alloc : memref<!tpu.dma_semaphore, #tpu.memory_space<semaphore_mem>>
          %dma_start3A_97 = arith.constant 0 : i32
          %dma_start3A_98 = tpu.memref_slice %arg4[%add3A_96, %dma_start3A_97] : memref<180224x128xf32, #tpu.memory_space<hbm>> -> memref<256x128xf32, #tpu.memory_space<hbm>>
          %dma_start3A_99 = arith.constant 0 : i32
          %dma_start3A_100 = tpu.memref_slice %arg4[%add3A_96, %dma_start3A_99] : memref<180224x128xf32, #tpu.memory_space<hbm>> -> memref<256x128xf32, #tpu.memory_space<hbm>>
          tpu.enqueue_dma source(%arg7 : memref<256x128xf32, #tpu.memory_space<vmem>>) target(%dma_start3A_100 : memref<256x128xf32, #tpu.memory_space<hbm>>) target_semaphore(%run_scoped3A : memref<!tpu.dma_semaphore, #tpu.memory_space<semaphore_mem>>)
          %dma_wait3A_101 = arith.constant 0 : i32
          %dma_wait3A_102 = tpu.memref_slice %arg4[%add3A_96, %dma_wait3A_101] : memref<180224x128xf32, #tpu.memory_space<hbm>> -> memref<256x128xf32, #tpu.memory_space<hbm>>
          %dma_wait3A_103 = arith.constant 0 : i32
          %dma_wait3A_104 = tpu.memref_slice %arg4[%add3A_96, %dma_wait3A_103] : memref<180224x128xf32, #tpu.memory_space<hbm>> -> memref<256x128xf32, #tpu.memory_space<hbm>>
          tpu.wait_dma2 semaphore(%run_scoped3A : memref<!tpu.dma_semaphore, #tpu.memory_space<semaphore_mem>>) src(%arg7 : memref<256x128xf32, #tpu.memory_space<vmem>>) dst(%dma_wait3A_104 : memref<256x128xf32, #tpu.memory_space<hbm>>)
          tpu.yield
        }) : () -> ()
      } else {
      }
    }
    %scan3A_26 = arith.constant 11 : i32
    return
  }
}

#map = affine_map<(d0, d1) -> (0, 0)>
#map1 = affine_map<(d0, d1) -> (0, 0, 0)>
module attributes {stable_mosaic.version = 14 : i64} {
  func.func @k(%arg0: i32, %arg1: i32, %arg2: memref<10240x128xf32, #tpu.memory_space<hbm>>, %arg3: memref<32x3x128xi32, #tpu.memory_space<hbm>>, %arg4: memref<12288x128xf32, #tpu.memory_space<hbm>>, %arg5: memref<3x128xi32, #tpu.memory_space<vmem>>, %arg6: memref<256x128xf32, #tpu.memory_space<vmem>>, %arg7: memref<256x128xf32, #tpu.memory_space<vmem>>, %arg8: memref<!tpu.dma_semaphore, #tpu.memory_space<semaphore_mem>>, %arg9: memref<!tpu.dma_semaphore, #tpu.memory_space<semaphore_mem>>) attributes {dimension_semantics = [#tpu.dimension_semantics<core_parallel>, #tpu.dimension_semantics<subcore_parallel>], iteration_bounds = array<i64: 2, 16>, scalar_prefetch = 0 : i64, scratch_operands = 5 : i64, tpu.core_type = #tpu.core_type<sc_vector_subcore>, window_params = [{transform_indices = #map}, {transform_indices = #map1}, {transform_indices = #map}]} {
    %mul3A = arith.constant 2 : i32
    %mul3A_0 = arith.muli %arg1, %mul3A : i32
    %add3A = arith.addi %mul3A_0, %arg0 : i32
    "tpu.region"() ({
      %run_scoped3A = tpu.sem_alloc : memref<!tpu.dma_semaphore, #tpu.memory_space<semaphore_mem>>
      %dma_start3A_67 = arith.constant 0 : i32
      %dma_start3A_68 = arith.constant 0 : i32
      %dma_start3A_69 = tpu.memref_slice %arg3[%add3A, %dma_start3A_67, %dma_start3A_68] : memref<32x3x128xi32, #tpu.memory_space<hbm>> -> memref<1x3x128xi32, #tpu.memory_space<hbm>>
      %dma_start3A_70 = tpu.memref_squeeze %dma_start3A_69 : memref<1x3x128xi32, #tpu.memory_space<hbm>> -> memref<3x128xi32, #tpu.memory_space<hbm>>
      %dma_start3A_71 = arith.constant 0 : i32
      %dma_start3A_72 = arith.constant 0 : i32
      %dma_start3A_73 = tpu.memref_slice %arg3[%add3A, %dma_start3A_71, %dma_start3A_72] : memref<32x3x128xi32, #tpu.memory_space<hbm>> -> memref<1x3x128xi32, #tpu.memory_space<hbm>>
      %dma_start3A_74 = tpu.memref_squeeze %dma_start3A_73 : memref<1x3x128xi32, #tpu.memory_space<hbm>> -> memref<3x128xi32, #tpu.memory_space<hbm>>
      tpu.enqueue_dma source(%dma_start3A_74 : memref<3x128xi32, #tpu.memory_space<hbm>>) target(%arg5 : memref<3x128xi32, #tpu.memory_space<vmem>>) target_semaphore(%run_scoped3A : memref<!tpu.dma_semaphore, #tpu.memory_space<semaphore_mem>>)
      %dma_wait3A_75 = arith.constant 0 : i32
      %dma_wait3A_76 = arith.constant 0 : i32
      %dma_wait3A_77 = tpu.memref_slice %arg3[%add3A, %dma_wait3A_75, %dma_wait3A_76] : memref<32x3x128xi32, #tpu.memory_space<hbm>> -> memref<1x3x128xi32, #tpu.memory_space<hbm>>
      %dma_wait3A_78 = tpu.memref_squeeze %dma_wait3A_77 : memref<1x3x128xi32, #tpu.memory_space<hbm>> -> memref<3x128xi32, #tpu.memory_space<hbm>>
      %dma_wait3A_79 = arith.constant 0 : i32
      %dma_wait3A_80 = arith.constant 0 : i32
      %dma_wait3A_81 = tpu.memref_slice %arg3[%add3A, %dma_wait3A_79, %dma_wait3A_80] : memref<32x3x128xi32, #tpu.memory_space<hbm>> -> memref<1x3x128xi32, #tpu.memory_space<hbm>>
      %dma_wait3A_82 = tpu.memref_squeeze %dma_wait3A_81 : memref<1x3x128xi32, #tpu.memory_space<hbm>> -> memref<3x128xi32, #tpu.memory_space<hbm>>
      tpu.wait_dma2 semaphore(%run_scoped3A : memref<!tpu.dma_semaphore, #tpu.memory_space<semaphore_mem>>) src(%dma_wait3A_82 : memref<3x128xi32, #tpu.memory_space<hbm>>) dst(%arg5 : memref<3x128xi32, #tpu.memory_space<vmem>>)
      tpu.yield
    }) : () -> ()
    %mul3A_1 = arith.constant 384 : i32
    %mul3A_2 = arith.muli %add3A, %mul3A_1 : i32
    %dma_start3A = arith.constant 0 : i32
    %dma_start3A_3 = arith.constant 0 : i32
    %dma_start3A_4 = arith.constant 0 : i32
    %dma_start3A_5 = tpu.memref_slice %arg6[%dma_start3A_3, %dma_start3A_4] : memref<256x128xf32, #tpu.memory_space<vmem>> -> memref<128x128xf32, #tpu.memory_space<vmem>>
    %dma_start3A_6 = arith.constant 0 : i32
    %dma_start3A_7 = tpu.memref_slice %arg5[%dma_start3A, %dma_start3A_6] : memref<3x128xi32, #tpu.memory_space<vmem>> -> memref<1x128xi32, #tpu.memory_space<vmem>>
    %dma_start3A_8 = tpu.memref_squeeze %dma_start3A_7 : memref<1x128xi32, #tpu.memory_space<vmem>> -> memref<128xi32, #tpu.memory_space<vmem>>
    %dma_start3A_9 = arith.constant 0 : i32
    %dma_start3A_10 = arith.constant 0 : i32
    %dma_start3A_11 = tpu.memref_slice %arg2[%dma_start3A_9, %dma_start3A_10] : memref<10240x128xf32, #tpu.memory_space<hbm>> -> memref<10240x128xf32, #tpu.memory_space<hbm>>
    tpu.enqueue_indirect_dma source(%dma_start3A_11 : memref<10240x128xf32, #tpu.memory_space<hbm>>) target(%dma_start3A_5 : memref<128x128xf32, #tpu.memory_space<vmem>>) offsets(%dma_start3A_8 : memref<128xi32, #tpu.memory_space<vmem>>) semaphore(%arg8 : memref<!tpu.dma_semaphore, #tpu.memory_space<semaphore_mem>>)
    %dma_start3A_12 = arith.constant 1 : i32
    %dma_start3A_13 = arith.constant 0 : i32
    %dma_start3A_14 = arith.constant 0 : i32
    %dma_start3A_15 = tpu.memref_slice %arg7[%dma_start3A_13, %dma_start3A_14] : memref<256x128xf32, #tpu.memory_space<vmem>> -> memref<128x128xf32, #tpu.memory_space<vmem>>
    %dma_start3A_16 = arith.constant 0 : i32
    %dma_start3A_17 = tpu.memref_slice %arg5[%dma_start3A_12, %dma_start3A_16] : memref<3x128xi32, #tpu.memory_space<vmem>> -> memref<1x128xi32, #tpu.memory_space<vmem>>
    %dma_start3A_18 = tpu.memref_squeeze %dma_start3A_17 : memref<1x128xi32, #tpu.memory_space<vmem>> -> memref<128xi32, #tpu.memory_space<vmem>>
    %dma_start3A_19 = arith.constant 0 : i32
    %dma_start3A_20 = arith.constant 0 : i32
    %dma_start3A_21 = tpu.memref_slice %arg2[%dma_start3A_19, %dma_start3A_20] : memref<10240x128xf32, #tpu.memory_space<hbm>> -> memref<10240x128xf32, #tpu.memory_space<hbm>>
    tpu.enqueue_indirect_dma source(%dma_start3A_21 : memref<10240x128xf32, #tpu.memory_space<hbm>>) target(%dma_start3A_15 : memref<128x128xf32, #tpu.memory_space<vmem>>) offsets(%dma_start3A_18 : memref<128xi32, #tpu.memory_space<vmem>>) semaphore(%arg9 : memref<!tpu.dma_semaphore, #tpu.memory_space<semaphore_mem>>)
    %dma_wait3A = arith.constant 0 : i32
    %dma_wait3A_22 = arith.constant 0 : i32
    %dma_wait3A_23 = arith.constant 0 : i32
    %dma_wait3A_24 = tpu.memref_slice %arg6[%dma_wait3A_22, %dma_wait3A_23] : memref<256x128xf32, #tpu.memory_space<vmem>> -> memref<128x128xf32, #tpu.memory_space<vmem>>
    %dma_wait3A_25 = arith.constant 0 : i32
    %dma_wait3A_26 = tpu.memref_slice %arg5[%dma_wait3A, %dma_wait3A_25] : memref<3x128xi32, #tpu.memory_space<vmem>> -> memref<1x128xi32, #tpu.memory_space<vmem>>
    %dma_wait3A_27 = tpu.memref_squeeze %dma_wait3A_26 : memref<1x128xi32, #tpu.memory_space<vmem>> -> memref<128xi32, #tpu.memory_space<vmem>>
    %dma_wait3A_28 = arith.constant 0 : i32
    %dma_wait3A_29 = arith.constant 0 : i32
    %dma_wait3A_30 = tpu.memref_slice %arg2[%dma_wait3A_28, %dma_wait3A_29] : memref<10240x128xf32, #tpu.memory_space<hbm>> -> memref<10240x128xf32, #tpu.memory_space<hbm>>
    tpu.wait_indirect_dma semaphore(%arg8 : memref<!tpu.dma_semaphore, #tpu.memory_space<semaphore_mem>>) src(%dma_wait3A_30 : memref<10240x128xf32, #tpu.memory_space<hbm>>) dst(%dma_wait3A_24 : memref<128x128xf32, #tpu.memory_space<vmem>>)
    %dma_start3A_31 = arith.constant 2 : i32
    %dma_start3A_32 = arith.constant 0 : i32
    %dma_start3A_33 = arith.constant 0 : i32
    %dma_start3A_34 = tpu.memref_slice %arg6[%dma_start3A_32, %dma_start3A_33] : memref<256x128xf32, #tpu.memory_space<vmem>> -> memref<128x128xf32, #tpu.memory_space<vmem>>
    %dma_start3A_35 = arith.constant 0 : i32
    %dma_start3A_36 = tpu.memref_slice %arg5[%dma_start3A_31, %dma_start3A_35] : memref<3x128xi32, #tpu.memory_space<vmem>> -> memref<1x128xi32, #tpu.memory_space<vmem>>
    %dma_start3A_37 = tpu.memref_squeeze %dma_start3A_36 : memref<1x128xi32, #tpu.memory_space<vmem>> -> memref<128xi32, #tpu.memory_space<vmem>>
    %dma_start3A_38 = arith.constant 0 : i32
    %dma_start3A_39 = arith.constant 0 : i32
    %dma_start3A_40 = tpu.memref_slice %arg2[%dma_start3A_38, %dma_start3A_39] : memref<10240x128xf32, #tpu.memory_space<hbm>> -> memref<10240x128xf32, #tpu.memory_space<hbm>>
    tpu.enqueue_indirect_dma source(%dma_start3A_40 : memref<10240x128xf32, #tpu.memory_space<hbm>>) target(%dma_start3A_34 : memref<128x128xf32, #tpu.memory_space<vmem>>) offsets(%dma_start3A_37 : memref<128xi32, #tpu.memory_space<vmem>>) semaphore(%arg8 : memref<!tpu.dma_semaphore, #tpu.memory_space<semaphore_mem>>)
    %add3A_41 = arith.constant 0 : i32
    %add3A_42 = arith.addi %mul3A_2, %add3A_41 : i32
    "tpu.region"() ({
      %run_scoped3A = tpu.sem_alloc : memref<!tpu.dma_semaphore, #tpu.memory_space<semaphore_mem>>
      %dma_start3A_67 = arith.constant 0 : i32
      %dma_start3A_68 = arith.constant 0 : i32
      %dma_start3A_69 = tpu.memref_slice %arg6[%dma_start3A_67, %dma_start3A_68] : memref<256x128xf32, #tpu.memory_space<vmem>> -> memref<128x128xf32, #tpu.memory_space<vmem>>
      %dma_start3A_70 = arith.constant 0 : i32
      %dma_start3A_71 = tpu.memref_slice %arg4[%add3A_42, %dma_start3A_70] : memref<12288x128xf32, #tpu.memory_space<hbm>> -> memref<128x128xf32, #tpu.memory_space<hbm>>
      %dma_start3A_72 = arith.constant 0 : i32
      %dma_start3A_73 = tpu.memref_slice %arg4[%add3A_42, %dma_start3A_72] : memref<12288x128xf32, #tpu.memory_space<hbm>> -> memref<128x128xf32, #tpu.memory_space<hbm>>
      %dma_start3A_74 = arith.constant 0 : i32
      %dma_start3A_75 = arith.constant 0 : i32
      %dma_start3A_76 = tpu.memref_slice %arg6[%dma_start3A_74, %dma_start3A_75] : memref<256x128xf32, #tpu.memory_space<vmem>> -> memref<128x128xf32, #tpu.memory_space<vmem>>
      tpu.enqueue_dma source(%dma_start3A_76 : memref<128x128xf32, #tpu.memory_space<vmem>>) target(%dma_start3A_73 : memref<128x128xf32, #tpu.memory_space<hbm>>) target_semaphore(%run_scoped3A : memref<!tpu.dma_semaphore, #tpu.memory_space<semaphore_mem>>)
      %dma_wait3A_77 = arith.constant 0 : i32
      %dma_wait3A_78 = arith.constant 0 : i32
      %dma_wait3A_79 = tpu.memref_slice %arg6[%dma_wait3A_77, %dma_wait3A_78] : memref<256x128xf32, #tpu.memory_space<vmem>> -> memref<128x128xf32, #tpu.memory_space<vmem>>
      %dma_wait3A_80 = arith.constant 0 : i32
      %dma_wait3A_81 = tpu.memref_slice %arg4[%add3A_42, %dma_wait3A_80] : memref<12288x128xf32, #tpu.memory_space<hbm>> -> memref<128x128xf32, #tpu.memory_space<hbm>>
      %dma_wait3A_82 = arith.constant 0 : i32
      %dma_wait3A_83 = tpu.memref_slice %arg4[%add3A_42, %dma_wait3A_82] : memref<12288x128xf32, #tpu.memory_space<hbm>> -> memref<128x128xf32, #tpu.memory_space<hbm>>
      %dma_wait3A_84 = arith.constant 0 : i32
      %dma_wait3A_85 = arith.constant 0 : i32
      %dma_wait3A_86 = tpu.memref_slice %arg6[%dma_wait3A_84, %dma_wait3A_85] : memref<256x128xf32, #tpu.memory_space<vmem>> -> memref<128x128xf32, #tpu.memory_space<vmem>>
      tpu.wait_dma2 semaphore(%run_scoped3A : memref<!tpu.dma_semaphore, #tpu.memory_space<semaphore_mem>>) src(%dma_wait3A_86 : memref<128x128xf32, #tpu.memory_space<vmem>>) dst(%dma_wait3A_83 : memref<128x128xf32, #tpu.memory_space<hbm>>)
      tpu.yield
    }) : () -> ()
    %dma_wait3A_43 = arith.constant 1 : i32
    %dma_wait3A_44 = arith.constant 0 : i32
    %dma_wait3A_45 = arith.constant 0 : i32
    %dma_wait3A_46 = tpu.memref_slice %arg7[%dma_wait3A_44, %dma_wait3A_45] : memref<256x128xf32, #tpu.memory_space<vmem>> -> memref<128x128xf32, #tpu.memory_space<vmem>>
    %dma_wait3A_47 = arith.constant 0 : i32
    %dma_wait3A_48 = tpu.memref_slice %arg5[%dma_wait3A_43, %dma_wait3A_47] : memref<3x128xi32, #tpu.memory_space<vmem>> -> memref<1x128xi32, #tpu.memory_space<vmem>>
    %dma_wait3A_49 = tpu.memref_squeeze %dma_wait3A_48 : memref<1x128xi32, #tpu.memory_space<vmem>> -> memref<128xi32, #tpu.memory_space<vmem>>
    %dma_wait3A_50 = arith.constant 0 : i32
    %dma_wait3A_51 = arith.constant 0 : i32
    %dma_wait3A_52 = tpu.memref_slice %arg2[%dma_wait3A_50, %dma_wait3A_51] : memref<10240x128xf32, #tpu.memory_space<hbm>> -> memref<10240x128xf32, #tpu.memory_space<hbm>>
    tpu.wait_indirect_dma semaphore(%arg9 : memref<!tpu.dma_semaphore, #tpu.memory_space<semaphore_mem>>) src(%dma_wait3A_52 : memref<10240x128xf32, #tpu.memory_space<hbm>>) dst(%dma_wait3A_46 : memref<128x128xf32, #tpu.memory_space<vmem>>)
    %add3A_53 = arith.constant 128 : i32
    %add3A_54 = arith.addi %mul3A_2, %add3A_53 : i32
    "tpu.region"() ({
      %run_scoped3A = tpu.sem_alloc : memref<!tpu.dma_semaphore, #tpu.memory_space<semaphore_mem>>
      %dma_start3A_67 = arith.constant 0 : i32
      %dma_start3A_68 = arith.constant 0 : i32
      %dma_start3A_69 = tpu.memref_slice %arg7[%dma_start3A_67, %dma_start3A_68] : memref<256x128xf32, #tpu.memory_space<vmem>> -> memref<128x128xf32, #tpu.memory_space<vmem>>
      %dma_start3A_70 = arith.constant 0 : i32
      %dma_start3A_71 = tpu.memref_slice %arg4[%add3A_54, %dma_start3A_70] : memref<12288x128xf32, #tpu.memory_space<hbm>> -> memref<128x128xf32, #tpu.memory_space<hbm>>
      %dma_start3A_72 = arith.constant 0 : i32
      %dma_start3A_73 = tpu.memref_slice %arg4[%add3A_54, %dma_start3A_72] : memref<12288x128xf32, #tpu.memory_space<hbm>> -> memref<128x128xf32, #tpu.memory_space<hbm>>
      %dma_start3A_74 = arith.constant 0 : i32
      %dma_start3A_75 = arith.constant 0 : i32
      %dma_start3A_76 = tpu.memref_slice %arg7[%dma_start3A_74, %dma_start3A_75] : memref<256x128xf32, #tpu.memory_space<vmem>> -> memref<128x128xf32, #tpu.memory_space<vmem>>
      tpu.enqueue_dma source(%dma_start3A_76 : memref<128x128xf32, #tpu.memory_space<vmem>>) target(%dma_start3A_73 : memref<128x128xf32, #tpu.memory_space<hbm>>) target_semaphore(%run_scoped3A : memref<!tpu.dma_semaphore, #tpu.memory_space<semaphore_mem>>)
      %dma_wait3A_77 = arith.constant 0 : i32
      %dma_wait3A_78 = arith.constant 0 : i32
      %dma_wait3A_79 = tpu.memref_slice %arg7[%dma_wait3A_77, %dma_wait3A_78] : memref<256x128xf32, #tpu.memory_space<vmem>> -> memref<128x128xf32, #tpu.memory_space<vmem>>
      %dma_wait3A_80 = arith.constant 0 : i32
      %dma_wait3A_81 = tpu.memref_slice %arg4[%add3A_54, %dma_wait3A_80] : memref<12288x128xf32, #tpu.memory_space<hbm>> -> memref<128x128xf32, #tpu.memory_space<hbm>>
      %dma_wait3A_82 = arith.constant 0 : i32
      %dma_wait3A_83 = tpu.memref_slice %arg4[%add3A_54, %dma_wait3A_82] : memref<12288x128xf32, #tpu.memory_space<hbm>> -> memref<128x128xf32, #tpu.memory_space<hbm>>
      %dma_wait3A_84 = arith.constant 0 : i32
      %dma_wait3A_85 = arith.constant 0 : i32
      %dma_wait3A_86 = tpu.memref_slice %arg7[%dma_wait3A_84, %dma_wait3A_85] : memref<256x128xf32, #tpu.memory_space<vmem>> -> memref<128x128xf32, #tpu.memory_space<vmem>>
      tpu.wait_dma2 semaphore(%run_scoped3A : memref<!tpu.dma_semaphore, #tpu.memory_space<semaphore_mem>>) src(%dma_wait3A_86 : memref<128x128xf32, #tpu.memory_space<vmem>>) dst(%dma_wait3A_83 : memref<128x128xf32, #tpu.memory_space<hbm>>)
      tpu.yield
    }) : () -> ()
    %dma_wait3A_55 = arith.constant 2 : i32
    %dma_wait3A_56 = arith.constant 0 : i32
    %dma_wait3A_57 = arith.constant 0 : i32
    %dma_wait3A_58 = tpu.memref_slice %arg6[%dma_wait3A_56, %dma_wait3A_57] : memref<256x128xf32, #tpu.memory_space<vmem>> -> memref<128x128xf32, #tpu.memory_space<vmem>>
    %dma_wait3A_59 = arith.constant 0 : i32
    %dma_wait3A_60 = tpu.memref_slice %arg5[%dma_wait3A_55, %dma_wait3A_59] : memref<3x128xi32, #tpu.memory_space<vmem>> -> memref<1x128xi32, #tpu.memory_space<vmem>>
    %dma_wait3A_61 = tpu.memref_squeeze %dma_wait3A_60 : memref<1x128xi32, #tpu.memory_space<vmem>> -> memref<128xi32, #tpu.memory_space<vmem>>
    %dma_wait3A_62 = arith.constant 0 : i32
    %dma_wait3A_63 = arith.constant 0 : i32
    %dma_wait3A_64 = tpu.memref_slice %arg2[%dma_wait3A_62, %dma_wait3A_63] : memref<10240x128xf32, #tpu.memory_space<hbm>> -> memref<10240x128xf32, #tpu.memory_space<hbm>>
    tpu.wait_indirect_dma semaphore(%arg8 : memref<!tpu.dma_semaphore, #tpu.memory_space<semaphore_mem>>) src(%dma_wait3A_64 : memref<10240x128xf32, #tpu.memory_space<hbm>>) dst(%dma_wait3A_58 : memref<128x128xf32, #tpu.memory_space<vmem>>)
    %add3A_65 = arith.constant 256 : i32
    %add3A_66 = arith.addi %mul3A_2, %add3A_65 : i32
    "tpu.region"() ({
      %run_scoped3A = tpu.sem_alloc : memref<!tpu.dma_semaphore, #tpu.memory_space<semaphore_mem>>
      %dma_start3A_67 = arith.constant 0 : i32
      %dma_start3A_68 = arith.constant 0 : i32
      %dma_start3A_69 = tpu.memref_slice %arg6[%dma_start3A_67, %dma_start3A_68] : memref<256x128xf32, #tpu.memory_space<vmem>> -> memref<128x128xf32, #tpu.memory_space<vmem>>
      %dma_start3A_70 = arith.constant 0 : i32
      %dma_start3A_71 = tpu.memref_slice %arg4[%add3A_66, %dma_start3A_70] : memref<12288x128xf32, #tpu.memory_space<hbm>> -> memref<128x128xf32, #tpu.memory_space<hbm>>
      %dma_start3A_72 = arith.constant 0 : i32
      %dma_start3A_73 = tpu.memref_slice %arg4[%add3A_66, %dma_start3A_72] : memref<12288x128xf32, #tpu.memory_space<hbm>> -> memref<128x128xf32, #tpu.memory_space<hbm>>
      %dma_start3A_74 = arith.constant 0 : i32
      %dma_start3A_75 = arith.constant 0 : i32
      %dma_start3A_76 = tpu.memref_slice %arg6[%dma_start3A_74, %dma_start3A_75] : memref<256x128xf32, #tpu.memory_space<vmem>> -> memref<128x128xf32, #tpu.memory_space<vmem>>
      tpu.enqueue_dma source(%dma_start3A_76 : memref<128x128xf32, #tpu.memory_space<vmem>>) target(%dma_start3A_73 : memref<128x128xf32, #tpu.memory_space<hbm>>) target_semaphore(%run_scoped3A : memref<!tpu.dma_semaphore, #tpu.memory_space<semaphore_mem>>)
      %dma_wait3A_77 = arith.constant 0 : i32
      %dma_wait3A_78 = arith.constant 0 : i32
      %dma_wait3A_79 = tpu.memref_slice %arg6[%dma_wait3A_77, %dma_wait3A_78] : memref<256x128xf32, #tpu.memory_space<vmem>> -> memref<128x128xf32, #tpu.memory_space<vmem>>
      %dma_wait3A_80 = arith.constant 0 : i32
      %dma_wait3A_81 = tpu.memref_slice %arg4[%add3A_66, %dma_wait3A_80] : memref<12288x128xf32, #tpu.memory_space<hbm>> -> memref<128x128xf32, #tpu.memory_space<hbm>>
      %dma_wait3A_82 = arith.constant 0 : i32
      %dma_wait3A_83 = tpu.memref_slice %arg4[%add3A_66, %dma_wait3A_82] : memref<12288x128xf32, #tpu.memory_space<hbm>> -> memref<128x128xf32, #tpu.memory_space<hbm>>
      %dma_wait3A_84 = arith.constant 0 : i32
      %dma_wait3A_85 = arith.constant 0 : i32
      %dma_wait3A_86 = tpu.memref_slice %arg6[%dma_wait3A_84, %dma_wait3A_85] : memref<256x128xf32, #tpu.memory_space<vmem>> -> memref<128x128xf32, #tpu.memory_space<vmem>>
      tpu.wait_dma2 semaphore(%run_scoped3A : memref<!tpu.dma_semaphore, #tpu.memory_space<semaphore_mem>>) src(%dma_wait3A_86 : memref<128x128xf32, #tpu.memory_space<vmem>>) dst(%dma_wait3A_83 : memref<128x128xf32, #tpu.memory_space<hbm>>)
      tpu.yield
    }) : () -> ()
    return
  }
}

module attributes {stable_mosaic.version = 14 : i64} {
  func.func @body(%arg0: i32, %arg1: memref<1024x128xf32, #tpu.memory_space<vmem>>, %arg2: memref<128x128xf32, #tpu.memory_space<vmem>>, %arg3: memref<1x128xf32, #tpu.memory_space<vmem>>, %arg4: memref<1024x128xf32, #tpu.memory_space<vmem>>) attributes {dimension_semantics = [#tpu.dimension_semantics<arbitrary>], iteration_bounds = array<i64: 10>, scalar_prefetch = 0 : i64, scratch_operands = 0 : i64, tpu.core_type = #tpu.core_type<tc>, window_params = [{transform_indices = @transform_0, window_bounds = array<i64: 1024, 128>}, {pipeline_mode = #tpu.pipeline_mode<synchronous>, transform_indices = @transform_1, window_bounds = array<i64: 128, 128>}, {pipeline_mode = #tpu.pipeline_mode<synchronous>, transform_indices = @transform_2, window_bounds = array<i64: 1, 128>}, {transform_indices = @transform_3, window_bounds = array<i64: 1024, 128>}]} {
    %get3A = arith.constant 0 : index
    %get3A_0 = arith.constant 0 : index
    %get3A_1 = vector.load %arg1[%get3A, %get3A_0] : memref<1024x128xf32, #tpu.memory_space<vmem>>, vector<1024x128xf32>
    %get3A_2 = arith.constant 0 : index
    %get3A_3 = arith.constant 0 : index
    %get3A_4 = vector.load %arg2[%get3A_2, %get3A_3] : memref<128x128xf32, #tpu.memory_space<vmem>>, vector<128x128xf32>
    %get3A_5 = arith.constant 0 : index
    %get3A_6 = arith.constant 0 : index
    %get3A_7 = vector.load %arg3[%get3A_5, %get3A_6] : memref<1x128xf32, #tpu.memory_space<vmem>>, vector<1x128xf32>
    %dot_general3A = arith.constant dense<0.000000e+00> : vector<1024x128xf32>
    %dot_general3A_8 = tpu.matmul %get3A_1, %get3A_4, %dot_general3A {dimension_numbers = #tpu.dot_dimension_numbers<[1], [0], [0], [1], [0, 0, 1, 1], [], []>, transpose_lhs_hint = false} : vector<1024x128xf32>, vector<128x128xf32>, vector<1024x128xf32> -> vector<1024x128xf32>
    %add3A = vector.broadcast %get3A_7 : vector<1x128xf32> to vector<1024x128xf32>
    %add3A_9 = arith.addf %dot_general3A_8, %add3A : vector<1024x128xf32>
    %max3A = arith.constant 0.000000e+00 : f32
    %max3A_10 = vector.broadcast %max3A : f32 to vector<1024x128xf32>
    %max3A_11 = arith.maximumf %add3A_9, %max3A_10 : vector<1024x128xf32>
    %swap3A = arith.constant 0 : index
    %swap3A_12 = arith.constant 0 : index
    %swap3A_13 = vector.load %arg4[%swap3A, %swap3A_12] : memref<1024x128xf32, #tpu.memory_space<vmem>>, vector<1024x128xf32>
    tpu.vector_store %arg4[%swap3A, %swap3A_12], %max3A_11 {strides = array<i32>} : memref<1024x128xf32, #tpu.memory_space<vmem>>, vector<1024x128xf32>,
    return
  }
  func.func @transform_0(%arg0: i32) -> (i32, i32) {
    %c0_i32 = arith.constant 0 : i32
    %c0_i32_0 = arith.constant 0 : i32
    return %arg0, %c0_i32 : i32, i32
  }
  func.func @transform_1(%arg0: i32) -> (i32, i32) {
    %c0_i32 = arith.constant 0 : i32
    %c0_i32_0 = arith.constant 0 : i32
    %c0_i32_1 = arith.constant 0 : i32
    return %c0_i32, %c0_i32_0 : i32, i32
  }
  func.func @transform_2(%arg0: i32) -> (i32, i32) {
    %c0_i32 = arith.constant 0 : i32
    %c0_i32_0 = arith.constant 0 : i32
    %c0_i32_1 = arith.constant 0 : i32
    return %c0_i32, %c0_i32_0 : i32, i32
  }
  func.func @transform_3(%arg0: i32) -> (i32, i32) {
    %c0_i32 = arith.constant 0 : i32
    %c0_i32_0 = arith.constant 0 : i32
    return %arg0, %c0_i32 : i32, i32
  }
}

module attributes {stable_mosaic.version = 14 : i64} {
  func.func @body(%arg0: i32, %arg1: memref<40xi32, #tpu.memory_space<smem>>, %arg2: memref<64xi32, #tpu.memory_space<smem>>, %arg3: memref<64xi32, #tpu.memory_space<smem>>, %arg4: memref<180224x128xf32, #tpu.memory_space<any>>, %arg5: memref<128x512xf32, #tpu.memory_space<vmem>>, %arg6: memref<128x512xf32, #tpu.memory_space<vmem>>, %arg7: memref<1x512xf32, #tpu.memory_space<vmem>>, %arg8: memref<256x128xf32, #tpu.memory_space<vmem>>, %arg9: memref<256x128xf32, #tpu.memory_space<vmem>>, %arg10: memref<256x128xf32, #tpu.memory_space<vmem>>, %arg11: memref<256x128xf32, #tpu.memory_space<vmem>>, %arg12: memref<!tpu.dma_semaphore, #tpu.memory_space<semaphore_mem>>, %arg13: memref<!tpu.dma_semaphore, #tpu.memory_space<semaphore_mem>>) attributes {dimension_semantics = [#tpu.dimension_semantics<arbitrary>], iteration_bounds = array<i64: 40>, scalar_prefetch = 3 : i64, scratch_operands = 5 : i64, tpu.core_type = #tpu.core_type<tc>, window_params = [{}, {pipeline_mode = #tpu.pipeline_mode<synchronous>, transform_indices = @transform_1, window_bounds = array<i64: 128, 512>}, {pipeline_mode = #tpu.pipeline_mode<synchronous>, transform_indices = @transform_2, window_bounds = array<i64: 128, 512>}, {pipeline_mode = #tpu.pipeline_mode<synchronous>, transform_indices = @transform_3, window_bounds = array<i64: 1, 512>}, {transform_indices = @transform_4, window_bounds = array<i64: 256, 128>}]} {
    %get3A = arith.index_cast %arg0 : i32 to index
    %get3A_0 = memref.load %arg1[%get3A] : memref<40xi32, #tpu.memory_space<smem>>
    %broadcast_in_dim3A = arith.constant 0.000000e+00 : f32
    %broadcast_in_dim3A_1 = vector.broadcast %broadcast_in_dim3A : f32 to vector<256x128xf32>
    %swap3A = arith.constant 0 : index
    %swap3A_2 = arith.constant 0 : index
    %swap3A_3 = vector.load %arg8[%swap3A, %swap3A_2] : memref<256x128xf32, #tpu.memory_space<vmem>>, vector<256x128xf32>
    tpu.vector_store %arg8[%swap3A, %swap3A_2], %broadcast_in_dim3A_1 {strides = array<i32>} : memref<256x128xf32, #tpu.memory_space<vmem>>, vector<256x128xf32>,
    %broadcast_in_dim3A_4 = arith.constant 0.000000e+00 : f32
    %broadcast_in_dim3A_5 = vector.broadcast %broadcast_in_dim3A_4 : f32 to vector<256x128xf32>
    %swap3A_6 = arith.constant 0 : index
    %swap3A_7 = arith.constant 0 : index
    %swap3A_8 = vector.load %arg9[%swap3A_6, %swap3A_7] : memref<256x128xf32, #tpu.memory_space<vmem>>, vector<256x128xf32>
    tpu.vector_store %arg9[%swap3A_6, %swap3A_7], %broadcast_in_dim3A_5 {strides = array<i32>} : memref<256x128xf32, #tpu.memory_space<vmem>>, vector<256x128xf32>,
    %gt3A = arith.constant 0 : i32
    %gt3A_9 = arith.cmpi sgt, %get3A_0, %gt3A : i32
    %convert_element_type3A = arith.extui %gt3A_9 : i1 to i32
    %cond3A = arith.constant 0 : i32
    %cond3A_10 = arith.cmpi ne, %convert_element_type3A, %cond3A : i32
    scf.if %cond3A_10 {
      %get3A_37 = arith.constant 0 : index
      %get3A_38 = memref.load %arg2[%get3A_37] : memref<64xi32, #tpu.memory_space<smem>>
      %add3A_39 = arith.addi %get3A_38, %arg0 : i32
      %mul3A = arith.constant 256 : i32
      %mul3A_40 = arith.muli %add3A_39, %mul3A : i32
      %dma_start3A = arith.constant 0 : i32
      %dma_start3A_41 = tpu.memref_slice %arg4[%mul3A_40, %dma_start3A] : memref<180224x128xf32, #tpu.memory_space<any>> -> memref<256x128xf32, #tpu.memory_space<any>>
      tpu.enqueue_dma source(%dma_start3A_41 : memref<256x128xf32, #tpu.memory_space<any>>) target(%arg10 : memref<256x128xf32, #tpu.memory_space<vmem>>) target_semaphore(%arg12 : memref<!tpu.dma_semaphore, #tpu.memory_space<semaphore_mem>>)
    } else {
    }
    %add3A = arith.constant 1 : i32
    %add3A_11 = arith.addi %get3A_0, %add3A : i32
    %jit3A = arith.constant 2 : i32
    %div3A = arith.divsi %add3A_11, %jit3A : i32
    %sign3A = arith.constant 0 : i32
    %sign3A_12 = arith.cmpi sgt, %add3A_11, %sign3A : i32
    %sign3A_13 = arith.extui %sign3A_12 : i1 to i32
    %sign3A_14 = arith.constant 0 : i32
    %sign3A_15 = arith.cmpi slt, %add3A_11, %sign3A_14 : i32
    %sign3A_16 = arith.extui %sign3A_15 : i1 to i32
    %sign3A_17 = arith.subi %sign3A_13, %sign3A_16 : i32
    %sign3A_18 = arith.constant 0 : i32
    %sign3A_19 = arith.cmpi sgt, %jit3A, %sign3A_18 : i32
    %sign3A_20 = arith.extui %sign3A_19 : i1 to i32
    %sign3A_21 = arith.constant 0 : i32
    %sign3A_22 = arith.cmpi slt, %jit3A, %sign3A_21 : i32
    %sign3A_23 = arith.extui %sign3A_22 : i1 to i32
    %sign3A_24 = arith.subi %sign3A_20, %sign3A_23 : i32
    %ne3A = arith.cmpi ne, %sign3A_17, %sign3A_24 : i32
    %rem3A = arith.remsi %add3A_11, %jit3A : i32
    %ne3A_25 = arith.constant 0 : i32
    %ne3A_26 = arith.cmpi ne, %rem3A, %ne3A_25 : i32
    %and3A = arith.andi %ne3A, %ne3A_26 : i1
    %sub3A = arith.constant 1 : i32
    %sub3A_27 = arith.subi %div3A, %sub3A : i32
    %select_n3A = arith.select %and3A, %sub3A_27, %div3A : i32
    %while3A = arith.constant 0 : i32
    %while3A_28 = arith.constant 0 : i32
    %while3A_29 = arith.subi %select_n3A, %while3A_28 : i32
    %while3A_30 = arith.addi %while3A_28, %while3A_29 : i32
    %while3A_31 = arith.constant 1 : i32
    %while3A_32 = arith.divsi %while3A_29, %while3A_31 : i32
    %while3A_33 = arith.muli %while3A_32, %while3A_31 : i32
    %while3A_34 = arith.addi %while3A_28, %while3A_33 : i32
    %while3A_35 = arith.constant 1 : i32
    scf.for %while3A_37 = %while3A_28 to %while3A_34 step %while3A_35  : i32 {
      %mul3A = arith.constant 2 : i32
      %mul3A_38 = arith.muli %mul3A, %while3A_37 : i32
      %get3A_39 = arith.index_cast %mul3A_38 : i32 to index
      %get3A_40 = memref.load %arg2[%get3A_39] : memref<64xi32, #tpu.memory_space<smem>>
      %add3A_41 = arith.addi %get3A_40, %arg0 : i32
      %mul3A_42 = arith.constant 256 : i32
      %mul3A_43 = arith.muli %add3A_41, %mul3A_42 : i32
      %dma_wait3A = arith.constant 0 : i32
      %dma_wait3A_44 = tpu.memref_slice %arg4[%mul3A_43, %dma_wait3A] : memref<180224x128xf32, #tpu.memory_space<any>> -> memref<256x128xf32, #tpu.memory_space<any>>
      tpu.wait_dma2 semaphore(%arg12 : memref<!tpu.dma_semaphore, #tpu.memory_space<semaphore_mem>>) src(%dma_wait3A_44 : memref<256x128xf32, #tpu.memory_space<any>>) dst(%arg10 : memref<256x128xf32, #tpu.memory_space<vmem>>)
      %add3A_45 = arith.constant 1 : i32
      %add3A_46 = arith.addi %mul3A_38, %add3A_45 : i32
      %lt3A = arith.cmpi slt, %add3A_46, %get3A_0 : i32
      %convert_element_type3A_47 = arith.extui %lt3A : i1 to i32
      %cond3A_48 = arith.constant 0 : i32
      %cond3A_49 = arith.cmpi ne, %convert_element_type3A_47, %cond3A_48 : i32
      scf.if %cond3A_49 {
        %add3A_120 = arith.constant 1 : i32
        %add3A_121 = arith.addi %mul3A_38, %add3A_120 : i32
        %get3A_122 = arith.index_cast %add3A_121 : i32 to index
        %get3A_123 = memref.load %arg2[%get3A_122] : memref<64xi32, #tpu.memory_space<smem>>
        %add3A_124 = arith.addi %get3A_123, %arg0 : i32
        %mul3A_125 = arith.constant 256 : i32
        %mul3A_126 = arith.muli %add3A_124, %mul3A_125 : i32
        %dma_start3A = arith.constant 0 : i32
        %dma_start3A_127 = tpu.memref_slice %arg4[%mul3A_126, %dma_start3A] : memref<180224x128xf32, #tpu.memory_space<any>> -> memref<256x128xf32, #tpu.memory_space<any>>
        tpu.enqueue_dma source(%dma_start3A_127 : memref<256x128xf32, #tpu.memory_space<any>>) target(%arg11 : memref<256x128xf32, #tpu.memory_space<vmem>>) target_semaphore(%arg13 : memref<!tpu.dma_semaphore, #tpu.memory_space<semaphore_mem>>)
      } else {
      }
      %get3A_50 = arith.constant 0 : index
      %get3A_51 = arith.constant 0 : index
      %get3A_52 = vector.load %arg10[%get3A_50, %get3A_51] : memref<256x128xf32, #tpu.memory_space<vmem>>, vector<256x128xf32>
      %get3A_53 = arith.constant 0 : index
      %get3A_54 = arith.constant 0 : index
      %get3A_55 = vector.load %arg8[%get3A_53, %get3A_54] : memref<256x128xf32, #tpu.memory_space<vmem>>, vector<256x128xf32>
      %get3A_56 = arith.constant 0 : index
      %get3A_57 = arith.constant 0 : index
      %get3A_58 = vector.load %arg9[%get3A_56, %get3A_57] : memref<256x128xf32, #tpu.memory_space<vmem>>, vector<256x128xf32>
      %get3A_59 = arith.constant 0 : index
      %get3A_60 = arith.constant 0 : index
      %get3A_61 = vector.load %arg5[%get3A_59, %get3A_60] : memref<128x512xf32, #tpu.memory_space<vmem>>, vector<128x512xf32>
      %dot_general3A = arith.constant dense<0.000000e+00> : vector<256x512xf32>
      %dot_general3A_62 = tpu.matmul %get3A_52, %get3A_61, %dot_general3A {dimension_numbers = #tpu.dot_dimension_numbers<[1], [0], [0], [1], [0, 0, 1, 1], [], []>, transpose_lhs_hint = false} : vector<256x128xf32>, vector<128x512xf32>, vector<256x512xf32> -> vector<256x512xf32>
      %get3A_63 = arith.constant 0 : index
      %get3A_64 = arith.constant 0 : index
      %get3A_65 = vector.load %arg6[%get3A_63, %get3A_64] : memref<128x512xf32, #tpu.memory_space<vmem>>, vector<128x512xf32>
      %dot_general3A_66 = arith.constant dense<0.000000e+00> : vector<256x512xf32>
      %dot_general3A_67 = tpu.matmul %get3A_55, %get3A_65, %dot_general3A_66 {dimension_numbers = #tpu.dot_dimension_numbers<[1], [0], [0], [1], [0, 0, 1, 1], [], []>, transpose_lhs_hint = false} : vector<256x128xf32>, vector<128x512xf32>, vector<256x512xf32> -> vector<256x512xf32>
      %add3A_68 = arith.addf %dot_general3A_62, %dot_general3A_67 : vector<256x512xf32>
      %get3A_69 = arith.constant 0 : index
      %get3A_70 = arith.constant 0 : index
      %get3A_71 = vector.load %arg7[%get3A_69, %get3A_70] : memref<1x512xf32, #tpu.memory_space<vmem>>, vector<1x512xf32>
      %add3A_72 = vector.broadcast %get3A_71 : vector<1x512xf32> to vector<256x512xf32>
      %add3A_73 = arith.addf %add3A_68, %add3A_72 : vector<256x512xf32>
      %slice3A = vector.extract_strided_slice %add3A_73 {offsets = [0, 0], sizes = [256, 128], strides = [1, 1]} : vector<256x512xf32> to vector<256x128xf32>
      %logistic3A = arith.negf %slice3A : vector<256x128xf32>
      %logistic3A_74 = math.exp %logistic3A : vector<256x128xf32>
      %logistic3A_75 = arith.constant 1.000000e+00 : f32
      %logistic3A_76 = vector.broadcast %logistic3A_75 : f32 to vector<256x128xf32>
      %logistic3A_77 = arith.addf %logistic3A_76, %logistic3A_74 : vector<256x128xf32>
      %logistic3A_78 = arith.divf %logistic3A_76, %logistic3A_77 : vector<256x128xf32>
      %slice3A_79 = vector.extract_strided_slice %add3A_73 {offsets = [0, 128], sizes = [256, 128], strides = [1, 1]} : vector<256x512xf32> to vector<256x128xf32>
      %logistic3A_80 = arith.negf %slice3A_79 : vector<256x128xf32>
      %logistic3A_81 = math.exp %logistic3A_80 : vector<256x128xf32>
      %logistic3A_82 = arith.constant 1.000000e+00 : f32
      %logistic3A_83 = vector.broadcast %logistic3A_82 : f32 to vector<256x128xf32>
      %logistic3A_84 = arith.addf %logistic3A_83, %logistic3A_81 : vector<256x128xf32>
      %logistic3A_85 = arith.divf %logistic3A_83, %logistic3A_84 : vector<256x128xf32>
      %slice3A_86 = vector.extract_strided_slice %add3A_73 {offsets = [0, 256], sizes = [256, 128], strides = [1, 1]} : vector<256x512xf32> to vector<256x128xf32>
      %tanh3A = math.tanh %slice3A_86 : vector<256x128xf32>
      %slice3A_87 = vector.extract_strided_slice %add3A_73 {offsets = [0, 384], sizes = [256, 128], strides = [1, 1]} : vector<256x512xf32> to vector<256x128xf32>
      %logistic3A_88 = arith.negf %slice3A_87 : vector<256x128xf32>
      %logistic3A_89 = math.exp %logistic3A_88 : vector<256x128xf32>
      %logistic3A_90 = arith.constant 1.000000e+00 : f32
      %logistic3A_91 = vector.broadcast %logistic3A_90 : f32 to vector<256x128xf32>
      %logistic3A_92 = arith.addf %logistic3A_91, %logistic3A_89 : vector<256x128xf32>
      %logistic3A_93 = arith.divf %logistic3A_91, %logistic3A_92 : vector<256x128xf32>
      %mul3A_94 = arith.mulf %logistic3A_85, %get3A_58 : vector<256x128xf32>
      %mul3A_95 = arith.mulf %logistic3A_78, %tanh3A : vector<256x128xf32>
      %add3A_96 = arith.addf %mul3A_94, %mul3A_95 : vector<256x128xf32>
      %tanh3A_97 = math.tanh %add3A_96 : vector<256x128xf32>
      %mul3A_98 = arith.mulf %logistic3A_93, %tanh3A_97 : vector<256x128xf32>
      %iota3A = tpu.iota {dimensions = array<i32: 0>} : vector<256x128xi32>
      %get3A_99 = arith.index_cast %mul3A_38 : i32 to index
      %get3A_100 = memref.load %arg3[%get3A_99] : memref<64xi32, #tpu.memory_space<smem>>
      %mul3A_101 = arith.constant 256 : i32
      %mul3A_102 = arith.muli %arg0, %mul3A_101 : i32
      %sub3A_103 = arith.subi %get3A_100, %mul3A_102 : i32
      %lt3A_104 = vector.broadcast %sub3A_103 : i32 to vector<256x128xi32>
      %lt3A_105 = arith.cmpi slt, %iota3A, %lt3A_104 : vector<256x128xi32>
      %select_n3A_106 = arith.select %lt3A_105, %mul3A_98, %get3A_55 : vector<256x128xi1>, vector<256x128xf32>
      %swap3A_107 = arith.constant 0 : index
      %swap3A_108 = arith.constant 0 : index
      %swap3A_109 = vector.load %arg8[%swap3A_107, %swap3A_108] : memref<256x128xf32, #tpu.memory_space<vmem>>, vector<256x128xf32>
      tpu.vector_store %arg8[%swap3A_107, %swap3A_108], %select_n3A_106 {strides = array<i32>} : memref<256x128xf32, #tpu.memory_space<vmem>>, vector<256x128xf32>,
      %select_n3A_110 = arith.select %lt3A_105, %add3A_96, %get3A_58 : vector<256x128xi1>, vector<256x128xf32>
      %swap3A_111 = arith.constant 0 : index
      %swap3A_112 = arith.constant 0 : index
      %swap3A_113 = vector.load %arg9[%swap3A_111, %swap3A_112] : memref<256x128xf32, #tpu.memory_space<vmem>>, vector<256x128xf32>
      tpu.vector_store %arg9[%swap3A_111, %swap3A_112], %select_n3A_110 {strides = array<i32>} : memref<256x128xf32, #tpu.memory_space<vmem>>, vector<256x128xf32>,
      %add3A_114 = arith.constant 1 : i32
      %add3A_115 = arith.addi %mul3A_38, %add3A_114 : i32
      %lt3A_116 = arith.cmpi slt, %add3A_115, %get3A_0 : i32
      %convert_element_type3A_117 = arith.extui %lt3A_116 : i1 to i32
      %cond3A_118 = arith.constant 0 : i32
      %cond3A_119 = arith.cmpi ne, %convert_element_type3A_117, %cond3A_118 : i32
      scf.if %cond3A_119 {
        %add3A_120 = arith.constant 1 : i32
        %add3A_121 = arith.addi %mul3A_38, %add3A_120 : i32
        %get3A_122 = arith.index_cast %add3A_121 : i32 to index
        %get3A_123 = memref.load %arg2[%get3A_122] : memref<64xi32, #tpu.memory_space<smem>>
        %add3A_124 = arith.addi %get3A_123, %arg0 : i32
        %mul3A_125 = arith.constant 256 : i32
        %mul3A_126 = arith.muli %add3A_124, %mul3A_125 : i32
        %dma_wait3A_127 = arith.constant 0 : i32
        %dma_wait3A_128 = tpu.memref_slice %arg4[%mul3A_126, %dma_wait3A_127] : memref<180224x128xf32, #tpu.memory_space<any>> -> memref<256x128xf32, #tpu.memory_space<any>>
        tpu.wait_dma2 semaphore(%arg13 : memref<!tpu.dma_semaphore, #tpu.memory_space<semaphore_mem>>) src(%dma_wait3A_128 : memref<256x128xf32, #tpu.memory_space<any>>) dst(%arg11 : memref<256x128xf32, #tpu.memory_space<vmem>>)
        %add3A_129 = arith.constant 1 : i32
        %add3A_130 = arith.addi %add3A_121, %add3A_129 : i32
        %lt3A_131 = arith.cmpi slt, %add3A_130, %get3A_0 : i32
        %convert_element_type3A_132 = arith.extui %lt3A_131 : i1 to i32
        %cond3A_133 = arith.constant 0 : i32
        %cond3A_134 = arith.cmpi ne, %convert_element_type3A_132, %cond3A_133 : i32
        scf.if %cond3A_134 {
          %add3A_204 = arith.constant 1 : i32
          %add3A_205 = arith.addi %add3A_121, %add3A_204 : i32
          %get3A_206 = arith.index_cast %add3A_205 : i32 to index
          %get3A_207 = memref.load %arg2[%get3A_206] : memref<64xi32, #tpu.memory_space<smem>>
          %add3A_208 = arith.addi %get3A_207, %arg0 : i32
          %mul3A_209 = arith.constant 256 : i32
          %mul3A_210 = arith.muli %add3A_208, %mul3A_209 : i32
          %dma_start3A = arith.constant 0 : i32
          %dma_start3A_211 = tpu.memref_slice %arg4[%mul3A_210, %dma_start3A] : memref<180224x128xf32, #tpu.memory_space<any>> -> memref<256x128xf32, #tpu.memory_space<any>>
          tpu.enqueue_dma source(%dma_start3A_211 : memref<256x128xf32, #tpu.memory_space<any>>) target(%arg10 : memref<256x128xf32, #tpu.memory_space<vmem>>) target_semaphore(%arg12 : memref<!tpu.dma_semaphore, #tpu.memory_space<semaphore_mem>>)
        } else {
        }
        %get3A_135 = arith.constant 0 : index
        %get3A_136 = arith.constant 0 : index
        %get3A_137 = vector.load %arg11[%get3A_135, %get3A_136] : memref<256x128xf32, #tpu.memory_space<vmem>>, vector<256x128xf32>
        %get3A_138 = arith.constant 0 : index
        %get3A_139 = arith.constant 0 : index
        %get3A_140 = vector.load %arg8[%get3A_138, %get3A_139] : memref<256x128xf32, #tpu.memory_space<vmem>>, vector<256x128xf32>
        %get3A_141 = arith.constant 0 : index
        %get3A_142 = arith.constant 0 : index
        %get3A_143 = vector.load %arg9[%get3A_141, %get3A_142] : memref<256x128xf32, #tpu.memory_space<vmem>>, vector<256x128xf32>
        %get3A_144 = arith.constant 0 : index
        %get3A_145 = arith.constant 0 : index
        %get3A_146 = vector.load %arg5[%get3A_144, %get3A_145] : memref<128x512xf32, #tpu.memory_space<vmem>>, vector<128x512xf32>
        %dot_general3A_147 = arith.constant dense<0.000000e+00> : vector<256x512xf32>
        %dot_general3A_148 = tpu.matmul %get3A_137, %get3A_146, %dot_general3A_147 {dimension_numbers = #tpu.dot_dimension_numbers<[1], [0], [0], [1], [0, 0, 1, 1], [], []>, transpose_lhs_hint = false} : vector<256x128xf32>, vector<128x512xf32>, vector<256x512xf32> -> vector<256x512xf32>
        %get3A_149 = arith.constant 0 : index
        %get3A_150 = arith.constant 0 : index
        %get3A_151 = vector.load %arg6[%get3A_149, %get3A_150] : memref<128x512xf32, #tpu.memory_space<vmem>>, vector<128x512xf32>
        %dot_general3A_152 = arith.constant dense<0.000000e+00> : vector<256x512xf32>
        %dot_general3A_153 = tpu.matmul %get3A_140, %get3A_151, %dot_general3A_152 {dimension_numbers = #tpu.dot_dimension_numbers<[1], [0], [0], [1], [0, 0, 1, 1], [], []>, transpose_lhs_hint = false} : vector<256x128xf32>, vector<128x512xf32>, vector<256x512xf32> -> vector<256x512xf32>
        %add3A_154 = arith.addf %dot_general3A_148, %dot_general3A_153 : vector<256x512xf32>
        %get3A_155 = arith.constant 0 : index
        %get3A_156 = arith.constant 0 : index
        %get3A_157 = vector.load %arg7[%get3A_155, %get3A_156] : memref<1x512xf32, #tpu.memory_space<vmem>>, vector<1x512xf32>
        %add3A_158 = vector.broadcast %get3A_157 : vector<1x512xf32> to vector<256x512xf32>
        %add3A_159 = arith.addf %add3A_154, %add3A_158 : vector<256x512xf32>
        %slice3A_160 = vector.extract_strided_slice %add3A_159 {offsets = [0, 0], sizes = [256, 128], strides = [1, 1]} : vector<256x512xf32> to vector<256x128xf32>
        %logistic3A_161 = arith.negf %slice3A_160 : vector<256x128xf32>
        %logistic3A_162 = math.exp %logistic3A_161 : vector<256x128xf32>
        %logistic3A_163 = arith.constant 1.000000e+00 : f32
        %logistic3A_164 = vector.broadcast %logistic3A_163 : f32 to vector<256x128xf32>
        %logistic3A_165 = arith.addf %logistic3A_164, %logistic3A_162 : vector<256x128xf32>
        %logistic3A_166 = arith.divf %logistic3A_164, %logistic3A_165 : vector<256x128xf32>
        %slice3A_167 = vector.extract_strided_slice %add3A_159 {offsets = [0, 128], sizes = [256, 128], strides = [1, 1]} : vector<256x512xf32> to vector<256x128xf32>
        %logistic3A_168 = arith.negf %slice3A_167 : vector<256x128xf32>
        %logistic3A_169 = math.exp %logistic3A_168 : vector<256x128xf32>
        %logistic3A_170 = arith.constant 1.000000e+00 : f32
        %logistic3A_171 = vector.broadcast %logistic3A_170 : f32 to vector<256x128xf32>
        %logistic3A_172 = arith.addf %logistic3A_171, %logistic3A_169 : vector<256x128xf32>
        %logistic3A_173 = arith.divf %logistic3A_171, %logistic3A_172 : vector<256x128xf32>
        %slice3A_174 = vector.extract_strided_slice %add3A_159 {offsets = [0, 256], sizes = [256, 128], strides = [1, 1]} : vector<256x512xf32> to vector<256x128xf32>
        %tanh3A_175 = math.tanh %slice3A_174 : vector<256x128xf32>
        %slice3A_176 = vector.extract_strided_slice %add3A_159 {offsets = [0, 384], sizes = [256, 128], strides = [1, 1]} : vector<256x512xf32> to vector<256x128xf32>
        %logistic3A_177 = arith.negf %slice3A_176 : vector<256x128xf32>
        %logistic3A_178 = math.exp %logistic3A_177 : vector<256x128xf32>
        %logistic3A_179 = arith.constant 1.000000e+00 : f32
        %logistic3A_180 = vector.broadcast %logistic3A_179 : f32 to vector<256x128xf32>
        %logistic3A_181 = arith.addf %logistic3A_180, %logistic3A_178 : vector<256x128xf32>
        %logistic3A_182 = arith.divf %logistic3A_180, %logistic3A_181 : vector<256x128xf32>
        %mul3A_183 = arith.mulf %logistic3A_173, %get3A_143 : vector<256x128xf32>
        %mul3A_184 = arith.mulf %logistic3A_166, %tanh3A_175 : vector<256x128xf32>
        %add3A_185 = arith.addf %mul3A_183, %mul3A_184 : vector<256x128xf32>
        %tanh3A_186 = math.tanh %add3A_185 : vector<256x128xf32>
        %mul3A_187 = arith.mulf %logistic3A_182, %tanh3A_186 : vector<256x128xf32>
        %iota3A_188 = tpu.iota {dimensions = array<i32: 0>} : vector<256x128xi32>
        %get3A_189 = arith.index_cast %add3A_121 : i32 to index
        %get3A_190 = memref.load %arg3[%get3A_189] : memref<64xi32, #tpu.memory_space<smem>>
        %mul3A_191 = arith.constant 256 : i32
        %mul3A_192 = arith.muli %arg0, %mul3A_191 : i32
        %sub3A_193 = arith.subi %get3A_190, %mul3A_192 : i32
        %lt3A_194 = vector.broadcast %sub3A_193 : i32 to vector<256x128xi32>
        %lt3A_195 = arith.cmpi slt, %iota3A_188, %lt3A_194 : vector<256x128xi32>
        %select_n3A_196 = arith.select %lt3A_195, %mul3A_187, %get3A_140 : vector<256x128xi1>, vector<256x128xf32>
        %swap3A_197 = arith.constant 0 : index
        %swap3A_198 = arith.constant 0 : index
        %swap3A_199 = vector.load %arg8[%swap3A_197, %swap3A_198] : memref<256x128xf32, #tpu.memory_space<vmem>>, vector<256x128xf32>
        tpu.vector_store %arg8[%swap3A_197, %swap3A_198], %select_n3A_196 {strides = array<i32>} : memref<256x128xf32, #tpu.memory_space<vmem>>, vector<256x128xf32>,
        %select_n3A_200 = arith.select %lt3A_195, %add3A_185, %get3A_143 : vector<256x128xi1>, vector<256x128xf32>
        %swap3A_201 = arith.constant 0 : index
        %swap3A_202 = arith.constant 0 : index
        %swap3A_203 = vector.load %arg9[%swap3A_201, %swap3A_202] : memref<256x128xf32, #tpu.memory_space<vmem>>, vector<256x128xf32>
        tpu.vector_store %arg9[%swap3A_201, %swap3A_202], %select_n3A_200 {strides = array<i32>} : memref<256x128xf32, #tpu.memory_space<vmem>>, vector<256x128xf32>,
      } else {
      }
    }
    %while3A_36 = arith.constant 1 : i32
    scf.for %while3A_37 = %while3A_34 to %while3A_30 step %while3A_36  : i32 {
      %mul3A = arith.constant 2 : i32
      %mul3A_38 = arith.muli %mul3A, %while3A_37 : i32
      %get3A_39 = arith.index_cast %mul3A_38 : i32 to index
      %get3A_40 = memref.load %arg2[%get3A_39] : memref<64xi32, #tpu.memory_space<smem>>
      %add3A_41 = arith.addi %get3A_40, %arg0 : i32
      %mul3A_42 = arith.constant 256 : i32
      %mul3A_43 = arith.muli %add3A_41, %mul3A_42 : i32
      %dma_wait3A = arith.constant 0 : i32
      %dma_wait3A_44 = tpu.memref_slice %arg4[%mul3A_43, %dma_wait3A] : memref<180224x128xf32, #tpu.memory_space<any>> -> memref<256x128xf32, #tpu.memory_space<any>>
      tpu.wait_dma2 semaphore(%arg12 : memref<!tpu.dma_semaphore, #tpu.memory_space<semaphore_mem>>) src(%dma_wait3A_44 : memref<256x128xf32, #tpu.memory_space<any>>) dst(%arg10 : memref<256x128xf32, #tpu.memory_space<vmem>>)
      %add3A_45 = arith.constant 1 : i32
      %add3A_46 = arith.addi %mul3A_38, %add3A_45 : i32
      %lt3A = arith.cmpi slt, %add3A_46, %get3A_0 : i32
      %convert_element_type3A_47 = arith.extui %lt3A : i1 to i32
      %cond3A_48 = arith.constant 0 : i32
      %cond3A_49 = arith.cmpi ne, %convert_element_type3A_47, %cond3A_48 : i32
      scf.if %cond3A_49 {
        %add3A_120 = arith.constant 1 : i32
        %add3A_121 = arith.addi %mul3A_38, %add3A_120 : i32
        %get3A_122 = arith.index_cast %add3A_121 : i32 to index
        %get3A_123 = memref.load %arg2[%get3A_122] : memref<64xi32, #tpu.memory_space<smem>>
        %add3A_124 = arith.addi %get3A_123, %arg0 : i32
        %mul3A_125 = arith.constant 256 : i32
        %mul3A_126 = arith.muli %add3A_124, %mul3A_125 : i32
        %dma_start3A = arith.constant 0 : i32
        %dma_start3A_127 = tpu.memref_slice %arg4[%mul3A_126, %dma_start3A] : memref<180224x128xf32, #tpu.memory_space<any>> -> memref<256x128xf32, #tpu.memory_space<any>>
        tpu.enqueue_dma source(%dma_start3A_127 : memref<256x128xf32, #tpu.memory_space<any>>) target(%arg11 : memref<256x128xf32, #tpu.memory_space<vmem>>) target_semaphore(%arg13 : memref<!tpu.dma_semaphore, #tpu.memory_space<semaphore_mem>>)
      } else {
      }
      %get3A_50 = arith.constant 0 : index
      %get3A_51 = arith.constant 0 : index
      %get3A_52 = vector.load %arg10[%get3A_50, %get3A_51] : memref<256x128xf32, #tpu.memory_space<vmem>>, vector<256x128xf32>
      %get3A_53 = arith.constant 0 : index
      %get3A_54 = arith.constant 0 : index
      %get3A_55 = vector.load %arg8[%get3A_53, %get3A_54] : memref<256x128xf32, #tpu.memory_space<vmem>>, vector<256x128xf32>
      %get3A_56 = arith.constant 0 : index
      %get3A_57 = arith.constant 0 : index
      %get3A_58 = vector.load %arg9[%get3A_56, %get3A_57] : memref<256x128xf32, #tpu.memory_space<vmem>>, vector<256x128xf32>
      %get3A_59 = arith.constant 0 : index
      %get3A_60 = arith.constant 0 : index
      %get3A_61 = vector.load %arg5[%get3A_59, %get3A_60] : memref<128x512xf32, #tpu.memory_space<vmem>>, vector<128x512xf32>
      %dot_general3A = arith.constant dense<0.000000e+00> : vector<256x512xf32>
      %dot_general3A_62 = tpu.matmul %get3A_52, %get3A_61, %dot_general3A {dimension_numbers = #tpu.dot_dimension_numbers<[1], [0], [0], [1], [0, 0, 1, 1], [], []>, transpose_lhs_hint = false} : vector<256x128xf32>, vector<128x512xf32>, vector<256x512xf32> -> vector<256x512xf32>
      %get3A_63 = arith.constant 0 : index
      %get3A_64 = arith.constant 0 : index
      %get3A_65 = vector.load %arg6[%get3A_63, %get3A_64] : memref<128x512xf32, #tpu.memory_space<vmem>>, vector<128x512xf32>
      %dot_general3A_66 = arith.constant dense<0.000000e+00> : vector<256x512xf32>
      %dot_general3A_67 = tpu.matmul %get3A_55, %get3A_65, %dot_general3A_66 {dimension_numbers = #tpu.dot_dimension_numbers<[1], [0], [0], [1], [0, 0, 1, 1], [], []>, transpose_lhs_hint = false} : vector<256x128xf32>, vector<128x512xf32>, vector<256x512xf32> -> vector<256x512xf32>
      %add3A_68 = arith.addf %dot_general3A_62, %dot_general3A_67 : vector<256x512xf32>
      %get3A_69 = arith.constant 0 : index
      %get3A_70 = arith.constant 0 : index
      %get3A_71 = vector.load %arg7[%get3A_69, %get3A_70] : memref<1x512xf32, #tpu.memory_space<vmem>>, vector<1x512xf32>
      %add3A_72 = vector.broadcast %get3A_71 : vector<1x512xf32> to vector<256x512xf32>
      %add3A_73 = arith.addf %add3A_68, %add3A_72 : vector<256x512xf32>
      %slice3A = vector.extract_strided_slice %add3A_73 {offsets = [0, 0], sizes = [256, 128], strides = [1, 1]} : vector<256x512xf32> to vector<256x128xf32>
      %logistic3A = arith.negf %slice3A : vector<256x128xf32>
      %logistic3A_74 = math.exp %logistic3A : vector<256x128xf32>
      %logistic3A_75 = arith.constant 1.000000e+00 : f32
      %logistic3A_76 = vector.broadcast %logistic3A_75 : f32 to vector<256x128xf32>
      %logistic3A_77 = arith.addf %logistic3A_76, %logistic3A_74 : vector<256x128xf32>
      %logistic3A_78 = arith.divf %logistic3A_76, %logistic3A_77 : vector<256x128xf32>
      %slice3A_79 = vector.extract_strided_slice %add3A_73 {offsets = [0, 128], sizes = [256, 128], strides = [1, 1]} : vector<256x512xf32> to vector<256x128xf32>
      %logistic3A_80 = arith.negf %slice3A_79 : vector<256x128xf32>
      %logistic3A_81 = math.exp %logistic3A_80 : vector<256x128xf32>
      %logistic3A_82 = arith.constant 1.000000e+00 : f32
      %logistic3A_83 = vector.broadcast %logistic3A_82 : f32 to vector<256x128xf32>
      %logistic3A_84 = arith.addf %logistic3A_83, %logistic3A_81 : vector<256x128xf32>
      %logistic3A_85 = arith.divf %logistic3A_83, %logistic3A_84 : vector<256x128xf32>
      %slice3A_86 = vector.extract_strided_slice %add3A_73 {offsets = [0, 256], sizes = [256, 128], strides = [1, 1]} : vector<256x512xf32> to vector<256x128xf32>
      %tanh3A = math.tanh %slice3A_86 : vector<256x128xf32>
      %slice3A_87 = vector.extract_strided_slice %add3A_73 {offsets = [0, 384], sizes = [256, 128], strides = [1, 1]} : vector<256x512xf32> to vector<256x128xf32>
      %logistic3A_88 = arith.negf %slice3A_87 : vector<256x128xf32>
      %logistic3A_89 = math.exp %logistic3A_88 : vector<256x128xf32>
      %logistic3A_90 = arith.constant 1.000000e+00 : f32
      %logistic3A_91 = vector.broadcast %logistic3A_90 : f32 to vector<256x128xf32>
      %logistic3A_92 = arith.addf %logistic3A_91, %logistic3A_89 : vector<256x128xf32>
      %logistic3A_93 = arith.divf %logistic3A_91, %logistic3A_92 : vector<256x128xf32>
      %mul3A_94 = arith.mulf %logistic3A_85, %get3A_58 : vector<256x128xf32>
      %mul3A_95 = arith.mulf %logistic3A_78, %tanh3A : vector<256x128xf32>
      %add3A_96 = arith.addf %mul3A_94, %mul3A_95 : vector<256x128xf32>
      %tanh3A_97 = math.tanh %add3A_96 : vector<256x128xf32>
      %mul3A_98 = arith.mulf %logistic3A_93, %tanh3A_97 : vector<256x128xf32>
      %iota3A = tpu.iota {dimensions = array<i32: 0>} : vector<256x128xi32>
      %get3A_99 = arith.index_cast %mul3A_38 : i32 to index
      %get3A_100 = memref.load %arg3[%get3A_99] : memref<64xi32, #tpu.memory_space<smem>>
      %mul3A_101 = arith.constant 256 : i32
      %mul3A_102 = arith.muli %arg0, %mul3A_101 : i32
      %sub3A_103 = arith.subi %get3A_100, %mul3A_102 : i32
      %lt3A_104 = vector.broadcast %sub3A_103 : i32 to vector<256x128xi32>
      %lt3A_105 = arith.cmpi slt, %iota3A, %lt3A_104 : vector<256x128xi32>
      %select_n3A_106 = arith.select %lt3A_105, %mul3A_98, %get3A_55 : vector<256x128xi1>, vector<256x128xf32>
      %swap3A_107 = arith.constant 0 : index
      %swap3A_108 = arith.constant 0 : index
      %swap3A_109 = vector.load %arg8[%swap3A_107, %swap3A_108] : memref<256x128xf32, #tpu.memory_space<vmem>>, vector<256x128xf32>
      tpu.vector_store %arg8[%swap3A_107, %swap3A_108], %select_n3A_106 {strides = array<i32>} : memref<256x128xf32, #tpu.memory_space<vmem>>, vector<256x128xf32>,
      %select_n3A_110 = arith.select %lt3A_105, %add3A_96, %get3A_58 : vector<256x128xi1>, vector<256x128xf32>
      %swap3A_111 = arith.constant 0 : index
      %swap3A_112 = arith.constant 0 : index
      %swap3A_113 = vector.load %arg9[%swap3A_111, %swap3A_112] : memref<256x128xf32, #tpu.memory_space<vmem>>, vector<256x128xf32>
      tpu.vector_store %arg9[%swap3A_111, %swap3A_112], %select_n3A_110 {strides = array<i32>} : memref<256x128xf32, #tpu.memory_space<vmem>>, vector<256x128xf32>,
      %add3A_114 = arith.constant 1 : i32
      %add3A_115 = arith.addi %mul3A_38, %add3A_114 : i32
      %lt3A_116 = arith.cmpi slt, %add3A_115, %get3A_0 : i32
      %convert_element_type3A_117 = arith.extui %lt3A_116 : i1 to i32
      %cond3A_118 = arith.constant 0 : i32
      %cond3A_119 = arith.cmpi ne, %convert_element_type3A_117, %cond3A_118 : i32
      scf.if %cond3A_119 {
        %add3A_120 = arith.constant 1 : i32
        %add3A_121 = arith.addi %mul3A_38, %add3A_120 : i32
        %get3A_122 = arith.index_cast %add3A_121 : i32 to index
        %get3A_123 = memref.load %arg2[%get3A_122] : memref<64xi32, #tpu.memory_space<smem>>
        %add3A_124 = arith.addi %get3A_123, %arg0 : i32
        %mul3A_125 = arith.constant 256 : i32
        %mul3A_126 = arith.muli %add3A_124, %mul3A_125 : i32
        %dma_wait3A_127 = arith.constant 0 : i32
        %dma_wait3A_128 = tpu.memref_slice %arg4[%mul3A_126, %dma_wait3A_127] : memref<180224x128xf32, #tpu.memory_space<any>> -> memref<256x128xf32, #tpu.memory_space<any>>
        tpu.wait_dma2 semaphore(%arg13 : memref<!tpu.dma_semaphore, #tpu.memory_space<semaphore_mem>>) src(%dma_wait3A_128 : memref<256x128xf32, #tpu.memory_space<any>>) dst(%arg11 : memref<256x128xf32, #tpu.memory_space<vmem>>)
        %add3A_129 = arith.constant 1 : i32
        %add3A_130 = arith.addi %add3A_121, %add3A_129 : i32
        %lt3A_131 = arith.cmpi slt, %add3A_130, %get3A_0 : i32
        %convert_element_type3A_132 = arith.extui %lt3A_131 : i1 to i32
        %cond3A_133 = arith.constant 0 : i32
        %cond3A_134 = arith.cmpi ne, %convert_element_type3A_132, %cond3A_133 : i32
        scf.if %cond3A_134 {
          %add3A_204 = arith.constant 1 : i32
          %add3A_205 = arith.addi %add3A_121, %add3A_204 : i32
          %get3A_206 = arith.index_cast %add3A_205 : i32 to index
          %get3A_207 = memref.load %arg2[%get3A_206] : memref<64xi32, #tpu.memory_space<smem>>
          %add3A_208 = arith.addi %get3A_207, %arg0 : i32
          %mul3A_209 = arith.constant 256 : i32
          %mul3A_210 = arith.muli %add3A_208, %mul3A_209 : i32
          %dma_start3A = arith.constant 0 : i32
          %dma_start3A_211 = tpu.memref_slice %arg4[%mul3A_210, %dma_start3A] : memref<180224x128xf32, #tpu.memory_space<any>> -> memref<256x128xf32, #tpu.memory_space<any>>
          tpu.enqueue_dma source(%dma_start3A_211 : memref<256x128xf32, #tpu.memory_space<any>>) target(%arg10 : memref<256x128xf32, #tpu.memory_space<vmem>>) target_semaphore(%arg12 : memref<!tpu.dma_semaphore, #tpu.memory_space<semaphore_mem>>)
        } else {
        }
        %get3A_135 = arith.constant 0 : index
        %get3A_136 = arith.constant 0 : index
        %get3A_137 = vector.load %arg11[%get3A_135, %get3A_136] : memref<256x128xf32, #tpu.memory_space<vmem>>, vector<256x128xf32>
        %get3A_138 = arith.constant 0 : index
        %get3A_139 = arith.constant 0 : index
        %get3A_140 = vector.load %arg8[%get3A_138, %get3A_139] : memref<256x128xf32, #tpu.memory_space<vmem>>, vector<256x128xf32>
        %get3A_141 = arith.constant 0 : index
        %get3A_142 = arith.constant 0 : index
        %get3A_143 = vector.load %arg9[%get3A_141, %get3A_142] : memref<256x128xf32, #tpu.memory_space<vmem>>, vector<256x128xf32>
        %get3A_144 = arith.constant 0 : index
        %get3A_145 = arith.constant 0 : index
        %get3A_146 = vector.load %arg5[%get3A_144, %get3A_145] : memref<128x512xf32, #tpu.memory_space<vmem>>, vector<128x512xf32>
        %dot_general3A_147 = arith.constant dense<0.000000e+00> : vector<256x512xf32>
        %dot_general3A_148 = tpu.matmul %get3A_137, %get3A_146, %dot_general3A_147 {dimension_numbers = #tpu.dot_dimension_numbers<[1], [0], [0], [1], [0, 0, 1, 1], [], []>, transpose_lhs_hint = false} : vector<256x128xf32>, vector<128x512xf32>, vector<256x512xf32> -> vector<256x512xf32>
        %get3A_149 = arith.constant 0 : index
        %get3A_150 = arith.constant 0 : index
        %get3A_151 = vector.load %arg6[%get3A_149, %get3A_150] : memref<128x512xf32, #tpu.memory_space<vmem>>, vector<128x512xf32>
        %dot_general3A_152 = arith.constant dense<0.000000e+00> : vector<256x512xf32>
        %dot_general3A_153 = tpu.matmul %get3A_140, %get3A_151, %dot_general3A_152 {dimension_numbers = #tpu.dot_dimension_numbers<[1], [0], [0], [1], [0, 0, 1, 1], [], []>, transpose_lhs_hint = false} : vector<256x128xf32>, vector<128x512xf32>, vector<256x512xf32> -> vector<256x512xf32>
        %add3A_154 = arith.addf %dot_general3A_148, %dot_general3A_153 : vector<256x512xf32>
        %get3A_155 = arith.constant 0 : index
        %get3A_156 = arith.constant 0 : index
        %get3A_157 = vector.load %arg7[%get3A_155, %get3A_156] : memref<1x512xf32, #tpu.memory_space<vmem>>, vector<1x512xf32>
        %add3A_158 = vector.broadcast %get3A_157 : vector<1x512xf32> to vector<256x512xf32>
        %add3A_159 = arith.addf %add3A_154, %add3A_158 : vector<256x512xf32>
        %slice3A_160 = vector.extract_strided_slice %add3A_159 {offsets = [0, 0], sizes = [256, 128], strides = [1, 1]} : vector<256x512xf32> to vector<256x128xf32>
        %logistic3A_161 = arith.negf %slice3A_160 : vector<256x128xf32>
        %logistic3A_162 = math.exp %logistic3A_161 : vector<256x128xf32>
        %logistic3A_163 = arith.constant 1.000000e+00 : f32
        %logistic3A_164 = vector.broadcast %logistic3A_163 : f32 to vector<256x128xf32>
        %logistic3A_165 = arith.addf %logistic3A_164, %logistic3A_162 : vector<256x128xf32>
        %logistic3A_166 = arith.divf %logistic3A_164, %logistic3A_165 : vector<256x128xf32>
        %slice3A_167 = vector.extract_strided_slice %add3A_159 {offsets = [0, 128], sizes = [256, 128], strides = [1, 1]} : vector<256x512xf32> to vector<256x128xf32>
        %logistic3A_168 = arith.negf %slice3A_167 : vector<256x128xf32>
        %logistic3A_169 = math.exp %logistic3A_168 : vector<256x128xf32>
        %logistic3A_170 = arith.constant 1.000000e+00 : f32
        %logistic3A_171 = vector.broadcast %logistic3A_170 : f32 to vector<256x128xf32>
        %logistic3A_172 = arith.addf %logistic3A_171, %logistic3A_169 : vector<256x128xf32>
        %logistic3A_173 = arith.divf %logistic3A_171, %logistic3A_172 : vector<256x128xf32>
        %slice3A_174 = vector.extract_strided_slice %add3A_159 {offsets = [0, 256], sizes = [256, 128], strides = [1, 1]} : vector<256x512xf32> to vector<256x128xf32>
        %tanh3A_175 = math.tanh %slice3A_174 : vector<256x128xf32>
        %slice3A_176 = vector.extract_strided_slice %add3A_159 {offsets = [0, 384], sizes = [256, 128], strides = [1, 1]} : vector<256x512xf32> to vector<256x128xf32>
        %logistic3A_177 = arith.negf %slice3A_176 : vector<256x128xf32>
        %logistic3A_178 = math.exp %logistic3A_177 : vector<256x128xf32>
        %logistic3A_179 = arith.constant 1.000000e+00 : f32
        %logistic3A_180 = vector.broadcast %logistic3A_179 : f32 to vector<256x128xf32>
        %logistic3A_181 = arith.addf %logistic3A_180, %logistic3A_178 : vector<256x128xf32>
        %logistic3A_182 = arith.divf %logistic3A_180, %logistic3A_181 : vector<256x128xf32>
        %mul3A_183 = arith.mulf %logistic3A_173, %get3A_143 : vector<256x128xf32>
        %mul3A_184 = arith.mulf %logistic3A_166, %tanh3A_175 : vector<256x128xf32>
        %add3A_185 = arith.addf %mul3A_183, %mul3A_184 : vector<256x128xf32>
        %tanh3A_186 = math.tanh %add3A_185 : vector<256x128xf32>
        %mul3A_187 = arith.mulf %logistic3A_182, %tanh3A_186 : vector<256x128xf32>
        %iota3A_188 = tpu.iota {dimensions = array<i32: 0>} : vector<256x128xi32>
        %get3A_189 = arith.index_cast %add3A_121 : i32 to index
        %get3A_190 = memref.load %arg3[%get3A_189] : memref<64xi32, #tpu.memory_space<smem>>
        %mul3A_191 = arith.constant 256 : i32
        %mul3A_192 = arith.muli %arg0, %mul3A_191 : i32
        %sub3A_193 = arith.subi %get3A_190, %mul3A_192 : i32
        %lt3A_194 = vector.broadcast %sub3A_193 : i32 to vector<256x128xi32>
        %lt3A_195 = arith.cmpi slt, %iota3A_188, %lt3A_194 : vector<256x128xi32>
        %select_n3A_196 = arith.select %lt3A_195, %mul3A_187, %get3A_140 : vector<256x128xi1>, vector<256x128xf32>
        %swap3A_197 = arith.constant 0 : index
        %swap3A_198 = arith.constant 0 : index
        %swap3A_199 = vector.load %arg8[%swap3A_197, %swap3A_198] : memref<256x128xf32, #tpu.memory_space<vmem>>, vector<256x128xf32>
        tpu.vector_store %arg8[%swap3A_197, %swap3A_198], %select_n3A_196 {strides = array<i32>} : memref<256x128xf32, #tpu.memory_space<vmem>>, vector<256x128xf32>,
        %select_n3A_200 = arith.select %lt3A_195, %add3A_185, %get3A_143 : vector<256x128xi1>, vector<256x128xf32>
        %swap3A_201 = arith.constant 0 : index
        %swap3A_202 = arith.constant 0 : index
        %swap3A_203 = vector.load %arg9[%swap3A_201, %swap3A_202] : memref<256x128xf32, #tpu.memory_space<vmem>>, vector<256x128xf32>
        tpu.vector_store %arg9[%swap3A_201, %swap3A_202], %select_n3A_200 {strides = array<i32>} : memref<256x128xf32, #tpu.memory_space<vmem>>, vector<256x128xf32>,
      } else {
      }
    }
    return
  }
  func.func @transform_1(%arg0: i32, %arg1: memref<40xi32, #tpu.memory_space<smem>>, %arg2: memref<64xi32, #tpu.memory_space<smem>>, %arg3: memref<64xi32, #tpu.memory_space<smem>>) -> (i32, i32) {
    %c0_i32 = arith.constant 0 : i32
    %c0_i32_0 = arith.constant 0 : i32
    %c0_i32_1 = arith.constant 0 : i32
    return %c0_i32, %c0_i32_0 : i32, i32
  }
  func.func @transform_2(%arg0: i32, %arg1: memref<40xi32, #tpu.memory_space<smem>>, %arg2: memref<64xi32, #tpu.memory_space<smem>>, %arg3: memref<64xi32, #tpu.memory_space<smem>>) -> (i32, i32) {
    %c0_i32 = arith.constant 0 : i32
    %c0_i32_0 = arith.constant 0 : i32
    %c0_i32_1 = arith.constant 0 : i32
    return %c0_i32, %c0_i32_0 : i32, i32
  }
  func.func @transform_3(%arg0: i32, %arg1: memref<40xi32, #tpu.memory_space<smem>>, %arg2: memref<64xi32, #tpu.memory_space<smem>>, %arg3: memref<64xi32, #tpu.memory_space<smem>>) -> (i32, i32) {
    %c0_i32 = arith.constant 0 : i32
    %c0_i32_0 = arith.constant 0 : i32
    %c0_i32_1 = arith.constant 0 : i32
    return %c0_i32, %c0_i32_0 : i32, i32
  }
  func.func @transform_4(%arg0: i32, %arg1: memref<40xi32, #tpu.memory_space<smem>>, %arg2: memref<64xi32, #tpu.memory_space<smem>>, %arg3: memref<64xi32, #tpu.memory_space<smem>>) -> (i32, i32) {
    %c0_i32 = arith.constant 0 : i32
    %c0_i32_0 = arith.constant 0 : i32
    return %arg0, %c0_i32 : i32, i32
  }
}

module attributes {stable_mosaic.version = 14 : i64} {
  func.func @body(%arg0: i32, %arg1: memref<1024x128xf32, #tpu.memory_space<vmem>>, %arg2: memref<1024x128xf32, #tpu.memory_space<vmem>>, %arg3: memref<128x64xf32, #tpu.memory_space<vmem>>, %arg4: memref<1x64xf32, #tpu.memory_space<vmem>>, %arg5: memref<128x64xf32, #tpu.memory_space<vmem>>, %arg6: memref<64x64xf32, #tpu.memory_space<vmem>>, %arg7: memref<1x64xf32, #tpu.memory_space<vmem>>, %arg8: memref<1024x64xf32, #tpu.memory_space<vmem>>, %arg9: memref<1024x128xf32, #tpu.memory_space<vmem>>) attributes {dimension_semantics = [#tpu.dimension_semantics<arbitrary>], iteration_bounds = array<i64: 10>, scalar_prefetch = 0 : i64, scratch_operands = 0 : i64, tpu.core_type = #tpu.core_type<tc>, window_params = [{transform_indices = @transform_0, window_bounds = array<i64: 1024, 128>}, {transform_indices = @transform_1, window_bounds = array<i64: 1024, 128>}, {pipeline_mode = #tpu.pipeline_mode<synchronous>, transform_indices = @transform_2, window_bounds = array<i64: 128, 64>}, {pipeline_mode = #tpu.pipeline_mode<synchronous>, transform_indices = @transform_3, window_bounds = array<i64: 1, 64>}, {pipeline_mode = #tpu.pipeline_mode<synchronous>, transform_indices = @transform_4, window_bounds = array<i64: 128, 64>}, {pipeline_mode = #tpu.pipeline_mode<synchronous>, transform_indices = @transform_5, window_bounds = array<i64: 64, 64>}, {pipeline_mode = #tpu.pipeline_mode<synchronous>, transform_indices = @transform_6, window_bounds = array<i64: 1, 64>}, {transform_indices = @transform_7, window_bounds = array<i64: 1024, 64>}, {transform_indices = @transform_8, window_bounds = array<i64: 1024, 128>}]} {
    %get3A = arith.constant 0 : index
    %get3A_0 = arith.constant 0 : index
    %get3A_1 = vector.load %arg1[%get3A, %get3A_0] : memref<1024x128xf32, #tpu.memory_space<vmem>>, vector<1024x128xf32>
    %get3A_2 = arith.constant 0 : index
    %get3A_3 = arith.constant 0 : index
    %get3A_4 = vector.load %arg2[%get3A_2, %get3A_3] : memref<1024x128xf32, #tpu.memory_space<vmem>>, vector<1024x128xf32>
    %get3A_5 = arith.constant 0 : index
    %get3A_6 = arith.constant 0 : index
    %get3A_7 = vector.load %arg3[%get3A_5, %get3A_6] : memref<128x64xf32, #tpu.memory_space<vmem>>, vector<128x64xf32>
    %get3A_8 = arith.constant 0 : index
    %get3A_9 = arith.constant 0 : index
    %get3A_10 = vector.load %arg4[%get3A_8, %get3A_9] : memref<1x64xf32, #tpu.memory_space<vmem>>, vector<1x64xf32>
    %get3A_11 = arith.constant 0 : index
    %get3A_12 = arith.constant 0 : index
    %get3A_13 = vector.load %arg5[%get3A_11, %get3A_12] : memref<128x64xf32, #tpu.memory_space<vmem>>, vector<128x64xf32>
    %get3A_14 = arith.constant 0 : index
    %get3A_15 = arith.constant 0 : index
    %get3A_16 = vector.load %arg6[%get3A_14, %get3A_15] : memref<64x64xf32, #tpu.memory_space<vmem>>, vector<64x64xf32>
    %get3A_17 = arith.constant 0 : index
    %get3A_18 = arith.constant 0 : index
    %get3A_19 = vector.load %arg7[%get3A_17, %get3A_18] : memref<1x64xf32, #tpu.memory_space<vmem>>, vector<1x64xf32>
    %dot_general3A = arith.constant dense<0.000000e+00> : vector<1024x64xf32>
    %dot_general3A_20 = tpu.matmul %get3A_1, %get3A_7, %dot_general3A {dimension_numbers = #tpu.dot_dimension_numbers<[1], [0], [0], [1], [0, 0, 1, 1], [], []>, transpose_lhs_hint = false} : vector<1024x128xf32>, vector<128x64xf32>, vector<1024x64xf32> -> vector<1024x64xf32>
    %add3A = vector.broadcast %get3A_10 : vector<1x64xf32> to vector<1024x64xf32>
    %add3A_21 = arith.addf %dot_general3A_20, %add3A : vector<1024x64xf32>
    %dot_general3A_22 = arith.constant dense<0.000000e+00> : vector<1024x64xf32>
    %dot_general3A_23 = tpu.matmul %get3A_4, %get3A_13, %dot_general3A_22 {dimension_numbers = #tpu.dot_dimension_numbers<[1], [0], [0], [1], [0, 0, 1, 1], [], []>, transpose_lhs_hint = false} : vector<1024x128xf32>, vector<128x64xf32>, vector<1024x64xf32> -> vector<1024x64xf32>
    %add3A_24 = arith.addf %add3A_21, %dot_general3A_23 : vector<1024x64xf32>
    %max3A = arith.constant 0.000000e+00 : f32
    %max3A_25 = vector.broadcast %max3A : f32 to vector<1024x64xf32>
    %max3A_26 = arith.maximumf %add3A_24, %max3A_25 : vector<1024x64xf32>
    %dot_general3A_27 = arith.constant dense<0.000000e+00> : vector<1024x64xf32>
    %dot_general3A_28 = tpu.matmul %max3A_26, %get3A_16, %dot_general3A_27 {dimension_numbers = #tpu.dot_dimension_numbers<[1], [0], [0], [1], [0, 0, 1, 1], [], []>, transpose_lhs_hint = false} : vector<1024x64xf32>, vector<64x64xf32>, vector<1024x64xf32> -> vector<1024x64xf32>
    %add3A_29 = vector.broadcast %get3A_19 : vector<1x64xf32> to vector<1024x64xf32>
    %add3A_30 = arith.addf %dot_general3A_28, %add3A_29 : vector<1024x64xf32>
    %max3A_31 = arith.constant 0.000000e+00 : f32
    %max3A_32 = vector.broadcast %max3A_31 : f32 to vector<1024x64xf32>
    %max3A_33 = arith.maximumf %add3A_30, %max3A_32 : vector<1024x64xf32>
    %broadcast_in_dim3A = arith.constant 0.000000e+00 : f32
    %broadcast_in_dim3A_34 = vector.broadcast %broadcast_in_dim3A : f32 to vector<1024x64xf32>
    %concatenate3A = tpu.concatenate %max3A_33, %broadcast_in_dim3A_34 in 1 : vector<1024x64xf32>, vector<1024x64xf32> -> vector<1024x128xf32>
    %swap3A = arith.constant 0 : index
    %swap3A_35 = arith.constant 0 : index
    %swap3A_36 = vector.load %arg8[%swap3A, %swap3A_35] : memref<1024x64xf32, #tpu.memory_space<vmem>>, vector<1024x64xf32>
    tpu.vector_store %arg8[%swap3A, %swap3A_35], %max3A_26 {strides = array<i32>} : memref<1024x64xf32, #tpu.memory_space<vmem>>, vector<1024x64xf32>,
    %swap3A_37 = arith.constant 0 : index
    %swap3A_38 = arith.constant 0 : index
    %swap3A_39 = vector.load %arg9[%swap3A_37, %swap3A_38] : memref<1024x128xf32, #tpu.memory_space<vmem>>, vector<1024x128xf32>
    tpu.vector_store %arg9[%swap3A_37, %swap3A_38], %concatenate3A {strides = array<i32>} : memref<1024x128xf32, #tpu.memory_space<vmem>>, vector<1024x128xf32>,
    return
  }
  func.func @transform_0(%arg0: i32) -> (i32, i32) {
    %c0_i32 = arith.constant 0 : i32
    %c0_i32_0 = arith.constant 0 : i32
    return %arg0, %c0_i32 : i32, i32
  }
  func.func @transform_1(%arg0: i32) -> (i32, i32) {
    %c0_i32 = arith.constant 0 : i32
    %c0_i32_0 = arith.constant 0 : i32
    return %arg0, %c0_i32 : i32, i32
  }
  func.func @transform_2(%arg0: i32) -> (i32, i32) {
    %c0_i32 = arith.constant 0 : i32
    %c0_i32_0 = arith.constant 0 : i32
    %c0_i32_1 = arith.constant 0 : i32
    return %c0_i32, %c0_i32_0 : i32, i32
  }
  func.func @transform_3(%arg0: i32) -> (i32, i32) {
    %c0_i32 = arith.constant 0 : i32
    %c0_i32_0 = arith.constant 0 : i32
    %c0_i32_1 = arith.constant 0 : i32
    return %c0_i32, %c0_i32_0 : i32, i32
  }
  func.func @transform_4(%arg0: i32) -> (i32, i32) {
    %c0_i32 = arith.constant 0 : i32
    %c0_i32_0 = arith.constant 0 : i32
    %c0_i32_1 = arith.constant 0 : i32
    return %c0_i32, %c0_i32_0 : i32, i32
  }
  func.func @transform_5(%arg0: i32) -> (i32, i32) {
    %c0_i32 = arith.constant 0 : i32
    %c0_i32_0 = arith.constant 0 : i32
    %c0_i32_1 = arith.constant 0 : i32
    return %c0_i32, %c0_i32_0 : i32, i32
  }
  func.func @transform_6(%arg0: i32) -> (i32, i32) {
    %c0_i32 = arith.constant 0 : i32
    %c0_i32_0 = arith.constant 0 : i32
    %c0_i32_1 = arith.constant 0 : i32
    return %c0_i32, %c0_i32_0 : i32, i32
  }
  func.func @transform_7(%arg0: i32) -> (i32, i32) {
    %c0_i32 = arith.constant 0 : i32
    %c0_i32_0 = arith.constant 0 : i32
    return %arg0, %c0_i32 : i32, i32
  }
  func.func @transform_8(%arg0: i32) -> (i32, i32) {
    %c0_i32 = arith.constant 0 : i32
    %c0_i32_0 = arith.constant 0 : i32
    return %arg0, %c0_i32 : i32, i32
  }
}

module attributes {stable_mosaic.version = 14 : i64} {
  func.func @body(%arg0: i32, %arg1: memref<40xi32, #tpu.memory_space<smem>>, %arg2: memref<64xi32, #tpu.memory_space<smem>>, %arg3: memref<64xi32, #tpu.memory_space<smem>>, %arg4: memref<180224x128xf32, #tpu.memory_space<any>>, %arg5: memref<64x256xf32, #tpu.memory_space<vmem>>, %arg6: memref<64x256xf32, #tpu.memory_space<vmem>>, %arg7: memref<1x256xf32, #tpu.memory_space<vmem>>, %arg8: memref<256x128xf32, #tpu.memory_space<vmem>>, %arg9: memref<256x64xf32, #tpu.memory_space<vmem>>, %arg10: memref<256x128xf32, #tpu.memory_space<vmem>>, %arg11: memref<256x128xf32, #tpu.memory_space<vmem>>, %arg12: memref<!tpu.dma_semaphore, #tpu.memory_space<semaphore_mem>>, %arg13: memref<!tpu.dma_semaphore, #tpu.memory_space<semaphore_mem>>) attributes {dimension_semantics = [#tpu.dimension_semantics<arbitrary>], iteration_bounds = array<i64: 40>, scalar_prefetch = 3 : i64, scratch_operands = 5 : i64, tpu.core_type = #tpu.core_type<tc>, window_params = [{}, {pipeline_mode = #tpu.pipeline_mode<synchronous>, transform_indices = @transform_1, window_bounds = array<i64: 64, 256>}, {pipeline_mode = #tpu.pipeline_mode<synchronous>, transform_indices = @transform_2, window_bounds = array<i64: 64, 256>}, {pipeline_mode = #tpu.pipeline_mode<synchronous>, transform_indices = @transform_3, window_bounds = array<i64: 1, 256>}, {transform_indices = @transform_4, window_bounds = array<i64: 256, 128>}]} {
    %get3A = arith.index_cast %arg0 : i32 to index
    %get3A_0 = memref.load %arg1[%get3A] : memref<40xi32, #tpu.memory_space<smem>>
    %broadcast_in_dim3A = arith.constant 0.000000e+00 : f32
    %broadcast_in_dim3A_1 = vector.broadcast %broadcast_in_dim3A : f32 to vector<256x128xf32>
    %swap3A = arith.constant 0 : index
    %swap3A_2 = arith.constant 0 : index
    %swap3A_3 = vector.load %arg8[%swap3A, %swap3A_2] : memref<256x128xf32, #tpu.memory_space<vmem>>, vector<256x128xf32>
    tpu.vector_store %arg8[%swap3A, %swap3A_2], %broadcast_in_dim3A_1 {strides = array<i32>} : memref<256x128xf32, #tpu.memory_space<vmem>>, vector<256x128xf32>,
    %broadcast_in_dim3A_4 = arith.constant 0.000000e+00 : f32
    %broadcast_in_dim3A_5 = vector.broadcast %broadcast_in_dim3A_4 : f32 to vector<256x64xf32>
    %swap3A_6 = arith.constant 0 : index
    %swap3A_7 = arith.constant 0 : index
    %swap3A_8 = vector.load %arg9[%swap3A_6, %swap3A_7] : memref<256x64xf32, #tpu.memory_space<vmem>>, vector<256x64xf32>
    tpu.vector_store %arg9[%swap3A_6, %swap3A_7], %broadcast_in_dim3A_5 {strides = array<i32>} : memref<256x64xf32, #tpu.memory_space<vmem>>, vector<256x64xf32>,
    %gt3A = arith.constant 0 : i32
    %gt3A_9 = arith.cmpi sgt, %get3A_0, %gt3A : i32
    %convert_element_type3A = arith.extui %gt3A_9 : i1 to i32
    %cond3A = arith.constant 0 : i32
    %cond3A_10 = arith.cmpi ne, %convert_element_type3A, %cond3A : i32
    scf.if %cond3A_10 {
      %get3A_37 = arith.constant 0 : index
      %get3A_38 = memref.load %arg2[%get3A_37] : memref<64xi32, #tpu.memory_space<smem>>
      %add3A_39 = arith.addi %get3A_38, %arg0 : i32
      %mul3A = arith.constant 256 : i32
      %mul3A_40 = arith.muli %add3A_39, %mul3A : i32
      %dma_start3A = arith.constant 0 : i32
      %dma_start3A_41 = tpu.memref_slice %arg4[%mul3A_40, %dma_start3A] : memref<180224x128xf32, #tpu.memory_space<any>> -> memref<256x128xf32, #tpu.memory_space<any>>
      tpu.enqueue_dma source(%dma_start3A_41 : memref<256x128xf32, #tpu.memory_space<any>>) target(%arg10 : memref<256x128xf32, #tpu.memory_space<vmem>>) target_semaphore(%arg12 : memref<!tpu.dma_semaphore, #tpu.memory_space<semaphore_mem>>)
    } else {
    }
    %add3A = arith.constant 1 : i32
    %add3A_11 = arith.addi %get3A_0, %add3A : i32
    %jit3A = arith.constant 2 : i32
    %div3A = arith.divsi %add3A_11, %jit3A : i32
    %sign3A = arith.constant 0 : i32
    %sign3A_12 = arith.cmpi sgt, %add3A_11, %sign3A : i32
    %sign3A_13 = arith.extui %sign3A_12 : i1 to i32
    %sign3A_14 = arith.constant 0 : i32
    %sign3A_15 = arith.cmpi slt, %add3A_11, %sign3A_14 : i32
    %sign3A_16 = arith.extui %sign3A_15 : i1 to i32
    %sign3A_17 = arith.subi %sign3A_13, %sign3A_16 : i32
    %sign3A_18 = arith.constant 0 : i32
    %sign3A_19 = arith.cmpi sgt, %jit3A, %sign3A_18 : i32
    %sign3A_20 = arith.extui %sign3A_19 : i1 to i32
    %sign3A_21 = arith.constant 0 : i32
    %sign3A_22 = arith.cmpi slt, %jit3A, %sign3A_21 : i32
    %sign3A_23 = arith.extui %sign3A_22 : i1 to i32
    %sign3A_24 = arith.subi %sign3A_20, %sign3A_23 : i32
    %ne3A = arith.cmpi ne, %sign3A_17, %sign3A_24 : i32
    %rem3A = arith.remsi %add3A_11, %jit3A : i32
    %ne3A_25 = arith.constant 0 : i32
    %ne3A_26 = arith.cmpi ne, %rem3A, %ne3A_25 : i32
    %and3A = arith.andi %ne3A, %ne3A_26 : i1
    %sub3A = arith.constant 1 : i32
    %sub3A_27 = arith.subi %div3A, %sub3A : i32
    %select_n3A = arith.select %and3A, %sub3A_27, %div3A : i32
    %while3A = arith.constant 0 : i32
    %while3A_28 = arith.constant 0 : i32
    %while3A_29 = arith.subi %select_n3A, %while3A_28 : i32
    %while3A_30 = arith.addi %while3A_28, %while3A_29 : i32
    %while3A_31 = arith.constant 1 : i32
    %while3A_32 = arith.divsi %while3A_29, %while3A_31 : i32
    %while3A_33 = arith.muli %while3A_32, %while3A_31 : i32
    %while3A_34 = arith.addi %while3A_28, %while3A_33 : i32
    %while3A_35 = arith.constant 1 : i32
    scf.for %while3A_37 = %while3A_28 to %while3A_34 step %while3A_35  : i32 {
      %mul3A = arith.constant 2 : i32
      %mul3A_38 = arith.muli %mul3A, %while3A_37 : i32
      %get3A_39 = arith.index_cast %mul3A_38 : i32 to index
      %get3A_40 = memref.load %arg2[%get3A_39] : memref<64xi32, #tpu.memory_space<smem>>
      %add3A_41 = arith.addi %get3A_40, %arg0 : i32
      %mul3A_42 = arith.constant 256 : i32
      %mul3A_43 = arith.muli %add3A_41, %mul3A_42 : i32
      %dma_wait3A = arith.constant 0 : i32
      %dma_wait3A_44 = tpu.memref_slice %arg4[%mul3A_43, %dma_wait3A] : memref<180224x128xf32, #tpu.memory_space<any>> -> memref<256x128xf32, #tpu.memory_space<any>>
      tpu.wait_dma2 semaphore(%arg12 : memref<!tpu.dma_semaphore, #tpu.memory_space<semaphore_mem>>) src(%dma_wait3A_44 : memref<256x128xf32, #tpu.memory_space<any>>) dst(%arg10 : memref<256x128xf32, #tpu.memory_space<vmem>>)
      %add3A_45 = arith.constant 1 : i32
      %add3A_46 = arith.addi %mul3A_38, %add3A_45 : i32
      %lt3A = arith.cmpi slt, %add3A_46, %get3A_0 : i32
      %convert_element_type3A_47 = arith.extui %lt3A : i1 to i32
      %cond3A_48 = arith.constant 0 : i32
      %cond3A_49 = arith.cmpi ne, %convert_element_type3A_47, %cond3A_48 : i32
      scf.if %cond3A_49 {
        %add3A_122 = arith.constant 1 : i32
        %add3A_123 = arith.addi %mul3A_38, %add3A_122 : i32
        %get3A_124 = arith.index_cast %add3A_123 : i32 to index
        %get3A_125 = memref.load %arg2[%get3A_124] : memref<64xi32, #tpu.memory_space<smem>>
        %add3A_126 = arith.addi %get3A_125, %arg0 : i32
        %mul3A_127 = arith.constant 256 : i32
        %mul3A_128 = arith.muli %add3A_126, %mul3A_127 : i32
        %dma_start3A = arith.constant 0 : i32
        %dma_start3A_129 = tpu.memref_slice %arg4[%mul3A_128, %dma_start3A] : memref<180224x128xf32, #tpu.memory_space<any>> -> memref<256x128xf32, #tpu.memory_space<any>>
        tpu.enqueue_dma source(%dma_start3A_129 : memref<256x128xf32, #tpu.memory_space<any>>) target(%arg11 : memref<256x128xf32, #tpu.memory_space<vmem>>) target_semaphore(%arg13 : memref<!tpu.dma_semaphore, #tpu.memory_space<semaphore_mem>>)
      } else {
      }
      %get3A_50 = arith.constant 0 : index
      %get3A_51 = arith.constant 0 : index
      %get3A_52 = vector.load %arg10[%get3A_50, %get3A_51] : memref<256x128xf32, #tpu.memory_space<vmem>>, vector<256x64xf32>
      %get3A_53 = arith.constant 0 : index
      %get3A_54 = arith.constant 0 : index
      %get3A_55 = vector.load %arg8[%get3A_53, %get3A_54] : memref<256x128xf32, #tpu.memory_space<vmem>>, vector<256x64xf32>
      %get3A_56 = arith.constant 0 : index
      %get3A_57 = arith.constant 0 : index
      %get3A_58 = vector.load %arg9[%get3A_56, %get3A_57] : memref<256x64xf32, #tpu.memory_space<vmem>>, vector<256x64xf32>
      %get3A_59 = arith.constant 0 : index
      %get3A_60 = arith.constant 0 : index
      %get3A_61 = vector.load %arg5[%get3A_59, %get3A_60] : memref<64x256xf32, #tpu.memory_space<vmem>>, vector<64x256xf32>
      %dot_general3A = arith.constant dense<0.000000e+00> : vector<256x256xf32>
      %dot_general3A_62 = tpu.matmul %get3A_52, %get3A_61, %dot_general3A {dimension_numbers = #tpu.dot_dimension_numbers<[1], [0], [0], [1], [0, 0, 1, 1], [], []>, transpose_lhs_hint = false} : vector<256x64xf32>, vector<64x256xf32>, vector<256x256xf32> -> vector<256x256xf32>
      %get3A_63 = arith.constant 0 : index
      %get3A_64 = arith.constant 0 : index
      %get3A_65 = vector.load %arg6[%get3A_63, %get3A_64] : memref<64x256xf32, #tpu.memory_space<vmem>>, vector<64x256xf32>
      %dot_general3A_66 = arith.constant dense<0.000000e+00> : vector<256x256xf32>
      %dot_general3A_67 = tpu.matmul %get3A_55, %get3A_65, %dot_general3A_66 {dimension_numbers = #tpu.dot_dimension_numbers<[1], [0], [0], [1], [0, 0, 1, 1], [], []>, transpose_lhs_hint = false} : vector<256x64xf32>, vector<64x256xf32>, vector<256x256xf32> -> vector<256x256xf32>
      %add3A_68 = arith.addf %dot_general3A_62, %dot_general3A_67 : vector<256x256xf32>
      %get3A_69 = arith.constant 0 : index
      %get3A_70 = arith.constant 0 : index
      %get3A_71 = vector.load %arg7[%get3A_69, %get3A_70] : memref<1x256xf32, #tpu.memory_space<vmem>>, vector<1x256xf32>
      %add3A_72 = vector.broadcast %get3A_71 : vector<1x256xf32> to vector<256x256xf32>
      %add3A_73 = arith.addf %add3A_68, %add3A_72 : vector<256x256xf32>
      %slice3A = vector.extract_strided_slice %add3A_73 {offsets = [0, 0], sizes = [256, 64], strides = [1, 1]} : vector<256x256xf32> to vector<256x64xf32>
      %logistic3A = arith.negf %slice3A : vector<256x64xf32>
      %logistic3A_74 = math.exp %logistic3A : vector<256x64xf32>
      %logistic3A_75 = arith.constant 1.000000e+00 : f32
      %logistic3A_76 = vector.broadcast %logistic3A_75 : f32 to vector<256x64xf32>
      %logistic3A_77 = arith.addf %logistic3A_76, %logistic3A_74 : vector<256x64xf32>
      %logistic3A_78 = arith.divf %logistic3A_76, %logistic3A_77 : vector<256x64xf32>
      %slice3A_79 = vector.extract_strided_slice %add3A_73 {offsets = [0, 64], sizes = [256, 64], strides = [1, 1]} : vector<256x256xf32> to vector<256x64xf32>
      %logistic3A_80 = arith.negf %slice3A_79 : vector<256x64xf32>
      %logistic3A_81 = math.exp %logistic3A_80 : vector<256x64xf32>
      %logistic3A_82 = arith.constant 1.000000e+00 : f32
      %logistic3A_83 = vector.broadcast %logistic3A_82 : f32 to vector<256x64xf32>
      %logistic3A_84 = arith.addf %logistic3A_83, %logistic3A_81 : vector<256x64xf32>
      %logistic3A_85 = arith.divf %logistic3A_83, %logistic3A_84 : vector<256x64xf32>
      %slice3A_86 = vector.extract_strided_slice %add3A_73 {offsets = [0, 128], sizes = [256, 64], strides = [1, 1]} : vector<256x256xf32> to vector<256x64xf32>
      %tanh3A = math.tanh %slice3A_86 : vector<256x64xf32>
      %slice3A_87 = vector.extract_strided_slice %add3A_73 {offsets = [0, 192], sizes = [256, 64], strides = [1, 1]} : vector<256x256xf32> to vector<256x64xf32>
      %logistic3A_88 = arith.negf %slice3A_87 : vector<256x64xf32>
      %logistic3A_89 = math.exp %logistic3A_88 : vector<256x64xf32>
      %logistic3A_90 = arith.constant 1.000000e+00 : f32
      %logistic3A_91 = vector.broadcast %logistic3A_90 : f32 to vector<256x64xf32>
      %logistic3A_92 = arith.addf %logistic3A_91, %logistic3A_89 : vector<256x64xf32>
      %logistic3A_93 = arith.divf %logistic3A_91, %logistic3A_92 : vector<256x64xf32>
      %mul3A_94 = arith.mulf %logistic3A_85, %get3A_58 : vector<256x64xf32>
      %mul3A_95 = arith.mulf %logistic3A_78, %tanh3A : vector<256x64xf32>
      %add3A_96 = arith.addf %mul3A_94, %mul3A_95 : vector<256x64xf32>
      %tanh3A_97 = math.tanh %add3A_96 : vector<256x64xf32>
      %mul3A_98 = arith.mulf %logistic3A_93, %tanh3A_97 : vector<256x64xf32>
      %iota3A = tpu.iota {dimensions = array<i32: 0>} : vector<256x64xi32>
      %get3A_99 = arith.index_cast %mul3A_38 : i32 to index
      %get3A_100 = memref.load %arg3[%get3A_99] : memref<64xi32, #tpu.memory_space<smem>>
      %mul3A_101 = arith.constant 256 : i32
      %mul3A_102 = arith.muli %arg0, %mul3A_101 : i32
      %sub3A_103 = arith.subi %get3A_100, %mul3A_102 : i32
      %lt3A_104 = vector.broadcast %sub3A_103 : i32 to vector<256x64xi32>
      %lt3A_105 = arith.cmpi slt, %iota3A, %lt3A_104 : vector<256x64xi32>
      %select_n3A_106 = arith.select %lt3A_105, %mul3A_98, %get3A_55 : vector<256x64xi1>, vector<256x64xf32>
      %broadcast_in_dim3A_107 = arith.constant 0.000000e+00 : f32
      %broadcast_in_dim3A_108 = vector.broadcast %broadcast_in_dim3A_107 : f32 to vector<256x64xf32>
      %concatenate3A = tpu.concatenate %select_n3A_106, %broadcast_in_dim3A_108 in 1 : vector<256x64xf32>, vector<256x64xf32> -> vector<256x128xf32>
      %swap3A_109 = arith.constant 0 : index
      %swap3A_110 = arith.constant 0 : index
      %swap3A_111 = vector.load %arg8[%swap3A_109, %swap3A_110] : memref<256x128xf32, #tpu.memory_space<vmem>>, vector<256x128xf32>
      tpu.vector_store %arg8[%swap3A_109, %swap3A_110], %concatenate3A {strides = array<i32>} : memref<256x128xf32, #tpu.memory_space<vmem>>, vector<256x128xf32>,
      %select_n3A_112 = arith.select %lt3A_105, %add3A_96, %get3A_58 : vector<256x64xi1>, vector<256x64xf32>
      %swap3A_113 = arith.constant 0 : index
      %swap3A_114 = arith.constant 0 : index
      %swap3A_115 = vector.load %arg9[%swap3A_113, %swap3A_114] : memref<256x64xf32, #tpu.memory_space<vmem>>, vector<256x64xf32>
      tpu.vector_store %arg9[%swap3A_113, %swap3A_114], %select_n3A_112 {strides = array<i32>} : memref<256x64xf32, #tpu.memory_space<vmem>>, vector<256x64xf32>,
      %add3A_116 = arith.constant 1 : i32
      %add3A_117 = arith.addi %mul3A_38, %add3A_116 : i32
      %lt3A_118 = arith.cmpi slt, %add3A_117, %get3A_0 : i32
      %convert_element_type3A_119 = arith.extui %lt3A_118 : i1 to i32
      %cond3A_120 = arith.constant 0 : i32
      %cond3A_121 = arith.cmpi ne, %convert_element_type3A_119, %cond3A_120 : i32
      scf.if %cond3A_121 {
        %add3A_122 = arith.constant 1 : i32
        %add3A_123 = arith.addi %mul3A_38, %add3A_122 : i32
        %get3A_124 = arith.index_cast %add3A_123 : i32 to index
        %get3A_125 = memref.load %arg2[%get3A_124] : memref<64xi32, #tpu.memory_space<smem>>
        %add3A_126 = arith.addi %get3A_125, %arg0 : i32
        %mul3A_127 = arith.constant 256 : i32
        %mul3A_128 = arith.muli %add3A_126, %mul3A_127 : i32
        %dma_wait3A_129 = arith.constant 0 : i32
        %dma_wait3A_130 = tpu.memref_slice %arg4[%mul3A_128, %dma_wait3A_129] : memref<180224x128xf32, #tpu.memory_space<any>> -> memref<256x128xf32, #tpu.memory_space<any>>
        tpu.wait_dma2 semaphore(%arg13 : memref<!tpu.dma_semaphore, #tpu.memory_space<semaphore_mem>>) src(%dma_wait3A_130 : memref<256x128xf32, #tpu.memory_space<any>>) dst(%arg11 : memref<256x128xf32, #tpu.memory_space<vmem>>)
        %add3A_131 = arith.constant 1 : i32
        %add3A_132 = arith.addi %add3A_123, %add3A_131 : i32
        %lt3A_133 = arith.cmpi slt, %add3A_132, %get3A_0 : i32
        %convert_element_type3A_134 = arith.extui %lt3A_133 : i1 to i32
        %cond3A_135 = arith.constant 0 : i32
        %cond3A_136 = arith.cmpi ne, %convert_element_type3A_134, %cond3A_135 : i32
        scf.if %cond3A_136 {
          %add3A_209 = arith.constant 1 : i32
          %add3A_210 = arith.addi %add3A_123, %add3A_209 : i32
          %get3A_211 = arith.index_cast %add3A_210 : i32 to index
          %get3A_212 = memref.load %arg2[%get3A_211] : memref<64xi32, #tpu.memory_space<smem>>
          %add3A_213 = arith.addi %get3A_212, %arg0 : i32
          %mul3A_214 = arith.constant 256 : i32
          %mul3A_215 = arith.muli %add3A_213, %mul3A_214 : i32
          %dma_start3A = arith.constant 0 : i32
          %dma_start3A_216 = tpu.memref_slice %arg4[%mul3A_215, %dma_start3A] : memref<180224x128xf32, #tpu.memory_space<any>> -> memref<256x128xf32, #tpu.memory_space<any>>
          tpu.enqueue_dma source(%dma_start3A_216 : memref<256x128xf32, #tpu.memory_space<any>>) target(%arg10 : memref<256x128xf32, #tpu.memory_space<vmem>>) target_semaphore(%arg12 : memref<!tpu.dma_semaphore, #tpu.memory_space<semaphore_mem>>)
        } else {
        }
        %get3A_137 = arith.constant 0 : index
        %get3A_138 = arith.constant 0 : index
        %get3A_139 = vector.load %arg11[%get3A_137, %get3A_138] : memref<256x128xf32, #tpu.memory_space<vmem>>, vector<256x64xf32>
        %get3A_140 = arith.constant 0 : index
        %get3A_141 = arith.constant 0 : index
        %get3A_142 = vector.load %arg8[%get3A_140, %get3A_141] : memref<256x128xf32, #tpu.memory_space<vmem>>, vector<256x64xf32>
        %get3A_143 = arith.constant 0 : index
        %get3A_144 = arith.constant 0 : index
        %get3A_145 = vector.load %arg9[%get3A_143, %get3A_144] : memref<256x64xf32, #tpu.memory_space<vmem>>, vector<256x64xf32>
        %get3A_146 = arith.constant 0 : index
        %get3A_147 = arith.constant 0 : index
        %get3A_148 = vector.load %arg5[%get3A_146, %get3A_147] : memref<64x256xf32, #tpu.memory_space<vmem>>, vector<64x256xf32>
        %dot_general3A_149 = arith.constant dense<0.000000e+00> : vector<256x256xf32>
        %dot_general3A_150 = tpu.matmul %get3A_139, %get3A_148, %dot_general3A_149 {dimension_numbers = #tpu.dot_dimension_numbers<[1], [0], [0], [1], [0, 0, 1, 1], [], []>, transpose_lhs_hint = false} : vector<256x64xf32>, vector<64x256xf32>, vector<256x256xf32> -> vector<256x256xf32>
        %get3A_151 = arith.constant 0 : index
        %get3A_152 = arith.constant 0 : index
        %get3A_153 = vector.load %arg6[%get3A_151, %get3A_152] : memref<64x256xf32, #tpu.memory_space<vmem>>, vector<64x256xf32>
        %dot_general3A_154 = arith.constant dense<0.000000e+00> : vector<256x256xf32>
        %dot_general3A_155 = tpu.matmul %get3A_142, %get3A_153, %dot_general3A_154 {dimension_numbers = #tpu.dot_dimension_numbers<[1], [0], [0], [1], [0, 0, 1, 1], [], []>, transpose_lhs_hint = false} : vector<256x64xf32>, vector<64x256xf32>, vector<256x256xf32> -> vector<256x256xf32>
        %add3A_156 = arith.addf %dot_general3A_150, %dot_general3A_155 : vector<256x256xf32>
        %get3A_157 = arith.constant 0 : index
        %get3A_158 = arith.constant 0 : index
        %get3A_159 = vector.load %arg7[%get3A_157, %get3A_158] : memref<1x256xf32, #tpu.memory_space<vmem>>, vector<1x256xf32>
        %add3A_160 = vector.broadcast %get3A_159 : vector<1x256xf32> to vector<256x256xf32>
        %add3A_161 = arith.addf %add3A_156, %add3A_160 : vector<256x256xf32>
        %slice3A_162 = vector.extract_strided_slice %add3A_161 {offsets = [0, 0], sizes = [256, 64], strides = [1, 1]} : vector<256x256xf32> to vector<256x64xf32>
        %logistic3A_163 = arith.negf %slice3A_162 : vector<256x64xf32>
        %logistic3A_164 = math.exp %logistic3A_163 : vector<256x64xf32>
        %logistic3A_165 = arith.constant 1.000000e+00 : f32
        %logistic3A_166 = vector.broadcast %logistic3A_165 : f32 to vector<256x64xf32>
        %logistic3A_167 = arith.addf %logistic3A_166, %logistic3A_164 : vector<256x64xf32>
        %logistic3A_168 = arith.divf %logistic3A_166, %logistic3A_167 : vector<256x64xf32>
        %slice3A_169 = vector.extract_strided_slice %add3A_161 {offsets = [0, 64], sizes = [256, 64], strides = [1, 1]} : vector<256x256xf32> to vector<256x64xf32>
        %logistic3A_170 = arith.negf %slice3A_169 : vector<256x64xf32>
        %logistic3A_171 = math.exp %logistic3A_170 : vector<256x64xf32>
        %logistic3A_172 = arith.constant 1.000000e+00 : f32
        %logistic3A_173 = vector.broadcast %logistic3A_172 : f32 to vector<256x64xf32>
        %logistic3A_174 = arith.addf %logistic3A_173, %logistic3A_171 : vector<256x64xf32>
        %logistic3A_175 = arith.divf %logistic3A_173, %logistic3A_174 : vector<256x64xf32>
        %slice3A_176 = vector.extract_strided_slice %add3A_161 {offsets = [0, 128], sizes = [256, 64], strides = [1, 1]} : vector<256x256xf32> to vector<256x64xf32>
        %tanh3A_177 = math.tanh %slice3A_176 : vector<256x64xf32>
        %slice3A_178 = vector.extract_strided_slice %add3A_161 {offsets = [0, 192], sizes = [256, 64], strides = [1, 1]} : vector<256x256xf32> to vector<256x64xf32>
        %logistic3A_179 = arith.negf %slice3A_178 : vector<256x64xf32>
        %logistic3A_180 = math.exp %logistic3A_179 : vector<256x64xf32>
        %logistic3A_181 = arith.constant 1.000000e+00 : f32
        %logistic3A_182 = vector.broadcast %logistic3A_181 : f32 to vector<256x64xf32>
        %logistic3A_183 = arith.addf %logistic3A_182, %logistic3A_180 : vector<256x64xf32>
        %logistic3A_184 = arith.divf %logistic3A_182, %logistic3A_183 : vector<256x64xf32>
        %mul3A_185 = arith.mulf %logistic3A_175, %get3A_145 : vector<256x64xf32>
        %mul3A_186 = arith.mulf %logistic3A_168, %tanh3A_177 : vector<256x64xf32>
        %add3A_187 = arith.addf %mul3A_185, %mul3A_186 : vector<256x64xf32>
        %tanh3A_188 = math.tanh %add3A_187 : vector<256x64xf32>
        %mul3A_189 = arith.mulf %logistic3A_184, %tanh3A_188 : vector<256x64xf32>
        %iota3A_190 = tpu.iota {dimensions = array<i32: 0>} : vector<256x64xi32>
        %get3A_191 = arith.index_cast %add3A_123 : i32 to index
        %get3A_192 = memref.load %arg3[%get3A_191] : memref<64xi32, #tpu.memory_space<smem>>
        %mul3A_193 = arith.constant 256 : i32
        %mul3A_194 = arith.muli %arg0, %mul3A_193 : i32
        %sub3A_195 = arith.subi %get3A_192, %mul3A_194 : i32
        %lt3A_196 = vector.broadcast %sub3A_195 : i32 to vector<256x64xi32>
        %lt3A_197 = arith.cmpi slt, %iota3A_190, %lt3A_196 : vector<256x64xi32>
        %select_n3A_198 = arith.select %lt3A_197, %mul3A_189, %get3A_142 : vector<256x64xi1>, vector<256x64xf32>
        %broadcast_in_dim3A_199 = arith.constant 0.000000e+00 : f32
        %broadcast_in_dim3A_200 = vector.broadcast %broadcast_in_dim3A_199 : f32 to vector<256x64xf32>
        %concatenate3A_201 = tpu.concatenate %select_n3A_198, %broadcast_in_dim3A_200 in 1 : vector<256x64xf32>, vector<256x64xf32> -> vector<256x128xf32>
        %swap3A_202 = arith.constant 0 : index
        %swap3A_203 = arith.constant 0 : index
        %swap3A_204 = vector.load %arg8[%swap3A_202, %swap3A_203] : memref<256x128xf32, #tpu.memory_space<vmem>>, vector<256x128xf32>
        tpu.vector_store %arg8[%swap3A_202, %swap3A_203], %concatenate3A_201 {strides = array<i32>} : memref<256x128xf32, #tpu.memory_space<vmem>>, vector<256x128xf32>,
        %select_n3A_205 = arith.select %lt3A_197, %add3A_187, %get3A_145 : vector<256x64xi1>, vector<256x64xf32>
        %swap3A_206 = arith.constant 0 : index
        %swap3A_207 = arith.constant 0 : index
        %swap3A_208 = vector.load %arg9[%swap3A_206, %swap3A_207] : memref<256x64xf32, #tpu.memory_space<vmem>>, vector<256x64xf32>
        tpu.vector_store %arg9[%swap3A_206, %swap3A_207], %select_n3A_205 {strides = array<i32>} : memref<256x64xf32, #tpu.memory_space<vmem>>, vector<256x64xf32>,
      } else {
      }
    }
    %while3A_36 = arith.constant 1 : i32
    scf.for %while3A_37 = %while3A_34 to %while3A_30 step %while3A_36  : i32 {
      %mul3A = arith.constant 2 : i32
      %mul3A_38 = arith.muli %mul3A, %while3A_37 : i32
      %get3A_39 = arith.index_cast %mul3A_38 : i32 to index
      %get3A_40 = memref.load %arg2[%get3A_39] : memref<64xi32, #tpu.memory_space<smem>>
      %add3A_41 = arith.addi %get3A_40, %arg0 : i32
      %mul3A_42 = arith.constant 256 : i32
      %mul3A_43 = arith.muli %add3A_41, %mul3A_42 : i32
      %dma_wait3A = arith.constant 0 : i32
      %dma_wait3A_44 = tpu.memref_slice %arg4[%mul3A_43, %dma_wait3A] : memref<180224x128xf32, #tpu.memory_space<any>> -> memref<256x128xf32, #tpu.memory_space<any>>
      tpu.wait_dma2 semaphore(%arg12 : memref<!tpu.dma_semaphore, #tpu.memory_space<semaphore_mem>>) src(%dma_wait3A_44 : memref<256x128xf32, #tpu.memory_space<any>>) dst(%arg10 : memref<256x128xf32, #tpu.memory_space<vmem>>)
      %add3A_45 = arith.constant 1 : i32
      %add3A_46 = arith.addi %mul3A_38, %add3A_45 : i32
      %lt3A = arith.cmpi slt, %add3A_46, %get3A_0 : i32
      %convert_element_type3A_47 = arith.extui %lt3A : i1 to i32
      %cond3A_48 = arith.constant 0 : i32
      %cond3A_49 = arith.cmpi ne, %convert_element_type3A_47, %cond3A_48 : i32
      scf.if %cond3A_49 {
        %add3A_122 = arith.constant 1 : i32
        %add3A_123 = arith.addi %mul3A_38, %add3A_122 : i32
        %get3A_124 = arith.index_cast %add3A_123 : i32 to index
        %get3A_125 = memref.load %arg2[%get3A_124] : memref<64xi32, #tpu.memory_space<smem>>
        %add3A_126 = arith.addi %get3A_125, %arg0 : i32
        %mul3A_127 = arith.constant 256 : i32
        %mul3A_128 = arith.muli %add3A_126, %mul3A_127 : i32
        %dma_start3A = arith.constant 0 : i32
        %dma_start3A_129 = tpu.memref_slice %arg4[%mul3A_128, %dma_start3A] : memref<180224x128xf32, #tpu.memory_space<any>> -> memref<256x128xf32, #tpu.memory_space<any>>
        tpu.enqueue_dma source(%dma_start3A_129 : memref<256x128xf32, #tpu.memory_space<any>>) target(%arg11 : memref<256x128xf32, #tpu.memory_space<vmem>>) target_semaphore(%arg13 : memref<!tpu.dma_semaphore, #tpu.memory_space<semaphore_mem>>)
      } else {
      }
      %get3A_50 = arith.constant 0 : index
      %get3A_51 = arith.constant 0 : index
      %get3A_52 = vector.load %arg10[%get3A_50, %get3A_51] : memref<256x128xf32, #tpu.memory_space<vmem>>, vector<256x64xf32>
      %get3A_53 = arith.constant 0 : index
      %get3A_54 = arith.constant 0 : index
      %get3A_55 = vector.load %arg8[%get3A_53, %get3A_54] : memref<256x128xf32, #tpu.memory_space<vmem>>, vector<256x64xf32>
      %get3A_56 = arith.constant 0 : index
      %get3A_57 = arith.constant 0 : index
      %get3A_58 = vector.load %arg9[%get3A_56, %get3A_57] : memref<256x64xf32, #tpu.memory_space<vmem>>, vector<256x64xf32>
      %get3A_59 = arith.constant 0 : index
      %get3A_60 = arith.constant 0 : index
      %get3A_61 = vector.load %arg5[%get3A_59, %get3A_60] : memref<64x256xf32, #tpu.memory_space<vmem>>, vector<64x256xf32>
      %dot_general3A = arith.constant dense<0.000000e+00> : vector<256x256xf32>
      %dot_general3A_62 = tpu.matmul %get3A_52, %get3A_61, %dot_general3A {dimension_numbers = #tpu.dot_dimension_numbers<[1], [0], [0], [1], [0, 0, 1, 1], [], []>, transpose_lhs_hint = false} : vector<256x64xf32>, vector<64x256xf32>, vector<256x256xf32> -> vector<256x256xf32>
      %get3A_63 = arith.constant 0 : index
      %get3A_64 = arith.constant 0 : index
      %get3A_65 = vector.load %arg6[%get3A_63, %get3A_64] : memref<64x256xf32, #tpu.memory_space<vmem>>, vector<64x256xf32>
      %dot_general3A_66 = arith.constant dense<0.000000e+00> : vector<256x256xf32>
      %dot_general3A_67 = tpu.matmul %get3A_55, %get3A_65, %dot_general3A_66 {dimension_numbers = #tpu.dot_dimension_numbers<[1], [0], [0], [1], [0, 0, 1, 1], [], []>, transpose_lhs_hint = false} : vector<256x64xf32>, vector<64x256xf32>, vector<256x256xf32> -> vector<256x256xf32>
      %add3A_68 = arith.addf %dot_general3A_62, %dot_general3A_67 : vector<256x256xf32>
      %get3A_69 = arith.constant 0 : index
      %get3A_70 = arith.constant 0 : index
      %get3A_71 = vector.load %arg7[%get3A_69, %get3A_70] : memref<1x256xf32, #tpu.memory_space<vmem>>, vector<1x256xf32>
      %add3A_72 = vector.broadcast %get3A_71 : vector<1x256xf32> to vector<256x256xf32>
      %add3A_73 = arith.addf %add3A_68, %add3A_72 : vector<256x256xf32>
      %slice3A = vector.extract_strided_slice %add3A_73 {offsets = [0, 0], sizes = [256, 64], strides = [1, 1]} : vector<256x256xf32> to vector<256x64xf32>
      %logistic3A = arith.negf %slice3A : vector<256x64xf32>
      %logistic3A_74 = math.exp %logistic3A : vector<256x64xf32>
      %logistic3A_75 = arith.constant 1.000000e+00 : f32
      %logistic3A_76 = vector.broadcast %logistic3A_75 : f32 to vector<256x64xf32>
      %logistic3A_77 = arith.addf %logistic3A_76, %logistic3A_74 : vector<256x64xf32>
      %logistic3A_78 = arith.divf %logistic3A_76, %logistic3A_77 : vector<256x64xf32>
      %slice3A_79 = vector.extract_strided_slice %add3A_73 {offsets = [0, 64], sizes = [256, 64], strides = [1, 1]} : vector<256x256xf32> to vector<256x64xf32>
      %logistic3A_80 = arith.negf %slice3A_79 : vector<256x64xf32>
      %logistic3A_81 = math.exp %logistic3A_80 : vector<256x64xf32>
      %logistic3A_82 = arith.constant 1.000000e+00 : f32
      %logistic3A_83 = vector.broadcast %logistic3A_82 : f32 to vector<256x64xf32>
      %logistic3A_84 = arith.addf %logistic3A_83, %logistic3A_81 : vector<256x64xf32>
      %logistic3A_85 = arith.divf %logistic3A_83, %logistic3A_84 : vector<256x64xf32>
      %slice3A_86 = vector.extract_strided_slice %add3A_73 {offsets = [0, 128], sizes = [256, 64], strides = [1, 1]} : vector<256x256xf32> to vector<256x64xf32>
      %tanh3A = math.tanh %slice3A_86 : vector<256x64xf32>
      %slice3A_87 = vector.extract_strided_slice %add3A_73 {offsets = [0, 192], sizes = [256, 64], strides = [1, 1]} : vector<256x256xf32> to vector<256x64xf32>
      %logistic3A_88 = arith.negf %slice3A_87 : vector<256x64xf32>
      %logistic3A_89 = math.exp %logistic3A_88 : vector<256x64xf32>
      %logistic3A_90 = arith.constant 1.000000e+00 : f32
      %logistic3A_91 = vector.broadcast %logistic3A_90 : f32 to vector<256x64xf32>
      %logistic3A_92 = arith.addf %logistic3A_91, %logistic3A_89 : vector<256x64xf32>
      %logistic3A_93 = arith.divf %logistic3A_91, %logistic3A_92 : vector<256x64xf32>
      %mul3A_94 = arith.mulf %logistic3A_85, %get3A_58 : vector<256x64xf32>
      %mul3A_95 = arith.mulf %logistic3A_78, %tanh3A : vector<256x64xf32>
      %add3A_96 = arith.addf %mul3A_94, %mul3A_95 : vector<256x64xf32>
      %tanh3A_97 = math.tanh %add3A_96 : vector<256x64xf32>
      %mul3A_98 = arith.mulf %logistic3A_93, %tanh3A_97 : vector<256x64xf32>
      %iota3A = tpu.iota {dimensions = array<i32: 0>} : vector<256x64xi32>
      %get3A_99 = arith.index_cast %mul3A_38 : i32 to index
      %get3A_100 = memref.load %arg3[%get3A_99] : memref<64xi32, #tpu.memory_space<smem>>
      %mul3A_101 = arith.constant 256 : i32
      %mul3A_102 = arith.muli %arg0, %mul3A_101 : i32
      %sub3A_103 = arith.subi %get3A_100, %mul3A_102 : i32
      %lt3A_104 = vector.broadcast %sub3A_103 : i32 to vector<256x64xi32>
      %lt3A_105 = arith.cmpi slt, %iota3A, %lt3A_104 : vector<256x64xi32>
      %select_n3A_106 = arith.select %lt3A_105, %mul3A_98, %get3A_55 : vector<256x64xi1>, vector<256x64xf32>
      %broadcast_in_dim3A_107 = arith.constant 0.000000e+00 : f32
      %broadcast_in_dim3A_108 = vector.broadcast %broadcast_in_dim3A_107 : f32 to vector<256x64xf32>
      %concatenate3A = tpu.concatenate %select_n3A_106, %broadcast_in_dim3A_108 in 1 : vector<256x64xf32>, vector<256x64xf32> -> vector<256x128xf32>
      %swap3A_109 = arith.constant 0 : index
      %swap3A_110 = arith.constant 0 : index
      %swap3A_111 = vector.load %arg8[%swap3A_109, %swap3A_110] : memref<256x128xf32, #tpu.memory_space<vmem>>, vector<256x128xf32>
      tpu.vector_store %arg8[%swap3A_109, %swap3A_110], %concatenate3A {strides = array<i32>} : memref<256x128xf32, #tpu.memory_space<vmem>>, vector<256x128xf32>,
      %select_n3A_112 = arith.select %lt3A_105, %add3A_96, %get3A_58 : vector<256x64xi1>, vector<256x64xf32>
      %swap3A_113 = arith.constant 0 : index
      %swap3A_114 = arith.constant 0 : index
      %swap3A_115 = vector.load %arg9[%swap3A_113, %swap3A_114] : memref<256x64xf32, #tpu.memory_space<vmem>>, vector<256x64xf32>
      tpu.vector_store %arg9[%swap3A_113, %swap3A_114], %select_n3A_112 {strides = array<i32>} : memref<256x64xf32, #tpu.memory_space<vmem>>, vector<256x64xf32>,
      %add3A_116 = arith.constant 1 : i32
      %add3A_117 = arith.addi %mul3A_38, %add3A_116 : i32
      %lt3A_118 = arith.cmpi slt, %add3A_117, %get3A_0 : i32
      %convert_element_type3A_119 = arith.extui %lt3A_118 : i1 to i32
      %cond3A_120 = arith.constant 0 : i32
      %cond3A_121 = arith.cmpi ne, %convert_element_type3A_119, %cond3A_120 : i32
      scf.if %cond3A_121 {
        %add3A_122 = arith.constant 1 : i32
        %add3A_123 = arith.addi %mul3A_38, %add3A_122 : i32
        %get3A_124 = arith.index_cast %add3A_123 : i32 to index
        %get3A_125 = memref.load %arg2[%get3A_124] : memref<64xi32, #tpu.memory_space<smem>>
        %add3A_126 = arith.addi %get3A_125, %arg0 : i32
        %mul3A_127 = arith.constant 256 : i32
        %mul3A_128 = arith.muli %add3A_126, %mul3A_127 : i32
        %dma_wait3A_129 = arith.constant 0 : i32
        %dma_wait3A_130 = tpu.memref_slice %arg4[%mul3A_128, %dma_wait3A_129] : memref<180224x128xf32, #tpu.memory_space<any>> -> memref<256x128xf32, #tpu.memory_space<any>>
        tpu.wait_dma2 semaphore(%arg13 : memref<!tpu.dma_semaphore, #tpu.memory_space<semaphore_mem>>) src(%dma_wait3A_130 : memref<256x128xf32, #tpu.memory_space<any>>) dst(%arg11 : memref<256x128xf32, #tpu.memory_space<vmem>>)
        %add3A_131 = arith.constant 1 : i32
        %add3A_132 = arith.addi %add3A_123, %add3A_131 : i32
        %lt3A_133 = arith.cmpi slt, %add3A_132, %get3A_0 : i32
        %convert_element_type3A_134 = arith.extui %lt3A_133 : i1 to i32
        %cond3A_135 = arith.constant 0 : i32
        %cond3A_136 = arith.cmpi ne, %convert_element_type3A_134, %cond3A_135 : i32
        scf.if %cond3A_136 {
          %add3A_209 = arith.constant 1 : i32
          %add3A_210 = arith.addi %add3A_123, %add3A_209 : i32
          %get3A_211 = arith.index_cast %add3A_210 : i32 to index
          %get3A_212 = memref.load %arg2[%get3A_211] : memref<64xi32, #tpu.memory_space<smem>>
          %add3A_213 = arith.addi %get3A_212, %arg0 : i32
          %mul3A_214 = arith.constant 256 : i32
          %mul3A_215 = arith.muli %add3A_213, %mul3A_214 : i32
          %dma_start3A = arith.constant 0 : i32
          %dma_start3A_216 = tpu.memref_slice %arg4[%mul3A_215, %dma_start3A] : memref<180224x128xf32, #tpu.memory_space<any>> -> memref<256x128xf32, #tpu.memory_space<any>>
          tpu.enqueue_dma source(%dma_start3A_216 : memref<256x128xf32, #tpu.memory_space<any>>) target(%arg10 : memref<256x128xf32, #tpu.memory_space<vmem>>) target_semaphore(%arg12 : memref<!tpu.dma_semaphore, #tpu.memory_space<semaphore_mem>>)
        } else {
        }
        %get3A_137 = arith.constant 0 : index
        %get3A_138 = arith.constant 0 : index
        %get3A_139 = vector.load %arg11[%get3A_137, %get3A_138] : memref<256x128xf32, #tpu.memory_space<vmem>>, vector<256x64xf32>
        %get3A_140 = arith.constant 0 : index
        %get3A_141 = arith.constant 0 : index
        %get3A_142 = vector.load %arg8[%get3A_140, %get3A_141] : memref<256x128xf32, #tpu.memory_space<vmem>>, vector<256x64xf32>
        %get3A_143 = arith.constant 0 : index
        %get3A_144 = arith.constant 0 : index
        %get3A_145 = vector.load %arg9[%get3A_143, %get3A_144] : memref<256x64xf32, #tpu.memory_space<vmem>>, vector<256x64xf32>
        %get3A_146 = arith.constant 0 : index
        %get3A_147 = arith.constant 0 : index
        %get3A_148 = vector.load %arg5[%get3A_146, %get3A_147] : memref<64x256xf32, #tpu.memory_space<vmem>>, vector<64x256xf32>
        %dot_general3A_149 = arith.constant dense<0.000000e+00> : vector<256x256xf32>
        %dot_general3A_150 = tpu.matmul %get3A_139, %get3A_148, %dot_general3A_149 {dimension_numbers = #tpu.dot_dimension_numbers<[1], [0], [0], [1], [0, 0, 1, 1], [], []>, transpose_lhs_hint = false} : vector<256x64xf32>, vector<64x256xf32>, vector<256x256xf32> -> vector<256x256xf32>
        %get3A_151 = arith.constant 0 : index
        %get3A_152 = arith.constant 0 : index
        %get3A_153 = vector.load %arg6[%get3A_151, %get3A_152] : memref<64x256xf32, #tpu.memory_space<vmem>>, vector<64x256xf32>
        %dot_general3A_154 = arith.constant dense<0.000000e+00> : vector<256x256xf32>
        %dot_general3A_155 = tpu.matmul %get3A_142, %get3A_153, %dot_general3A_154 {dimension_numbers = #tpu.dot_dimension_numbers<[1], [0], [0], [1], [0, 0, 1, 1], [], []>, transpose_lhs_hint = false} : vector<256x64xf32>, vector<64x256xf32>, vector<256x256xf32> -> vector<256x256xf32>
        %add3A_156 = arith.addf %dot_general3A_150, %dot_general3A_155 : vector<256x256xf32>
        %get3A_157 = arith.constant 0 : index
        %get3A_158 = arith.constant 0 : index
        %get3A_159 = vector.load %arg7[%get3A_157, %get3A_158] : memref<1x256xf32, #tpu.memory_space<vmem>>, vector<1x256xf32>
        %add3A_160 = vector.broadcast %get3A_159 : vector<1x256xf32> to vector<256x256xf32>
        %add3A_161 = arith.addf %add3A_156, %add3A_160 : vector<256x256xf32>
        %slice3A_162 = vector.extract_strided_slice %add3A_161 {offsets = [0, 0], sizes = [256, 64], strides = [1, 1]} : vector<256x256xf32> to vector<256x64xf32>
        %logistic3A_163 = arith.negf %slice3A_162 : vector<256x64xf32>
        %logistic3A_164 = math.exp %logistic3A_163 : vector<256x64xf32>
        %logistic3A_165 = arith.constant 1.000000e+00 : f32
        %logistic3A_166 = vector.broadcast %logistic3A_165 : f32 to vector<256x64xf32>
        %logistic3A_167 = arith.addf %logistic3A_166, %logistic3A_164 : vector<256x64xf32>
        %logistic3A_168 = arith.divf %logistic3A_166, %logistic3A_167 : vector<256x64xf32>
        %slice3A_169 = vector.extract_strided_slice %add3A_161 {offsets = [0, 64], sizes = [256, 64], strides = [1, 1]} : vector<256x256xf32> to vector<256x64xf32>
        %logistic3A_170 = arith.negf %slice3A_169 : vector<256x64xf32>
        %logistic3A_171 = math.exp %logistic3A_170 : vector<256x64xf32>
        %logistic3A_172 = arith.constant 1.000000e+00 : f32
        %logistic3A_173 = vector.broadcast %logistic3A_172 : f32 to vector<256x64xf32>
        %logistic3A_174 = arith.addf %logistic3A_173, %logistic3A_171 : vector<256x64xf32>
        %logistic3A_175 = arith.divf %logistic3A_173, %logistic3A_174 : vector<256x64xf32>
        %slice3A_176 = vector.extract_strided_slice %add3A_161 {offsets = [0, 128], sizes = [256, 64], strides = [1, 1]} : vector<256x256xf32> to vector<256x64xf32>
        %tanh3A_177 = math.tanh %slice3A_176 : vector<256x64xf32>
        %slice3A_178 = vector.extract_strided_slice %add3A_161 {offsets = [0, 192], sizes = [256, 64], strides = [1, 1]} : vector<256x256xf32> to vector<256x64xf32>
        %logistic3A_179 = arith.negf %slice3A_178 : vector<256x64xf32>
        %logistic3A_180 = math.exp %logistic3A_179 : vector<256x64xf32>
        %logistic3A_181 = arith.constant 1.000000e+00 : f32
        %logistic3A_182 = vector.broadcast %logistic3A_181 : f32 to vector<256x64xf32>
        %logistic3A_183 = arith.addf %logistic3A_182, %logistic3A_180 : vector<256x64xf32>
        %logistic3A_184 = arith.divf %logistic3A_182, %logistic3A_183 : vector<256x64xf32>
        %mul3A_185 = arith.mulf %logistic3A_175, %get3A_145 : vector<256x64xf32>
        %mul3A_186 = arith.mulf %logistic3A_168, %tanh3A_177 : vector<256x64xf32>
        %add3A_187 = arith.addf %mul3A_185, %mul3A_186 : vector<256x64xf32>
        %tanh3A_188 = math.tanh %add3A_187 : vector<256x64xf32>
        %mul3A_189 = arith.mulf %logistic3A_184, %tanh3A_188 : vector<256x64xf32>
        %iota3A_190 = tpu.iota {dimensions = array<i32: 0>} : vector<256x64xi32>
        %get3A_191 = arith.index_cast %add3A_123 : i32 to index
        %get3A_192 = memref.load %arg3[%get3A_191] : memref<64xi32, #tpu.memory_space<smem>>
        %mul3A_193 = arith.constant 256 : i32
        %mul3A_194 = arith.muli %arg0, %mul3A_193 : i32
        %sub3A_195 = arith.subi %get3A_192, %mul3A_194 : i32
        %lt3A_196 = vector.broadcast %sub3A_195 : i32 to vector<256x64xi32>
        %lt3A_197 = arith.cmpi slt, %iota3A_190, %lt3A_196 : vector<256x64xi32>
        %select_n3A_198 = arith.select %lt3A_197, %mul3A_189, %get3A_142 : vector<256x64xi1>, vector<256x64xf32>
        %broadcast_in_dim3A_199 = arith.constant 0.000000e+00 : f32
        %broadcast_in_dim3A_200 = vector.broadcast %broadcast_in_dim3A_199 : f32 to vector<256x64xf32>
        %concatenate3A_201 = tpu.concatenate %select_n3A_198, %broadcast_in_dim3A_200 in 1 : vector<256x64xf32>, vector<256x64xf32> -> vector<256x128xf32>
        %swap3A_202 = arith.constant 0 : index
        %swap3A_203 = arith.constant 0 : index
        %swap3A_204 = vector.load %arg8[%swap3A_202, %swap3A_203] : memref<256x128xf32, #tpu.memory_space<vmem>>, vector<256x128xf32>
        tpu.vector_store %arg8[%swap3A_202, %swap3A_203], %concatenate3A_201 {strides = array<i32>} : memref<256x128xf32, #tpu.memory_space<vmem>>, vector<256x128xf32>,
        %select_n3A_205 = arith.select %lt3A_197, %add3A_187, %get3A_145 : vector<256x64xi1>, vector<256x64xf32>
        %swap3A_206 = arith.constant 0 : index
        %swap3A_207 = arith.constant 0 : index
        %swap3A_208 = vector.load %arg9[%swap3A_206, %swap3A_207] : memref<256x64xf32, #tpu.memory_space<vmem>>, vector<256x64xf32>
        tpu.vector_store %arg9[%swap3A_206, %swap3A_207], %select_n3A_205 {strides = array<i32>} : memref<256x64xf32, #tpu.memory_space<vmem>>, vector<256x64xf32>,
      } else {
      }
    }
    return
  }
  func.func @transform_1(%arg0: i32, %arg1: memref<40xi32, #tpu.memory_space<smem>>, %arg2: memref<64xi32, #tpu.memory_space<smem>>, %arg3: memref<64xi32, #tpu.memory_space<smem>>) -> (i32, i32) {
    %c0_i32 = arith.constant 0 : i32
    %c0_i32_0 = arith.constant 0 : i32
    %c0_i32_1 = arith.constant 0 : i32
    return %c0_i32, %c0_i32_0 : i32, i32
  }
  func.func @transform_2(%arg0: i32, %arg1: memref<40xi32, #tpu.memory_space<smem>>, %arg2: memref<64xi32, #tpu.memory_space<smem>>, %arg3: memref<64xi32, #tpu.memory_space<smem>>) -> (i32, i32) {
    %c0_i32 = arith.constant 0 : i32
    %c0_i32_0 = arith.constant 0 : i32
    %c0_i32_1 = arith.constant 0 : i32
    return %c0_i32, %c0_i32_0 : i32, i32
  }
  func.func @transform_3(%arg0: i32, %arg1: memref<40xi32, #tpu.memory_space<smem>>, %arg2: memref<64xi32, #tpu.memory_space<smem>>, %arg3: memref<64xi32, #tpu.memory_space<smem>>) -> (i32, i32) {
    %c0_i32 = arith.constant 0 : i32
    %c0_i32_0 = arith.constant 0 : i32
    %c0_i32_1 = arith.constant 0 : i32
    return %c0_i32, %c0_i32_0 : i32, i32
  }
  func.func @transform_4(%arg0: i32, %arg1: memref<40xi32, #tpu.memory_space<smem>>, %arg2: memref<64xi32, #tpu.memory_space<smem>>, %arg3: memref<64xi32, #tpu.memory_space<smem>>) -> (i32, i32) {
    %c0_i32 = arith.constant 0 : i32
    %c0_i32_0 = arith.constant 0 : i32
    return %arg0, %c0_i32 : i32, i32
  }
}

module attributes {stable_mosaic.version = 14 : i64} {
  func.func @body(%arg0: i32, %arg1: memref<1024x128xf32, #tpu.memory_space<vmem>>, %arg2: memref<1024x64xf32, #tpu.memory_space<vmem>>, %arg3: memref<64x128xf32, #tpu.memory_space<vmem>>, %arg4: memref<1x128xf32, #tpu.memory_space<vmem>>, %arg5: memref<64x128xf32, #tpu.memory_space<vmem>>, %arg6: memref<128x192xf32, #tpu.memory_space<vmem>>, %arg7: memref<1x192xf32, #tpu.memory_space<vmem>>, %arg8: memref<192x64xf32, #tpu.memory_space<vmem>>, %arg9: memref<1x64xf32, #tpu.memory_space<vmem>>, %arg10: memref<64x64xf32, #tpu.memory_space<vmem>>, %arg11: memref<1x64xf32, #tpu.memory_space<vmem>>, %arg12: memref<1024x64xf32, #tpu.memory_space<vmem>>) attributes {dimension_semantics = [#tpu.dimension_semantics<arbitrary>], iteration_bounds = array<i64: 10>, scalar_prefetch = 0 : i64, scratch_operands = 0 : i64, tpu.core_type = #tpu.core_type<tc>, window_params = [{transform_indices = @transform_0, window_bounds = array<i64: 1024, 128>}, {transform_indices = @transform_1, window_bounds = array<i64: 1024, 64>}, {pipeline_mode = #tpu.pipeline_mode<synchronous>, transform_indices = @transform_2, window_bounds = array<i64: 64, 128>}, {pipeline_mode = #tpu.pipeline_mode<synchronous>, transform_indices = @transform_3, window_bounds = array<i64: 1, 128>}, {pipeline_mode = #tpu.pipeline_mode<synchronous>, transform_indices = @transform_4, window_bounds = array<i64: 64, 128>}, {pipeline_mode = #tpu.pipeline_mode<synchronous>, transform_indices = @transform_5, window_bounds = array<i64: 128, 192>}, {pipeline_mode = #tpu.pipeline_mode<synchronous>, transform_indices = @transform_6, window_bounds = array<i64: 1, 192>}, {pipeline_mode = #tpu.pipeline_mode<synchronous>, transform_indices = @transform_7, window_bounds = array<i64: 192, 64>}, {pipeline_mode = #tpu.pipeline_mode<synchronous>, transform_indices = @transform_8, window_bounds = array<i64: 1, 64>}, {pipeline_mode = #tpu.pipeline_mode<synchronous>, transform_indices = @transform_9, window_bounds = array<i64: 64, 64>}, {pipeline_mode = #tpu.pipeline_mode<synchronous>, transform_indices = @transform_10, window_bounds = array<i64: 1, 64>}, {transform_indices = @transform_11, window_bounds = array<i64: 1024, 64>}]} {
    %get3A = arith.constant 0 : index
    %get3A_0 = arith.constant 0 : index
    %get3A_1 = vector.load %arg1[%get3A, %get3A_0] : memref<1024x128xf32, #tpu.memory_space<vmem>>, vector<1024x128xf32>
    %get3A_2 = arith.constant 0 : index
    %get3A_3 = arith.constant 0 : index
    %get3A_4 = vector.load %arg2[%get3A_2, %get3A_3] : memref<1024x64xf32, #tpu.memory_space<vmem>>, vector<1024x64xf32>
    %get3A_5 = arith.constant 0 : index
    %get3A_6 = arith.constant 0 : index
    %get3A_7 = vector.load %arg3[%get3A_5, %get3A_6] : memref<64x128xf32, #tpu.memory_space<vmem>>, vector<64x128xf32>
    %get3A_8 = arith.constant 0 : index
    %get3A_9 = arith.constant 0 : index
    %get3A_10 = vector.load %arg4[%get3A_8, %get3A_9] : memref<1x128xf32, #tpu.memory_space<vmem>>, vector<1x128xf32>
    %get3A_11 = arith.constant 0 : index
    %get3A_12 = arith.constant 0 : index
    %get3A_13 = vector.load %arg5[%get3A_11, %get3A_12] : memref<64x128xf32, #tpu.memory_space<vmem>>, vector<64x128xf32>
    %get3A_14 = arith.constant 0 : index
    %get3A_15 = arith.constant 0 : index
    %get3A_16 = vector.load %arg6[%get3A_14, %get3A_15] : memref<128x192xf32, #tpu.memory_space<vmem>>, vector<128x192xf32>
    %get3A_17 = arith.constant 0 : index
    %get3A_18 = arith.constant 0 : index
    %get3A_19 = vector.load %arg7[%get3A_17, %get3A_18] : memref<1x192xf32, #tpu.memory_space<vmem>>, vector<1x192xf32>
    %get3A_20 = arith.constant 0 : index
    %get3A_21 = arith.constant 0 : index
    %get3A_22 = vector.load %arg8[%get3A_20, %get3A_21] : memref<192x64xf32, #tpu.memory_space<vmem>>, vector<192x64xf32>
    %get3A_23 = arith.constant 0 : index
    %get3A_24 = arith.constant 0 : index
    %get3A_25 = vector.load %arg9[%get3A_23, %get3A_24] : memref<1x64xf32, #tpu.memory_space<vmem>>, vector<1x64xf32>
    %get3A_26 = arith.constant 0 : index
    %get3A_27 = arith.constant 0 : index
    %get3A_28 = vector.load %arg10[%get3A_26, %get3A_27] : memref<64x64xf32, #tpu.memory_space<vmem>>, vector<64x64xf32>
    %get3A_29 = arith.constant 0 : index
    %get3A_30 = arith.constant 0 : index
    %get3A_31 = vector.load %arg11[%get3A_29, %get3A_30] : memref<1x64xf32, #tpu.memory_space<vmem>>, vector<1x64xf32>
    %slice3A = vector.extract_strided_slice %get3A_1 {offsets = [0, 0], sizes = [1024, 64], strides = [1, 1]} : vector<1024x128xf32> to vector<1024x64xf32>
    %dot_general3A = arith.constant dense<0.000000e+00> : vector<1024x128xf32>
    %dot_general3A_32 = tpu.matmul %slice3A, %get3A_7, %dot_general3A {dimension_numbers = #tpu.dot_dimension_numbers<[1], [0], [0], [1], [0, 0, 1, 1], [], []>, transpose_lhs_hint = false} : vector<1024x64xf32>, vector<64x128xf32>, vector<1024x128xf32> -> vector<1024x128xf32>
    %add3A = vector.broadcast %get3A_10 : vector<1x128xf32> to vector<1024x128xf32>
    %add3A_33 = arith.addf %dot_general3A_32, %add3A : vector<1024x128xf32>
    %dot_general3A_34 = arith.constant dense<0.000000e+00> : vector<1024x128xf32>
    %dot_general3A_35 = tpu.matmul %get3A_4, %get3A_13, %dot_general3A_34 {dimension_numbers = #tpu.dot_dimension_numbers<[1], [0], [0], [1], [0, 0, 1, 1], [], []>, transpose_lhs_hint = false} : vector<1024x64xf32>, vector<64x128xf32>, vector<1024x128xf32> -> vector<1024x128xf32>
    %add3A_36 = arith.addf %add3A_33, %dot_general3A_35 : vector<1024x128xf32>
    %max3A = arith.constant 0.000000e+00 : f32
    %max3A_37 = vector.broadcast %max3A : f32 to vector<1024x128xf32>
    %max3A_38 = arith.maximumf %add3A_36, %max3A_37 : vector<1024x128xf32>
    %dot_general3A_39 = arith.constant dense<0.000000e+00> : vector<1024x192xf32>
    %dot_general3A_40 = tpu.matmul %max3A_38, %get3A_16, %dot_general3A_39 {dimension_numbers = #tpu.dot_dimension_numbers<[1], [0], [0], [1], [0, 0, 1, 1], [], []>, transpose_lhs_hint = false} : vector<1024x128xf32>, vector<128x192xf32>, vector<1024x192xf32> -> vector<1024x192xf32>
    %add3A_41 = vector.broadcast %get3A_19 : vector<1x192xf32> to vector<1024x192xf32>
    %add3A_42 = arith.addf %dot_general3A_40, %add3A_41 : vector<1024x192xf32>
    %max3A_43 = arith.constant 0.000000e+00 : f32
    %max3A_44 = vector.broadcast %max3A_43 : f32 to vector<1024x192xf32>
    %max3A_45 = arith.maximumf %add3A_42, %max3A_44 : vector<1024x192xf32>
    %dot_general3A_46 = arith.constant dense<0.000000e+00> : vector<1024x64xf32>
    %dot_general3A_47 = tpu.matmul %max3A_45, %get3A_22, %dot_general3A_46 {dimension_numbers = #tpu.dot_dimension_numbers<[1], [0], [0], [1], [0, 0, 1, 1], [], []>, transpose_lhs_hint = false} : vector<1024x192xf32>, vector<192x64xf32>, vector<1024x64xf32> -> vector<1024x64xf32>
    %add3A_48 = vector.broadcast %get3A_25 : vector<1x64xf32> to vector<1024x64xf32>
    %add3A_49 = arith.addf %dot_general3A_47, %add3A_48 : vector<1024x64xf32>
    %max3A_50 = arith.constant 0.000000e+00 : f32
    %max3A_51 = vector.broadcast %max3A_50 : f32 to vector<1024x64xf32>
    %max3A_52 = arith.maximumf %add3A_49, %max3A_51 : vector<1024x64xf32>
    %dot_general3A_53 = arith.constant dense<0.000000e+00> : vector<1024x64xf32>
    %dot_general3A_54 = tpu.matmul %max3A_52, %get3A_28, %dot_general3A_53 {dimension_numbers = #tpu.dot_dimension_numbers<[1], [0], [0], [1], [0, 0, 1, 1], [], []>, transpose_lhs_hint = false} : vector<1024x64xf32>, vector<64x64xf32>, vector<1024x64xf32> -> vector<1024x64xf32>
    %add3A_55 = vector.broadcast %get3A_31 : vector<1x64xf32> to vector<1024x64xf32>
    %add3A_56 = arith.addf %dot_general3A_54, %add3A_55 : vector<1024x64xf32>
    %max3A_57 = arith.constant 0.000000e+00 : f32
    %max3A_58 = vector.broadcast %max3A_57 : f32 to vector<1024x64xf32>
    %max3A_59 = arith.maximumf %add3A_56, %max3A_58 : vector<1024x64xf32>
    %swap3A = arith.constant 0 : index
    %swap3A_60 = arith.constant 0 : index
    %swap3A_61 = vector.load %arg12[%swap3A, %swap3A_60] : memref<1024x64xf32, #tpu.memory_space<vmem>>, vector<1024x64xf32>
    tpu.vector_store %arg12[%swap3A, %swap3A_60], %max3A_59 {strides = array<i32>} : memref<1024x64xf32, #tpu.memory_space<vmem>>, vector<1024x64xf32>,
    return
  }
  func.func @transform_0(%arg0: i32) -> (i32, i32) {
    %c0_i32 = arith.constant 0 : i32
    %c0_i32_0 = arith.constant 0 : i32
    return %arg0, %c0_i32 : i32, i32
  }
  func.func @transform_1(%arg0: i32) -> (i32, i32) {
    %c0_i32 = arith.constant 0 : i32
    %c0_i32_0 = arith.constant 0 : i32
    return %arg0, %c0_i32 : i32, i32
  }
  func.func @transform_2(%arg0: i32) -> (i32, i32) {
    %c0_i32 = arith.constant 0 : i32
    %c0_i32_0 = arith.constant 0 : i32
    %c0_i32_1 = arith.constant 0 : i32
    return %c0_i32, %c0_i32_0 : i32, i32
  }
  func.func @transform_3(%arg0: i32) -> (i32, i32) {
    %c0_i32 = arith.constant 0 : i32
    %c0_i32_0 = arith.constant 0 : i32
    %c0_i32_1 = arith.constant 0 : i32
    return %c0_i32, %c0_i32_0 : i32, i32
  }
  func.func @transform_4(%arg0: i32) -> (i32, i32) {
    %c0_i32 = arith.constant 0 : i32
    %c0_i32_0 = arith.constant 0 : i32
    %c0_i32_1 = arith.constant 0 : i32
    return %c0_i32, %c0_i32_0 : i32, i32
  }
  func.func @transform_5(%arg0: i32) -> (i32, i32) {
    %c0_i32 = arith.constant 0 : i32
    %c0_i32_0 = arith.constant 0 : i32
    %c0_i32_1 = arith.constant 0 : i32
    return %c0_i32, %c0_i32_0 : i32, i32
  }
  func.func @transform_6(%arg0: i32) -> (i32, i32) {
    %c0_i32 = arith.constant 0 : i32
    %c0_i32_0 = arith.constant 0 : i32
    %c0_i32_1 = arith.constant 0 : i32
    return %c0_i32, %c0_i32_0 : i32, i32
  }
  func.func @transform_7(%arg0: i32) -> (i32, i32) {
    %c0_i32 = arith.constant 0 : i32
    %c0_i32_0 = arith.constant 0 : i32
    %c0_i32_1 = arith.constant 0 : i32
    return %c0_i32, %c0_i32_0 : i32, i32
  }
  func.func @transform_8(%arg0: i32) -> (i32, i32) {
    %c0_i32 = arith.constant 0 : i32
    %c0_i32_0 = arith.constant 0 : i32
    %c0_i32_1 = arith.constant 0 : i32
    return %c0_i32, %c0_i32_0 : i32, i32
  }
  func.func @transform_9(%arg0: i32) -> (i32, i32) {
    %c0_i32 = arith.constant 0 : i32
    %c0_i32_0 = arith.constant 0 : i32
    %c0_i32_1 = arith.constant 0 : i32
    return %c0_i32, %c0_i32_0 : i32, i32
  }
  func.func @transform_10(%arg0: i32) -> (i32, i32) {
    %c0_i32 = arith.constant 0 : i32
    %c0_i32_0 = arith.constant 0 : i32
    %c0_i32_1 = arith.constant 0 : i32
    return %c0_i32, %c0_i32_0 : i32, i32
  }
  func.func @transform_11(%arg0: i32) -> (i32, i32) {
    %c0_i32 = arith.constant 0 : i32
    %c0_i32_0 = arith.constant 0 : i32
    return %arg0, %c0_i32 : i32, i32
  }
}

</mosaic_0001>

<sc_bundles>
// kernel: gather_offload_async_start.1
scs
__scs_entry_jumppad:
0x0: {  	(pc) =	sbr.rel $0x88, $3  }
0x1: {  	(tag) =	ssettag $0x0;
	lr =	simm.s32 $0x1  }
0x2: {  	[smem:$0x3F87] =	sst lr;
	_ =	strace $0xD0000000  }
0x3: {  	_ = 	snop  }
0x4: {  	_ = 	snop  }
0x5: {  	_ = 	snop  }
0x6: {  	_ = 	snop  }
0x7: {  	_ = 	snop  }
__scs_overlays_trampoline_lowered:
0x8: {  	[smem:$0x3F96] =	sst s0  }
0x9: {  	[smem:$0x3F97] =	sst s1  }
0xa: {  	[smem:$0x3F98] =	sst s2  }
0xb: {  	[smem:$0x3F99] =	sst s3  }
0xc: {  	[smem:$0x3F9A] =	sst s4  }
0xd: {  	[smem:$0x3F9B] =	sst s5  }
0xe: {  	[smem:$0x3F9C] =	sst s6  }
0xf: {  	[smem:$0x3F9D] =	sst s7  }
0x10: {  	[smem:$0x3F9E] =	sst s8  }
0x11: {  	[smem:$0x3F9F] =	sst s9;
	s0 =	simm.s32 @!p0 $0x0  }
0x12: {  	s1 =	sld [smem:$0x3F85];
	s0 =	simm.s32 @p0 $0x1  }
0x13: {  	[smem:$0x3FA0] =	sst s0;
	s0 =	simm.s32 @!p1 $0x0  }
0x14: {  	s2 =	sld [smem:$0x3F84];
	s0 =	simm.s32 @p1 $0x1  }
0x15: {  	[smem:$0x3FA1] =	sst s0;
	s0 =	simm.s32 @!p2 $0x0  }
0x16: {  	s3 =	sld [smem:$0x3FDB];
	s0 =	simm.s32 @p2 $0x1  }
0x17: {  	s4 =	simm.s32 $0x1BF5;
	[smem:$0x3FA3] =	sst s0  }
0x18: {  	s0 =	sld [smem:$0x3F86];
	_ =	swait.ge [sflag:s4], $0x0  }
0x19: {  	s7 =	sld [smem:$0x3F87]  }
0x1a: {  	s8 =	sadd.s32 $0xFFFFE003, lr  }
0x1b: {  	s9 =	sadd.s32 $0xFFFFFEF7, lr;
	s5 =	simm.s32 $0xFFFFFFFF;
	p2 =	slt.u32 s8, $0xFFFFF086  }
0x1c: {  	p1 =	slt.u32 s9, $0xF7A;
	s5 =	simm.s32 @!p2 $0x0  }
0x1d: {  	s5 =	simm.s32 @p1 $0x1;
	p0 =	seq.s32 s7, s2  }
0x1e: {  	s7 =	smul.u32 @!p0 $0xF7A, s2;
	p2 =	seq.s32 @!p0 s5, $0x0  }
0x1f: {  	s9 =	smul.u32 $0xF7A, s1;
	s8 =	simm.s32 @!p0 $0x1BF5;
	p2 =	por !p2, p0  }
0x20: {  	[sflag:s8] =	ssyncset.s32 @!p0 $0xFFFFF086;
	s6 =	sadd.s32 @!p0 s3, s7;
	s7 =	simm.s32 @!p0 $0x108  }
0x21: {  	s3 =	sadd.s32 s3, s9;
	s6 =	sadd.s32 @!p0 $0x88, s6;
	s7 =	simm.s32 @p2 $0x1082  }
0x22: {  	[simem:s7], [sflag:s8] =	dma.local @!p0 [hbm:s6], $0xF7A  }
0x23: {  	s9 =	sor.u32 $0xD0000000, s2;
	s6 =	simm.s32 $0x108;
	_ =	swait.ge @!p0 [sflag:s8], $0x0  }
0x24: {  	s3 =	sadd.s32 $0x88, s3;
	s6 =	simm.s32 @!p1 $0x1082;
	[sflag:s4] =	ssyncset.s32 $0xFFFFF086  }
0x25: {  	[simem:s6], [sflag:s4] =	dma.local [hbm:s3], $0xF7A  }
0x26: {  	[smem:$0x3F87] =	sst s1;
	(tag) =	ssettag s2;
	_ =	strace s9  }
0x27: {  	s1 =	sld [smem:$0x3F97]  }
0x28: {  	s2 =	sld [smem:$0x3F98]  }
0x29: {  	s4 =	sld [smem:$0x3F9A]  }
0x2a: {  	p0 =	seq.s32 s5, $0x0;
	s5 =	sld [smem:$0x3F9B]  }
0x2b: {  	s6 =	sld [smem:$0x3F9C]  }
0x2c: {  	s7 =	sld [smem:$0x3F9D]  }
0x2d: {  	s3 =	simm.s32 $0x108;
	s8 =	sld [smem:$0x3F9E]  }
0x2e: {  	s3 =	simm.s32 @!p0 $0x1082;
	s9 =	sld [smem:$0x3F9F]  }
0x2f: {  	lr =	sadd.s32 s0, s3;
	s0 =	sld [smem:$0x3F96]  }
0x30: {  	s3 =	sld [smem:$0x3F99]  }
0x31: {  	[smem:$0x3FA2] =	sst s10  }
0x32: {  	s10 =	sld [smem:$0x3FA0];
	_ =	sdelay $0x3  }
0x33: {  	p0 =	seq.s32 s10, $0x1;
	s10 =	sld [smem:$0x3FA2];
	_ =	sdelay $0x3  }
0x34: {  	[smem:$0x3FA2] =	sst s10  }
0x35: {  	s10 =	sld [smem:$0x3FA1];
	_ =	sdelay $0x3  }
0x36: {  	p1 =	seq.s32 s10, $0x1;
	s10 =	sld [smem:$0x3FA2];
	_ =	sdelay $0x3  }
0x37: {  	[smem:$0x3FA2] =	sst s10  }
0x38: {  	s10 =	sld [smem:$0x3FA3]  }
0x39: {  	_ = 	snop;
	(pc) =	sbr.ind lr, $3  }
0x3a: {  	_ = 	snop  }
0x3b: {  	_ = 	snop  }
0x3c: {  	p2 =	seq.s32 s10, $0x1;
	s10 =	sld [smem:$0x3FA2]  }
0x3d: {  	_ =	shalt  }
0x3e: {  	_ =	shalt  }
0x3f: {  	_ =	shalt  }
0x40: {  	_ =	shalt  }
0x41: {  	_ =	shalt  }
0x42: {  	_ =	shalt  }
0x43: {  	_ =	shalt  }
0x44: {  	_ =	shalt  }
0x45: {  	_ =	shalt  }
0x46: {  	_ =	shalt  }
0x47: {  	_ =	shalt  }
0x48: {  	_ =	shalt  }
0x49: {  	_ =	shalt  }
0x4a: {  	_ =	shalt  }
0x4b: {  	_ =	shalt  }
0x4c: {  	_ =	shalt  }
0x4d: {  	_ =	shalt  }
0x4e: {  	_ =	shalt  }
0x4f: {  	_ =	shalt  }
0x50: {  	_ =	shalt  }
0x51: {  	_ =	shalt  }
0x52: {  	_ =	shalt  }
0x53: {  	_ =	shalt  }
0x54: {  	_ =	shalt  }
0x55: {  	_ =	shalt  }
0x56: {  	_ =	shalt  }
0x57: {  	_ =	shalt  }
0x58: {  	_ =	shalt  }
0x59: {  	_ =	shalt  }
0x5a: {  	_ =	shalt  }
0x5b: {  	_ =	shalt  }
0x5c: {  	_ =	shalt  }
0x5d: {  	_ =	shalt  }
0x5e: {  	_ =	shalt  }
0x5f: {  	_ =	shalt  }
0x60: {  	_ =	shalt  }
0x61: {  	_ =	shalt  }
0x62: {  	_ =	shalt  }
0x63: {  	_ =	shalt  }
0x64: {  	_ =	shalt  }
0x65: {  	_ =	shalt  }
0x66: {  	_ =	shalt  }
0x67: {  	_ =	shalt  }
0x68: {  	_ =	shalt  }
0x69: {  	_ =	shalt  }
0x6a: {  	_ =	shalt  }
0x6b: {  	_ =	shalt  }
0x6c: {  	_ =	shalt  }
0x6d: {  	_ =	shalt  }
0x6e: {  	_ =	shalt  }
0x6f: {  	_ =	shalt  }
0x70: {  	_ =	shalt  }
0x71: {  	_ =	shalt  }
0x72: {  	_ =	shalt  }
0x73: {  	_ =	shalt  }
0x74: {  	_ =	shalt  }
0x75: {  	_ =	shalt  }
0x76: {  	_ =	shalt  }
0x77: {  	_ =	shalt  }
0x78: {  	_ =	shalt  }
0x79: {  	_ =	shalt  }
0x7a: {  	_ =	shalt  }
0x7b: {  	_ =	shalt  }
0x7c: {  	_ =	shalt  }
0x7d: {  	_ =	shalt  }
0x7e: {  	_ =	shalt  }
0x7f: {  	_ =	shalt  }
0x80: {  	_ =	shalt  }
0x81: {  	_ =	shalt  }
0x82: {  	_ =	shalt  }
0x83: {  	_ =	shalt  }
0x84: {  	_ =	shalt  }
0x85: {  	_ =	shalt  }
0x86: {  	_ =	shalt  }
0x87: {  	_ =	shalt  }
.Lfunc_end0:
.L_simem_size_0:
called_computation.1_lowered:
.L_overlay_start_0:
0x88: {  	s2 =	sld [smem:$0x3FD9]  }
0x89: {  	s3 =	sld [smem:$0x3FFE];
	_ =	sdelay $0x1  }
0x8a: {  	s1 =	srdreg.scid  }
0x8b: {  	s0 =	sand.u32 $0x1, s1  }
0x8c: {  	s16 =	sshll.u32 s0, $0xA;
	s2 =	sadd.s32 s3, s2  }
0x8d: {  	s2 =	sadd.s32 s2, s16  }
0x8e: {  	[smem:$0x3FAE] =	sst s2  }
0x8f: {  	_ = 	snop  }
0x90: {  	(tm) =	ssettm $0x1  }
0x91: {  	s17 =	sld [smem:$0x3FFB];
	_ =	sdelay $0x3  }
0x92: {  	_ =	strace s17  }
0x93: {  	s2 =	sld [smem:$0x3FFC];
	_ =	sdelay $0x3  }
0x94: {  	_ =	strace s2  }
0x95: {  	s2 =	sld [smem:$0x3FFD];
	_ =	sdelay $0x3  }
0x96: {  	_ =	strace s2  }
0x97: {  	_ =	strace $0x8FFFFFFF  }
0x98: {  	s18 =	sld [smem:$0x3FDB];
	_ =	sdelay $0x1  }
0x99: {  	s19 =	simm.s32 $_scs_section_size  }
0x9a: {  	s4 =	simm.s32 $_size__tile_overlayer_lowered;
	s5 =	simm.s32 $_tile_overlayer_lowered  }
0x9b: {  	s22 =	simm.s32 $0x1BFF;
	s21 =	sshll.u32 s5, $0x1;
	s2 =	sadd.s32 s19, s18  }
0x9c: {  	s6 =	simm.s32 $0x0;
	s20 =	sshll.u32 s4, $0x1;
	s4 =	sadd.s32 s21, s2  }
0x9d: {  	[timem:s6], [sflag:s22] =	dma.local [hbm:s4], s20  }
0x9e: {  	_ =	swait.ge [sflag:s22], s20  }
0x9f: {  	s3 =	ssub.s32 $0x0, s20;
	[sflag:s22] =	ssyncset.done $0x0  }
0xa0: {  	[sflag:s22] =	ssyncadd.s32 s3;
	_ =	sdelay $0x1  }
0xa1: {  	s23 =	simm.s32 $0x1B8B  }
0xa2: {  	_ =	swait.ge [sflag:s23], $0x1  }
0xa3: {  	[sflag:s23] =	ssyncset.done $0x0  }
0xa4: {  	s25 =	simm.s32 $0x1B8E;
	s24 =	sld [smem:$0x3FFE];
	[sflag:s23] =	ssyncadd.s32 $0xFFFFFFFF  }
0xa5: {  	s26 =	simm.s32 $execute0_lowered;
	[smem:$0x3FD2] =	sst s25  }
0xa6: {  	s4 =	sshll.u32 s26, $0x1;
	_ =	strace $0x8000004C;
	[dreg:$0x1] =	wrdreg $0xFFFFFFFF  }
0xa7: {  	s28 =	simm.s32 $_size_execute0_lowered;
	s2 =	sadd.s32 s2, s4;
	[dreg:$0x0] =	wrdreg $0x0  }
0xa8: {  	s4 =	sshll.u32 s28, $0x1;
	[dreg:$0x2] =	wrdreg s2  }
0xa9: {  	[dreg:$0x3] =	wrdreg s4  }
0xaa: {  	[dreg:$0x4] =	wrdreg $0xC0  }
0xab: {  	_ =	task [dreg:s6], $0x5FFFF  }
0xac: {  	[dreg:$0x1] =	wrdreg $0xFFFFFFFF  }
0xad: {  	[dreg:$0x0] =	wrdreg $0x60  }
0xae: {  	[dreg:$0x2] =	wrdreg s24  }
0xaf: {  	[dreg:$0x3] =	wrdreg $0x9  }
0xb0: {  	_ =	task.clear_ibuf [dreg:s6], $0x4FFFF;
	_ =	strace $0x9000004C  }
0xb1: {  	s29 =	simm.s32 $0x9;
	_ =	strace $0x8000004E  }
0xb2: {  	_ =	swait.ge [sflag:s29], $0x1  }
0xb3: {  	[sflag:s29] =	ssyncadd.s32 $0xFFFFFFFF  }
0xb4: {  	_ =	strace $0x9000004E  }
0xb5: {  	_ =	sfence  }
0xb6: {  	s30 =	sld [smem:$0x0];
	_ =	sdelay $0x2  }
0xb7: {  	s31 =	sshll.u32 s1, $0xD;
	s1 =	sshrl.u32 s1, $0x2  }
0xb8: {  	s3 =	sand.u32 $0x4000, s31;
	s1 =	sadd.s32 s1, s30  }
0xb9: {  	s0 =	sor.u32 s3, s0;
	s1 =	sshll.u32 s1, $0x11  }
0xba: {  	s0 =	sor.u32 s1, s0  }
0xbb: {  	s0 =	sadd.s32 $0x8F2B, s0  }
0xbc: {  	[sflag:s0] =	ssyncadd.remote.s32 $0x1  }
0xbd: {  	_ =	sfence.sel $0xFFFF  }
0xbe: {  	[dreg:$0x0] =	wrdreg $0xFFFFFFFF;
	(pc) =	sbr.abs _section_cstart, $3  }
0xbf: {  	[dreg:$0x1] =	wrdreg $0xFFFFFFFF  }
0xc0: {  	_ =	task.clear_ibuf [dreg:s6], $0x2FFFF;
	_ =	strace $0x9FFFFFFF  }
0xc1: {  	(tm) =	ssettm $0x7FFFFFFF  }
tec
execute0_lowered:
.L_overlay_start_1:
0x0: {  	(tag) =	ssettag $0x1  }
0x1: {  	s8 =	rddreg [dreg:$0x0]  }
0x2: {  	s0 =	rddreg [dreg:$0x1];
	_ =	strace $0x8000004D;
	s1 =	stileid.u32  }
0x3: {  	s3 =	srdreg.scid;
	s4 =	simm.s32 $0x1;
	s7 =	simm.s32 $0x1  }
0x4: {  	s9 =	simm.s32 $0x1;
	s10 =	simm.s32 $0x3;
	s13 =	simm.s32 $0x0  }
0x5: {  	s12 =	simm.s32 $0x0;
	s5 =	sand.u32 $0x1, s3;
	s6 =	sshll.u32 s1, $0x1  }
0x6: {  	s2 =	sadd.s32 $0x1800, s8;
	s3 =	sadd.s32 $0x6800, s8;
	s5 =	sor.u32 s6, s5  }
.Ltmp0:
0x7: {  	[sflag:s4] =	ssyncpa.u1 $0x0;
	p0 =	slt.u32 s5, $0x9;
	(pc) =	sbr.rel .LBB2_1-.Ltmp0, $4  }
0x8: {  	s6 =	simm.s32 $0x2;
	s7 =	simm.s32 @!p0 $0x0;
	p0 =	sne.s32 s5, $0x8  }
0x9: {  	[sflag:s6] =	ssyncpa.u1 $0x0;
	s5 =	smul.u32 $0xFA0, s5;
	s9 =	simm.s32 @!p0 $0x0  }
0xa: {  	s8 =	sadd.s32 $0x35200, s8;
	[sflag:s10] =	ssyncpa.u1 $0x0;
	s7 =	sadd.s32 s9, s7  }
0xb: {  	vm0 =	vmmov $0xffff;
	s10 =	simm.s32 $0x0;
	s11 =	smov.u32 s5;
	s9 =	sadd.s32 $0x1, s7  }
.LBB2_4:
0xc: {  	v2 =	vnsel vm1, $0x0, v2  }
0xd: {  	vm1 =	vgt.s32 v0, $0x0;
	v2 =	vmin.u32 v2, $0x270FF  }
0xe: {  	v0 =	vnsel vm1, $0x0, v0  }
0xf: {  	v0 =	vmin.u32 v0, $0x270FF  }
0x10: {  	[tilespmem:s18], [sflag:$0x1] =	stream.indirect_vreg.gather [hbm4b:s2+s10], $0x1, v1, vm0, $0x4038;
	[tilespmem:$0x3E80] =	vst v63  }
0x11: {  	(ifvalue) =	ssetifvalue $0x7FFFFFFF  }
0x12: {  	[tilespmem:s15], [sflag:$0x1] =	stream.indirect_vreg.gather [hbm4b:s2+s10], $0x1, v2, vm0, $0x4038;
	[tilespmem:$0x3E80] =	vst v63  }
0x13: {  	s29 =	sadd.s32 $0x10, s15;
	(ifvalue) =	ssetifvalue $0x7FFFFFFF  }
0x14: {  	[tilespmem:s29], [sflag:$0x1] =	stream.indirect_vreg.gather [hbm4b:s2+s10], $0x1, v0, vm0, $0x4038;
	[tilespmem:$0x3E80] =	vst v63  }
0x15: {  	_ =	swait.ge [sflag:s4], $0xFA0  }
0x16: {  	s30 =	sshrl.u32 s13, $0x3;
	[sflag:s4] =	ssyncset.done $0x0  }
0x17: {  	s31 =	sand.u32 $0x7, s13;
	s15 =	sadd.s32 s8, s30;
	[sflag:s4] =	ssyncadd.s32 $0xFFFFF060  }
0x18: {  	[hbm4b:s15+s31] =	stream.linear.scatter [tilespmem:s14], [sflag:$0x3], $0xFA0, $0x38;
	[tilespmem:$0x3E80] =	vst v63  }
.LBB2_5:
0x19: {  	s15 =	sadd.s32 $0x1F400, s11  }
0x1a: {  	p1 =	sgt.s32 s15, $0x270FF  }
0x1b: {  	s15 =	smov.u32 @p1 s5;
	p1 =	sne.s32 s12, s9  }
.Ltmp1:
0x1c: {  	p0 =	slt.u32 s12, $0x2;
	(pc) =	sbr.rel @!p1 .LBB2_6-.Ltmp1, $4  }
0x1d: {  	s14 =	simm.s32 @!p0 $0x3  }
0x1e: {  	_ =	swait.ge @!p0 [sflag:s14], $0xFA0  }
0x1f: {  	s16 =	sadd.s32 $0x1, s12;
	s13 =	smov.u32 s11;
	[sflag:s14] =	ssyncset.done @!p0 $0x0  }
0x20: {  	s12 =	smov.u32 s16;
	s11 =	smov.u32 s15;
	[sflag:s14] =	ssyncadd.s32 @!p0 $0xFFFFF060  }
.LBB2_1:
0x21: {  	p0 =	sge.u32 s12, s7  }
0x22: {  	s14 =	sxor.u32 @!p0 $0x1, s12  }
0x23: {  	s14 =	smul.u32 @!p0 $0x3E80, s14  }
0x24: {  	s31 =	sadd.s32 $0xFFFFFFFF, s12;
	s15 =	sshrl.u32 @!p0 s11, $0x3  }
0x25: {  	s16 =	sand.u32 @!p0 $0x7, s11;
	s15 =	sadd.s32 @!p0 s3, s15;
	s14 =	sshra.s32 @!p0 s14, $0x2  }
0x26: {  	[tilespmem:s14], [sflag:$0x2] =	stream.linear.gather @!p0 [hbm4b:s15+s16], $0xFA0, $0x38;
	[tilespmem:$0x3E80] =	vst v63  }
0x27: {  	p0 =	sge.u32 s31, s7  }
.Ltmp2:
0x28: {  	_ = 	snop;
	(pc) =	sbr.rel @p0 .LBB2_5-.Ltmp2, $1  }
0x29: {  	_ =	sdelay $0x3  }
0x2a: {  	s14 =	sand.u32 $0x1, s12  }
0x2b: {  	_ =	swait.ge [sflag:s6], $0xFA0;
	p0 =	seq.s32 s14, $0x1;
	s14 =	simm.s32 $0xFA0  }
0x2c: {  	[sflag:s6] =	ssyncset.done $0x0;
	s14 =	simm.s32 @!p0 $0x0  }
0x2d: {  	[sflag:s6] =	ssyncadd.s32 $0xFFFFF060;
	(ifvalue) =	ssetifvalue $0x7FFFFFFF;
	v0 =	vld.msk [tilespmem:s14+$0x0 ss:$0x1], $0xffff;
	_ =	sdelay $0x4  }
0x2e: {  	s15 =	sadd.s32 $0x10, s14;
	vm1 =	vgt.s32 v0, $0x0  }
0x2f: {  	v2 =	vld.msk [tilespmem:s15+$0x0 ss:$0x1], $0xffff;
	v1 =	vnsel vm1, $0x0, v0  }
0x30: {  	v1 =	vmin.u32 v1, $0x270FF;
	_ =	sdelay $0x2  }
0x31: {  	s17 =	simm.s32 $0x20;
	s14 =	sadd.s32 $0x1F40, s14;
	s16 =	sadd.s32 $0x10, s15  }
0x32: {  	s15 =	sadd.s32 $0x10, s14;
	s18 =	smov.u32 s14;
	v0 =	vld.msk [tilespmem:s16+$0x0 ss:$0x1], $0xffff;
	vm1 =	vgt.s32 v2, $0x0;
	(ifvalue) =	ssetifvalue $0x7FFFFFFF  }
.LBB2_3:
0x33: {  	[tilespmem:s18], [sflag:$0x1] =	stream.indirect_vreg.gather [hbm4b:s2+s10], $0x1, v1, vm0, $0x4038;
	[tilespmem:$0x3E80] =	vst v63  }
0x34: {  	s17 =	sadd.s32 $0x10, s17  }
0x35: {  	v2 =	vnsel vm1, $0x0, v2;
	p0 =	slt.u32 s17, $0xF90  }
.Ltmp3:
0x36: {  	s18 =	smov.u32 s15;
	v1 =	vmin.u32 v2, $0x270FF;
	(pc) =	sbr.rel @p0 .LBB2_3-.Ltmp3, $3  }
0x37: {  	_ =	sdelay $0x1  }
0x38: {  	s16 =	sadd.s32 $0x10, s16  }
0x39: {  	vm1 =	vgt.s32 v0, $0x0;
	s15 =	sadd.s32 $0x10, s15;
	v2 =	vmov v0;
	(ifvalue) =	ssetifvalue $0x7FFFFFFF;
	v0 =	vld.msk [tilespmem:s16+$0x0 ss:$0x1], $0xffff  }
.Ltmp4:
0x3a: {  	_ = 	snop;
	(pc) =	sbr.rel .LBB2_4-.Ltmp4, $1  }
0x3b: {  	_ =	sdelay $0x3  }
.LBB2_6:
0x3c: {  	_ =	sfence.sel $0x180000  }
0x3d: {  	s2 =	simm.s32 $0x2;
	[bflag:$0x0] =	sbarrier.arrive $0xFFFF  }
0x3e: {  	s30 =	simm.s32 $0x3;
	[sflag:s2] =	ssyncpa.u1 $0x1  }
0x3f: {  	s31 =	simm.s32 $0x1;
	[sflag:s30] =	ssyncpa.u1 $0x1  }
0x40: {  	[sflag:s31] =	ssyncpa.u1 $0x1  }
0x41: {  	p0 =	sne.s32 s1, $0x0;
	_ =	strace $0x9000004D  }
0x42: {  	s0 =	sadd.s32 @!p0 $0x100000, s0;
	[bflag:$0x2] =	sbarrier.arrive $0xFFFF  }
0x43: {  	[sflag:s0] =	ssyncadd.tile.s32 @!p0 $0x1;
	_ =	shalt  }
.Lfunc_end2:
_tile_overlayer_lowered:
.L_overlay_start_2:
0x44: {  	(tag) =	ssettag $0x2  }
0x45: {  	s0 =	rddreg [dreg:$0x0];
	s2 =	stileid.u32  }
0x46: {  	s1 =	rddreg [dreg:$0x1];
	p0 =	sne.s32 s2, $0x0  }
0x47: {  	s3 =	rddreg [dreg:$0x2];
	[bflag:$0x3] =	sbarrier.arrive $0xFFFF;
	s2 =	simm.s32 @!p0 $0x1C01  }
0x48: {  	[timem:s3], [sflag:s2] =	dma.local @!p0 [hbm:s0], s1  }
0x49: {  	s0 =	simm.s32 @!p0 $0x1  }
0x4a: {  	_ =	swait.ge @!p0 [sflag:s0], s1  }
0x4b: {  	s1 =	ssub.s32 @!p0 $0x0, s1;
	[sflag:s0] =	ssyncset.done @!p0 $0x0  }
0x4c: {  	[sflag:s0] =	ssyncadd.s32 @!p0 s1  }
0x4d: {  	[bflag:$0x3] =	sbarrier.arrive $0xFFFF  }
0x4e: {  	_ =	shalt  }

// kernel: gather_offload_async_start.2
scs
__scs_entry_jumppad:
0x0: {  	(pc) =	sbr.rel $0x88, $3  }
0x1: {  	(tag) =	ssettag $0x0;
	lr =	simm.s32 $0x1  }
0x2: {  	[smem:$0x3F87] =	sst lr;
	_ =	strace $0xD0000000  }
0x3: {  	_ = 	snop  }
0x4: {  	_ = 	snop  }
0x5: {  	_ = 	snop  }
0x6: {  	_ = 	snop  }
0x7: {  	_ = 	snop  }
__scs_overlays_trampoline_lowered:
0x8: {  	[smem:$0x3F96] =	sst s0  }
0x9: {  	[smem:$0x3F97] =	sst s1  }
0xa: {  	[smem:$0x3F98] =	sst s2  }
0xb: {  	[smem:$0x3F99] =	sst s3  }
0xc: {  	[smem:$0x3F9A] =	sst s4  }
0xd: {  	[smem:$0x3F9B] =	sst s5  }
0xe: {  	[smem:$0x3F9C] =	sst s6  }
0xf: {  	[smem:$0x3F9D] =	sst s7  }
0x10: {  	[smem:$0x3F9E] =	sst s8  }
0x11: {  	[smem:$0x3F9F] =	sst s9;
	s0 =	simm.s32 @!p0 $0x0  }
0x12: {  	s1 =	sld [smem:$0x3F85];
	s0 =	simm.s32 @p0 $0x1  }
0x13: {  	[smem:$0x3FA0] =	sst s0;
	s0 =	simm.s32 @!p1 $0x0  }
0x14: {  	s2 =	sld [smem:$0x3F84];
	s0 =	simm.s32 @p1 $0x1  }
0x15: {  	[smem:$0x3FA1] =	sst s0;
	s0 =	simm.s32 @!p2 $0x0  }
0x16: {  	s3 =	sld [smem:$0x3FDB];
	s0 =	simm.s32 @p2 $0x1  }
0x17: {  	s4 =	simm.s32 $0x1BF5;
	[smem:$0x3FA3] =	sst s0  }
0x18: {  	s0 =	sld [smem:$0x3F86];
	_ =	swait.ge [sflag:s4], $0x0  }
0x19: {  	s7 =	sld [smem:$0x3F87]  }
0x1a: {  	s8 =	sadd.s32 $0xFFFFE003, lr  }
0x1b: {  	s9 =	sadd.s32 $0xFFFFFEF7, lr;
	s5 =	simm.s32 $0xFFFFFFFF;
	p2 =	slt.u32 s8, $0xFFFFF086  }
0x1c: {  	p1 =	slt.u32 s9, $0xF7A;
	s5 =	simm.s32 @!p2 $0x0  }
0x1d: {  	s5 =	simm.s32 @p1 $0x1;
	p0 =	seq.s32 s7, s2  }
0x1e: {  	s7 =	smul.u32 @!p0 $0xF7A, s2;
	p2 =	seq.s32 @!p0 s5, $0x0  }
0x1f: {  	s9 =	smul.u32 $0xF7A, s1;
	s8 =	simm.s32 @!p0 $0x1BF5;
	p2 =	por !p2, p0  }
0x20: {  	[sflag:s8] =	ssyncset.s32 @!p0 $0xFFFFF086;
	s6 =	sadd.s32 @!p0 s3, s7;
	s7 =	simm.s32 @!p0 $0x108  }
0x21: {  	s3 =	sadd.s32 s3, s9;
	s6 =	sadd.s32 @!p0 $0x88, s6;
	s7 =	simm.s32 @p2 $0x1082  }
0x22: {  	[simem:s7], [sflag:s8] =	dma.local @!p0 [hbm:s6], $0xF7A  }
0x23: {  	s9 =	sor.u32 $0xD0000000, s2;
	s6 =	simm.s32 $0x108;
	_ =	swait.ge @!p0 [sflag:s8], $0x0  }
0x24: {  	s3 =	sadd.s32 $0x88, s3;
	s6 =	simm.s32 @!p1 $0x1082;
	[sflag:s4] =	ssyncset.s32 $0xFFFFF086  }
0x25: {  	[simem:s6], [sflag:s4] =	dma.local [hbm:s3], $0xF7A  }
0x26: {  	[smem:$0x3F87] =	sst s1;
	(tag) =	ssettag s2;
	_ =	strace s9  }
0x27: {  	s1 =	sld [smem:$0x3F97]  }
0x28: {  	s2 =	sld [smem:$0x3F98]  }
0x29: {  	s4 =	sld [smem:$0x3F9A]  }
0x2a: {  	p0 =	seq.s32 s5, $0x0;
	s5 =	sld [smem:$0x3F9B]  }
0x2b: {  	s6 =	sld [smem:$0x3F9C]  }
0x2c: {  	s7 =	sld [smem:$0x3F9D]  }
0x2d: {  	s3 =	simm.s32 $0x108;
	s8 =	sld [smem:$0x3F9E]  }
0x2e: {  	s3 =	simm.s32 @!p0 $0x1082;
	s9 =	sld [smem:$0x3F9F]  }
0x2f: {  	lr =	sadd.s32 s0, s3;
	s0 =	sld [smem:$0x3F96]  }
0x30: {  	s3 =	sld [smem:$0x3F99]  }
0x31: {  	[smem:$0x3FA2] =	sst s10  }
0x32: {  	s10 =	sld [smem:$0x3FA0];
	_ =	sdelay $0x3  }
0x33: {  	p0 =	seq.s32 s10, $0x1;
	s10 =	sld [smem:$0x3FA2];
	_ =	sdelay $0x3  }
0x34: {  	[smem:$0x3FA2] =	sst s10  }
0x35: {  	s10 =	sld [smem:$0x3FA1];
	_ =	sdelay $0x3  }
0x36: {  	p1 =	seq.s32 s10, $0x1;
	s10 =	sld [smem:$0x3FA2];
	_ =	sdelay $0x3  }
0x37: {  	[smem:$0x3FA2] =	sst s10  }
0x38: {  	s10 =	sld [smem:$0x3FA3]  }
0x39: {  	_ = 	snop;
	(pc) =	sbr.ind lr, $3  }
0x3a: {  	_ = 	snop  }
0x3b: {  	_ = 	snop  }
0x3c: {  	p2 =	seq.s32 s10, $0x1;
	s10 =	sld [smem:$0x3FA2]  }
0x3d: {  	_ =	shalt  }
0x3e: {  	_ =	shalt  }
0x3f: {  	_ =	shalt  }
0x40: {  	_ =	shalt  }
0x41: {  	_ =	shalt  }
0x42: {  	_ =	shalt  }
0x43: {  	_ =	shalt  }
0x44: {  	_ =	shalt  }
0x45: {  	_ =	shalt  }
0x46: {  	_ =	shalt  }
0x47: {  	_ =	shalt  }
0x48: {  	_ =	shalt  }
0x49: {  	_ =	shalt  }
0x4a: {  	_ =	shalt  }
0x4b: {  	_ =	shalt  }
0x4c: {  	_ =	shalt  }
0x4d: {  	_ =	shalt  }
0x4e: {  	_ =	shalt  }
0x4f: {  	_ =	shalt  }
0x50: {  	_ =	shalt  }
0x51: {  	_ =	shalt  }
0x52: {  	_ =	shalt  }
0x53: {  	_ =	shalt  }
0x54: {  	_ =	shalt  }
0x55: {  	_ =	shalt  }
0x56: {  	_ =	shalt  }
0x57: {  	_ =	shalt  }
0x58: {  	_ =	shalt  }
0x59: {  	_ =	shalt  }
0x5a: {  	_ =	shalt  }
0x5b: {  	_ =	shalt  }
0x5c: {  	_ =	shalt  }
0x5d: {  	_ =	shalt  }
0x5e: {  	_ =	shalt  }
0x5f: {  	_ =	shalt  }
0x60: {  	_ =	shalt  }
0x61: {  	_ =	shalt  }
0x62: {  	_ =	shalt  }
0x63: {  	_ =	shalt  }
0x64: {  	_ =	shalt  }
0x65: {  	_ =	shalt  }
0x66: {  	_ =	shalt  }
0x67: {  	_ =	shalt  }
0x68: {  	_ =	shalt  }
0x69: {  	_ =	shalt  }
0x6a: {  	_ =	shalt  }
0x6b: {  	_ =	shalt  }
0x6c: {  	_ =	shalt  }
0x6d: {  	_ =	shalt  }
0x6e: {  	_ =	shalt  }
0x6f: {  	_ =	shalt  }
0x70: {  	_ =	shalt  }
0x71: {  	_ =	shalt  }
0x72: {  	_ =	shalt  }
0x73: {  	_ =	shalt  }
0x74: {  	_ =	shalt  }
0x75: {  	_ =	shalt  }
0x76: {  	_ =	shalt  }
0x77: {  	_ =	shalt  }
0x78: {  	_ =	shalt  }
0x79: {  	_ =	shalt  }
0x7a: {  	_ =	shalt  }
0x7b: {  	_ =	shalt  }
0x7c: {  	_ =	shalt  }
0x7d: {  	_ =	shalt  }
0x7e: {  	_ =	shalt  }
0x7f: {  	_ =	shalt  }
0x80: {  	_ =	shalt  }
0x81: {  	_ =	shalt  }
0x82: {  	_ =	shalt  }
0x83: {  	_ =	shalt  }
0x84: {  	_ =	shalt  }
0x85: {  	_ =	shalt  }
0x86: {  	_ =	shalt  }
0x87: {  	_ =	shalt  }
.Lfunc_end0:
.L_simem_size_0:
called_computation.2_lowered:
.L_overlay_start_0:
0x88: {  	s0 =	sld [smem:$0x3FD9]  }
0x89: {  	s1 =	sld [smem:$0x3FFE];
	_ =	sdelay $0x3  }
0x8a: {  	s0 =	sadd.s32 s1, s0  }
0x8b: {  	[smem:$0x3FAE] =	sst s0  }
0x8c: {  	_ = 	snop  }
0x8d: {  	s0 =	sld [smem:$0x3FD0];
	_ =	sdelay $0x2  }
0x8e: {  	s13 =	simm.s32 $0xA;
	s2 =	simm.s32 $0x10  }
0x8f: {  	[smem:s2], [sflag:s13] =	dma.local [hbm:s0], $0x1  }
0x90: {  	_ =	swait.eq [sflag:s13], $0x1  }
0x91: {  	[sflag:s13] =	ssyncset.done $0x0  }
0x92: {  	[sflag:s13] =	ssyncadd.s32 $0xFFFFFFFF  }
0x93: {  	s14 =	sld [smem:$0x10];
	(tm) =	ssettm $0x1  }
0x94: {  	s15 =	sld [smem:$0x3FFB];
	_ =	sdelay $0x3  }
0x95: {  	_ =	strace s15  }
0x96: {  	s1 =	sld [smem:$0x3FFC];
	_ =	sdelay $0x3  }
0x97: {  	_ =	strace s1  }
0x98: {  	s1 =	sld [smem:$0x3FFD];
	_ =	sdelay $0x3  }
0x99: {  	_ =	strace s1  }
0x9a: {  	_ =	strace $0x8FFFFFFF  }
0x9b: {  	s16 =	sld [smem:$0x3FDB];
	_ =	sdelay $0x1  }
0x9c: {  	s17 =	simm.s32 $_scs_section_size  }
0x9d: {  	s3 =	simm.s32 $_size__tile_overlayer_lowered;
	s4 =	simm.s32 $_tile_overlayer_lowered  }
0x9e: {  	s20 =	simm.s32 $0x1BFF;
	s19 =	sshll.u32 s4, $0x1;
	s1 =	sadd.s32 s17, s16  }
0x9f: {  	s5 =	simm.s32 $0x0;
	s18 =	sshll.u32 s3, $0x1;
	s3 =	sadd.s32 s19, s1  }
0xa0: {  	[timem:s5], [sflag:s20] =	dma.local [hbm:s3], s18  }
0xa1: {  	_ =	swait.ge [sflag:s20], s18  }
0xa2: {  	s2 =	ssub.s32 $0x0, s18;
	[sflag:s20] =	ssyncset.done $0x0  }
0xa3: {  	[sflag:s20] =	ssyncadd.s32 s2;
	_ =	sdelay $0x1  }
0xa4: {  	s21 =	simm.s32 $0x1B8B  }
0xa5: {  	_ =	swait.ge [sflag:s21], $0x1  }
0xa6: {  	[sflag:s21] =	ssyncset.done $0x0  }
0xa7: {  	s23 =	simm.s32 $0x1B8E;
	s22 =	sld [smem:$0x3FFE];
	[sflag:s21] =	ssyncadd.s32 $0xFFFFFFFF  }
0xa8: {  	s24 =	simm.s32 $execute0_lowered;
	[smem:$0x3FD2] =	sst s23  }
0xa9: {  	s3 =	sshll.u32 s24, $0x1;
	_ =	strace $0x80000049;
	[dreg:$0x1] =	wrdreg $0xFFFFFFFF  }
0xaa: {  	s25 =	simm.s32 $_size_execute0_lowered;
	s1 =	sadd.s32 s1, s3;
	[dreg:$0x0] =	wrdreg $0x0  }
0xab: {  	s3 =	sshll.u32 s25, $0x1;
	[dreg:$0x2] =	wrdreg s1  }
0xac: {  	[dreg:$0x3] =	wrdreg s3  }
0xad: {  	[dreg:$0x4] =	wrdreg $0xC0  }
0xae: {  	_ =	task [dreg:s5], $0x5FFFF  }
0xaf: {  	[dreg:$0x1] =	wrdreg $0xFFFFFFFF  }
0xb0: {  	[dreg:$0x0] =	wrdreg $0x60  }
0xb1: {  	[dreg:$0x2] =	wrdreg s14  }
0xb2: {  	[dreg:$0x3] =	wrdreg s22  }
0xb3: {  	[dreg:$0x4] =	wrdreg $0x9  }
0xb4: {  	_ =	task.clear_ibuf [dreg:s5], $0x5FFFF;
	_ =	strace $0x90000049  }
0xb5: {  	s26 =	simm.s32 $0x9;
	_ =	strace $0x8000004B  }
0xb6: {  	_ =	swait.ge [sflag:s26], $0x1  }
0xb7: {  	[sflag:s26] =	ssyncadd.s32 $0xFFFFFFFF  }
0xb8: {  	_ =	strace $0x9000004B  }
0xb9: {  	_ =	sfence  }
0xba: {  	s28 =	sld [smem:$0x0];
	_ =	sdelay $0x1  }
0xbb: {  	s29 =	srdreg.scid  }
0xbc: {  	s30 =	sshll.u32 s29, $0xD;
	s31 =	sshrl.u32 s29, $0x2  }
0xbd: {  	s2 =	sand.u32 $0x4000, s30;
	s1 =	sand.u32 $0x1, s29;
	s0 =	sadd.s32 s31, s28  }
0xbe: {  	s1 =	sor.u32 s2, s1;
	s0 =	sshll.u32 s0, $0x11  }
0xbf: {  	s0 =	sor.u32 s0, s1  }
0xc0: {  	s0 =	sadd.s32 $0x8F2B, s0  }
0xc1: {  	[sflag:s0] =	ssyncadd.remote.s32 $0x1  }
0xc2: {  	_ =	sfence.sel $0xFFFF  }
0xc3: {  	[dreg:$0x0] =	wrdreg $0xFFFFFFFF;
	(pc) =	sbr.abs _section_cstart, $3  }
0xc4: {  	[dreg:$0x1] =	wrdreg $0xFFFFFFFF  }
0xc5: {  	_ =	task.clear_ibuf [dreg:s5], $0x2FFFF;
	_ =	strace $0x9FFFFFFF  }
0xc6: {  	(tm) =	ssettm $0x7FFFFFFF  }
0xc7: {  	_ =	shalt  }
tec
execute0_lowered:
.L_overlay_start_1:
0x0: {  	(tag) =	ssettag $0x1  }
0x1: {  	s2 =	rddreg [dreg:$0x0]  }
0x2: {  	s8 =	rddreg [dreg:$0x1]  }
0x3: {  	s0 =	rddreg [dreg:$0x2]  }
0x4: {  	_ =	strace $0x8000004A;
	s4 =	simm.s32 $0x1;
	s1 =	stileid.u32  }
0x5: {  	s7 =	simm.s32 $0x1;
	s9 =	simm.s32 $0x1;
	s6 =	simm.s32 $0x2  }
0x6: {  	s10 =	simm.s32 $0x3;
	s13 =	simm.s32 $0x0;
	s12 =	simm.s32 $0x0  }
.Ltmp0:
0x7: {  	s3 =	sadd.s32 $0xC800, s8;
	p0 =	slt.u32 s1, $0xA;
	(pc) =	sbr.rel .LBB2_1-.Ltmp0, $4  }
0x8: {  	[sflag:s4] =	ssyncpa.u1 $0x0;
	s7 =	simm.s32 @!p0 $0x0;
	p0 =	sne.s32 s1, $0x9  }
0x9: {  	s5 =	smul.u32 $0x190, s1;
	[sflag:s6] =	ssyncpa.u1 $0x0;
	s9 =	simm.s32 @!p0 $0x0  }
0xa: {  	s8 =	sadd.s32 $0x35200, s8;
	[sflag:s10] =	ssyncpa.u1 $0x0;
	s7 =	sadd.s32 s9, s7  }
0xb: {  	vm0 =	vmmov $0xffff;
	s10 =	simm.s32 $0x0;
	s11 =	smov.u32 s5;
	s9 =	sadd.s32 $0x1, s7  }
.LBB2_4:
0xc: {  	v2 =	vnsel vm1, $0x0, v2  }
0xd: {  	vm1 =	vgt.s32 v0, $0x0;
	v2 =	vmin.u32 v2, $0x270F  }
0xe: {  	v0 =	vnsel vm1, $0x0, v0  }
0xf: {  	v0 =	vmin.u32 v0, $0x270F  }
0x10: {  	[tilespmem:s18], [sflag:$0x1] =	stream.indirect_vreg.gather [hbm4b:s2+s10], $0x1, v1, vm0, $0x4038;
	[tilespmem:$0x640] =	vst v63  }
0x11: {  	(ifvalue) =	ssetifvalue $0x7FFFFFFF  }
0x12: {  	[tilespmem:s15], [sflag:$0x1] =	stream.indirect_vreg.gather [hbm4b:s2+s10], $0x1, v2, vm0, $0x4038;
	[tilespmem:$0x640] =	vst v63  }
0x13: {  	s29 =	sadd.s32 $0x10, s15;
	(ifvalue) =	ssetifvalue $0x7FFFFFFF  }
0x14: {  	[tilespmem:s29], [sflag:$0x1] =	stream.indirect_vreg.gather [hbm4b:s2+s10], $0x1, v0, vm0, $0x4038;
	[tilespmem:$0x640] =	vst v63  }
0x15: {  	_ =	swait.ge [sflag:s4], $0x190  }
0x16: {  	s30 =	sshrl.u32 s13, $0x3;
	[sflag:s4] =	ssyncset.done $0x0  }
0x17: {  	s31 =	sand.u32 $0x7, s13;
	s15 =	sadd.s32 s8, s30;
	[sflag:s4] =	ssyncadd.s32 $0xFFFFFE70  }
0x18: {  	[hbm4b:s15+s31] =	stream.linear.scatter [tilespmem:s14], [sflag:$0x3], $0x190, $0x38;
	[tilespmem:$0x640] =	vst v63  }
.LBB2_5:
0x19: {  	s15 =	sadd.s32 $0x1900, s11  }
0x1a: {  	p1 =	sgt.s32 s15, $0x270F  }
0x1b: {  	s15 =	smov.u32 @p1 s5;
	p1 =	sne.s32 s12, s9  }
.Ltmp1:
0x1c: {  	p0 =	slt.u32 s12, $0x2;
	(pc) =	sbr.rel @!p1 .LBB2_6-.Ltmp1, $4  }
0x1d: {  	s14 =	simm.s32 @!p0 $0x3  }
0x1e: {  	_ =	swait.ge @!p0 [sflag:s14], $0x190  }
0x1f: {  	s16 =	sadd.s32 $0x1, s12;
	s13 =	smov.u32 s11;
	[sflag:s14] =	ssyncset.done @!p0 $0x0  }
0x20: {  	s12 =	smov.u32 s16;
	s11 =	smov.u32 s15;
	[sflag:s14] =	ssyncadd.s32 @!p0 $0xFFFFFE70  }
.LBB2_1:
0x21: {  	p0 =	sge.u32 s12, s7  }
0x22: {  	s14 =	sxor.u32 @!p0 $0x1, s12  }
0x23: {  	s14 =	smul.u32 @!p0 $0x640, s14  }
0x24: {  	s31 =	sadd.s32 $0xFFFFFFFF, s12;
	s15 =	sshrl.u32 @!p0 s11, $0x3  }
0x25: {  	s16 =	sand.u32 @!p0 $0x7, s11;
	s15 =	sadd.s32 @!p0 s3, s15;
	s14 =	sshra.s32 @!p0 s14, $0x2  }
0x26: {  	[tilespmem:s14], [sflag:$0x2] =	stream.linear.gather @!p0 [hbm4b:s15+s16], $0x190, $0x38;
	[tilespmem:$0x640] =	vst v63  }
0x27: {  	p0 =	sge.u32 s31, s7  }
.Ltmp2:
0x28: {  	_ = 	snop;
	(pc) =	sbr.rel @p0 .LBB2_5-.Ltmp2, $1  }
0x29: {  	_ =	sdelay $0x3  }
0x2a: {  	s14 =	sand.u32 $0x1, s12  }
0x2b: {  	_ =	swait.ge [sflag:s6], $0x190;
	p0 =	seq.s32 s14, $0x1;
	s14 =	simm.s32 $0x190  }
0x2c: {  	[sflag:s6] =	ssyncset.done $0x0;
	s14 =	simm.s32 @!p0 $0x0  }
0x2d: {  	[sflag:s6] =	ssyncadd.s32 $0xFFFFFE70;
	(ifvalue) =	ssetifvalue $0x7FFFFFFF;
	v0 =	vld.msk [tilespmem:s14+$0x0 ss:$0x1], $0xffff;
	_ =	sdelay $0x4  }
0x2e: {  	s15 =	sadd.s32 $0x10, s14;
	vm1 =	vgt.s32 v0, $0x0  }
0x2f: {  	v2 =	vld.msk [tilespmem:s15+$0x0 ss:$0x1], $0xffff;
	v1 =	vnsel vm1, $0x0, v0  }
0x30: {  	v1 =	vmin.u32 v1, $0x270F;
	_ =	sdelay $0x2  }
0x31: {  	s17 =	simm.s32 $0x20;
	s14 =	sadd.s32 $0x320, s14;
	s16 =	sadd.s32 $0x10, s15  }
0x32: {  	s15 =	sadd.s32 $0x10, s14;
	s18 =	smov.u32 s14;
	v0 =	vld.msk [tilespmem:s16+$0x0 ss:$0x1], $0xffff;
	vm1 =	vgt.s32 v2, $0x0;
	(ifvalue) =	ssetifvalue $0x7FFFFFFF  }
.LBB2_3:
0x33: {  	[tilespmem:s18], [sflag:$0x1] =	stream.indirect_vreg.gather [hbm4b:s2+s10], $0x1, v1, vm0, $0x4038;
	[tilespmem:$0x640] =	vst v63  }
0x34: {  	s17 =	sadd.s32 $0x10, s17  }
0x35: {  	v2 =	vnsel vm1, $0x0, v2;
	p0 =	slt.u32 s17, $0x180  }
.Ltmp3:
0x36: {  	s18 =	smov.u32 s15;
	v1 =	vmin.u32 v2, $0x270F;
	(pc) =	sbr.rel @p0 .LBB2_3-.Ltmp3, $3  }
0x37: {  	_ =	sdelay $0x1  }
0x38: {  	s16 =	sadd.s32 $0x10, s16  }
0x39: {  	vm1 =	vgt.s32 v0, $0x0;
	s15 =	sadd.s32 $0x10, s15;
	v2 =	vmov v0;
	(ifvalue) =	ssetifvalue $0x7FFFFFFF;
	v0 =	vld.msk [tilespmem:s16+$0x0 ss:$0x1], $0xffff  }
.Ltmp4:
0x3a: {  	_ = 	snop;
	(pc) =	sbr.rel .LBB2_4-.Ltmp4, $1  }
0x3b: {  	_ =	sdelay $0x3  }
.LBB2_6:
0x3c: {  	_ =	sfence.sel $0x180000  }
0x3d: {  	s2 =	simm.s32 $0x2;
	[bflag:$0x0] =	sbarrier.arrive $0xFFFF  }
0x3e: {  	s30 =	simm.s32 $0x3;
	[sflag:s2] =	ssyncpa.u1 $0x1  }
0x3f: {  	s31 =	simm.s32 $0x1;
	[sflag:s30] =	ssyncpa.u1 $0x1  }
0x40: {  	[sflag:s31] =	ssyncpa.u1 $0x1  }
0x41: {  	p0 =	sne.s32 s1, $0x0;
	_ =	strace $0x9000004A  }
0x42: {  	s0 =	sadd.s32 @!p0 $0x100000, s0;
	[bflag:$0x2] =	sbarrier.arrive $0xFFFF  }
0x43: {  	[sflag:s0] =	ssyncadd.tile.s32 @!p0 $0x1;
	_ =	shalt  }
.Lfunc_end2:
_tile_overlayer_lowered:
.L_overlay_start_2:
0x44: {  	(tag) =	ssettag $0x2  }
0x45: {  	s0 =	rddreg [dreg:$0x0];
	s2 =	stileid.u32  }
0x46: {  	s1 =	rddreg [dreg:$0x1];
	p0 =	sne.s32 s2, $0x0  }
0x47: {  	s3 =	rddreg [dreg:$0x2];
	[bflag:$0x3] =	sbarrier.arrive $0xFFFF;
	s2 =	simm.s32 @!p0 $0x1C01  }
0x48: {  	[timem:s3], [sflag:s2] =	dma.local @!p0 [hbm:s0], s1  }
0x49: {  	s0 =	simm.s32 @!p0 $0x1  }
0x4a: {  	_ =	swait.ge @!p0 [sflag:s0], s1  }
0x4b: {  	s1 =	ssub.s32 @!p0 $0x0, s1;
	[sflag:s0] =	ssyncset.done @!p0 $0x0  }
0x4c: {  	[sflag:s0] =	ssyncadd.s32 @!p0 s1  }
0x4d: {  	[bflag:$0x3] =	sbarrier.arrive $0xFFFF  }
0x4e: {  	_ =	shalt  }

// kernel: gather_offload_async_start.3
scs
__scs_entry_jumppad:
0x0: {  	(pc) =	sbr.rel $0x88, $3  }
0x1: {  	(tag) =	ssettag $0x0;
	lr =	simm.s32 $0x1  }
0x2: {  	[smem:$0x3F87] =	sst lr;
	_ =	strace $0xD0000000  }
0x3: {  	_ = 	snop  }
0x4: {  	_ = 	snop  }
0x5: {  	_ = 	snop  }
0x6: {  	_ = 	snop  }
0x7: {  	_ = 	snop  }
__scs_overlays_trampoline_lowered:
0x8: {  	[smem:$0x3F96] =	sst s0  }
0x9: {  	[smem:$0x3F97] =	sst s1  }
0xa: {  	[smem:$0x3F98] =	sst s2  }
0xb: {  	[smem:$0x3F99] =	sst s3  }
0xc: {  	[smem:$0x3F9A] =	sst s4  }
0xd: {  	[smem:$0x3F9B] =	sst s5  }
0xe: {  	[smem:$0x3F9C] =	sst s6  }
0xf: {  	[smem:$0x3F9D] =	sst s7  }
0x10: {  	[smem:$0x3F9E] =	sst s8  }
0x11: {  	[smem:$0x3F9F] =	sst s9;
	s0 =	simm.s32 @!p0 $0x0  }
0x12: {  	s1 =	sld [smem:$0x3F85];
	s0 =	simm.s32 @p0 $0x1  }
0x13: {  	[smem:$0x3FA0] =	sst s0;
	s0 =	simm.s32 @!p1 $0x0  }
0x14: {  	s2 =	sld [smem:$0x3F84];
	s0 =	simm.s32 @p1 $0x1  }
0x15: {  	[smem:$0x3FA1] =	sst s0;
	s0 =	simm.s32 @!p2 $0x0  }
0x16: {  	s3 =	sld [smem:$0x3FDB];
	s0 =	simm.s32 @p2 $0x1  }
0x17: {  	s4 =	simm.s32 $0x1BF5;
	[smem:$0x3FA3] =	sst s0  }
0x18: {  	s0 =	sld [smem:$0x3F86];
	_ =	swait.ge [sflag:s4], $0x0  }
0x19: {  	s7 =	sld [smem:$0x3F87]  }
0x1a: {  	s8 =	sadd.s32 $0xFFFFE003, lr  }
0x1b: {  	s9 =	sadd.s32 $0xFFFFFEF7, lr;
	s5 =	simm.s32 $0xFFFFFFFF;
	p2 =	slt.u32 s8, $0xFFFFF086  }
0x1c: {  	p1 =	slt.u32 s9, $0xF7A;
	s5 =	simm.s32 @!p2 $0x0  }
0x1d: {  	s5 =	simm.s32 @p1 $0x1;
	p0 =	seq.s32 s7, s2  }
0x1e: {  	s7 =	smul.u32 @!p0 $0xF7A, s2;
	p2 =	seq.s32 @!p0 s5, $0x0  }
0x1f: {  	s9 =	smul.u32 $0xF7A, s1;
	s8 =	simm.s32 @!p0 $0x1BF5;
	p2 =	por !p2, p0  }
0x20: {  	[sflag:s8] =	ssyncset.s32 @!p0 $0xFFFFF086;
	s6 =	sadd.s32 @!p0 s3, s7;
	s7 =	simm.s32 @!p0 $0x108  }
0x21: {  	s3 =	sadd.s32 s3, s9;
	s6 =	sadd.s32 @!p0 $0x88, s6;
	s7 =	simm.s32 @p2 $0x1082  }
0x22: {  	[simem:s7], [sflag:s8] =	dma.local @!p0 [hbm:s6], $0xF7A  }
0x23: {  	s9 =	sor.u32 $0xD0000000, s2;
	s6 =	simm.s32 $0x108;
	_ =	swait.ge @!p0 [sflag:s8], $0x0  }
0x24: {  	s3 =	sadd.s32 $0x88, s3;
	s6 =	simm.s32 @!p1 $0x1082;
	[sflag:s4] =	ssyncset.s32 $0xFFFFF086  }
0x25: {  	[simem:s6], [sflag:s4] =	dma.local [hbm:s3], $0xF7A  }
0x26: {  	[smem:$0x3F87] =	sst s1;
	(tag) =	ssettag s2;
	_ =	strace s9  }
0x27: {  	s1 =	sld [smem:$0x3F97]  }
0x28: {  	s2 =	sld [smem:$0x3F98]  }
0x29: {  	s4 =	sld [smem:$0x3F9A]  }
0x2a: {  	p0 =	seq.s32 s5, $0x0;
	s5 =	sld [smem:$0x3F9B]  }
0x2b: {  	s6 =	sld [smem:$0x3F9C]  }
0x2c: {  	s7 =	sld [smem:$0x3F9D]  }
0x2d: {  	s3 =	simm.s32 $0x108;
	s8 =	sld [smem:$0x3F9E]  }
0x2e: {  	s3 =	simm.s32 @!p0 $0x1082;
	s9 =	sld [smem:$0x3F9F]  }
0x2f: {  	lr =	sadd.s32 s0, s3;
	s0 =	sld [smem:$0x3F96]  }
0x30: {  	s3 =	sld [smem:$0x3F99]  }
0x31: {  	[smem:$0x3FA2] =	sst s10  }
0x32: {  	s10 =	sld [smem:$0x3FA0];
	_ =	sdelay $0x3  }
0x33: {  	p0 =	seq.s32 s10, $0x1;
	s10 =	sld [smem:$0x3FA2];
	_ =	sdelay $0x3  }
0x34: {  	[smem:$0x3FA2] =	sst s10  }
0x35: {  	s10 =	sld [smem:$0x3FA1];
	_ =	sdelay $0x3  }
0x36: {  	p1 =	seq.s32 s10, $0x1;
	s10 =	sld [smem:$0x3FA2];
	_ =	sdelay $0x3  }
0x37: {  	[smem:$0x3FA2] =	sst s10  }
0x38: {  	s10 =	sld [smem:$0x3FA3]  }
0x39: {  	_ = 	snop;
	(pc) =	sbr.ind lr, $3  }
0x3a: {  	_ = 	snop  }
0x3b: {  	_ = 	snop  }
0x3c: {  	p2 =	seq.s32 s10, $0x1;
	s10 =	sld [smem:$0x3FA2]  }
0x3d: {  	_ =	shalt  }
0x3e: {  	_ =	shalt  }
0x3f: {  	_ =	shalt  }
0x40: {  	_ =	shalt  }
0x41: {  	_ =	shalt  }
0x42: {  	_ =	shalt  }
0x43: {  	_ =	shalt  }
0x44: {  	_ =	shalt  }
0x45: {  	_ =	shalt  }
0x46: {  	_ =	shalt  }
0x47: {  	_ =	shalt  }
0x48: {  	_ =	shalt  }
0x49: {  	_ =	shalt  }
0x4a: {  	_ =	shalt  }
0x4b: {  	_ =	shalt  }
0x4c: {  	_ =	shalt  }
0x4d: {  	_ =	shalt  }
0x4e: {  	_ =	shalt  }
0x4f: {  	_ =	shalt  }
0x50: {  	_ =	shalt  }
0x51: {  	_ =	shalt  }
0x52: {  	_ =	shalt  }
0x53: {  	_ =	shalt  }
0x54: {  	_ =	shalt  }
0x55: {  	_ =	shalt  }
0x56: {  	_ =	shalt  }
0x57: {  	_ =	shalt  }
0x58: {  	_ =	shalt  }
0x59: {  	_ =	shalt  }
0x5a: {  	_ =	shalt  }
0x5b: {  	_ =	shalt  }
0x5c: {  	_ =	shalt  }
0x5d: {  	_ =	shalt  }
0x5e: {  	_ =	shalt  }
0x5f: {  	_ =	shalt  }
0x60: {  	_ =	shalt  }
0x61: {  	_ =	shalt  }
0x62: {  	_ =	shalt  }
0x63: {  	_ =	shalt  }
0x64: {  	_ =	shalt  }
0x65: {  	_ =	shalt  }
0x66: {  	_ =	shalt  }
0x67: {  	_ =	shalt  }
0x68: {  	_ =	shalt  }
0x69: {  	_ =	shalt  }
0x6a: {  	_ =	shalt  }
0x6b: {  	_ =	shalt  }
0x6c: {  	_ =	shalt  }
0x6d: {  	_ =	shalt  }
0x6e: {  	_ =	shalt  }
0x6f: {  	_ =	shalt  }
0x70: {  	_ =	shalt  }
0x71: {  	_ =	shalt  }
0x72: {  	_ =	shalt  }
0x73: {  	_ =	shalt  }
0x74: {  	_ =	shalt  }
0x75: {  	_ =	shalt  }
0x76: {  	_ =	shalt  }
0x77: {  	_ =	shalt  }
0x78: {  	_ =	shalt  }
0x79: {  	_ =	shalt  }
0x7a: {  	_ =	shalt  }
0x7b: {  	_ =	shalt  }
0x7c: {  	_ =	shalt  }
0x7d: {  	_ =	shalt  }
0x7e: {  	_ =	shalt  }
0x7f: {  	_ =	shalt  }
0x80: {  	_ =	shalt  }
0x81: {  	_ =	shalt  }
0x82: {  	_ =	shalt  }
0x83: {  	_ =	shalt  }
0x84: {  	_ =	shalt  }
0x85: {  	_ =	shalt  }
0x86: {  	_ =	shalt  }
0x87: {  	_ =	shalt  }
.Lfunc_end0:
.L_simem_size_0:
called_computation.3_lowered:
.L_overlay_start_0:
0x88: {  	s2 =	sld [smem:$0x3FD9]  }
0x89: {  	s3 =	sld [smem:$0x3FFE];
	_ =	sdelay $0x1  }
0x8a: {  	s1 =	srdreg.scid  }
0x8b: {  	s0 =	sand.u32 $0x1, s1  }
0x8c: {  	s14 =	sshll.u32 s0, $0xA;
	s2 =	sadd.s32 s3, s2  }
0x8d: {  	s2 =	sadd.s32 s2, s14  }
0x8e: {  	[smem:$0x3FAE] =	sst s2  }
0x8f: {  	_ = 	snop  }
0x90: {  	s2 =	sld [smem:$0x3FD0];
	_ =	sdelay $0x2  }
0x91: {  	s15 =	simm.s32 $0xA;
	s4 =	simm.s32 $0x10  }
0x92: {  	[smem:s4], [sflag:s15] =	dma.local [hbm:s2], $0x1  }
0x93: {  	_ =	swait.eq [sflag:s15], $0x1  }
0x94: {  	[sflag:s15] =	ssyncset.done $0x0  }
0x95: {  	s16 =	sld [smem:$0x10];
	[sflag:s15] =	ssyncadd.s32 $0xFFFFFFFF  }
0x96: {  	s17 =	sld [smem:$0x11];
	(tm) =	ssettm $0x1  }
0x97: {  	s18 =	sld [smem:$0x3FFB];
	_ =	sdelay $0x3  }
0x98: {  	_ =	strace s18  }
0x99: {  	s4 =	sld [smem:$0x3FFC];
	_ =	sdelay $0x3  }
0x9a: {  	_ =	strace s4  }
0x9b: {  	s4 =	sld [smem:$0x3FFD];
	_ =	sdelay $0x3  }
0x9c: {  	_ =	strace s4  }
0x9d: {  	_ =	strace $0x8FFFFFFF  }
0x9e: {  	s19 =	sld [smem:$0x3FDB];
	_ =	sdelay $0x1  }
0x9f: {  	s5 =	simm.s32 $_scs_section_size  }
0xa0: {  	s6 =	simm.s32 $_size__tile_overlayer_lowered;
	s7 =	simm.s32 $_tile_overlayer_lowered  }
0xa1: {  	s22 =	simm.s32 $0x1BFF;
	s21 =	sshll.u32 s7, $0x1;
	s4 =	sadd.s32 s5, s19  }
0xa2: {  	s8 =	simm.s32 $0x0;
	s20 =	sshll.u32 s6, $0x1;
	s6 =	sadd.s32 s21, s4  }
0xa3: {  	[timem:s8], [sflag:s22] =	dma.local [hbm:s6], s20  }
0xa4: {  	_ =	swait.ge [sflag:s22], s20  }
0xa5: {  	s5 =	ssub.s32 $0x0, s20;
	[sflag:s22] =	ssyncset.done $0x0  }
0xa6: {  	[sflag:s22] =	ssyncadd.s32 s5;
	_ =	sdelay $0x1  }
0xa7: {  	s23 =	simm.s32 $0x1B8B  }
0xa8: {  	_ =	swait.ge [sflag:s23], $0x1  }
0xa9: {  	[sflag:s23] =	ssyncset.done $0x0  }
0xaa: {  	s25 =	simm.s32 $0x1B8E;
	s24 =	sld [smem:$0x3FFE];
	[sflag:s23] =	ssyncadd.s32 $0xFFFFFFFF  }
0xab: {  	s26 =	simm.s32 $execute0_lowered;
	[smem:$0x3FD2] =	sst s25  }
0xac: {  	s6 =	sshll.u32 s26, $0x1;
	_ =	strace $0x8000004F;
	[dreg:$0x1] =	wrdreg $0xFFFFFFFF  }
0xad: {  	s28 =	simm.s32 $_size_execute0_lowered;
	s4 =	sadd.s32 s4, s6;
	[dreg:$0x0] =	wrdreg $0x0  }
0xae: {  	s6 =	sshll.u32 s28, $0x1;
	[dreg:$0x2] =	wrdreg s4  }
0xaf: {  	[dreg:$0x3] =	wrdreg s6  }
0xb0: {  	[dreg:$0x4] =	wrdreg $0xC0  }
0xb1: {  	_ =	task [dreg:s8], $0x5FFFF  }
0xb2: {  	[dreg:$0x1] =	wrdreg $0xFFFFFFFF  }
0xb3: {  	[dreg:$0x0] =	wrdreg $0x60  }
0xb4: {  	[dreg:$0x2] =	wrdreg s24  }
0xb5: {  	[dreg:$0x3] =	wrdreg s17  }
0xb6: {  	[dreg:$0x4] =	wrdreg s16  }
0xb7: {  	[dreg:$0x5] =	wrdreg $0x9  }
0xb8: {  	_ =	task.clear_ibuf [dreg:s8], $0x6FFFF;
	_ =	strace $0x9000004F  }
0xb9: {  	s29 =	simm.s32 $0x9;
	_ =	strace $0x80000051  }
0xba: {  	_ =	swait.ge [sflag:s29], $0x1  }
0xbb: {  	[sflag:s29] =	ssyncadd.s32 $0xFFFFFFFF  }
0xbc: {  	_ =	strace $0x90000051  }
0xbd: {  	_ =	sfence  }
0xbe: {  	s30 =	sld [smem:$0x0];
	_ =	sdelay $0x2  }
0xbf: {  	s31 =	sshll.u32 s1, $0xD;
	s1 =	sshrl.u32 s1, $0x2  }
0xc0: {  	s3 =	sand.u32 $0x4000, s31;
	s1 =	sadd.s32 s1, s30  }
0xc1: {  	s0 =	sor.u32 s3, s0;
	s1 =	sshll.u32 s1, $0x11  }
0xc2: {  	s0 =	sor.u32 s1, s0  }
0xc3: {  	s0 =	sadd.s32 $0x8F2B, s0  }
0xc4: {  	[sflag:s0] =	ssyncadd.remote.s32 $0x1  }
0xc5: {  	_ =	sfence.sel $0xFFFF  }
0xc6: {  	[dreg:$0x0] =	wrdreg $0xFFFFFFFF;
	(pc) =	sbr.abs _section_cstart, $3  }
0xc7: {  	[dreg:$0x1] =	wrdreg $0xFFFFFFFF  }
0xc8: {  	_ =	task.clear_ibuf [dreg:s8], $0x2FFFF;
	_ =	strace $0x9FFFFFFF  }
0xc9: {  	(tm) =	ssettm $0x7FFFFFFF  }
tec
execute0_lowered:
.L_overlay_start_1:
0x0: {  	(tag) =	ssettag $0x1  }
0x1: {  	s5 =	rddreg [dreg:$0x0]  }
0x2: {  	s1 =	srdreg.scid;
	s2 =	rddreg [dreg:$0x1]  }
0x3: {  	s0 =	stileid.u32;
	s3 =	rddreg [dreg:$0x2]  }
0x4: {  	s9 =	simm.s32 $0x1;
	s10 =	simm.s32 $0x3;
	s1 =	sshll.u32 s1, $0xC  }
0x5: {  	s13 =	simm.s32 $0x0;
	s4 =	sshll.u32 s0, $0xD;
	s6 =	sand.u32 $0x1000, s1  }
0x6: {  	s12 =	simm.s32 $0x0;
	s5 =	sadd.s32 $0x35200, s5;
	s4 =	sor.u32 s4, s6  }
0x7: {  	s1 =	rddreg [dreg:$0x3];
	_ =	strace $0x80000050;
	s8 =	ssub.s32 $0x2C000, s4  }
.Ltmp0:
0x8: {  	s6 =	simm.s32 $0x1;
	s7 =	sand.u32 $0x1F000, s8;
	(pc) =	sbr.rel .LBB2_1-.Ltmp0, $4  }
0x9: {  	[sflag:s6] =	ssyncpa.u1 $0x0;
	s11 =	smov.u32 s4;
	p0 =	sne.s32 s7, $0x0  }
0xa: {  	s8 =	sshrl.u32 s8, $0x11;
	s7 =	simm.s32 $0x2;
	s9 =	simm.s32 @!p0 $0x0  }
0xb: {  	[sflag:s7] =	ssyncpa.u1 $0x0;
	p0 =	por $0x0, $0x0;
	s8 =	sadd.s32 s9, s8  }
0xc: {  	vm0 =	vmmov $0xffff;
	[sflag:s10] =	ssyncpa.u1 $0x0;
	s10 =	simm.s32 $0x0;
	s9 =	sadd.s32 $0x1, s8  }
.LBB2_4:
0xd: {  	v2 =	vnsel vm1, $0x0, v2  }
0xe: {  	vm1 =	vgt.s32 v0, $0x0;
	v2 =	vmin.u32 v2, $0x270FF  }
0xf: {  	v0 =	vnsel vm1, $0x0, v0  }
0x10: {  	v0 =	vmin.u32 v0, $0x270FF  }
0x11: {  	[tilespmem:s15], [sflag:$0x1] =	stream.indirect_vreg.gather [hbm4b:s5+s10], $0x1, v1, vm0, $0x4038;
	[tilespmem:$0x4000] =	vst v63  }
0x12: {  	(ifvalue) =	ssetifvalue $0x7FFFFFFF  }
0x13: {  	[tilespmem:s16], [sflag:$0x1] =	stream.indirect_vreg.gather [hbm4b:s5+s10], $0x1, v2, vm0, $0x4038;
	[tilespmem:$0x4000] =	vst v63  }
0x14: {  	s29 =	sadd.s32 $0x10, s16;
	(ifvalue) =	ssetifvalue $0x7FFFFFFF  }
0x15: {  	[tilespmem:s29], [sflag:$0x1] =	stream.indirect_vreg.gather [hbm4b:s5+s10], $0x1, v0, vm0, $0x4038;
	[tilespmem:$0x4000] =	vst v63  }
0x16: {  	_ =	swait.ge [sflag:s6], $0x1000  }
0x17: {  	s30 =	sshrl.u32 s13, $0x3;
	[sflag:s6] =	ssyncset.done $0x0  }
0x18: {  	s31 =	sand.u32 $0x7, s13;
	s15 =	sadd.s32 s3, s30;
	[sflag:s6] =	ssyncadd.s32 $0xFFFFF000  }
0x19: {  	[hbm4b:s15+s31] =	stream.linear.scatter [tilespmem:s14], [sflag:$0x3], $0x1000, $0x38;
	[tilespmem:$0x4000] =	vst v63  }
.LBB2_5:
0x1a: {  	s15 =	sadd.s32 $0x20000, s11  }
0x1b: {  	p2 =	sgt.s32 s15, $0x2BFFF  }
0x1c: {  	s15 =	smov.u32 @p2 s4;
	p2 =	sne.s32 s12, s9  }
.Ltmp1:
0x1d: {  	p1 =	slt.u32 s12, $0x2;
	(pc) =	sbr.rel @!p2 .LBB2_6-.Ltmp1, $4  }
0x1e: {  	s14 =	simm.s32 @!p1 $0x3  }
0x1f: {  	s16 =	sadd.s32 $0x1, s12;
	_ =	swait.ge @!p1 [sflag:s14], $0x1000  }
0x20: {  	s13 =	smov.u32 s11;
	p0 =	por !p0, !p0;
	[sflag:s14] =	ssyncset.done @!p1 $0x0  }
0x21: {  	s12 =	smov.u32 s16;
	s11 =	smov.u32 s15;
	[sflag:s14] =	ssyncadd.s32 @!p1 $0xFFFFF000  }
.LBB2_1:
0x22: {  	p1 =	sge.u32 s12, s8  }
0x23: {  	s14 =	sxor.u32 @!p1 $0xFFFFFFFF, s12  }
0x24: {  	s31 =	sadd.s32 $0xFFFFFFFF, s12;
	s15 =	sshrl.u32 @!p1 s11, $0x3;
	s14 =	sshll.u32 @!p1 s14, $0xC  }
0x25: {  	s16 =	sand.u32 @!p1 $0x7, s11;
	s15 =	sadd.s32 @!p1 s2, s15;
	s14 =	sand.u32 @!p1 $0x1000, s14  }
0x26: {  	[tilespmem:s14], [sflag:$0x2] =	stream.linear.gather @!p1 [hbm4b:s15+s16], $0x1000, $0x38;
	[tilespmem:$0x4000] =	vst v63  }
0x27: {  	p1 =	sge.u32 s31, s8  }
.Ltmp2:
0x28: {  	_ = 	snop;
	(pc) =	sbr.rel @p1 .LBB2_5-.Ltmp2, $1  }
0x29: {  	_ =	sdelay $0x3  }
0x2a: {  	s14 =	simm.s32 $0x1  }
0x2b: {  	_ =	swait.ge [sflag:s7], $0x1000;
	s14 =	simm.s32 @!p0 $0x0  }
0x2c: {  	[sflag:s7] =	ssyncset.done $0x0;
	s14 =	sshll.u32 s14, $0xC  }
0x2d: {  	[sflag:s7] =	ssyncadd.s32 $0xFFFFF000;
	(ifvalue) =	ssetifvalue $0x7FFFFFFF;
	v0 =	vld.msk [tilespmem:s14+$0x0 ss:$0x1], $0xffff;
	_ =	sdelay $0x4  }
0x2e: {  	s15 =	sadd.s32 $0x10, s14;
	vm1 =	vgt.s32 v0, $0x0  }
0x2f: {  	v2 =	vld.msk [tilespmem:s15+$0x0 ss:$0x1], $0xffff;
	v1 =	vnsel vm1, $0x0, v0  }
0x30: {  	v1 =	vmin.u32 v1, $0x270FF;
	_ =	sdelay $0x1  }
0x31: {  	s16 =	sshll.u32 s12, $0xC;
	s18 =	simm.s32 $0x20  }
0x32: {  	s16 =	sand.u32 $0x1000, s16;
	s17 =	sadd.s32 $0x10, s15;
	s15 =	sor.u32 $0x2000, s14  }
0x33: {  	s14 =	sor.u32 $0x2000, s16;
	s16 =	sadd.s32 $0x10, s15;
	v0 =	vld.msk [tilespmem:s17+$0x0 ss:$0x1], $0xffff;
	vm1 =	vgt.s32 v2, $0x0;
	(ifvalue) =	ssetifvalue $0x7FFFFFFF  }
.LBB2_3:
0x34: {  	[tilespmem:s15], [sflag:$0x1] =	stream.indirect_vreg.gather [hbm4b:s5+s10], $0x1, v1, vm0, $0x4038;
	[tilespmem:$0x4000] =	vst v63  }
0x35: {  	s18 =	sadd.s32 $0x10, s18  }
0x36: {  	v2 =	vnsel vm1, $0x0, v2;
	p1 =	slt.u32 s18, $0xFF0  }
.Ltmp3:
0x37: {  	s15 =	smov.u32 s16;
	v1 =	vmin.u32 v2, $0x270FF;
	(pc) =	sbr.rel @p1 .LBB2_3-.Ltmp3, $3  }
0x38: {  	_ =	sdelay $0x1  }
0x39: {  	s17 =	sadd.s32 $0x10, s17  }
0x3a: {  	vm1 =	vgt.s32 v0, $0x0;
	s16 =	sadd.s32 $0x10, s16;
	v2 =	vmov v0;
	(ifvalue) =	ssetifvalue $0x7FFFFFFF;
	v0 =	vld.msk [tilespmem:s17+$0x0 ss:$0x1], $0xffff  }
.Ltmp4:
0x3b: {  	_ = 	snop;
	(pc) =	sbr.rel .LBB2_4-.Ltmp4, $1  }
0x3c: {  	_ =	sdelay $0x3  }
.LBB2_6:
0x3d: {  	_ =	sfence.sel $0x180000  }
0x3e: {  	s2 =	simm.s32 $0x2;
	[bflag:$0x0] =	sbarrier.arrive $0xFFFF  }
0x3f: {  	s30 =	simm.s32 $0x3;
	[sflag:s2] =	ssyncpa.u1 $0x1  }
0x40: {  	s31 =	simm.s32 $0x1;
	[sflag:s30] =	ssyncpa.u1 $0x1  }
0x41: {  	[sflag:s31] =	ssyncpa.u1 $0x1  }
0x42: {  	p0 =	sne.s32 s0, $0x0;
	_ =	strace $0x90000050  }
0x43: {  	s0 =	sadd.s32 @!p0 $0x100000, s1;
	[bflag:$0x2] =	sbarrier.arrive $0xFFFF  }
0x44: {  	[sflag:s0] =	ssyncadd.tile.s32 @!p0 $0x1;
	_ =	shalt  }
.Lfunc_end2:
_tile_overlayer_lowered:
.L_overlay_start_2:
0x45: {  	(tag) =	ssettag $0x2  }
0x46: {  	s0 =	rddreg [dreg:$0x0];
	s2 =	stileid.u32  }
0x47: {  	s1 =	rddreg [dreg:$0x1];
	p0 =	sne.s32 s2, $0x0  }
0x48: {  	s3 =	rddreg [dreg:$0x2];
	[bflag:$0x3] =	sbarrier.arrive $0xFFFF;
	s2 =	simm.s32 @!p0 $0x1C01  }
0x49: {  	[timem:s3], [sflag:s2] =	dma.local @!p0 [hbm:s0], s1  }
0x4a: {  	s0 =	simm.s32 @!p0 $0x1  }
0x4b: {  	_ =	swait.ge @!p0 [sflag:s0], s1  }
0x4c: {  	s1 =	ssub.s32 @!p0 $0x0, s1;
	[sflag:s0] =	ssyncset.done @!p0 $0x0  }
0x4d: {  	[sflag:s0] =	ssyncadd.s32 @!p0 s1  }
0x4e: {  	[bflag:$0x3] =	sbarrier.arrive $0xFFFF  }
0x4f: {  	_ =	shalt  }

// kernel: gather_offload_async_start
scs
__scs_entry_jumppad:
0x0: {  	(pc) =	sbr.rel $0x88, $3  }
0x1: {  	(tag) =	ssettag $0x0;
	lr =	simm.s32 $0x1  }
0x2: {  	[smem:$0x3F87] =	sst lr;
	_ =	strace $0xD0000000  }
0x3: {  	_ = 	snop  }
0x4: {  	_ = 	snop  }
0x5: {  	_ = 	snop  }
0x6: {  	_ = 	snop  }
0x7: {  	_ = 	snop  }
__scs_overlays_trampoline_lowered:
0x8: {  	[smem:$0x3F96] =	sst s0  }
0x9: {  	[smem:$0x3F97] =	sst s1  }
0xa: {  	[smem:$0x3F98] =	sst s2  }
0xb: {  	[smem:$0x3F99] =	sst s3  }
0xc: {  	[smem:$0x3F9A] =	sst s4  }
0xd: {  	[smem:$0x3F9B] =	sst s5  }
0xe: {  	[smem:$0x3F9C] =	sst s6  }
0xf: {  	[smem:$0x3F9D] =	sst s7  }
0x10: {  	[smem:$0x3F9E] =	sst s8  }
0x11: {  	[smem:$0x3F9F] =	sst s9;
	s0 =	simm.s32 @!p0 $0x0  }
0x12: {  	s1 =	sld [smem:$0x3F85];
	s0 =	simm.s32 @p0 $0x1  }
0x13: {  	[smem:$0x3FA0] =	sst s0;
	s0 =	simm.s32 @!p1 $0x0  }
0x14: {  	s2 =	sld [smem:$0x3F84];
	s0 =	simm.s32 @p1 $0x1  }
0x15: {  	[smem:$0x3FA1] =	sst s0;
	s0 =	simm.s32 @!p2 $0x0  }
0x16: {  	s3 =	sld [smem:$0x3FDB];
	s0 =	simm.s32 @p2 $0x1  }
0x17: {  	s4 =	simm.s32 $0x1BF5;
	[smem:$0x3FA3] =	sst s0  }
0x18: {  	s0 =	sld [smem:$0x3F86];
	_ =	swait.ge [sflag:s4], $0x0  }
0x19: {  	s7 =	sld [smem:$0x3F87]  }
0x1a: {  	s8 =	sadd.s32 $0xFFFFE003, lr  }
0x1b: {  	s9 =	sadd.s32 $0xFFFFFEF7, lr;
	s5 =	simm.s32 $0xFFFFFFFF;
	p2 =	slt.u32 s8, $0xFFFFF086  }
0x1c: {  	p1 =	slt.u32 s9, $0xF7A;
	s5 =	simm.s32 @!p2 $0x0  }
0x1d: {  	s5 =	simm.s32 @p1 $0x1;
	p0 =	seq.s32 s7, s2  }
0x1e: {  	s7 =	smul.u32 @!p0 $0xF7A, s2;
	p2 =	seq.s32 @!p0 s5, $0x0  }
0x1f: {  	s9 =	smul.u32 $0xF7A, s1;
	s8 =	simm.s32 @!p0 $0x1BF5;
	p2 =	por !p2, p0  }
0x20: {  	[sflag:s8] =	ssyncset.s32 @!p0 $0xFFFFF086;
	s6 =	sadd.s32 @!p0 s3, s7;
	s7 =	simm.s32 @!p0 $0x108  }
0x21: {  	s3 =	sadd.s32 s3, s9;
	s6 =	sadd.s32 @!p0 $0x88, s6;
	s7 =	simm.s32 @p2 $0x1082  }
0x22: {  	[simem:s7], [sflag:s8] =	dma.local @!p0 [hbm:s6], $0xF7A  }
0x23: {  	s9 =	sor.u32 $0xD0000000, s2;
	s6 =	simm.s32 $0x108;
	_ =	swait.ge @!p0 [sflag:s8], $0x0  }
0x24: {  	s3 =	sadd.s32 $0x88, s3;
	s6 =	simm.s32 @!p1 $0x1082;
	[sflag:s4] =	ssyncset.s32 $0xFFFFF086  }
0x25: {  	[simem:s6], [sflag:s4] =	dma.local [hbm:s3], $0xF7A  }
0x26: {  	[smem:$0x3F87] =	sst s1;
	(tag) =	ssettag s2;
	_ =	strace s9  }
0x27: {  	s1 =	sld [smem:$0x3F97]  }
0x28: {  	s2 =	sld [smem:$0x3F98]  }
0x29: {  	s4 =	sld [smem:$0x3F9A]  }
0x2a: {  	p0 =	seq.s32 s5, $0x0;
	s5 =	sld [smem:$0x3F9B]  }
0x2b: {  	s6 =	sld [smem:$0x3F9C]  }
0x2c: {  	s7 =	sld [smem:$0x3F9D]  }
0x2d: {  	s3 =	simm.s32 $0x108;
	s8 =	sld [smem:$0x3F9E]  }
0x2e: {  	s3 =	simm.s32 @!p0 $0x1082;
	s9 =	sld [smem:$0x3F9F]  }
0x2f: {  	lr =	sadd.s32 s0, s3;
	s0 =	sld [smem:$0x3F96]  }
0x30: {  	s3 =	sld [smem:$0x3F99]  }
0x31: {  	[smem:$0x3FA2] =	sst s10  }
0x32: {  	s10 =	sld [smem:$0x3FA0];
	_ =	sdelay $0x3  }
0x33: {  	p0 =	seq.s32 s10, $0x1;
	s10 =	sld [smem:$0x3FA2];
	_ =	sdelay $0x3  }
0x34: {  	[smem:$0x3FA2] =	sst s10  }
0x35: {  	s10 =	sld [smem:$0x3FA1];
	_ =	sdelay $0x3  }
0x36: {  	p1 =	seq.s32 s10, $0x1;
	s10 =	sld [smem:$0x3FA2];
	_ =	sdelay $0x3  }
0x37: {  	[smem:$0x3FA2] =	sst s10  }
0x38: {  	s10 =	sld [smem:$0x3FA3]  }
0x39: {  	_ = 	snop;
	(pc) =	sbr.ind lr, $3  }
0x3a: {  	_ = 	snop  }
0x3b: {  	_ = 	snop  }
0x3c: {  	p2 =	seq.s32 s10, $0x1;
	s10 =	sld [smem:$0x3FA2]  }
0x3d: {  	_ =	shalt  }
0x3e: {  	_ =	shalt  }
0x3f: {  	_ =	shalt  }
0x40: {  	_ =	shalt  }
0x41: {  	_ =	shalt  }
0x42: {  	_ =	shalt  }
0x43: {  	_ =	shalt  }
0x44: {  	_ =	shalt  }
0x45: {  	_ =	shalt  }
0x46: {  	_ =	shalt  }
0x47: {  	_ =	shalt  }
0x48: {  	_ =	shalt  }
0x49: {  	_ =	shalt  }
0x4a: {  	_ =	shalt  }
0x4b: {  	_ =	shalt  }
0x4c: {  	_ =	shalt  }
0x4d: {  	_ =	shalt  }
0x4e: {  	_ =	shalt  }
0x4f: {  	_ =	shalt  }
0x50: {  	_ =	shalt  }
0x51: {  	_ =	shalt  }
0x52: {  	_ =	shalt  }
0x53: {  	_ =	shalt  }
0x54: {  	_ =	shalt  }
0x55: {  	_ =	shalt  }
0x56: {  	_ =	shalt  }
0x57: {  	_ =	shalt  }
0x58: {  	_ =	shalt  }
0x59: {  	_ =	shalt  }
0x5a: {  	_ =	shalt  }
0x5b: {  	_ =	shalt  }
0x5c: {  	_ =	shalt  }
0x5d: {  	_ =	shalt  }
0x5e: {  	_ =	shalt  }
0x5f: {  	_ =	shalt  }
0x60: {  	_ =	shalt  }
0x61: {  	_ =	shalt  }
0x62: {  	_ =	shalt  }
0x63: {  	_ =	shalt  }
0x64: {  	_ =	shalt  }
0x65: {  	_ =	shalt  }
0x66: {  	_ =	shalt  }
0x67: {  	_ =	shalt  }
0x68: {  	_ =	shalt  }
0x69: {  	_ =	shalt  }
0x6a: {  	_ =	shalt  }
0x6b: {  	_ =	shalt  }
0x6c: {  	_ =	shalt  }
0x6d: {  	_ =	shalt  }
0x6e: {  	_ =	shalt  }
0x6f: {  	_ =	shalt  }
0x70: {  	_ =	shalt  }
0x71: {  	_ =	shalt  }
0x72: {  	_ =	shalt  }
0x73: {  	_ =	shalt  }
0x74: {  	_ =	shalt  }
0x75: {  	_ =	shalt  }
0x76: {  	_ =	shalt  }
0x77: {  	_ =	shalt  }
0x78: {  	_ =	shalt  }
0x79: {  	_ =	shalt  }
0x7a: {  	_ =	shalt  }
0x7b: {  	_ =	shalt  }
0x7c: {  	_ =	shalt  }
0x7d: {  	_ =	shalt  }
0x7e: {  	_ =	shalt  }
0x7f: {  	_ =	shalt  }
0x80: {  	_ =	shalt  }
0x81: {  	_ =	shalt  }
0x82: {  	_ =	shalt  }
0x83: {  	_ =	shalt  }
0x84: {  	_ =	shalt  }
0x85: {  	_ =	shalt  }
0x86: {  	_ =	shalt  }
0x87: {  	_ =	shalt  }
.Lfunc_end0:
.L_simem_size_0:
called_computation_lowered:
.L_overlay_start_0:
0x88: {  	s2 =	sld [smem:$0x3FD9]  }
0x89: {  	s3 =	sld [smem:$0x3FFE];
	_ =	sdelay $0x1  }
0x8a: {  	s1 =	srdreg.scid  }
0x8b: {  	s0 =	sand.u32 $0x1, s1  }
0x8c: {  	s14 =	sshll.u32 s0, $0xA;
	s2 =	sadd.s32 s3, s2  }
0x8d: {  	s2 =	sadd.s32 s2, s14  }
0x8e: {  	[smem:$0x3FAE] =	sst s2  }
0x8f: {  	_ = 	snop  }
0x90: {  	s2 =	sld [smem:$0x3FD0];
	_ =	sdelay $0x2  }
0x91: {  	s15 =	simm.s32 $0xA;
	s4 =	simm.s32 $0x10  }
0x92: {  	[smem:s4], [sflag:s15] =	dma.local [hbm:s2], $0x1  }
0x93: {  	_ =	swait.eq [sflag:s15], $0x1  }
0x94: {  	[sflag:s15] =	ssyncset.done $0x0  }
0x95: {  	[sflag:s15] =	ssyncadd.s32 $0xFFFFFFFF  }
0x96: {  	s16 =	sld [smem:$0x10];
	(tm) =	ssettm $0x1  }
0x97: {  	s17 =	sld [smem:$0x3FFB];
	_ =	sdelay $0x3  }
0x98: {  	_ =	strace s17  }
0x99: {  	s3 =	sld [smem:$0x3FFC];
	_ =	sdelay $0x3  }
0x9a: {  	_ =	strace s3  }
0x9b: {  	s3 =	sld [smem:$0x3FFD];
	_ =	sdelay $0x3  }
0x9c: {  	_ =	strace s3  }
0x9d: {  	_ =	strace $0x8FFFFFFF  }
0x9e: {  	s18 =	sld [smem:$0x3FDB];
	_ =	sdelay $0x1  }
0x9f: {  	s19 =	simm.s32 $_scs_section_size  }
0xa0: {  	s5 =	simm.s32 $_size__tile_overlayer_lowered;
	s6 =	simm.s32 $_tile_overlayer_lowered  }
0xa1: {  	s22 =	simm.s32 $0x1BFF;
	s21 =	sshll.u32 s6, $0x1;
	s3 =	sadd.s32 s19, s18  }
0xa2: {  	s7 =	simm.s32 $0x0;
	s20 =	sshll.u32 s5, $0x1;
	s5 =	sadd.s32 s21, s3  }
0xa3: {  	[timem:s7], [sflag:s22] =	dma.local [hbm:s5], s20  }
0xa4: {  	_ =	swait.ge [sflag:s22], s20  }
0xa5: {  	s4 =	ssub.s32 $0x0, s20;
	[sflag:s22] =	ssyncset.done $0x0  }
0xa6: {  	[sflag:s22] =	ssyncadd.s32 s4;
	_ =	sdelay $0x1  }
0xa7: {  	s23 =	simm.s32 $0x1B8B  }
0xa8: {  	_ =	swait.ge [sflag:s23], $0x1  }
0xa9: {  	[sflag:s23] =	ssyncset.done $0x0  }
0xaa: {  	s25 =	simm.s32 $0x1B8E;
	s24 =	sld [smem:$0x3FFE];
	[sflag:s23] =	ssyncadd.s32 $0xFFFFFFFF  }
0xab: {  	s26 =	simm.s32 $execute0_lowered;
	[smem:$0x3FD2] =	sst s25  }
0xac: {  	s5 =	sshll.u32 s26, $0x1;
	_ =	strace $0x80000046;
	[dreg:$0x1] =	wrdreg $0xFFFFFFFF  }
0xad: {  	s28 =	simm.s32 $_size_execute0_lowered;
	s3 =	sadd.s32 s3, s5;
	[dreg:$0x0] =	wrdreg $0x0  }
0xae: {  	s5 =	sshll.u32 s28, $0x1;
	[dreg:$0x2] =	wrdreg s3  }
0xaf: {  	[dreg:$0x3] =	wrdreg s5  }
0xb0: {  	[dreg:$0x4] =	wrdreg $0xC0  }
0xb1: {  	_ =	task [dreg:s7], $0x5FFFF  }
0xb2: {  	[dreg:$0x1] =	wrdreg $0xFFFFFFFF  }
0xb3: {  	[dreg:$0x0] =	wrdreg $0x60  }
0xb4: {  	[dreg:$0x2] =	wrdreg s16  }
0xb5: {  	[dreg:$0x3] =	wrdreg s24  }
0xb6: {  	[dreg:$0x4] =	wrdreg $0x9  }
0xb7: {  	_ =	task.clear_ibuf [dreg:s7], $0x5FFFF;
	_ =	strace $0x90000046  }
0xb8: {  	s29 =	simm.s32 $0x9;
	_ =	strace $0x80000048  }
0xb9: {  	_ =	swait.ge [sflag:s29], $0x1  }
0xba: {  	[sflag:s29] =	ssyncadd.s32 $0xFFFFFFFF  }
0xbb: {  	_ =	strace $0x90000048  }
0xbc: {  	_ =	sfence  }
0xbd: {  	s30 =	sld [smem:$0x0];
	_ =	sdelay $0x2  }
0xbe: {  	s31 =	sshll.u32 s1, $0xD;
	s1 =	sshrl.u32 s1, $0x2  }
0xbf: {  	s3 =	sand.u32 $0x4000, s31;
	s1 =	sadd.s32 s1, s30  }
0xc0: {  	s0 =	sor.u32 s3, s0;
	s1 =	sshll.u32 s1, $0x11  }
0xc1: {  	s0 =	sor.u32 s1, s0  }
0xc2: {  	s0 =	sadd.s32 $0x8F2B, s0  }
0xc3: {  	[sflag:s0] =	ssyncadd.remote.s32 $0x1  }
0xc4: {  	_ =	sfence.sel $0xFFFF  }
0xc5: {  	[dreg:$0x0] =	wrdreg $0xFFFFFFFF;
	(pc) =	sbr.abs _section_cstart, $3  }
0xc6: {  	[dreg:$0x1] =	wrdreg $0xFFFFFFFF  }
0xc7: {  	_ =	task.clear_ibuf [dreg:s7], $0x2FFFF;
	_ =	strace $0x9FFFFFFF  }
0xc8: {  	(tm) =	ssettm $0x7FFFFFFF  }
0xc9: {  	_ =	shalt  }
tec
execute0_lowered:
.L_overlay_start_1:
0x0: {  	(tag) =	ssettag $0x1  }
0x1: {  	s2 =	rddreg [dreg:$0x0]  }
0x2: {  	s8 =	rddreg [dreg:$0x1]  }
0x3: {  	s0 =	rddreg [dreg:$0x2];
	s1 =	stileid.u32  }
0x4: {  	s3 =	srdreg.scid;
	_ =	strace $0x80000047;
	s4 =	simm.s32 $0x1  }
0x5: {  	s7 =	simm.s32 $0x1;
	s9 =	simm.s32 $0x1;
	s10 =	simm.s32 $0x3  }
0x6: {  	s13 =	simm.s32 $0x0;
	s5 =	sand.u32 $0x1, s3;
	s6 =	sshll.u32 s1, $0x1  }
0x7: {  	s12 =	simm.s32 $0x0;
	s3 =	sadd.s32 $0x6800, s8;
	s5 =	sor.u32 s6, s5  }
.Ltmp0:
0x8: {  	[sflag:s4] =	ssyncpa.u1 $0x0;
	p0 =	slt.u32 s5, $0x9;
	(pc) =	sbr.rel .LBB2_1-.Ltmp0, $4  }
0x9: {  	s6 =	simm.s32 $0x2;
	s7 =	simm.s32 @!p0 $0x0;
	p0 =	sne.s32 s5, $0x8  }
0xa: {  	[sflag:s6] =	ssyncpa.u1 $0x0;
	s5 =	smul.u32 $0xFA0, s5;
	s9 =	simm.s32 @!p0 $0x0  }
0xb: {  	s8 =	sadd.s32 $0x35200, s8;
	[sflag:s10] =	ssyncpa.u1 $0x0;
	s7 =	sadd.s32 s9, s7  }
0xc: {  	vm0 =	vmmov $0xffff;
	s10 =	simm.s32 $0x0;
	s11 =	smov.u32 s5;
	s9 =	sadd.s32 $0x1, s7  }
.LBB2_4:
0xd: {  	v2 =	vnsel vm1, $0x0, v2  }
0xe: {  	vm1 =	vgt.s32 v0, $0x0;
	v2 =	vmin.u32 v2, $0x270FF  }
0xf: {  	v0 =	vnsel vm1, $0x0, v0  }
0x10: {  	v0 =	vmin.u32 v0, $0x270FF  }
0x11: {  	[tilespmem:s18], [sflag:$0x1] =	stream.indirect_vreg.gather [hbm4b:s2+s10], $0x1, v1, vm0, $0x4038;
	[tilespmem:$0x3E80] =	vst v63  }
0x12: {  	(ifvalue) =	ssetifvalue $0x7FFFFFFF  }
0x13: {  	[tilespmem:s15], [sflag:$0x1] =	stream.indirect_vreg.gather [hbm4b:s2+s10], $0x1, v2, vm0, $0x4038;
	[tilespmem:$0x3E80] =	vst v63  }
0x14: {  	s29 =	sadd.s32 $0x10, s15;
	(ifvalue) =	ssetifvalue $0x7FFFFFFF  }
0x15: {  	[tilespmem:s29], [sflag:$0x1] =	stream.indirect_vreg.gather [hbm4b:s2+s10], $0x1, v0, vm0, $0x4038;
	[tilespmem:$0x3E80] =	vst v63  }
0x16: {  	_ =	swait.ge [sflag:s4], $0xFA0  }
0x17: {  	s30 =	sshrl.u32 s13, $0x3;
	[sflag:s4] =	ssyncset.done $0x0  }
0x18: {  	s31 =	sand.u32 $0x7, s13;
	s15 =	sadd.s32 s8, s30;
	[sflag:s4] =	ssyncadd.s32 $0xFFFFF060  }
0x19: {  	[hbm4b:s15+s31] =	stream.linear.scatter [tilespmem:s14], [sflag:$0x3], $0xFA0, $0x38;
	[tilespmem:$0x3E80] =	vst v63  }
.LBB2_5:
0x1a: {  	s15 =	sadd.s32 $0x1F400, s11  }
0x1b: {  	p1 =	sgt.s32 s15, $0x270FF  }
0x1c: {  	s15 =	smov.u32 @p1 s5;
	p1 =	sne.s32 s12, s9  }
.Ltmp1:
0x1d: {  	p0 =	slt.u32 s12, $0x2;
	(pc) =	sbr.rel @!p1 .LBB2_6-.Ltmp1, $4  }
0x1e: {  	s14 =	simm.s32 @!p0 $0x3  }
0x1f: {  	_ =	swait.ge @!p0 [sflag:s14], $0xFA0  }
0x20: {  	s16 =	sadd.s32 $0x1, s12;
	s13 =	smov.u32 s11;
	[sflag:s14] =	ssyncset.done @!p0 $0x0  }
0x21: {  	s12 =	smov.u32 s16;
	s11 =	smov.u32 s15;
	[sflag:s14] =	ssyncadd.s32 @!p0 $0xFFFFF060  }
.LBB2_1:
0x22: {  	p0 =	sge.u32 s12, s7  }
0x23: {  	s14 =	sxor.u32 @!p0 $0x1, s12  }
0x24: {  	s14 =	smul.u32 @!p0 $0x3E80, s14  }
0x25: {  	s31 =	sadd.s32 $0xFFFFFFFF, s12;
	s15 =	sshrl.u32 @!p0 s11, $0x3  }
0x26: {  	s16 =	sand.u32 @!p0 $0x7, s11;
	s15 =	sadd.s32 @!p0 s3, s15;
	s14 =	sshra.s32 @!p0 s14, $0x2  }
0x27: {  	[tilespmem:s14], [sflag:$0x2] =	stream.linear.gather @!p0 [hbm4b:s15+s16], $0xFA0, $0x38;
	[tilespmem:$0x3E80] =	vst v63  }
0x28: {  	p0 =	sge.u32 s31, s7  }
.Ltmp2:
0x29: {  	_ = 	snop;
	(pc) =	sbr.rel @p0 .LBB2_5-.Ltmp2, $1  }
0x2a: {  	_ =	sdelay $0x3  }
0x2b: {  	s14 =	sand.u32 $0x1, s12  }
0x2c: {  	_ =	swait.ge [sflag:s6], $0xFA0;
	p0 =	seq.s32 s14, $0x1;
	s14 =	simm.s32 $0xFA0  }
0x2d: {  	[sflag:s6] =	ssyncset.done $0x0;
	s14 =	simm.s32 @!p0 $0x0  }
0x2e: {  	[sflag:s6] =	ssyncadd.s32 $0xFFFFF060;
	(ifvalue) =	ssetifvalue $0x7FFFFFFF;
	v0 =	vld.msk [tilespmem:s14+$0x0 ss:$0x1], $0xffff;
	_ =	sdelay $0x4  }
0x2f: {  	s15 =	sadd.s32 $0x10, s14;
	vm1 =	vgt.s32 v0, $0x0  }
0x30: {  	v2 =	vld.msk [tilespmem:s15+$0x0 ss:$0x1], $0xffff;
	v1 =	vnsel vm1, $0x0, v0  }
0x31: {  	v1 =	vmin.u32 v1, $0x270FF;
	_ =	sdelay $0x2  }
0x32: {  	s17 =	simm.s32 $0x20;
	s14 =	sadd.s32 $0x1F40, s14;
	s16 =	sadd.s32 $0x10, s15  }
0x33: {  	s15 =	sadd.s32 $0x10, s14;
	s18 =	smov.u32 s14;
	v0 =	vld.msk [tilespmem:s16+$0x0 ss:$0x1], $0xffff;
	vm1 =	vgt.s32 v2, $0x0;
	(ifvalue) =	ssetifvalue $0x7FFFFFFF  }
.LBB2_3:
0x34: {  	[tilespmem:s18], [sflag:$0x1] =	stream.indirect_vreg.gather [hbm4b:s2+s10], $0x1, v1, vm0, $0x4038;
	[tilespmem:$0x3E80] =	vst v63  }
0x35: {  	s17 =	sadd.s32 $0x10, s17  }
0x36: {  	v2 =	vnsel vm1, $0x0, v2;
	p0 =	slt.u32 s17, $0xF90  }
.Ltmp3:
0x37: {  	s18 =	smov.u32 s15;
	v1 =	vmin.u32 v2, $0x270FF;
	(pc) =	sbr.rel @p0 .LBB2_3-.Ltmp3, $3  }
0x38: {  	_ =	sdelay $0x1  }
0x39: {  	s16 =	sadd.s32 $0x10, s16  }
0x3a: {  	vm1 =	vgt.s32 v0, $0x0;
	s15 =	sadd.s32 $0x10, s15;
	v2 =	vmov v0;
	(ifvalue) =	ssetifvalue $0x7FFFFFFF;
	v0 =	vld.msk [tilespmem:s16+$0x0 ss:$0x1], $0xffff  }
.Ltmp4:
0x3b: {  	_ = 	snop;
	(pc) =	sbr.rel .LBB2_4-.Ltmp4, $1  }
0x3c: {  	_ =	sdelay $0x3  }
.LBB2_6:
0x3d: {  	_ =	sfence.sel $0x180000  }
0x3e: {  	s2 =	simm.s32 $0x2;
	[bflag:$0x0] =	sbarrier.arrive $0xFFFF  }
0x3f: {  	s30 =	simm.s32 $0x3;
	[sflag:s2] =	ssyncpa.u1 $0x1  }
0x40: {  	s31 =	simm.s32 $0x1;
	[sflag:s30] =	ssyncpa.u1 $0x1  }
0x41: {  	[sflag:s31] =	ssyncpa.u1 $0x1  }
0x42: {  	p0 =	sne.s32 s1, $0x0;
	_ =	strace $0x90000047  }
0x43: {  	s0 =	sadd.s32 @!p0 $0x100000, s0;
	[bflag:$0x2] =	sbarrier.arrive $0xFFFF  }
0x44: {  	[sflag:s0] =	ssyncadd.tile.s32 @!p0 $0x1;
	_ =	shalt  }
.Lfunc_end2:
_tile_overlayer_lowered:
.L_overlay_start_2:
0x45: {  	(tag) =	ssettag $0x2  }
0x46: {  	s0 =	rddreg [dreg:$0x0];
	s2 =	stileid.u32  }
0x47: {  	s1 =	rddreg [dreg:$0x1];
	p0 =	sne.s32 s2, $0x0  }
0x48: {  	s3 =	rddreg [dreg:$0x2];
	[bflag:$0x3] =	sbarrier.arrive $0xFFFF;
	s2 =	simm.s32 @!p0 $0x1C01  }
0x49: {  	[timem:s3], [sflag:s2] =	dma.local @!p0 [hbm:s0], s1  }
0x4a: {  	s0 =	simm.s32 @!p0 $0x1  }
0x4b: {  	_ =	swait.ge @!p0 [sflag:s0], s1  }
0x4c: {  	s1 =	ssub.s32 @!p0 $0x0, s1;
	[sflag:s0] =	ssyncset.done @!p0 $0x0  }
0x4d: {  	[sflag:s0] =	ssyncadd.s32 @!p0 s1  }
0x4e: {  	[bflag:$0x3] =	sbarrier.arrive $0xFFFF  }
0x4f: {  	_ =	shalt  }

// kernel: kernel.11.cloned.1.call-start
scs
__scs_entry_jumppad:
0x0: {  	(pc) =	sbr.rel $0x88, $3  }
0x1: {  	(tag) =	ssettag $0x0;
	lr =	simm.s32 $0x1  }
0x2: {  	[smem:$0x3F87] =	sst lr;
	_ =	strace $0xD0000000  }
0x3: {  	_ = 	snop  }
0x4: {  	_ = 	snop  }
0x5: {  	_ = 	snop  }
0x6: {  	_ = 	snop  }
0x7: {  	_ = 	snop  }
__scs_overlays_trampoline_lowered:
0x8: {  	[smem:$0x3F96] =	sst s0  }
0x9: {  	[smem:$0x3F97] =	sst s1  }
0xa: {  	[smem:$0x3F98] =	sst s2  }
0xb: {  	[smem:$0x3F99] =	sst s3  }
0xc: {  	[smem:$0x3F9A] =	sst s4  }
0xd: {  	[smem:$0x3F9B] =	sst s5  }
0xe: {  	[smem:$0x3F9C] =	sst s6  }
0xf: {  	[smem:$0x3F9D] =	sst s7  }
0x10: {  	[smem:$0x3F9E] =	sst s8  }
0x11: {  	[smem:$0x3F9F] =	sst s9;
	s0 =	simm.s32 @!p0 $0x0  }
0x12: {  	s1 =	sld [smem:$0x3F85];
	s0 =	simm.s32 @p0 $0x1  }
0x13: {  	[smem:$0x3FA0] =	sst s0;
	s0 =	simm.s32 @!p1 $0x0  }
0x14: {  	s2 =	sld [smem:$0x3F84];
	s0 =	simm.s32 @p1 $0x1  }
0x15: {  	[smem:$0x3FA1] =	sst s0;
	s0 =	simm.s32 @!p2 $0x0  }
0x16: {  	s3 =	sld [smem:$0x3FDB];
	s0 =	simm.s32 @p2 $0x1  }
0x17: {  	s4 =	simm.s32 $0x1BF5;
	[smem:$0x3FA3] =	sst s0  }
0x18: {  	s0 =	sld [smem:$0x3F86];
	_ =	swait.ge [sflag:s4], $0x0  }
0x19: {  	s7 =	sld [smem:$0x3F87]  }
0x1a: {  	s8 =	sadd.s32 $0xFFFFE003, lr  }
0x1b: {  	s9 =	sadd.s32 $0xFFFFFEF7, lr;
	s5 =	simm.s32 $0xFFFFFFFF;
	p2 =	slt.u32 s8, $0xFFFFF086  }
0x1c: {  	p1 =	slt.u32 s9, $0xF7A;
	s5 =	simm.s32 @!p2 $0x0  }
0x1d: {  	s5 =	simm.s32 @p1 $0x1;
	p0 =	seq.s32 s7, s2  }
0x1e: {  	s7 =	smul.u32 @!p0 $0xF7A, s2;
	p2 =	seq.s32 @!p0 s5, $0x0  }
0x1f: {  	s9 =	smul.u32 $0xF7A, s1;
	s8 =	simm.s32 @!p0 $0x1BF5;
	p2 =	por !p2, p0  }
0x20: {  	[sflag:s8] =	ssyncset.s32 @!p0 $0xFFFFF086;
	s6 =	sadd.s32 @!p0 s3, s7;
	s7 =	simm.s32 @!p0 $0x108  }
0x21: {  	s3 =	sadd.s32 s3, s9;
	s6 =	sadd.s32 @!p0 $0x88, s6;
	s7 =	simm.s32 @p2 $0x1082  }
0x22: {  	[simem:s7], [sflag:s8] =	dma.local @!p0 [hbm:s6], $0xF7A  }
0x23: {  	s9 =	sor.u32 $0xD0000000, s2;
	s6 =	simm.s32 $0x108;
	_ =	swait.ge @!p0 [sflag:s8], $0x0  }
0x24: {  	s3 =	sadd.s32 $0x88, s3;
	s6 =	simm.s32 @!p1 $0x1082;
	[sflag:s4] =	ssyncset.s32 $0xFFFFF086  }
0x25: {  	[simem:s6], [sflag:s4] =	dma.local [hbm:s3], $0xF7A  }
0x26: {  	[smem:$0x3F87] =	sst s1;
	(tag) =	ssettag s2;
	_ =	strace s9  }
0x27: {  	s1 =	sld [smem:$0x3F97]  }
0x28: {  	s2 =	sld [smem:$0x3F98]  }
0x29: {  	s4 =	sld [smem:$0x3F9A]  }
0x2a: {  	p0 =	seq.s32 s5, $0x0;
	s5 =	sld [smem:$0x3F9B]  }
0x2b: {  	s6 =	sld [smem:$0x3F9C]  }
0x2c: {  	s7 =	sld [smem:$0x3F9D]  }
0x2d: {  	s3 =	simm.s32 $0x108;
	s8 =	sld [smem:$0x3F9E]  }
0x2e: {  	s3 =	simm.s32 @!p0 $0x1082;
	s9 =	sld [smem:$0x3F9F]  }
0x2f: {  	lr =	sadd.s32 s0, s3;
	s0 =	sld [smem:$0x3F96]  }
0x30: {  	s3 =	sld [smem:$0x3F99]  }
0x31: {  	[smem:$0x3FA2] =	sst s10  }
0x32: {  	s10 =	sld [smem:$0x3FA0];
	_ =	sdelay $0x3  }
0x33: {  	p0 =	seq.s32 s10, $0x1;
	s10 =	sld [smem:$0x3FA2];
	_ =	sdelay $0x3  }
0x34: {  	[smem:$0x3FA2] =	sst s10  }
0x35: {  	s10 =	sld [smem:$0x3FA1];
	_ =	sdelay $0x3  }
0x36: {  	p1 =	seq.s32 s10, $0x1;
	s10 =	sld [smem:$0x3FA2];
	_ =	sdelay $0x3  }
0x37: {  	[smem:$0x3FA2] =	sst s10  }
0x38: {  	s10 =	sld [smem:$0x3FA3]  }
0x39: {  	_ = 	snop;
	(pc) =	sbr.ind lr, $3  }
0x3a: {  	_ = 	snop  }
0x3b: {  	_ = 	snop  }
0x3c: {  	p2 =	seq.s32 s10, $0x1;
	s10 =	sld [smem:$0x3FA2]  }
0x3d: {  	_ =	shalt  }
0x3e: {  	_ =	shalt  }
0x3f: {  	_ =	shalt  }
0x40: {  	_ =	shalt  }
0x41: {  	_ =	shalt  }
0x42: {  	_ =	shalt  }
0x43: {  	_ =	shalt  }
0x44: {  	_ =	shalt  }
0x45: {  	_ =	shalt  }
0x46: {  	_ =	shalt  }
0x47: {  	_ =	shalt  }
0x48: {  	_ =	shalt  }
0x49: {  	_ =	shalt  }
0x4a: {  	_ =	shalt  }
0x4b: {  	_ =	shalt  }
0x4c: {  	_ =	shalt  }
0x4d: {  	_ =	shalt  }
0x4e: {  	_ =	shalt  }
0x4f: {  	_ =	shalt  }
0x50: {  	_ =	shalt  }
0x51: {  	_ =	shalt  }
0x52: {  	_ =	shalt  }
0x53: {  	_ =	shalt  }
0x54: {  	_ =	shalt  }
0x55: {  	_ =	shalt  }
0x56: {  	_ =	shalt  }
0x57: {  	_ =	shalt  }
0x58: {  	_ =	shalt  }
0x59: {  	_ =	shalt  }
0x5a: {  	_ =	shalt  }
0x5b: {  	_ =	shalt  }
0x5c: {  	_ =	shalt  }
0x5d: {  	_ =	shalt  }
0x5e: {  	_ =	shalt  }
0x5f: {  	_ =	shalt  }
0x60: {  	_ =	shalt  }
0x61: {  	_ =	shalt  }
0x62: {  	_ =	shalt  }
0x63: {  	_ =	shalt  }
0x64: {  	_ =	shalt  }
0x65: {  	_ =	shalt  }
0x66: {  	_ =	shalt  }
0x67: {  	_ =	shalt  }
0x68: {  	_ =	shalt  }
0x69: {  	_ =	shalt  }
0x6a: {  	_ =	shalt  }
0x6b: {  	_ =	shalt  }
0x6c: {  	_ =	shalt  }
0x6d: {  	_ =	shalt  }
0x6e: {  	_ =	shalt  }
0x6f: {  	_ =	shalt  }
0x70: {  	_ =	shalt  }
0x71: {  	_ =	shalt  }
0x72: {  	_ =	shalt  }
0x73: {  	_ =	shalt  }
0x74: {  	_ =	shalt  }
0x75: {  	_ =	shalt  }
0x76: {  	_ =	shalt  }
0x77: {  	_ =	shalt  }
0x78: {  	_ =	shalt  }
0x79: {  	_ =	shalt  }
0x7a: {  	_ =	shalt  }
0x7b: {  	_ =	shalt  }
0x7c: {  	_ =	shalt  }
0x7d: {  	_ =	shalt  }
0x7e: {  	_ =	shalt  }
0x7f: {  	_ =	shalt  }
0x80: {  	_ =	shalt  }
0x81: {  	_ =	shalt  }
0x82: {  	_ =	shalt  }
0x83: {  	_ =	shalt  }
0x84: {  	_ =	shalt  }
0x85: {  	_ =	shalt  }
0x86: {  	_ =	shalt  }
0x87: {  	_ =	shalt  }
.Lfunc_end0:
.L_simem_size_0:
called_computation.4_lowered:
.L_overlay_start_0:
0x88: {  	s2 =	sld [smem:$0x3FD9]  }
0x89: {  	s3 =	sld [smem:$0x3FFE];
	_ =	sdelay $0x1  }
0x8a: {  	s1 =	srdreg.scid  }
0x8b: {  	s0 =	sand.u32 $0x1, s1  }
0x8c: {  	s14 =	sshll.u32 s0, $0xA;
	s2 =	sadd.s32 s3, s2  }
0x8d: {  	s2 =	sadd.s32 s2, s14  }
0x8e: {  	[smem:$0x3FAE] =	sst s2  }
0x8f: {  	_ = 	snop  }
0x90: {  	s2 =	sld [smem:$0x3FD0];
	_ =	sdelay $0x2  }
0x91: {  	s15 =	simm.s32 $0xA;
	s4 =	simm.s32 $0x10  }
0x92: {  	[smem:s4], [sflag:s15] =	dma.local [hbm:s2], $0x1  }
0x93: {  	_ =	swait.eq [sflag:s15], $0x1  }
0x94: {  	[sflag:s15] =	ssyncset.done $0x0  }
0x95: {  	[sflag:s15] =	ssyncadd.s32 $0xFFFFFFFF  }
0x96: {  	s16 =	sld [smem:$0x11];
	(tm) =	ssettm $0x1  }
0x97: {  	s17 =	sld [smem:$0x3FFB];
	_ =	sdelay $0x3  }
0x98: {  	_ =	strace s17  }
0x99: {  	s3 =	sld [smem:$0x3FFC];
	_ =	sdelay $0x3  }
0x9a: {  	_ =	strace s3  }
0x9b: {  	s3 =	sld [smem:$0x3FFD];
	_ =	sdelay $0x3  }
0x9c: {  	_ =	strace s3  }
0x9d: {  	_ =	strace $0x8FFFFFFF  }
0x9e: {  	s18 =	sld [smem:$0x3FDB];
	_ =	sdelay $0x1  }
0x9f: {  	s19 =	simm.s32 $_scs_section_size  }
0xa0: {  	s5 =	simm.s32 $_size__tile_overlayer_lowered;
	s6 =	simm.s32 $_tile_overlayer_lowered  }
0xa1: {  	s22 =	simm.s32 $0x1BFF;
	s21 =	sshll.u32 s6, $0x1;
	s3 =	sadd.s32 s19, s18  }
0xa2: {  	s7 =	simm.s32 $0x0;
	s20 =	sshll.u32 s5, $0x1;
	s5 =	sadd.s32 s21, s3  }
0xa3: {  	[timem:s7], [sflag:s22] =	dma.local [hbm:s5], s20  }
0xa4: {  	_ =	swait.ge [sflag:s22], s20  }
0xa5: {  	s4 =	ssub.s32 $0x0, s20;
	[sflag:s22] =	ssyncset.done $0x0  }
0xa6: {  	[sflag:s22] =	ssyncadd.s32 s4;
	_ =	sdelay $0x1  }
0xa7: {  	s23 =	simm.s32 $0x1B8B  }
0xa8: {  	_ =	swait.ge [sflag:s23], $0x1  }
0xa9: {  	[sflag:s23] =	ssyncset.done $0x0  }
0xaa: {  	s25 =	simm.s32 $0x1B8E;
	s24 =	sld [smem:$0x3FFE];
	[sflag:s23] =	ssyncadd.s32 $0xFFFFFFFF  }
0xab: {  	s26 =	simm.s32 $execute0_lowered;
	[smem:$0x3FD2] =	sst s25  }
0xac: {  	s5 =	sshll.u32 s26, $0x1;
	_ =	strace $0x80000052;
	[dreg:$0x1] =	wrdreg $0xFFFFFFFF  }
0xad: {  	s28 =	simm.s32 $_size_execute0_lowered;
	s3 =	sadd.s32 s3, s5;
	[dreg:$0x0] =	wrdreg $0x0  }
0xae: {  	s5 =	sshll.u32 s28, $0x1;
	[dreg:$0x2] =	wrdreg s3  }
0xaf: {  	[dreg:$0x3] =	wrdreg s5  }
0xb0: {  	[dreg:$0x4] =	wrdreg $0xC0  }
0xb1: {  	_ =	task [dreg:s7], $0x5FFFF  }
0xb2: {  	[dreg:$0x1] =	wrdreg $0xFFFFFFFF  }
0xb3: {  	[dreg:$0x0] =	wrdreg $0x60  }
0xb4: {  	[dreg:$0x2] =	wrdreg s24  }
0xb5: {  	[dreg:$0x3] =	wrdreg s16  }
0xb6: {  	[dreg:$0x4] =	wrdreg $0x9  }
0xb7: {  	_ =	task.clear_ibuf [dreg:s7], $0x5FFFF;
	_ =	strace $0x90000052  }
0xb8: {  	s29 =	simm.s32 $0x9;
	_ =	strace $0x80000054  }
0xb9: {  	_ =	swait.ge [sflag:s29], $0x1  }
0xba: {  	[sflag:s29] =	ssyncadd.s32 $0xFFFFFFFF  }
0xbb: {  	_ =	strace $0x90000054  }
0xbc: {  	_ =	sfence  }
0xbd: {  	s30 =	sld [smem:$0x0];
	_ =	sdelay $0x2  }
0xbe: {  	s31 =	sshll.u32 s1, $0xD;
	s1 =	sshrl.u32 s1, $0x2  }
0xbf: {  	s3 =	sand.u32 $0x4000, s31;
	s1 =	sadd.s32 s1, s30  }
0xc0: {  	s0 =	sor.u32 s3, s0;
	s1 =	sshll.u32 s1, $0x11  }
0xc1: {  	s0 =	sor.u32 s1, s0  }
0xc2: {  	s0 =	sadd.s32 $0x8F2B, s0  }
0xc3: {  	[sflag:s0] =	ssyncadd.remote.s32 $0x1  }
0xc4: {  	_ =	sfence.sel $0xFFFF  }
0xc5: {  	[dreg:$0x0] =	wrdreg $0xFFFFFFFF;
	(pc) =	sbr.abs _section_cstart, $3  }
0xc6: {  	[dreg:$0x1] =	wrdreg $0xFFFFFFFF  }
0xc7: {  	_ =	task.clear_ibuf [dreg:s7], $0x2FFFF;
	_ =	strace $0x9FFFFFFF  }
0xc8: {  	(tm) =	ssettm $0x7FFFFFFF  }
0xc9: {  	_ =	shalt  }
tec
execute0_lowered:
.L_overlay_start_1:
0x0: {  	(tag) =	ssettag $0x1  }
0x1: {  	s1 =	srdreg.scid;
	s4 =	rddreg [dreg:$0x0]  }
0x2: {  	s0 =	stileid.u32;
	s6 =	rddreg [dreg:$0x1];
	s2 =	simm.s32 $0x0  }
0x3: {  	s13 =	simm.s32 $0x5800;
	s14 =	simm.s32 $0x1;
	s15 =	simm.s32 $0x9800  }
0x4: {  	s16 =	simm.s32 $0xD800;
	s17 =	simm.s32 $0x4;
	s18 =	simm.s32 $0x2  }
0x5: {  	s19 =	simm.s32 $0x1500;
	s20 =	simm.s32 $0x1580;
	s21 =	simm.s32 $0x0  }
0x6: {  	s3 =	sand.u32 $0x1, s1;
	s26 =	sshll.u32 s0, $0x1;
	s1 =	rddreg [dreg:$0x2]  }
0x7: {  	[smem:$0x7FF] =	sst s2;
	s9 =	smul.u32 $0x160000, s0;
	s12 =	sadd.s32 $0x62200, s4  }
0x8: {  	s5 =	sor.u32 s3, s26;
	s8 =	ssub.s32 $0x2, s3;
	s11 =	smul.u32 $0xB0000, s3  }
0x9: {  	_ =	strace $0x80000053;
	s7 =	smul.u32 $0x300, s5;
	s10 =	sshrl.u32 s8, $0x1  }
0xa: {  	s3 =	sadd.s32 $0x3A200, s4;
	s5 =	smul.u32 $0xB0000, s5;
	s8 =	ssub.s32 s8, s10  }
0xb: {  	s29 =	sadd.s32 s11, s9;
	s10 =	simm.s32 $0x3;
	s11 =	simm.s32 $0x80  }
0xc: {  	s4 =	sadd.s32 s6, s7;
	s28 =	sshrl.u32 s5, $0x3;
	s5 =	smax.u32 s8, $0x1  }
0xd: {  	s9 =	sor.u32 $0x8000, s29;
	s31 =	sshrl.u32 s29, $0x3;
	s30 =	sadd.s32 s12, s28  }
0xe: {  	s9 =	sshrl.u32 s9, $0x3;
	s8 =	sadd.s32 s31, s12;
	s6 =	sadd.s32 $0x14000, s30  }
0xf: {  	s7 =	sadd.s32 $0x15000, s30;
	s9 =	sadd.s32 s9, s12;
	s12 =	simm.s32 $0x1800  }
.LBB2_1:
0x10: {  	[tilespmem:s2], [sflag:$0x3] =	stream.linear.gather [hbm4b:s4+s2], $0x1600, $0x38;
	[tilespmem:$0x11800] =	vst v63  }
0x11: {  	_ =	swait.ge [sflag:s10], $0x1600  }
0x12: {  	[sflag:s10] =	ssyncset.done $0x0  }
0x13: {  	[sflag:s10] =	ssyncadd.s32 $0xFFFFEA00  }
0x14: {  	[tilespmem:s12], [sflag:$0x1] =	stream.indirect.gather [hbm4b:s3+s11], $0x80, s2, s11, $0xb8;
	[tilespmem:$0x11800] =	vst v63  }
0x15: {  	_ = 	snop  }
0x16: {  	[tilespmem:s13], [sflag:$0x1] =	stream.indirect.gather [hbm4b:s3+s11], $0x80, s11, s11, $0xb8;
	[tilespmem:$0x11800] =	vst v63  }
0x17: {  	_ =	swait.ge [sflag:s14], $0x4000  }
0x18: {  	[sflag:s14] =	ssyncset.done $0x0  }
0x19: {  	[sflag:s14] =	ssyncadd.s32 $0xFFFFC000  }
0x1a: {  	_ =	swait.ge [sflag:s14], $0x4000  }
0x1b: {  	[sflag:s14] =	ssyncset.done $0x0  }
0x1c: {  	s22 =	simm.s32 $0x100;
	[sflag:s14] =	ssyncadd.s32 $0xFFFFC000  }
0x1d: {  	[tilespmem:s15], [sflag:$0x2] =	stream.indirect.gather [hbm4b:s3+s11], $0x80, s22, s11, $0xb8;
	[tilespmem:$0x11800] =	vst v63  }
0x1e: {  	s29 =	simm.s32 $0x180  }
0x1f: {  	[tilespmem:s16], [sflag:$0x2] =	stream.indirect.gather [hbm4b:s3+s11], $0x80, s29, s11, $0xb8;
	[tilespmem:$0x11800] =	vst v63  }
0x20: {  	_ = 	snop  }
0x21: {  	[hbm4b:s8+s2] =	stream.linear.scatter [tilespmem:s12], [sflag:$0x4], $0x8000, $0x38;
	[tilespmem:$0x11800] =	vst v63  }
0x22: {  	_ =	swait.ge [sflag:s17], $0x8000  }
0x23: {  	[sflag:s17] =	ssyncset.done $0x0  }
0x24: {  	[sflag:s17] =	ssyncadd.s32 $0xFFFF8000  }
0x25: {  	_ =	swait.ge [sflag:s18], $0x4000  }
0x26: {  	[sflag:s18] =	ssyncset.done $0x0  }
0x27: {  	[sflag:s18] =	ssyncadd.s32 $0xFFFFC000  }
0x28: {  	_ =	swait.ge [sflag:s18], $0x4000  }
0x29: {  	[sflag:s18] =	ssyncset.done $0x0  }
0x2a: {  	s30 =	simm.s32 $0x200;
	[sflag:s18] =	ssyncadd.s32 $0xFFFFC000  }
0x2b: {  	[tilespmem:s12], [sflag:$0x1] =	stream.indirect.gather [hbm4b:s3+s11], $0x80, s30, s11, $0xb8;
	[tilespmem:$0x11800] =	vst v63  }
0x2c: {  	s31 =	simm.s32 $0x280  }
0x2d: {  	[tilespmem:s13], [sflag:$0x1] =	stream.indirect.gather [hbm4b:s3+s11], $0x80, s31, s11, $0xb8;
	[tilespmem:$0x11800] =	vst v63  }
0x2e: {  	_ = 	snop  }
0x2f: {  	[hbm4b:s9+s2] =	stream.linear.scatter [tilespmem:s15], [sflag:$0x3], $0x8000, $0x38;
	[tilespmem:$0x11800] =	vst v63  }
0x30: {  	s23 =	smov.u32 s8;
	_ =	swait.ge [sflag:s10], $0x8000  }
0x31: {  	s24 =	smov.u32 s9;
	s22 =	simm.s32 $0x800;
	[sflag:s10] =	ssyncset.done $0x0  }
.LBB2_2:
0x32: {  	[sflag:s10] =	ssyncadd.s32 $0xFFFF8000;
	s23 =	sadd.s32 $0x2000, s23;
	s24 =	sadd.s32 $0x2000, s24  }
0x33: {  	p0 =	sne.s32 s22, $0x4800;
	s25 =	smov.u32 s22;
	s22 =	sadd.s32 $0x800, s22  }
0x34: {  	_ =	swait.ge [sflag:s14], $0x4000  }
0x35: {  	[sflag:s14] =	ssyncset.done $0x0  }
0x36: {  	[sflag:s14] =	ssyncadd.s32 $0xFFFFC000  }
0x37: {  	_ =	swait.ge [sflag:s14], $0x4000  }
0x38: {  	s25 =	sshra.s32 s25, $0x2;
	[sflag:s14] =	ssyncset.done $0x0  }
0x39: {  	s26 =	sadd.s32 $0x100, s25;
	[sflag:s14] =	ssyncadd.s32 $0xFFFFC000  }
0x3a: {  	[tilespmem:s15], [sflag:$0x2] =	stream.indirect.gather [hbm4b:s3+s11], $0x80, s26, s11, $0xb8;
	[tilespmem:$0x11800] =	vst v63  }
0x3b: {  	s26 =	sadd.s32 $0x180, s25  }
0x3c: {  	[tilespmem:s16], [sflag:$0x2] =	stream.indirect.gather [hbm4b:s3+s11], $0x80, s26, s11, $0xb8;
	[tilespmem:$0x11800] =	vst v63  }
0x3d: {  	_ = 	snop  }
0x3e: {  	[hbm4b:s23+s2] =	stream.linear.scatter [tilespmem:s12], [sflag:$0x4], $0x8000, $0x38;
	[tilespmem:$0x11800] =	vst v63  }
0x3f: {  	_ =	swait.ge [sflag:s17], $0x8000  }
0x40: {  	[sflag:s17] =	ssyncset.done $0x0  }
0x41: {  	[sflag:s17] =	ssyncadd.s32 $0xFFFF8000  }
0x42: {  	_ =	swait.ge [sflag:s18], $0x4000  }
0x43: {  	[sflag:s18] =	ssyncset.done $0x0  }
0x44: {  	[sflag:s18] =	ssyncadd.s32 $0xFFFFC000  }
0x45: {  	_ =	swait.ge [sflag:s18], $0x4000  }
0x46: {  	[sflag:s18] =	ssyncset.done $0x0  }
0x47: {  	s26 =	sadd.s32 $0x200, s25;
	[sflag:s18] =	ssyncadd.s32 $0xFFFFC000  }
0x48: {  	[tilespmem:s12], [sflag:$0x1] =	stream.indirect.gather [hbm4b:s3+s11], $0x80, s26, s11, $0xb8;
	[tilespmem:$0x11800] =	vst v63  }
0x49: {  	s25 =	sadd.s32 $0x280, s25  }
0x4a: {  	[tilespmem:s13], [sflag:$0x1] =	stream.indirect.gather [hbm4b:s3+s11], $0x80, s25, s11, $0xb8;
	[tilespmem:$0x11800] =	vst v63  }
.Ltmp0:
0x4b: {  	_ = 	snop;
	(pc) =	sbr.rel @p0 .LBB2_2-.Ltmp0, $4  }
0x4c: {  	_ = 	snop  }
0x4d: {  	[hbm4b:s24+s2] =	stream.linear.scatter [tilespmem:s15], [sflag:$0x3], $0x8000, $0x38;
	[tilespmem:$0x11800] =	vst v63  }
0x4e: {  	_ =	swait.ge [sflag:s10], $0x8000  }
0x4f: {  	[sflag:s10] =	ssyncset.done $0x0  }
0x50: {  	[sflag:s10] =	ssyncadd.s32 $0xFFFF8000  }
0x51: {  	_ =	swait.ge [sflag:s14], $0x4000  }
0x52: {  	[sflag:s14] =	ssyncset.done $0x0  }
0x53: {  	[sflag:s14] =	ssyncadd.s32 $0xFFFFC000  }
0x54: {  	_ =	swait.ge [sflag:s14], $0x4000  }
0x55: {  	[sflag:s14] =	ssyncset.done $0x0  }
0x56: {  	[sflag:s14] =	ssyncadd.s32 $0xFFFFC000  }
0x57: {  	[tilespmem:s15], [sflag:$0x2] =	stream.indirect.gather [hbm4b:s3+s11], $0x80, s19, s11, $0xb8;
	[tilespmem:$0x11800] =	vst v63  }
0x58: {  	_ = 	snop  }
0x59: {  	[tilespmem:s16], [sflag:$0x2] =	stream.indirect.gather [hbm4b:s3+s11], $0x80, s20, s11, $0xb8;
	[tilespmem:$0x11800] =	vst v63  }
0x5a: {  	_ = 	snop  }
0x5b: {  	[hbm4b:s6+s2] =	stream.linear.scatter [tilespmem:s12], [sflag:$0x4], $0x8000, $0x38;
	[tilespmem:$0x11800] =	vst v63  }
0x5c: {  	_ =	swait.ge [sflag:s17], $0x8000  }
0x5d: {  	[sflag:s17] =	ssyncset.done $0x0  }
0x5e: {  	[sflag:s17] =	ssyncadd.s32 $0xFFFF8000  }
0x5f: {  	_ =	swait.ge [sflag:s18], $0x4000  }
0x60: {  	[sflag:s18] =	ssyncset.done $0x0  }
0x61: {  	[sflag:s18] =	ssyncadd.s32 $0xFFFFC000  }
0x62: {  	s21 =	sadd.s32 $0x1, s21;
	_ =	swait.ge [sflag:s18], $0x4000  }
0x63: {  	p0 =	sne.s32 s21, s5;
	[sflag:s18] =	ssyncset.done $0x0  }
.Ltmp1:
0x64: {  	[sflag:s18] =	ssyncadd.s32 $0xFFFFC000;
	(pc) =	sbr.rel @p0 .LBB2_1-.Ltmp1, $4  }
0x65: {  	[hbm4b:s7+s2] =	stream.linear.scatter [tilespmem:s15], [sflag:$0x3], $0x8000, $0x38;
	[tilespmem:$0x11800] =	vst v63  }
0x66: {  	_ =	swait.ge [sflag:s10], $0x8000  }
0x67: {  	[sflag:s10] =	ssyncset.done $0x0  }
0x68: {  	[sflag:s10] =	ssyncadd.s32 $0xFFFF8000  }
0x69: {  	_ =	sfence.sel $0x180000  }
0x6a: {  	[bflag:$0x0] =	sbarrier.arrive $0xFFFF  }
0x6b: {  	p0 =	sne.s32 s0, $0x0;
	_ =	strace $0x90000053  }
0x6c: {  	s0 =	sadd.s32 @!p0 $0x100000, s1;
	[bflag:$0x2] =	sbarrier.arrive $0xFFFF  }
0x6d: {  	[sflag:s0] =	ssyncadd.tile.s32 @!p0 $0x1;
	_ =	shalt  }
.Lfunc_end2:
_tile_overlayer_lowered:
.L_overlay_start_2:
0x6e: {  	(tag) =	ssettag $0x2  }
0x6f: {  	s0 =	rddreg [dreg:$0x0];
	s2 =	stileid.u32  }
0x70: {  	s1 =	rddreg [dreg:$0x1];
	p0 =	sne.s32 s2, $0x0  }
0x71: {  	s3 =	rddreg [dreg:$0x2];
	[bflag:$0x3] =	sbarrier.arrive $0xFFFF;
	s2 =	simm.s32 @!p0 $0x1C03  }
0x72: {  	[timem:s3], [sflag:s2] =	dma.local @!p0 [hbm:s0], s1  }
0x73: {  	s0 =	simm.s32 @!p0 $0x3  }
0x74: {  	_ =	swait.ge @!p0 [sflag:s0], s1  }
0x75: {  	s1 =	ssub.s32 @!p0 $0x0, s1;
	[sflag:s0] =	ssyncset.done @!p0 $0x0  }
0x76: {  	[sflag:s0] =	ssyncadd.s32 @!p0 s1  }
0x77: {  	[bflag:$0x3] =	sbarrier.arrive $0xFFFF  }
0x78: {  	_ =	shalt  }

// kernel: kernel.14.cloned.1.call-start
scs
__scs_entry_jumppad:
0x0: {  	(pc) =	sbr.rel $0x88, $3  }
0x1: {  	(tag) =	ssettag $0x0;
	lr =	simm.s32 $0x1  }
0x2: {  	[smem:$0x3F87] =	sst lr;
	_ =	strace $0xD0000000  }
0x3: {  	_ = 	snop  }
0x4: {  	_ = 	snop  }
0x5: {  	_ = 	snop  }
0x6: {  	_ = 	snop  }
0x7: {  	_ = 	snop  }
__scs_overlays_trampoline_lowered:
0x8: {  	[smem:$0x3F96] =	sst s0  }
0x9: {  	[smem:$0x3F97] =	sst s1  }
0xa: {  	[smem:$0x3F98] =	sst s2  }
0xb: {  	[smem:$0x3F99] =	sst s3  }
0xc: {  	[smem:$0x3F9A] =	sst s4  }
0xd: {  	[smem:$0x3F9B] =	sst s5  }
0xe: {  	[smem:$0x3F9C] =	sst s6  }
0xf: {  	[smem:$0x3F9D] =	sst s7  }
0x10: {  	[smem:$0x3F9E] =	sst s8  }
0x11: {  	[smem:$0x3F9F] =	sst s9;
	s0 =	simm.s32 @!p0 $0x0  }
0x12: {  	s1 =	sld [smem:$0x3F85];
	s0 =	simm.s32 @p0 $0x1  }
0x13: {  	[smem:$0x3FA0] =	sst s0;
	s0 =	simm.s32 @!p1 $0x0  }
0x14: {  	s2 =	sld [smem:$0x3F84];
	s0 =	simm.s32 @p1 $0x1  }
0x15: {  	[smem:$0x3FA1] =	sst s0;
	s0 =	simm.s32 @!p2 $0x0  }
0x16: {  	s3 =	sld [smem:$0x3FDB];
	s0 =	simm.s32 @p2 $0x1  }
0x17: {  	s4 =	simm.s32 $0x1BF5;
	[smem:$0x3FA3] =	sst s0  }
0x18: {  	s0 =	sld [smem:$0x3F86];
	_ =	swait.ge [sflag:s4], $0x0  }
0x19: {  	s7 =	sld [smem:$0x3F87]  }
0x1a: {  	s8 =	sadd.s32 $0xFFFFE003, lr  }
0x1b: {  	s9 =	sadd.s32 $0xFFFFFEF7, lr;
	s5 =	simm.s32 $0xFFFFFFFF;
	p2 =	slt.u32 s8, $0xFFFFF086  }
0x1c: {  	p1 =	slt.u32 s9, $0xF7A;
	s5 =	simm.s32 @!p2 $0x0  }
0x1d: {  	s5 =	simm.s32 @p1 $0x1;
	p0 =	seq.s32 s7, s2  }
0x1e: {  	s7 =	smul.u32 @!p0 $0xF7A, s2;
	p2 =	seq.s32 @!p0 s5, $0x0  }
0x1f: {  	s9 =	smul.u32 $0xF7A, s1;
	s8 =	simm.s32 @!p0 $0x1BF5;
	p2 =	por !p2, p0  }
0x20: {  	[sflag:s8] =	ssyncset.s32 @!p0 $0xFFFFF086;
	s6 =	sadd.s32 @!p0 s3, s7;
	s7 =	simm.s32 @!p0 $0x108  }
0x21: {  	s3 =	sadd.s32 s3, s9;
	s6 =	sadd.s32 @!p0 $0x88, s6;
	s7 =	simm.s32 @p2 $0x1082  }
0x22: {  	[simem:s7], [sflag:s8] =	dma.local @!p0 [hbm:s6], $0xF7A  }
0x23: {  	s9 =	sor.u32 $0xD0000000, s2;
	s6 =	simm.s32 $0x108;
	_ =	swait.ge @!p0 [sflag:s8], $0x0  }
0x24: {  	s3 =	sadd.s32 $0x88, s3;
	s6 =	simm.s32 @!p1 $0x1082;
	[sflag:s4] =	ssyncset.s32 $0xFFFFF086  }
0x25: {  	[simem:s6], [sflag:s4] =	dma.local [hbm:s3], $0xF7A  }
0x26: {  	[smem:$0x3F87] =	sst s1;
	(tag) =	ssettag s2;
	_ =	strace s9  }
0x27: {  	s1 =	sld [smem:$0x3F97]  }
0x28: {  	s2 =	sld [smem:$0x3F98]  }
0x29: {  	s4 =	sld [smem:$0x3F9A]  }
0x2a: {  	p0 =	seq.s32 s5, $0x0;
	s5 =	sld [smem:$0x3F9B]  }
0x2b: {  	s6 =	sld [smem:$0x3F9C]  }
0x2c: {  	s7 =	sld [smem:$0x3F9D]  }
0x2d: {  	s3 =	simm.s32 $0x108;
	s8 =	sld [smem:$0x3F9E]  }
0x2e: {  	s3 =	simm.s32 @!p0 $0x1082;
	s9 =	sld [smem:$0x3F9F]  }
0x2f: {  	lr =	sadd.s32 s0, s3;
	s0 =	sld [smem:$0x3F96]  }
0x30: {  	s3 =	sld [smem:$0x3F99]  }
0x31: {  	[smem:$0x3FA2] =	sst s10  }
0x32: {  	s10 =	sld [smem:$0x3FA0];
	_ =	sdelay $0x3  }
0x33: {  	p0 =	seq.s32 s10, $0x1;
	s10 =	sld [smem:$0x3FA2];
	_ =	sdelay $0x3  }
0x34: {  	[smem:$0x3FA2] =	sst s10  }
0x35: {  	s10 =	sld [smem:$0x3FA1];
	_ =	sdelay $0x3  }
0x36: {  	p1 =	seq.s32 s10, $0x1;
	s10 =	sld [smem:$0x3FA2];
	_ =	sdelay $0x3  }
0x37: {  	[smem:$0x3FA2] =	sst s10  }
0x38: {  	s10 =	sld [smem:$0x3FA3]  }
0x39: {  	_ = 	snop;
	(pc) =	sbr.ind lr, $3  }
0x3a: {  	_ = 	snop  }
0x3b: {  	_ = 	snop  }
0x3c: {  	p2 =	seq.s32 s10, $0x1;
	s10 =	sld [smem:$0x3FA2]  }
0x3d: {  	_ =	shalt  }
0x3e: {  	_ =	shalt  }
0x3f: {  	_ =	shalt  }
0x40: {  	_ =	shalt  }
0x41: {  	_ =	shalt  }
0x42: {  	_ =	shalt  }
0x43: {  	_ =	shalt  }
0x44: {  	_ =	shalt  }
0x45: {  	_ =	shalt  }
0x46: {  	_ =	shalt  }
0x47: {  	_ =	shalt  }
0x48: {  	_ =	shalt  }
0x49: {  	_ =	shalt  }
0x4a: {  	_ =	shalt  }
0x4b: {  	_ =	shalt  }
0x4c: {  	_ =	shalt  }
0x4d: {  	_ =	shalt  }
0x4e: {  	_ =	shalt  }
0x4f: {  	_ =	shalt  }
0x50: {  	_ =	shalt  }
0x51: {  	_ =	shalt  }
0x52: {  	_ =	shalt  }
0x53: {  	_ =	shalt  }
0x54: {  	_ =	shalt  }
0x55: {  	_ =	shalt  }
0x56: {  	_ =	shalt  }
0x57: {  	_ =	shalt  }
0x58: {  	_ =	shalt  }
0x59: {  	_ =	shalt  }
0x5a: {  	_ =	shalt  }
0x5b: {  	_ =	shalt  }
0x5c: {  	_ =	shalt  }
0x5d: {  	_ =	shalt  }
0x5e: {  	_ =	shalt  }
0x5f: {  	_ =	shalt  }
0x60: {  	_ =	shalt  }
0x61: {  	_ =	shalt  }
0x62: {  	_ =	shalt  }
0x63: {  	_ =	shalt  }
0x64: {  	_ =	shalt  }
0x65: {  	_ =	shalt  }
0x66: {  	_ =	shalt  }
0x67: {  	_ =	shalt  }
0x68: {  	_ =	shalt  }
0x69: {  	_ =	shalt  }
0x6a: {  	_ =	shalt  }
0x6b: {  	_ =	shalt  }
0x6c: {  	_ =	shalt  }
0x6d: {  	_ =	shalt  }
0x6e: {  	_ =	shalt  }
0x6f: {  	_ =	shalt  }
0x70: {  	_ =	shalt  }
0x71: {  	_ =	shalt  }
0x72: {  	_ =	shalt  }
0x73: {  	_ =	shalt  }
0x74: {  	_ =	shalt  }
0x75: {  	_ =	shalt  }
0x76: {  	_ =	shalt  }
0x77: {  	_ =	shalt  }
0x78: {  	_ =	shalt  }
0x79: {  	_ =	shalt  }
0x7a: {  	_ =	shalt  }
0x7b: {  	_ =	shalt  }
0x7c: {  	_ =	shalt  }
0x7d: {  	_ =	shalt  }
0x7e: {  	_ =	shalt  }
0x7f: {  	_ =	shalt  }
0x80: {  	_ =	shalt  }
0x81: {  	_ =	shalt  }
0x82: {  	_ =	shalt  }
0x83: {  	_ =	shalt  }
0x84: {  	_ =	shalt  }
0x85: {  	_ =	shalt  }
0x86: {  	_ =	shalt  }
0x87: {  	_ =	shalt  }
.Lfunc_end0:
.L_simem_size_0:
called_computation.5_lowered:
.L_overlay_start_0:
0x88: {  	s2 =	sld [smem:$0x3FD9]  }
0x89: {  	s3 =	sld [smem:$0x3FFE];
	_ =	sdelay $0x1  }
0x8a: {  	s1 =	srdreg.scid  }
0x8b: {  	s0 =	sand.u32 $0x1, s1  }
0x8c: {  	s14 =	sshll.u32 s0, $0xA;
	s2 =	sadd.s32 s3, s2  }
0x8d: {  	s2 =	sadd.s32 s2, s14  }
0x8e: {  	[smem:$0x3FAE] =	sst s2  }
0x8f: {  	_ = 	snop  }
0x90: {  	s2 =	sld [smem:$0x3FD0];
	_ =	sdelay $0x2  }
0x91: {  	s15 =	simm.s32 $0xA;
	s4 =	simm.s32 $0x10  }
0x92: {  	[smem:s4], [sflag:s15] =	dma.local [hbm:s2], $0x1  }
0x93: {  	_ =	swait.eq [sflag:s15], $0x1  }
0x94: {  	[sflag:s15] =	ssyncset.done $0x0  }
0x95: {  	[sflag:s15] =	ssyncadd.s32 $0xFFFFFFFF  }
0x96: {  	s16 =	sld [smem:$0x10];
	(tm) =	ssettm $0x1  }
0x97: {  	s17 =	sld [smem:$0x3FFB];
	_ =	sdelay $0x3  }
0x98: {  	_ =	strace s17  }
0x99: {  	s3 =	sld [smem:$0x3FFC];
	_ =	sdelay $0x3  }
0x9a: {  	_ =	strace s3  }
0x9b: {  	s3 =	sld [smem:$0x3FFD];
	_ =	sdelay $0x3  }
0x9c: {  	_ =	strace s3  }
0x9d: {  	_ =	strace $0x8FFFFFFF  }
0x9e: {  	s18 =	sld [smem:$0x3FDB];
	_ =	sdelay $0x1  }
0x9f: {  	s19 =	simm.s32 $_scs_section_size  }
0xa0: {  	s5 =	simm.s32 $_size__tile_overlayer_lowered;
	s6 =	simm.s32 $_tile_overlayer_lowered  }
0xa1: {  	s22 =	simm.s32 $0x1BFF;
	s21 =	sshll.u32 s6, $0x1;
	s3 =	sadd.s32 s19, s18  }
0xa2: {  	s7 =	simm.s32 $0x0;
	s20 =	sshll.u32 s5, $0x1;
	s5 =	sadd.s32 s21, s3  }
0xa3: {  	[timem:s7], [sflag:s22] =	dma.local [hbm:s5], s20  }
0xa4: {  	_ =	swait.ge [sflag:s22], s20  }
0xa5: {  	s4 =	ssub.s32 $0x0, s20;
	[sflag:s22] =	ssyncset.done $0x0  }
0xa6: {  	[sflag:s22] =	ssyncadd.s32 s4;
	_ =	sdelay $0x1  }
0xa7: {  	s23 =	simm.s32 $0x1B8B  }
0xa8: {  	_ =	swait.ge [sflag:s23], $0x1  }
0xa9: {  	[sflag:s23] =	ssyncset.done $0x0  }
0xaa: {  	s25 =	simm.s32 $0x1B8E;
	s24 =	sld [smem:$0x3FFE];
	[sflag:s23] =	ssyncadd.s32 $0xFFFFFFFF  }
0xab: {  	s26 =	simm.s32 $execute0_lowered;
	[smem:$0x3FD2] =	sst s25  }
0xac: {  	s5 =	sshll.u32 s26, $0x1;
	_ =	strace $0x80000055;
	[dreg:$0x1] =	wrdreg $0xFFFFFFFF  }
0xad: {  	s28 =	simm.s32 $_size_execute0_lowered;
	s3 =	sadd.s32 s3, s5;
	[dreg:$0x0] =	wrdreg $0x0  }
0xae: {  	s5 =	sshll.u32 s28, $0x1;
	[dreg:$0x2] =	wrdreg s3  }
0xaf: {  	[dreg:$0x3] =	wrdreg s5  }
0xb0: {  	[dreg:$0x4] =	wrdreg $0xC0  }
0xb1: {  	_ =	task [dreg:s7], $0x5FFFF  }
0xb2: {  	[dreg:$0x1] =	wrdreg $0xFFFFFFFF  }
0xb3: {  	[dreg:$0x0] =	wrdreg $0x60  }
0xb4: {  	[dreg:$0x2] =	wrdreg s24  }
0xb5: {  	[dreg:$0x3] =	wrdreg s16  }
0xb6: {  	[dreg:$0x4] =	wrdreg $0x9  }
0xb7: {  	_ =	task.clear_ibuf [dreg:s7], $0x5FFFF;
	_ =	strace $0x90000055  }
0xb8: {  	s29 =	simm.s32 $0x9;
	_ =	strace $0x80000057  }
0xb9: {  	_ =	swait.ge [sflag:s29], $0x1  }
0xba: {  	[sflag:s29] =	ssyncadd.s32 $0xFFFFFFFF  }
0xbb: {  	_ =	strace $0x90000057  }
0xbc: {  	_ =	sfence  }
0xbd: {  	s30 =	sld [smem:$0x0];
	_ =	sdelay $0x2  }
0xbe: {  	s31 =	sshll.u32 s1, $0xD;
	s1 =	sshrl.u32 s1, $0x2  }
0xbf: {  	s3 =	sand.u32 $0x4000, s31;
	s1 =	sadd.s32 s1, s30  }
0xc0: {  	s0 =	sor.u32 s3, s0;
	s1 =	sshll.u32 s1, $0x11  }
0xc1: {  	s0 =	sor.u32 s1, s0  }
0xc2: {  	s0 =	sadd.s32 $0x8F2B, s0  }
0xc3: {  	[sflag:s0] =	ssyncadd.remote.s32 $0x1  }
0xc4: {  	_ =	sfence.sel $0xFFFF  }
0xc5: {  	[dreg:$0x0] =	wrdreg $0xFFFFFFFF;
	(pc) =	sbr.abs _section_cstart, $3  }
0xc6: {  	[dreg:$0x1] =	wrdreg $0xFFFFFFFF  }
0xc7: {  	_ =	task.clear_ibuf [dreg:s7], $0x2FFFF;
	_ =	strace $0x9FFFFFFF  }
0xc8: {  	(tm) =	ssettm $0x7FFFFFFF  }
0xc9: {  	_ =	shalt  }
tec
execute0_lowered:
.L_overlay_start_1:
0x0: {  	(tag) =	ssettag $0x1  }
0x1: {  	s10 =	rddreg [dreg:$0x0]  }
0x2: {  	s1 =	srdreg.scid;
	s0 =	stileid.u32  }
0x3: {  	s3 =	rddreg [dreg:$0x1];
	s14 =	sand.u32 $0x1, s1;
	s4 =	sshll.u32 s0, $0x1  }
0x4: {  	s2 =	simm.s32 $0x0;
	s1 =	rddreg [dreg:$0x2];
	s12 =	sor.u32 s14, s4  }
0x5: {  	[smem:$0x7FF] =	sst s2;
	s4 =	sshll.u32 s12, $0x6  }
0x6: {  	_ =	strace $0x80000056;
	s4 =	sadd.s32 s3, s4;
	s3 =	simm.s32 $0x3  }
0x7: {  	[tilespmem:s2], [sflag:$0x3] =	stream.linear.gather [hbm4b:s4+s2], $0x180, $0x38;
	[tilespmem:$0x10200] =	vst v63  }
0x8: {  	_ =	swait.ge [sflag:s3], $0x180  }
0x9: {  	s6 =	simm.s32 $0x80;
	[sflag:s3] =	ssyncset.done $0x0  }
0xa: {  	s7 =	simm.s32 $0x200;
	s5 =	sadd.s32 $0x35200, s10;
	[sflag:s3] =	ssyncadd.s32 $0xFFFFFE80  }
0xb: {  	[tilespmem:s7], [sflag:$0x1] =	stream.indirect.gather [hbm4b:s5+s6], $0x80, s2, s6, $0xb8;
	[tilespmem:$0x10200] =	vst v63  }
0xc: {  	s8 =	simm.s32 $0x8200;
	s9 =	simm.s32 $0x1  }
0xd: {  	[tilespmem:s8], [sflag:$0x2] =	stream.indirect.gather [hbm4b:s5+s6], $0x80, s6, s6, $0xb8;
	[tilespmem:$0x10200] =	vst v63  }
0xe: {  	_ =	swait.ge [sflag:s9], $0x4000  }
0xf: {  	s13 =	sadd.s32 $0x5D200, s10;
	[sflag:s9] =	ssyncset.done $0x0  }
0x10: {  	s10 =	simm.s32 $0x100;
	s11 =	smul.u32 $0x1800, s12;
	[sflag:s9] =	ssyncadd.s32 $0xFFFFC000  }
0x11: {  	[tilespmem:s7], [sflag:$0x1] =	stream.indirect.gather [hbm4b:s5+s6], $0x80, s10, s6, $0xb8;
	[tilespmem:$0x10200] =	vst v63  }
0x12: {  	s11 =	sadd.s32 s13, s11  }
0x13: {  	[hbm4b:s11+s2] =	stream.linear.scatter [tilespmem:s7], [sflag:$0x3], $0x4000, $0x38;
	[tilespmem:$0x10200] =	vst v63  }
0x14: {  	_ =	swait.ge [sflag:s3], $0x4000  }
0x15: {  	s15 =	smul.u32 $0xC000, s12;
	[sflag:s3] =	ssyncset.done $0x0  }
0x16: {  	s12 =	simm.s32 $0x2;
	[sflag:s3] =	ssyncadd.s32 $0xFFFFC000  }
0x17: {  	s15 =	sshrl.u32 s15, $0x3;
	_ =	swait.ge [sflag:s12], $0x4000  }
0x18: {  	s15 =	sadd.s32 s13, s15;
	[sflag:s12] =	ssyncset.done $0x0  }
0x19: {  	s14 =	ssub.s32 $0x2, s14;
	s13 =	sadd.s32 $0x800, s15;
	[sflag:s12] =	ssyncadd.s32 $0xFFFFC000  }
0x1a: {  	[hbm4b:s13+s2] =	stream.linear.scatter [tilespmem:s8], [sflag:$0x3], $0x4000, $0x38;
	[tilespmem:$0x10200] =	vst v63  }
0x1b: {  	s16 =	sshrl.u32 s14, $0x1;
	_ =	swait.ge [sflag:s3], $0x4000  }
0x1c: {  	s16 =	ssub.s32 s14, s16;
	[sflag:s3] =	ssyncset.done $0x0  }
0x1d: {  	s31 =	smax.u32 s16, $0x1;
	[sflag:s3] =	ssyncadd.s32 $0xFFFFC000  }
0x1e: {  	p0 =	sne.s32 s31, $0x1;
	_ =	swait.ge [sflag:s9], $0x4000  }
.Ltmp0:
0x1f: {  	[sflag:s9] =	ssyncset.done $0x0;
	(pc) =	sbr.rel @!p0 .LBB2_2-.Ltmp0, $4  }
0x20: {  	s14 =	sadd.s32 $0x1000, s15;
	[sflag:s9] =	ssyncadd.s32 $0xFFFFC000  }
0x21: {  	[hbm4b:s14+s2] =	stream.linear.scatter [tilespmem:s7], [sflag:$0x3], $0x4000, $0x38;
	[tilespmem:$0x10200] =	vst v63  }
0x22: {  	_ =	swait.ge [sflag:s3], $0x4000  }
0x23: {  	s15 =	sadd.s32 $0xFFFFFFFF, s31;
	[sflag:s3] =	ssyncset.done $0x0  }
.LBB2_1:
0x24: {  	p0 =	sne.s32 s15, $0x1;
	s15 =	sadd.s32 $0xFFFFFFFF, s15;
	[sflag:s3] =	ssyncadd.s32 $0xFFFFC000  }
0x25: {  	[tilespmem:s2], [sflag:$0x3] =	stream.linear.gather [hbm4b:s4+s2], $0x180, $0x38;
	[tilespmem:$0x10200] =	vst v63  }
0x26: {  	_ =	swait.ge [sflag:s3], $0x180  }
0x27: {  	[sflag:s3] =	ssyncset.done $0x0  }
0x28: {  	[sflag:s3] =	ssyncadd.s32 $0xFFFFFE80  }
0x29: {  	[tilespmem:s7], [sflag:$0x1] =	stream.indirect.gather [hbm4b:s5+s6], $0x80, s2, s6, $0xb8;
	[tilespmem:$0x10200] =	vst v63  }
0x2a: {  	_ = 	snop  }
0x2b: {  	[tilespmem:s8], [sflag:$0x2] =	stream.indirect.gather [hbm4b:s5+s6], $0x80, s6, s6, $0xb8;
	[tilespmem:$0x10200] =	vst v63  }
0x2c: {  	_ =	swait.ge [sflag:s9], $0x4000  }
0x2d: {  	[sflag:s9] =	ssyncset.done $0x0  }
0x2e: {  	[sflag:s9] =	ssyncadd.s32 $0xFFFFC000  }
0x2f: {  	[tilespmem:s7], [sflag:$0x1] =	stream.indirect.gather [hbm4b:s5+s6], $0x80, s10, s6, $0xb8;
	[tilespmem:$0x10200] =	vst v63  }
0x30: {  	_ = 	snop  }
0x31: {  	[hbm4b:s11+s2] =	stream.linear.scatter [tilespmem:s7], [sflag:$0x3], $0x4000, $0x38;
	[tilespmem:$0x10200] =	vst v63  }
0x32: {  	_ =	swait.ge [sflag:s3], $0x4000  }
0x33: {  	[sflag:s3] =	ssyncset.done $0x0  }
0x34: {  	[sflag:s3] =	ssyncadd.s32 $0xFFFFC000  }
0x35: {  	_ =	swait.ge [sflag:s12], $0x4000  }
0x36: {  	[sflag:s12] =	ssyncset.done $0x0  }
0x37: {  	[sflag:s12] =	ssyncadd.s32 $0xFFFFC000  }
0x38: {  	[hbm4b:s13+s2] =	stream.linear.scatter [tilespmem:s8], [sflag:$0x3], $0x4000, $0x38;
	[tilespmem:$0x10200] =	vst v63  }
0x39: {  	_ =	swait.ge [sflag:s3], $0x4000  }
0x3a: {  	[sflag:s3] =	ssyncset.done $0x0  }
0x3b: {  	[sflag:s3] =	ssyncadd.s32 $0xFFFFC000  }
0x3c: {  	_ =	swait.ge [sflag:s9], $0x4000  }
.Ltmp1:
0x3d: {  	[sflag:s9] =	ssyncset.done $0x0;
	(pc) =	sbr.rel @p0 .LBB2_1-.Ltmp1, $4  }
0x3e: {  	[sflag:s9] =	ssyncadd.s32 $0xFFFFC000  }
0x3f: {  	[hbm4b:s14+s2] =	stream.linear.scatter [tilespmem:s7], [sflag:$0x3], $0x4000, $0x38;
	[tilespmem:$0x10200] =	vst v63  }
0x40: {  	_ =	swait.ge [sflag:s3], $0x4000  }
0x41: {  	[sflag:s3] =	ssyncset.done $0x0  }
.LBB2_2:
0x42: {  	[sflag:s3] =	ssyncadd.s32 $0xFFFFC000  }
0x43: {  	_ =	sfence.sel $0x180000  }
0x44: {  	[bflag:$0x0] =	sbarrier.arrive $0xFFFF  }
0x45: {  	p0 =	sne.s32 s0, $0x0;
	_ =	strace $0x90000056  }
0x46: {  	s0 =	sadd.s32 @!p0 $0x100000, s1;
	[bflag:$0x2] =	sbarrier.arrive $0xFFFF  }
0x47: {  	[sflag:s0] =	ssyncadd.tile.s32 @!p0 $0x1;
	_ =	shalt  }
.Lfunc_end2:
_tile_overlayer_lowered:
.L_overlay_start_2:
0x48: {  	(tag) =	ssettag $0x2  }
0x49: {  	s0 =	rddreg [dreg:$0x0];
	s2 =	stileid.u32  }
0x4a: {  	s1 =	rddreg [dreg:$0x1];
	p0 =	sne.s32 s2, $0x0  }
0x4b: {  	s3 =	rddreg [dreg:$0x2];
	[bflag:$0x3] =	sbarrier.arrive $0xFFFF;
	s2 =	simm.s32 @!p0 $0x1C03  }
0x4c: {  	[timem:s3], [sflag:s2] =	dma.local @!p0 [hbm:s0], s1  }
0x4d: {  	s0 =	simm.s32 @!p0 $0x3  }
0x4e: {  	_ =	swait.ge @!p0 [sflag:s0], s1  }
0x4f: {  	s1 =	ssub.s32 @!p0 $0x0, s1;
	[sflag:s0] =	ssyncset.done @!p0 $0x0  }
0x50: {  	[sflag:s0] =	ssyncadd.s32 @!p0 s1  }
0x51: {  	[bflag:$0x3] =	sbarrier.arrive $0xFFFF  }
0x52: {  	_ =	shalt  }

// kernel: kernel.17.cloned.1.call-start
scs
__scs_entry_jumppad:
0x0: {  	(pc) =	sbr.rel $0x88, $3  }
0x1: {  	(tag) =	ssettag $0x0;
	lr =	simm.s32 $0x1  }
0x2: {  	[smem:$0x3F87] =	sst lr;
	_ =	strace $0xD0000000  }
0x3: {  	_ = 	snop  }
0x4: {  	_ = 	snop  }
0x5: {  	_ = 	snop  }
0x6: {  	_ = 	snop  }
0x7: {  	_ = 	snop  }
__scs_overlays_trampoline_lowered:
0x8: {  	[smem:$0x3F96] =	sst s0  }
0x9: {  	[smem:$0x3F97] =	sst s1  }
0xa: {  	[smem:$0x3F98] =	sst s2  }
0xb: {  	[smem:$0x3F99] =	sst s3  }
0xc: {  	[smem:$0x3F9A] =	sst s4  }
0xd: {  	[smem:$0x3F9B] =	sst s5  }
0xe: {  	[smem:$0x3F9C] =	sst s6  }
0xf: {  	[smem:$0x3F9D] =	sst s7  }
0x10: {  	[smem:$0x3F9E] =	sst s8  }
0x11: {  	[smem:$0x3F9F] =	sst s9;
	s0 =	simm.s32 @!p0 $0x0  }
0x12: {  	s1 =	sld [smem:$0x3F85];
	s0 =	simm.s32 @p0 $0x1  }
0x13: {  	[smem:$0x3FA0] =	sst s0;
	s0 =	simm.s32 @!p1 $0x0  }
0x14: {  	s2 =	sld [smem:$0x3F84];
	s0 =	simm.s32 @p1 $0x1  }
0x15: {  	[smem:$0x3FA1] =	sst s0;
	s0 =	simm.s32 @!p2 $0x0  }
0x16: {  	s3 =	sld [smem:$0x3FDB];
	s0 =	simm.s32 @p2 $0x1  }
0x17: {  	s4 =	simm.s32 $0x1BF5;
	[smem:$0x3FA3] =	sst s0  }
0x18: {  	s0 =	sld [smem:$0x3F86];
	_ =	swait.ge [sflag:s4], $0x0  }
0x19: {  	s7 =	sld [smem:$0x3F87]  }
0x1a: {  	s8 =	sadd.s32 $0xFFFFE003, lr  }
0x1b: {  	s9 =	sadd.s32 $0xFFFFFEF7, lr;
	s5 =	simm.s32 $0xFFFFFFFF;
	p2 =	slt.u32 s8, $0xFFFFF086  }
0x1c: {  	p1 =	slt.u32 s9, $0xF7A;
	s5 =	simm.s32 @!p2 $0x0  }
0x1d: {  	s5 =	simm.s32 @p1 $0x1;
	p0 =	seq.s32 s7, s2  }
0x1e: {  	s7 =	smul.u32 @!p0 $0xF7A, s2;
	p2 =	seq.s32 @!p0 s5, $0x0  }
0x1f: {  	s9 =	smul.u32 $0xF7A, s1;
	s8 =	simm.s32 @!p0 $0x1BF5;
	p2 =	por !p2, p0  }
0x20: {  	[sflag:s8] =	ssyncset.s32 @!p0 $0xFFFFF086;
	s6 =	sadd.s32 @!p0 s3, s7;
	s7 =	simm.s32 @!p0 $0x108  }
0x21: {  	s3 =	sadd.s32 s3, s9;
	s6 =	sadd.s32 @!p0 $0x88, s6;
	s7 =	simm.s32 @p2 $0x1082  }
0x22: {  	[simem:s7], [sflag:s8] =	dma.local @!p0 [hbm:s6], $0xF7A  }
0x23: {  	s9 =	sor.u32 $0xD0000000, s2;
	s6 =	simm.s32 $0x108;
	_ =	swait.ge @!p0 [sflag:s8], $0x0  }
0x24: {  	s3 =	sadd.s32 $0x88, s3;
	s6 =	simm.s32 @!p1 $0x1082;
	[sflag:s4] =	ssyncset.s32 $0xFFFFF086  }
0x25: {  	[simem:s6], [sflag:s4] =	dma.local [hbm:s3], $0xF7A  }
0x26: {  	[smem:$0x3F87] =	sst s1;
	(tag) =	ssettag s2;
	_ =	strace s9  }
0x27: {  	s1 =	sld [smem:$0x3F97]  }
0x28: {  	s2 =	sld [smem:$0x3F98]  }
0x29: {  	s4 =	sld [smem:$0x3F9A]  }
0x2a: {  	p0 =	seq.s32 s5, $0x0;
	s5 =	sld [smem:$0x3F9B]  }
0x2b: {  	s6 =	sld [smem:$0x3F9C]  }
0x2c: {  	s7 =	sld [smem:$0x3F9D]  }
0x2d: {  	s3 =	simm.s32 $0x108;
	s8 =	sld [smem:$0x3F9E]  }
0x2e: {  	s3 =	simm.s32 @!p0 $0x1082;
	s9 =	sld [smem:$0x3F9F]  }
0x2f: {  	lr =	sadd.s32 s0, s3;
	s0 =	sld [smem:$0x3F96]  }
0x30: {  	s3 =	sld [smem:$0x3F99]  }
0x31: {  	[smem:$0x3FA2] =	sst s10  }
0x32: {  	s10 =	sld [smem:$0x3FA0];
	_ =	sdelay $0x3  }
0x33: {  	p0 =	seq.s32 s10, $0x1;
	s10 =	sld [smem:$0x3FA2];
	_ =	sdelay $0x3  }
0x34: {  	[smem:$0x3FA2] =	sst s10  }
0x35: {  	s10 =	sld [smem:$0x3FA1];
	_ =	sdelay $0x3  }
0x36: {  	p1 =	seq.s32 s10, $0x1;
	s10 =	sld [smem:$0x3FA2];
	_ =	sdelay $0x3  }
0x37: {  	[smem:$0x3FA2] =	sst s10  }
0x38: {  	s10 =	sld [smem:$0x3FA3]  }
0x39: {  	_ = 	snop;
	(pc) =	sbr.ind lr, $3  }
0x3a: {  	_ = 	snop  }
0x3b: {  	_ = 	snop  }
0x3c: {  	p2 =	seq.s32 s10, $0x1;
	s10 =	sld [smem:$0x3FA2]  }
0x3d: {  	_ =	shalt  }
0x3e: {  	_ =	shalt  }
0x3f: {  	_ =	shalt  }
0x40: {  	_ =	shalt  }
0x41: {  	_ =	shalt  }
0x42: {  	_ =	shalt  }
0x43: {  	_ =	shalt  }
0x44: {  	_ =	shalt  }
0x45: {  	_ =	shalt  }
0x46: {  	_ =	shalt  }
0x47: {  	_ =	shalt  }
0x48: {  	_ =	shalt  }
0x49: {  	_ =	shalt  }
0x4a: {  	_ =	shalt  }
0x4b: {  	_ =	shalt  }
0x4c: {  	_ =	shalt  }
0x4d: {  	_ =	shalt  }
0x4e: {  	_ =	shalt  }
0x4f: {  	_ =	shalt  }
0x50: {  	_ =	shalt  }
0x51: {  	_ =	shalt  }
0x52: {  	_ =	shalt  }
0x53: {  	_ =	shalt  }
0x54: {  	_ =	shalt  }
0x55: {  	_ =	shalt  }
0x56: {  	_ =	shalt  }
0x57: {  	_ =	shalt  }
0x58: {  	_ =	shalt  }
0x59: {  	_ =	shalt  }
0x5a: {  	_ =	shalt  }
0x5b: {  	_ =	shalt  }
0x5c: {  	_ =	shalt  }
0x5d: {  	_ =	shalt  }
0x5e: {  	_ =	shalt  }
0x5f: {  	_ =	shalt  }
0x60: {  	_ =	shalt  }
0x61: {  	_ =	shalt  }
0x62: {  	_ =	shalt  }
0x63: {  	_ =	shalt  }
0x64: {  	_ =	shalt  }
0x65: {  	_ =	shalt  }
0x66: {  	_ =	shalt  }
0x67: {  	_ =	shalt  }
0x68: {  	_ =	shalt  }
0x69: {  	_ =	shalt  }
0x6a: {  	_ =	shalt  }
0x6b: {  	_ =	shalt  }
0x6c: {  	_ =	shalt  }
0x6d: {  	_ =	shalt  }
0x6e: {  	_ =	shalt  }
0x6f: {  	_ =	shalt  }
0x70: {  	_ =	shalt  }
0x71: {  	_ =	shalt  }
0x72: {  	_ =	shalt  }
0x73: {  	_ =	shalt  }
0x74: {  	_ =	shalt  }
0x75: {  	_ =	shalt  }
0x76: {  	_ =	shalt  }
0x77: {  	_ =	shalt  }
0x78: {  	_ =	shalt  }
0x79: {  	_ =	shalt  }
0x7a: {  	_ =	shalt  }
0x7b: {  	_ =	shalt  }
0x7c: {  	_ =	shalt  }
0x7d: {  	_ =	shalt  }
0x7e: {  	_ =	shalt  }
0x7f: {  	_ =	shalt  }
0x80: {  	_ =	shalt  }
0x81: {  	_ =	shalt  }
0x82: {  	_ =	shalt  }
0x83: {  	_ =	shalt  }
0x84: {  	_ =	shalt  }
0x85: {  	_ =	shalt  }
0x86: {  	_ =	shalt  }
0x87: {  	_ =	shalt  }
.Lfunc_end0:
.L_simem_size_0:
called_computation.6_lowered:
.L_overlay_start_0:
0x88: {  	s2 =	sld [smem:$0x3FD9]  }
0x89: {  	s3 =	sld [smem:$0x3FFE];
	_ =	sdelay $0x1  }
0x8a: {  	s1 =	srdreg.scid  }
0x8b: {  	s0 =	sand.u32 $0x1, s1  }
0x8c: {  	s14 =	sshll.u32 s0, $0xA;
	s2 =	sadd.s32 s3, s2  }
0x8d: {  	s2 =	sadd.s32 s2, s14  }
0x8e: {  	[smem:$0x3FAE] =	sst s2  }
0x8f: {  	_ = 	snop  }
0x90: {  	s2 =	sld [smem:$0x3FD0];
	_ =	sdelay $0x2  }
0x91: {  	s15 =	simm.s32 $0xA;
	s4 =	simm.s32 $0x10  }
0x92: {  	[smem:s4], [sflag:s15] =	dma.local [hbm:s2], $0x1  }
0x93: {  	_ =	swait.eq [sflag:s15], $0x1  }
0x94: {  	[sflag:s15] =	ssyncset.done $0x0  }
0x95: {  	[sflag:s15] =	ssyncadd.s32 $0xFFFFFFFF  }
0x96: {  	s16 =	sld [smem:$0x11];
	(tm) =	ssettm $0x1  }
0x97: {  	s17 =	sld [smem:$0x3FFB];
	_ =	sdelay $0x3  }
0x98: {  	_ =	strace s17  }
0x99: {  	s3 =	sld [smem:$0x3FFC];
	_ =	sdelay $0x3  }
0x9a: {  	_ =	strace s3  }
0x9b: {  	s3 =	sld [smem:$0x3FFD];
	_ =	sdelay $0x3  }
0x9c: {  	_ =	strace s3  }
0x9d: {  	_ =	strace $0x8FFFFFFF  }
0x9e: {  	s18 =	sld [smem:$0x3FDB];
	_ =	sdelay $0x1  }
0x9f: {  	s19 =	simm.s32 $_scs_section_size  }
0xa0: {  	s5 =	simm.s32 $_size__tile_overlayer_lowered;
	s6 =	simm.s32 $_tile_overlayer_lowered  }
0xa1: {  	s22 =	simm.s32 $0x1BFF;
	s21 =	sshll.u32 s6, $0x1;
	s3 =	sadd.s32 s19, s18  }
0xa2: {  	s7 =	simm.s32 $0x0;
	s20 =	sshll.u32 s5, $0x1;
	s5 =	sadd.s32 s21, s3  }
0xa3: {  	[timem:s7], [sflag:s22] =	dma.local [hbm:s5], s20  }
0xa4: {  	_ =	swait.ge [sflag:s22], s20  }
0xa5: {  	s4 =	ssub.s32 $0x0, s20;
	[sflag:s22] =	ssyncset.done $0x0  }
0xa6: {  	[sflag:s22] =	ssyncadd.s32 s4;
	_ =	sdelay $0x1  }
0xa7: {  	s23 =	simm.s32 $0x1B8B  }
0xa8: {  	_ =	swait.ge [sflag:s23], $0x1  }
0xa9: {  	[sflag:s23] =	ssyncset.done $0x0  }
0xaa: {  	s25 =	simm.s32 $0x1B8E;
	s24 =	sld [smem:$0x3FFE];
	[sflag:s23] =	ssyncadd.s32 $0xFFFFFFFF  }
0xab: {  	s26 =	simm.s32 $execute0_lowered;
	[smem:$0x3FD2] =	sst s25  }
0xac: {  	s5 =	sshll.u32 s26, $0x1;
	_ =	strace $0x80000058;
	[dreg:$0x1] =	wrdreg $0xFFFFFFFF  }
0xad: {  	s28 =	simm.s32 $_size_execute0_lowered;
	s3 =	sadd.s32 s3, s5;
	[dreg:$0x0] =	wrdreg $0x0  }
0xae: {  	s5 =	sshll.u32 s28, $0x1;
	[dreg:$0x2] =	wrdreg s3  }
0xaf: {  	[dreg:$0x3] =	wrdreg s5  }
0xb0: {  	[dreg:$0x4] =	wrdreg $0xC0  }
0xb1: {  	_ =	task [dreg:s7], $0x5FFFF  }
0xb2: {  	[dreg:$0x1] =	wrdreg $0xFFFFFFFF  }
0xb3: {  	[dreg:$0x0] =	wrdreg $0x60  }
0xb4: {  	[dreg:$0x2] =	wrdreg s24  }
0xb5: {  	[dreg:$0x3] =	wrdreg s16  }
0xb6: {  	[dreg:$0x4] =	wrdreg $0x9  }
0xb7: {  	_ =	task.clear_ibuf [dreg:s7], $0x5FFFF;
	_ =	strace $0x90000058  }
0xb8: {  	s29 =	simm.s32 $0x9;
	_ =	strace $0x8000005A  }
0xb9: {  	_ =	swait.ge [sflag:s29], $0x1  }
0xba: {  	[sflag:s29] =	ssyncadd.s32 $0xFFFFFFFF  }
0xbb: {  	_ =	strace $0x9000005A  }
0xbc: {  	_ =	sfence  }
0xbd: {  	s30 =	sld [smem:$0x0];
	_ =	sdelay $0x2  }
0xbe: {  	s31 =	sshll.u32 s1, $0xD;
	s1 =	sshrl.u32 s1, $0x2  }
0xbf: {  	s3 =	sand.u32 $0x4000, s31;
	s1 =	sadd.s32 s1, s30  }
0xc0: {  	s0 =	sor.u32 s3, s0;
	s1 =	sshll.u32 s1, $0x11  }
0xc1: {  	s0 =	sor.u32 s1, s0  }
0xc2: {  	s0 =	sadd.s32 $0x8F2B, s0  }
0xc3: {  	[sflag:s0] =	ssyncadd.remote.s32 $0x1  }
0xc4: {  	_ =	sfence.sel $0xFFFF  }
0xc5: {  	[dreg:$0x0] =	wrdreg $0xFFFFFFFF;
	(pc) =	sbr.abs _section_cstart, $3  }
0xc6: {  	[dreg:$0x1] =	wrdreg $0xFFFFFFFF  }
0xc7: {  	_ =	task.clear_ibuf [dreg:s7], $0x2FFFF;
	_ =	strace $0x9FFFFFFF  }
0xc8: {  	(tm) =	ssettm $0x7FFFFFFF  }
0xc9: {  	_ =	shalt  }
tec
execute0_lowered:
.L_overlay_start_1:
0x0: {  	(tag) =	ssettag $0x1  }
0x1: {  	s1 =	srdreg.scid;
	s4 =	rddreg [dreg:$0x0]  }
0x2: {  	s0 =	stileid.u32;
	s6 =	rddreg [dreg:$0x1];
	s2 =	simm.s32 $0x0  }
0x3: {  	s13 =	simm.s32 $0x5800;
	s14 =	simm.s32 $0x1;
	s15 =	simm.s32 $0x9800  }
0x4: {  	s16 =	simm.s32 $0xD800;
	s17 =	simm.s32 $0x4;
	s18 =	simm.s32 $0x2  }
0x5: {  	s19 =	simm.s32 $0x1500;
	s20 =	simm.s32 $0x1580;
	s21 =	simm.s32 $0x0  }
0x6: {  	s3 =	sand.u32 $0x1, s1;
	s26 =	sshll.u32 s0, $0x1;
	s1 =	rddreg [dreg:$0x2]  }
0x7: {  	[smem:$0x7FF] =	sst s2;
	s9 =	smul.u32 $0x160000, s0;
	s12 =	sadd.s32 $0x51800, s4  }
0x8: {  	s5 =	sor.u32 s3, s26;
	s8 =	ssub.s32 $0x2, s3;
	s11 =	smul.u32 $0xB0000, s3  }
0x9: {  	_ =	strace $0x80000059;
	s7 =	smul.u32 $0x300, s5;
	s10 =	sshrl.u32 s8, $0x1  }
0xa: {  	s3 =	sadd.s32 $0x1800, s4;
	s5 =	smul.u32 $0xB0000, s5;
	s8 =	ssub.s32 s8, s10  }
0xb: {  	s29 =	sadd.s32 s11, s9;
	s10 =	simm.s32 $0x3;
	s11 =	simm.s32 $0x80  }
0xc: {  	s4 =	sadd.s32 s6, s7;
	s28 =	sshrl.u32 s5, $0x3;
	s5 =	smax.u32 s8, $0x1  }
0xd: {  	s9 =	sor.u32 $0x8000, s29;
	s31 =	sshrl.u32 s29, $0x3;
	s30 =	sadd.s32 s12, s28  }
0xe: {  	s9 =	sshrl.u32 s9, $0x3;
	s8 =	sadd.s32 s31, s12;
	s6 =	sadd.s32 $0x14000, s30  }
0xf: {  	s7 =	sadd.s32 $0x15000, s30;
	s9 =	sadd.s32 s9, s12;
	s12 =	simm.s32 $0x1800  }
.LBB2_1:
0x10: {  	[tilespmem:s2], [sflag:$0x3] =	stream.linear.gather [hbm4b:s4+s2], $0x1600, $0x38;
	[tilespmem:$0x11800] =	vst v63  }
0x11: {  	_ =	swait.ge [sflag:s10], $0x1600  }
0x12: {  	[sflag:s10] =	ssyncset.done $0x0  }
0x13: {  	[sflag:s10] =	ssyncadd.s32 $0xFFFFEA00  }
0x14: {  	[tilespmem:s12], [sflag:$0x1] =	stream.indirect.gather [hbm4b:s3+s11], $0x80, s2, s11, $0xb8;
	[tilespmem:$0x11800] =	vst v63  }
0x15: {  	_ = 	snop  }
0x16: {  	[tilespmem:s13], [sflag:$0x1] =	stream.indirect.gather [hbm4b:s3+s11], $0x80, s11, s11, $0xb8;
	[tilespmem:$0x11800] =	vst v63  }
0x17: {  	_ =	swait.ge [sflag:s14], $0x4000  }
0x18: {  	[sflag:s14] =	ssyncset.done $0x0  }
0x19: {  	[sflag:s14] =	ssyncadd.s32 $0xFFFFC000  }
0x1a: {  	_ =	swait.ge [sflag:s14], $0x4000  }
0x1b: {  	[sflag:s14] =	ssyncset.done $0x0  }
0x1c: {  	s22 =	simm.s32 $0x100;
	[sflag:s14] =	ssyncadd.s32 $0xFFFFC000  }
0x1d: {  	[tilespmem:s15], [sflag:$0x2] =	stream.indirect.gather [hbm4b:s3+s11], $0x80, s22, s11, $0xb8;
	[tilespmem:$0x11800] =	vst v63  }
0x1e: {  	s29 =	simm.s32 $0x180  }
0x1f: {  	[tilespmem:s16], [sflag:$0x2] =	stream.indirect.gather [hbm4b:s3+s11], $0x80, s29, s11, $0xb8;
	[tilespmem:$0x11800] =	vst v63  }
0x20: {  	_ = 	snop  }
0x21: {  	[hbm4b:s8+s2] =	stream.linear.scatter [tilespmem:s12], [sflag:$0x4], $0x8000, $0x38;
	[tilespmem:$0x11800] =	vst v63  }
0x22: {  	_ =	swait.ge [sflag:s17], $0x8000  }
0x23: {  	[sflag:s17] =	ssyncset.done $0x0  }
0x24: {  	[sflag:s17] =	ssyncadd.s32 $0xFFFF8000  }
0x25: {  	_ =	swait.ge [sflag:s18], $0x4000  }
0x26: {  	[sflag:s18] =	ssyncset.done $0x0  }
0x27: {  	[sflag:s18] =	ssyncadd.s32 $0xFFFFC000  }
0x28: {  	_ =	swait.ge [sflag:s18], $0x4000  }
0x29: {  	[sflag:s18] =	ssyncset.done $0x0  }
0x2a: {  	s30 =	simm.s32 $0x200;
	[sflag:s18] =	ssyncadd.s32 $0xFFFFC000  }
0x2b: {  	[tilespmem:s12], [sflag:$0x1] =	stream.indirect.gather [hbm4b:s3+s11], $0x80, s30, s11, $0xb8;
	[tilespmem:$0x11800] =	vst v63  }
0x2c: {  	s31 =	simm.s32 $0x280  }
0x2d: {  	[tilespmem:s13], [sflag:$0x1] =	stream.indirect.gather [hbm4b:s3+s11], $0x80, s31, s11, $0xb8;
	[tilespmem:$0x11800] =	vst v63  }
0x2e: {  	_ = 	snop  }
0x2f: {  	[hbm4b:s9+s2] =	stream.linear.scatter [tilespmem:s15], [sflag:$0x3], $0x8000, $0x38;
	[tilespmem:$0x11800] =	vst v63  }
0x30: {  	s23 =	smov.u32 s8;
	_ =	swait.ge [sflag:s10], $0x8000  }
0x31: {  	s24 =	smov.u32 s9;
	s22 =	simm.s32 $0x800;
	[sflag:s10] =	ssyncset.done $0x0  }
.LBB2_2:
0x32: {  	[sflag:s10] =	ssyncadd.s32 $0xFFFF8000;
	s23 =	sadd.s32 $0x2000, s23;
	s24 =	sadd.s32 $0x2000, s24  }
0x33: {  	p0 =	sne.s32 s22, $0x4800;
	s25 =	smov.u32 s22;
	s22 =	sadd.s32 $0x800, s22  }
0x34: {  	_ =	swait.ge [sflag:s14], $0x4000  }
0x35: {  	[sflag:s14] =	ssyncset.done $0x0  }
0x36: {  	[sflag:s14] =	ssyncadd.s32 $0xFFFFC000  }
0x37: {  	_ =	swait.ge [sflag:s14], $0x4000  }
0x38: {  	s25 =	sshra.s32 s25, $0x2;
	[sflag:s14] =	ssyncset.done $0x0  }
0x39: {  	s26 =	sadd.s32 $0x100, s25;
	[sflag:s14] =	ssyncadd.s32 $0xFFFFC000  }
0x3a: {  	[tilespmem:s15], [sflag:$0x2] =	stream.indirect.gather [hbm4b:s3+s11], $0x80, s26, s11, $0xb8;
	[tilespmem:$0x11800] =	vst v63  }
0x3b: {  	s26 =	sadd.s32 $0x180, s25  }
0x3c: {  	[tilespmem:s16], [sflag:$0x2] =	stream.indirect.gather [hbm4b:s3+s11], $0x80, s26, s11, $0xb8;
	[tilespmem:$0x11800] =	vst v63  }
0x3d: {  	_ = 	snop  }
0x3e: {  	[hbm4b:s23+s2] =	stream.linear.scatter [tilespmem:s12], [sflag:$0x4], $0x8000, $0x38;
	[tilespmem:$0x11800] =	vst v63  }
0x3f: {  	_ =	swait.ge [sflag:s17], $0x8000  }
0x40: {  	[sflag:s17] =	ssyncset.done $0x0  }
0x41: {  	[sflag:s17] =	ssyncadd.s32 $0xFFFF8000  }
0x42: {  	_ =	swait.ge [sflag:s18], $0x4000  }
0x43: {  	[sflag:s18] =	ssyncset.done $0x0  }
0x44: {  	[sflag:s18] =	ssyncadd.s32 $0xFFFFC000  }
0x45: {  	_ =	swait.ge [sflag:s18], $0x4000  }
0x46: {  	[sflag:s18] =	ssyncset.done $0x0  }
0x47: {  	s26 =	sadd.s32 $0x200, s25;
	[sflag:s18] =	ssyncadd.s32 $0xFFFFC000  }
0x48: {  	[tilespmem:s12], [sflag:$0x1] =	stream.indirect.gather [hbm4b:s3+s11], $0x80, s26, s11, $0xb8;
	[tilespmem:$0x11800] =	vst v63  }
0x49: {  	s25 =	sadd.s32 $0x280, s25  }
0x4a: {  	[tilespmem:s13], [sflag:$0x1] =	stream.indirect.gather [hbm4b:s3+s11], $0x80, s25, s11, $0xb8;
	[tilespmem:$0x11800] =	vst v63  }
.Ltmp0:
0x4b: {  	_ = 	snop;
	(pc) =	sbr.rel @p0 .LBB2_2-.Ltmp0, $4  }
0x4c: {  	_ = 	snop  }
0x4d: {  	[hbm4b:s24+s2] =	stream.linear.scatter [tilespmem:s15], [sflag:$0x3], $0x8000, $0x38;
	[tilespmem:$0x11800] =	vst v63  }
0x4e: {  	_ =	swait.ge [sflag:s10], $0x8000  }
0x4f: {  	[sflag:s10] =	ssyncset.done $0x0  }
0x50: {  	[sflag:s10] =	ssyncadd.s32 $0xFFFF8000  }
0x51: {  	_ =	swait.ge [sflag:s14], $0x4000  }
0x52: {  	[sflag:s14] =	ssyncset.done $0x0  }
0x53: {  	[sflag:s14] =	ssyncadd.s32 $0xFFFFC000  }
0x54: {  	_ =	swait.ge [sflag:s14], $0x4000  }
0x55: {  	[sflag:s14] =	ssyncset.done $0x0  }
0x56: {  	[sflag:s14] =	ssyncadd.s32 $0xFFFFC000  }
0x57: {  	[tilespmem:s15], [sflag:$0x2] =	stream.indirect.gather [hbm4b:s3+s11], $0x80, s19, s11, $0xb8;
	[tilespmem:$0x11800] =	vst v63  }
0x58: {  	_ = 	snop  }
0x59: {  	[tilespmem:s16], [sflag:$0x2] =	stream.indirect.gather [hbm4b:s3+s11], $0x80, s20, s11, $0xb8;
	[tilespmem:$0x11800] =	vst v63  }
0x5a: {  	_ = 	snop  }
0x5b: {  	[hbm4b:s6+s2] =	stream.linear.scatter [tilespmem:s12], [sflag:$0x4], $0x8000, $0x38;
	[tilespmem:$0x11800] =	vst v63  }
0x5c: {  	_ =	swait.ge [sflag:s17], $0x8000  }
0x5d: {  	[sflag:s17] =	ssyncset.done $0x0  }
0x5e: {  	[sflag:s17] =	ssyncadd.s32 $0xFFFF8000  }
0x5f: {  	_ =	swait.ge [sflag:s18], $0x4000  }
0x60: {  	[sflag:s18] =	ssyncset.done $0x0  }
0x61: {  	[sflag:s18] =	ssyncadd.s32 $0xFFFFC000  }
0x62: {  	s21 =	sadd.s32 $0x1, s21;
	_ =	swait.ge [sflag:s18], $0x4000  }
0x63: {  	p0 =	sne.s32 s21, s5;
	[sflag:s18] =	ssyncset.done $0x0  }
.Ltmp1:
0x64: {  	[sflag:s18] =	ssyncadd.s32 $0xFFFFC000;
	(pc) =	sbr.rel @p0 .LBB2_1-.Ltmp1, $4  }
0x65: {  	[hbm4b:s7+s2] =	stream.linear.scatter [tilespmem:s15], [sflag:$0x3], $0x8000, $0x38;
	[tilespmem:$0x11800] =	vst v63  }
0x66: {  	_ =	swait.ge [sflag:s10], $0x8000  }
0x67: {  	[sflag:s10] =	ssyncset.done $0x0  }
0x68: {  	[sflag:s10] =	ssyncadd.s32 $0xFFFF8000  }
0x69: {  	_ =	sfence.sel $0x180000  }
0x6a: {  	[bflag:$0x0] =	sbarrier.arrive $0xFFFF  }
0x6b: {  	p0 =	sne.s32 s0, $0x0;
	_ =	strace $0x90000059  }
0x6c: {  	s0 =	sadd.s32 @!p0 $0x100000, s1;
	[bflag:$0x2] =	sbarrier.arrive $0xFFFF  }
0x6d: {  	[sflag:s0] =	ssyncadd.tile.s32 @!p0 $0x1;
	_ =	shalt  }
.Lfunc_end2:
_tile_overlayer_lowered:
.L_overlay_start_2:
0x6e: {  	(tag) =	ssettag $0x2  }
0x6f: {  	s0 =	rddreg [dreg:$0x0];
	s2 =	stileid.u32  }
0x70: {  	s1 =	rddreg [dreg:$0x1];
	p0 =	sne.s32 s2, $0x0  }
0x71: {  	s3 =	rddreg [dreg:$0x2];
	[bflag:$0x3] =	sbarrier.arrive $0xFFFF;
	s2 =	simm.s32 @!p0 $0x1C03  }
0x72: {  	[timem:s3], [sflag:s2] =	dma.local @!p0 [hbm:s0], s1  }
0x73: {  	s0 =	simm.s32 @!p0 $0x3  }
0x74: {  	_ =	swait.ge @!p0 [sflag:s0], s1  }
0x75: {  	s1 =	ssub.s32 @!p0 $0x0, s1;
	[sflag:s0] =	ssyncset.done @!p0 $0x0  }
0x76: {  	[sflag:s0] =	ssyncadd.s32 @!p0 s1  }
0x77: {  	[bflag:$0x3] =	sbarrier.arrive $0xFFFF  }
0x78: {  	_ =	shalt  }

// kernel: kernel.20.cloned.1.call-start
scs
__scs_entry_jumppad:
0x0: {  	(pc) =	sbr.rel $0x88, $3  }
0x1: {  	(tag) =	ssettag $0x0;
	lr =	simm.s32 $0x1  }
0x2: {  	[smem:$0x3F87] =	sst lr;
	_ =	strace $0xD0000000  }
0x3: {  	_ = 	snop  }
0x4: {  	_ = 	snop  }
0x5: {  	_ = 	snop  }
0x6: {  	_ = 	snop  }
0x7: {  	_ = 	snop  }
__scs_overlays_trampoline_lowered:
0x8: {  	[smem:$0x3F96] =	sst s0  }
0x9: {  	[smem:$0x3F97] =	sst s1  }
0xa: {  	[smem:$0x3F98] =	sst s2  }
0xb: {  	[smem:$0x3F99] =	sst s3  }
0xc: {  	[smem:$0x3F9A] =	sst s4  }
0xd: {  	[smem:$0x3F9B] =	sst s5  }
0xe: {  	[smem:$0x3F9C] =	sst s6  }
0xf: {  	[smem:$0x3F9D] =	sst s7  }
0x10: {  	[smem:$0x3F9E] =	sst s8  }
0x11: {  	[smem:$0x3F9F] =	sst s9;
	s0 =	simm.s32 @!p0 $0x0  }
0x12: {  	s1 =	sld [smem:$0x3F85];
	s0 =	simm.s32 @p0 $0x1  }
0x13: {  	[smem:$0x3FA0] =	sst s0;
	s0 =	simm.s32 @!p1 $0x0  }
0x14: {  	s2 =	sld [smem:$0x3F84];
	s0 =	simm.s32 @p1 $0x1  }
0x15: {  	[smem:$0x3FA1] =	sst s0;
	s0 =	simm.s32 @!p2 $0x0  }
0x16: {  	s3 =	sld [smem:$0x3FDB];
	s0 =	simm.s32 @p2 $0x1  }
0x17: {  	s4 =	simm.s32 $0x1BF5;
	[smem:$0x3FA3] =	sst s0  }
0x18: {  	s0 =	sld [smem:$0x3F86];
	_ =	swait.ge [sflag:s4], $0x0  }
0x19: {  	s7 =	sld [smem:$0x3F87]  }
0x1a: {  	s8 =	sadd.s32 $0xFFFFE003, lr  }
0x1b: {  	s9 =	sadd.s32 $0xFFFFFEF7, lr;
	s5 =	simm.s32 $0xFFFFFFFF;
	p2 =	slt.u32 s8, $0xFFFFF086  }
0x1c: {  	p1 =	slt.u32 s9, $0xF7A;
	s5 =	simm.s32 @!p2 $0x0  }
0x1d: {  	s5 =	simm.s32 @p1 $0x1;
	p0 =	seq.s32 s7, s2  }
0x1e: {  	s7 =	smul.u32 @!p0 $0xF7A, s2;
	p2 =	seq.s32 @!p0 s5, $0x0  }
0x1f: {  	s9 =	smul.u32 $0xF7A, s1;
	s8 =	simm.s32 @!p0 $0x1BF5;
	p2 =	por !p2, p0  }
0x20: {  	[sflag:s8] =	ssyncset.s32 @!p0 $0xFFFFF086;
	s6 =	sadd.s32 @!p0 s3, s7;
	s7 =	simm.s32 @!p0 $0x108  }
0x21: {  	s3 =	sadd.s32 s3, s9;
	s6 =	sadd.s32 @!p0 $0x88, s6;
	s7 =	simm.s32 @p2 $0x1082  }
0x22: {  	[simem:s7], [sflag:s8] =	dma.local @!p0 [hbm:s6], $0xF7A  }
0x23: {  	s9 =	sor.u32 $0xD0000000, s2;
	s6 =	simm.s32 $0x108;
	_ =	swait.ge @!p0 [sflag:s8], $0x0  }
0x24: {  	s3 =	sadd.s32 $0x88, s3;
	s6 =	simm.s32 @!p1 $0x1082;
	[sflag:s4] =	ssyncset.s32 $0xFFFFF086  }
0x25: {  	[simem:s6], [sflag:s4] =	dma.local [hbm:s3], $0xF7A  }
0x26: {  	[smem:$0x3F87] =	sst s1;
	(tag) =	ssettag s2;
	_ =	strace s9  }
0x27: {  	s1 =	sld [smem:$0x3F97]  }
0x28: {  	s2 =	sld [smem:$0x3F98]  }
0x29: {  	s4 =	sld [smem:$0x3F9A]  }
0x2a: {  	p0 =	seq.s32 s5, $0x0;
	s5 =	sld [smem:$0x3F9B]  }
0x2b: {  	s6 =	sld [smem:$0x3F9C]  }
0x2c: {  	s7 =	sld [smem:$0x3F9D]  }
0x2d: {  	s3 =	simm.s32 $0x108;
	s8 =	sld [smem:$0x3F9E]  }
0x2e: {  	s3 =	simm.s32 @!p0 $0x1082;
	s9 =	sld [smem:$0x3F9F]  }
0x2f: {  	lr =	sadd.s32 s0, s3;
	s0 =	sld [smem:$0x3F96]  }
0x30: {  	s3 =	sld [smem:$0x3F99]  }
0x31: {  	[smem:$0x3FA2] =	sst s10  }
0x32: {  	s10 =	sld [smem:$0x3FA0];
	_ =	sdelay $0x3  }
0x33: {  	p0 =	seq.s32 s10, $0x1;
	s10 =	sld [smem:$0x3FA2];
	_ =	sdelay $0x3  }
0x34: {  	[smem:$0x3FA2] =	sst s10  }
0x35: {  	s10 =	sld [smem:$0x3FA1];
	_ =	sdelay $0x3  }
0x36: {  	p1 =	seq.s32 s10, $0x1;
	s10 =	sld [smem:$0x3FA2];
	_ =	sdelay $0x3  }
0x37: {  	[smem:$0x3FA2] =	sst s10  }
0x38: {  	s10 =	sld [smem:$0x3FA3]  }
0x39: {  	_ = 	snop;
	(pc) =	sbr.ind lr, $3  }
0x3a: {  	_ = 	snop  }
0x3b: {  	_ = 	snop  }
0x3c: {  	p2 =	seq.s32 s10, $0x1;
	s10 =	sld [smem:$0x3FA2]  }
0x3d: {  	_ =	shalt  }
0x3e: {  	_ =	shalt  }
0x3f: {  	_ =	shalt  }
0x40: {  	_ =	shalt  }
0x41: {  	_ =	shalt  }
0x42: {  	_ =	shalt  }
0x43: {  	_ =	shalt  }
0x44: {  	_ =	shalt  }
0x45: {  	_ =	shalt  }
0x46: {  	_ =	shalt  }
0x47: {  	_ =	shalt  }
0x48: {  	_ =	shalt  }
0x49: {  	_ =	shalt  }
0x4a: {  	_ =	shalt  }
0x4b: {  	_ =	shalt  }
0x4c: {  	_ =	shalt  }
0x4d: {  	_ =	shalt  }
0x4e: {  	_ =	shalt  }
0x4f: {  	_ =	shalt  }
0x50: {  	_ =	shalt  }
0x51: {  	_ =	shalt  }
0x52: {  	_ =	shalt  }
0x53: {  	_ =	shalt  }
0x54: {  	_ =	shalt  }
0x55: {  	_ =	shalt  }
0x56: {  	_ =	shalt  }
0x57: {  	_ =	shalt  }
0x58: {  	_ =	shalt  }
0x59: {  	_ =	shalt  }
0x5a: {  	_ =	shalt  }
0x5b: {  	_ =	shalt  }
0x5c: {  	_ =	shalt  }
0x5d: {  	_ =	shalt  }
0x5e: {  	_ =	shalt  }
0x5f: {  	_ =	shalt  }
0x60: {  	_ =	shalt  }
0x61: {  	_ =	shalt  }
0x62: {  	_ =	shalt  }
0x63: {  	_ =	shalt  }
0x64: {  	_ =	shalt  }
0x65: {  	_ =	shalt  }
0x66: {  	_ =	shalt  }
0x67: {  	_ =	shalt  }
0x68: {  	_ =	shalt  }
0x69: {  	_ =	shalt  }
0x6a: {  	_ =	shalt  }
0x6b: {  	_ =	shalt  }
0x6c: {  	_ =	shalt  }
0x6d: {  	_ =	shalt  }
0x6e: {  	_ =	shalt  }
0x6f: {  	_ =	shalt  }
0x70: {  	_ =	shalt  }
0x71: {  	_ =	shalt  }
0x72: {  	_ =	shalt  }
0x73: {  	_ =	shalt  }
0x74: {  	_ =	shalt  }
0x75: {  	_ =	shalt  }
0x76: {  	_ =	shalt  }
0x77: {  	_ =	shalt  }
0x78: {  	_ =	shalt  }
0x79: {  	_ =	shalt  }
0x7a: {  	_ =	shalt  }
0x7b: {  	_ =	shalt  }
0x7c: {  	_ =	shalt  }
0x7d: {  	_ =	shalt  }
0x7e: {  	_ =	shalt  }
0x7f: {  	_ =	shalt  }
0x80: {  	_ =	shalt  }
0x81: {  	_ =	shalt  }
0x82: {  	_ =	shalt  }
0x83: {  	_ =	shalt  }
0x84: {  	_ =	shalt  }
0x85: {  	_ =	shalt  }
0x86: {  	_ =	shalt  }
0x87: {  	_ =	shalt  }
.Lfunc_end0:
.L_simem_size_0:
called_computation.7_lowered:
.L_overlay_start_0:
0x88: {  	s2 =	sld [smem:$0x3FD9]  }
0x89: {  	s3 =	sld [smem:$0x3FFE];
	_ =	sdelay $0x1  }
0x8a: {  	s1 =	srdreg.scid  }
0x8b: {  	s0 =	sand.u32 $0x1, s1  }
0x8c: {  	s14 =	sshll.u32 s0, $0xA;
	s2 =	sadd.s32 s3, s2  }
0x8d: {  	s2 =	sadd.s32 s2, s14  }
0x8e: {  	[smem:$0x3FAE] =	sst s2  }
0x8f: {  	_ = 	snop  }
0x90: {  	s2 =	sld [smem:$0x3FD0];
	_ =	sdelay $0x2  }
0x91: {  	s15 =	simm.s32 $0xA;
	s4 =	simm.s32 $0x10  }
0x92: {  	[smem:s4], [sflag:s15] =	dma.local [hbm:s2], $0x1  }
0x93: {  	_ =	swait.eq [sflag:s15], $0x1  }
0x94: {  	[sflag:s15] =	ssyncset.done $0x0  }
0x95: {  	[sflag:s15] =	ssyncadd.s32 $0xFFFFFFFF  }
0x96: {  	s16 =	sld [smem:$0x10];
	(tm) =	ssettm $0x1  }
0x97: {  	s17 =	sld [smem:$0x3FFB];
	_ =	sdelay $0x3  }
0x98: {  	_ =	strace s17  }
0x99: {  	s3 =	sld [smem:$0x3FFC];
	_ =	sdelay $0x3  }
0x9a: {  	_ =	strace s3  }
0x9b: {  	s3 =	sld [smem:$0x3FFD];
	_ =	sdelay $0x3  }
0x9c: {  	_ =	strace s3  }
0x9d: {  	_ =	strace $0x8FFFFFFF  }
0x9e: {  	s18 =	sld [smem:$0x3FDB];
	_ =	sdelay $0x1  }
0x9f: {  	s19 =	simm.s32 $_scs_section_size  }
0xa0: {  	s5 =	simm.s32 $_size__tile_overlayer_lowered;
	s6 =	simm.s32 $_tile_overlayer_lowered  }
0xa1: {  	s22 =	simm.s32 $0x1BFF;
	s21 =	sshll.u32 s6, $0x1;
	s3 =	sadd.s32 s19, s18  }
0xa2: {  	s7 =	simm.s32 $0x0;
	s20 =	sshll.u32 s5, $0x1;
	s5 =	sadd.s32 s21, s3  }
0xa3: {  	[timem:s7], [sflag:s22] =	dma.local [hbm:s5], s20  }
0xa4: {  	_ =	swait.ge [sflag:s22], s20  }
0xa5: {  	s4 =	ssub.s32 $0x0, s20;
	[sflag:s22] =	ssyncset.done $0x0  }
0xa6: {  	[sflag:s22] =	ssyncadd.s32 s4;
	_ =	sdelay $0x1  }
0xa7: {  	s23 =	simm.s32 $0x1B8B  }
0xa8: {  	_ =	swait.ge [sflag:s23], $0x1  }
0xa9: {  	[sflag:s23] =	ssyncset.done $0x0  }
0xaa: {  	s25 =	simm.s32 $0x1B8E;
	s24 =	sld [smem:$0x3FFE];
	[sflag:s23] =	ssyncadd.s32 $0xFFFFFFFF  }
0xab: {  	s26 =	simm.s32 $execute0_lowered;
	[smem:$0x3FD2] =	sst s25  }
0xac: {  	s5 =	sshll.u32 s26, $0x1;
	_ =	strace $0x8000005B;
	[dreg:$0x1] =	wrdreg $0xFFFFFFFF  }
0xad: {  	s28 =	simm.s32 $_size_execute0_lowered;
	s3 =	sadd.s32 s3, s5;
	[dreg:$0x0] =	wrdreg $0x0  }
0xae: {  	s5 =	sshll.u32 s28, $0x1;
	[dreg:$0x2] =	wrdreg s3  }
0xaf: {  	[dreg:$0x3] =	wrdreg s5  }
0xb0: {  	[dreg:$0x4] =	wrdreg $0xC0  }
0xb1: {  	_ =	task [dreg:s7], $0x5FFFF  }
0xb2: {  	[dreg:$0x1] =	wrdreg $0xFFFFFFFF  }
0xb3: {  	[dreg:$0x0] =	wrdreg $0x60  }
0xb4: {  	[dreg:$0x2] =	wrdreg s24  }
0xb5: {  	[dreg:$0x3] =	wrdreg s16  }
0xb6: {  	[dreg:$0x4] =	wrdreg $0x9  }
0xb7: {  	_ =	task.clear_ibuf [dreg:s7], $0x5FFFF;
	_ =	strace $0x9000005B  }
0xb8: {  	s29 =	simm.s32 $0x9;
	_ =	strace $0x8000005D  }
0xb9: {  	_ =	swait.ge [sflag:s29], $0x1  }
0xba: {  	[sflag:s29] =	ssyncadd.s32 $0xFFFFFFFF  }
0xbb: {  	_ =	strace $0x9000005D  }
0xbc: {  	_ =	sfence  }
0xbd: {  	s30 =	sld [smem:$0x0];
	_ =	sdelay $0x2  }
0xbe: {  	s31 =	sshll.u32 s1, $0xD;
	s1 =	sshrl.u32 s1, $0x2  }
0xbf: {  	s3 =	sand.u32 $0x4000, s31;
	s1 =	sadd.s32 s1, s30  }
0xc0: {  	s0 =	sor.u32 s3, s0;
	s1 =	sshll.u32 s1, $0x11  }
0xc1: {  	s0 =	sor.u32 s1, s0  }
0xc2: {  	s0 =	sadd.s32 $0x8F2B, s0  }
0xc3: {  	[sflag:s0] =	ssyncadd.remote.s32 $0x1  }
0xc4: {  	_ =	sfence.sel $0xFFFF  }
0xc5: {  	[dreg:$0x0] =	wrdreg $0xFFFFFFFF;
	(pc) =	sbr.abs _section_cstart, $3  }
0xc6: {  	[dreg:$0x1] =	wrdreg $0xFFFFFFFF  }
0xc7: {  	_ =	task.clear_ibuf [dreg:s7], $0x2FFFF;
	_ =	strace $0x9FFFFFFF  }
0xc8: {  	(tm) =	ssettm $0x7FFFFFFF  }
0xc9: {  	_ =	shalt  }
tec
execute0_lowered:
.L_overlay_start_1:
0x0: {  	(tag) =	ssettag $0x1  }
0x1: {  	s10 =	rddreg [dreg:$0x0]  }
0x2: {  	s1 =	srdreg.scid;
	s0 =	stileid.u32  }
0x3: {  	s3 =	rddreg [dreg:$0x1];
	s14 =	sand.u32 $0x1, s1;
	s4 =	sshll.u32 s0, $0x1  }
0x4: {  	s2 =	simm.s32 $0x0;
	s1 =	rddreg [dreg:$0x2];
	s12 =	sor.u32 s14, s4  }
0x5: {  	[smem:$0x7FF] =	sst s2;
	s4 =	sshll.u32 s12, $0x6  }
0x6: {  	_ =	strace $0x8000005C;
	s4 =	sadd.s32 s3, s4;
	s3 =	simm.s32 $0x3  }
0x7: {  	[tilespmem:s2], [sflag:$0x3] =	stream.linear.gather [hbm4b:s4+s2], $0x180, $0x38;
	[tilespmem:$0x10200] =	vst v63  }
0x8: {  	_ =	swait.ge [sflag:s3], $0x180  }
0x9: {  	s6 =	simm.s32 $0x80;
	[sflag:s3] =	ssyncset.done $0x0  }
0xa: {  	s7 =	simm.s32 $0x200;
	s5 =	sadd.s32 $0x1800, s10;
	[sflag:s3] =	ssyncadd.s32 $0xFFFFFE80  }
0xb: {  	[tilespmem:s7], [sflag:$0x1] =	stream.indirect.gather [hbm4b:s5+s6], $0x80, s2, s6, $0xb8;
	[tilespmem:$0x10200] =	vst v63  }
0xc: {  	s8 =	simm.s32 $0x8200;
	s9 =	simm.s32 $0x1  }
0xd: {  	[tilespmem:s8], [sflag:$0x2] =	stream.indirect.gather [hbm4b:s5+s6], $0x80, s6, s6, $0xb8;
	[tilespmem:$0x10200] =	vst v63  }
0xe: {  	_ =	swait.ge [sflag:s9], $0x4000  }
0xf: {  	s13 =	sadd.s32 $0x51800, s10;
	[sflag:s9] =	ssyncset.done $0x0  }
0x10: {  	s10 =	simm.s32 $0x100;
	s11 =	smul.u32 $0x1800, s12;
	[sflag:s9] =	ssyncadd.s32 $0xFFFFC000  }
0x11: {  	[tilespmem:s7], [sflag:$0x1] =	stream.indirect.gather [hbm4b:s5+s6], $0x80, s10, s6, $0xb8;
	[tilespmem:$0x10200] =	vst v63  }
0x12: {  	s11 =	sadd.s32 s13, s11  }
0x13: {  	[hbm4b:s11+s2] =	stream.linear.scatter [tilespmem:s7], [sflag:$0x3], $0x4000, $0x38;
	[tilespmem:$0x10200] =	vst v63  }
0x14: {  	_ =	swait.ge [sflag:s3], $0x4000  }
0x15: {  	s15 =	smul.u32 $0xC000, s12;
	[sflag:s3] =	ssyncset.done $0x0  }
0x16: {  	s12 =	simm.s32 $0x2;
	[sflag:s3] =	ssyncadd.s32 $0xFFFFC000  }
0x17: {  	s15 =	sshrl.u32 s15, $0x3;
	_ =	swait.ge [sflag:s12], $0x4000  }
0x18: {  	s15 =	sadd.s32 s13, s15;
	[sflag:s12] =	ssyncset.done $0x0  }
0x19: {  	s14 =	ssub.s32 $0x2, s14;
	s13 =	sadd.s32 $0x800, s15;
	[sflag:s12] =	ssyncadd.s32 $0xFFFFC000  }
0x1a: {  	[hbm4b:s13+s2] =	stream.linear.scatter [tilespmem:s8], [sflag:$0x3], $0x4000, $0x38;
	[tilespmem:$0x10200] =	vst v63  }
0x1b: {  	s16 =	sshrl.u32 s14, $0x1;
	_ =	swait.ge [sflag:s3], $0x4000  }
0x1c: {  	s16 =	ssub.s32 s14, s16;
	[sflag:s3] =	ssyncset.done $0x0  }
0x1d: {  	s31 =	smax.u32 s16, $0x1;
	[sflag:s3] =	ssyncadd.s32 $0xFFFFC000  }
0x1e: {  	p0 =	sne.s32 s31, $0x1;
	_ =	swait.ge [sflag:s9], $0x4000  }
.Ltmp0:
0x1f: {  	[sflag:s9] =	ssyncset.done $0x0;
	(pc) =	sbr.rel @!p0 .LBB2_2-.Ltmp0, $4  }
0x20: {  	s14 =	sadd.s32 $0x1000, s15;
	[sflag:s9] =	ssyncadd.s32 $0xFFFFC000  }
0x21: {  	[hbm4b:s14+s2] =	stream.linear.scatter [tilespmem:s7], [sflag:$0x3], $0x4000, $0x38;
	[tilespmem:$0x10200] =	vst v63  }
0x22: {  	_ =	swait.ge [sflag:s3], $0x4000  }
0x23: {  	s15 =	sadd.s32 $0xFFFFFFFF, s31;
	[sflag:s3] =	ssyncset.done $0x0  }
.LBB2_1:
0x24: {  	p0 =	sne.s32 s15, $0x1;
	s15 =	sadd.s32 $0xFFFFFFFF, s15;
	[sflag:s3] =	ssyncadd.s32 $0xFFFFC000  }
0x25: {  	[tilespmem:s2], [sflag:$0x3] =	stream.linear.gather [hbm4b:s4+s2], $0x180, $0x38;
	[tilespmem:$0x10200] =	vst v63  }
0x26: {  	_ =	swait.ge [sflag:s3], $0x180  }
0x27: {  	[sflag:s3] =	ssyncset.done $0x0  }
0x28: {  	[sflag:s3] =	ssyncadd.s32 $0xFFFFFE80  }
0x29: {  	[tilespmem:s7], [sflag:$0x1] =	stream.indirect.gather [hbm4b:s5+s6], $0x80, s2, s6, $0xb8;
	[tilespmem:$0x10200] =	vst v63  }
0x2a: {  	_ = 	snop  }
0x2b: {  	[tilespmem:s8], [sflag:$0x2] =	stream.indirect.gather [hbm4b:s5+s6], $0x80, s6, s6, $0xb8;
	[tilespmem:$0x10200] =	vst v63  }
0x2c: {  	_ =	swait.ge [sflag:s9], $0x4000  }
0x2d: {  	[sflag:s9] =	ssyncset.done $0x0  }
0x2e: {  	[sflag:s9] =	ssyncadd.s32 $0xFFFFC000  }
0x2f: {  	[tilespmem:s7], [sflag:$0x1] =	stream.indirect.gather [hbm4b:s5+s6], $0x80, s10, s6, $0xb8;
	[tilespmem:$0x10200] =	vst v63  }
0x30: {  	_ = 	snop  }
0x31: {  	[hbm4b:s11+s2] =	stream.linear.scatter [tilespmem:s7], [sflag:$0x3], $0x4000, $0x38;
	[tilespmem:$0x10200] =	vst v63  }
0x32: {  	_ =	swait.ge [sflag:s3], $0x4000  }
0x33: {  	[sflag:s3] =	ssyncset.done $0x0  }
0x34: {  	[sflag:s3] =	ssyncadd.s32 $0xFFFFC000  }
0x35: {  	_ =	swait.ge [sflag:s12], $0x4000  }
0x36: {  	[sflag:s12] =	ssyncset.done $0x0  }
0x37: {  	[sflag:s12] =	ssyncadd.s32 $0xFFFFC000  }
0x38: {  	[hbm4b:s13+s2] =	stream.linear.scatter [tilespmem:s8], [sflag:$0x3], $0x4000, $0x38;
	[tilespmem:$0x10200] =	vst v63  }
0x39: {  	_ =	swait.ge [sflag:s3], $0x4000  }
0x3a: {  	[sflag:s3] =	ssyncset.done $0x0  }
0x3b: {  	[sflag:s3] =	ssyncadd.s32 $0xFFFFC000  }
0x3c: {  	_ =	swait.ge [sflag:s9], $0x4000  }
.Ltmp1:
0x3d: {  	[sflag:s9] =	ssyncset.done $0x0;
	(pc) =	sbr.rel @p0 .LBB2_1-.Ltmp1, $4  }
0x3e: {  	[sflag:s9] =	ssyncadd.s32 $0xFFFFC000  }
0x3f: {  	[hbm4b:s14+s2] =	stream.linear.scatter [tilespmem:s7], [sflag:$0x3], $0x4000, $0x38;
	[tilespmem:$0x10200] =	vst v63  }
0x40: {  	_ =	swait.ge [sflag:s3], $0x4000  }
0x41: {  	[sflag:s3] =	ssyncset.done $0x0  }
.LBB2_2:
0x42: {  	[sflag:s3] =	ssyncadd.s32 $0xFFFFC000  }
0x43: {  	_ =	sfence.sel $0x180000  }
0x44: {  	[bflag:$0x0] =	sbarrier.arrive $0xFFFF  }
0x45: {  	p0 =	sne.s32 s0, $0x0;
	_ =	strace $0x9000005C  }
0x46: {  	s0 =	sadd.s32 @!p0 $0x100000, s1;
	[bflag:$0x2] =	sbarrier.arrive $0xFFFF  }
0x47: {  	[sflag:s0] =	ssyncadd.tile.s32 @!p0 $0x1;
	_ =	shalt  }
.Lfunc_end2:
_tile_overlayer_lowered:
.L_overlay_start_2:
0x48: {  	(tag) =	ssettag $0x2  }
0x49: {  	s0 =	rddreg [dreg:$0x0];
	s2 =	stileid.u32  }
0x4a: {  	s1 =	rddreg [dreg:$0x1];
	p0 =	sne.s32 s2, $0x0  }
0x4b: {  	s3 =	rddreg [dreg:$0x2];
	[bflag:$0x3] =	sbarrier.arrive $0xFFFF;
	s2 =	simm.s32 @!p0 $0x1C03  }
0x4c: {  	[timem:s3], [sflag:s2] =	dma.local @!p0 [hbm:s0], s1  }
0x4d: {  	s0 =	simm.s32 @!p0 $0x3  }
0x4e: {  	_ =	swait.ge @!p0 [sflag:s0], s1  }
0x4f: {  	s1 =	ssub.s32 @!p0 $0x0, s1;
	[sflag:s0] =	ssyncset.done @!p0 $0x0  }
0x50: {  	[sflag:s0] =	ssyncadd.s32 @!p0 s1  }
0x51: {  	[bflag:$0x3] =	sbarrier.arrive $0xFFFF  }
0x52: {  	_ =	shalt  }

</sc_bundles>
